<compile_context>
chip_gen: v7x
topology: tpu7x:2x2x1
jax: 0.10.2.dev20260603
libtpu: 0.0.44.dev20260713+nightly
codegen_flags: <defaults>
</compile_context>

<pallas_src>
import functools

import jax
import jax.numpy as jnp
from jax import lax
from jax.experimental import pallas as pl
from jax.experimental.pallas import tpu as pltpu
from jax.experimental.pallas import tpu_sc as plsc

K1 = 1.2
K3 = 8.0
B_PARAM = 0.75
N_DOCS = 8800000.0
LAVE = 250.0
VOCAB = 100000
BATCH = 1024
L_SEQ = 200

NC = 2
NS = 16
NW = NC * NS
LANES = 16
COLS = 7
LPAD = NW * COLS
HIST_PAD = 100352
VREGS_B = BATCH // LANES
UNROLL = 16
IDX_CHUNK = 128
PHI = 65536

_DENOM = K1 * (1.0 - B_PARAM + B_PARAM * L_SEQ / LAVE)

_mesh = plsc.VectorSubcoreMesh(core_axis_name="c", subcore_axis_name="s")
_sc_params = pltpu.CompilerParams(
    needs_layout_passes=False,
    disable_bounds_checks=True,
    skip_device_barrier=True,
)


@functools.partial(
    pl.kernel,
    mesh=_mesh,
    out_type=(
        jax.ShapeDtypeStruct((NW, BATCH), jnp.int32),
        jax.ShapeDtypeStruct((LPAD, BATCH), jnp.float32),
    ),
    scratch_types=[
        pltpu.VMEM((HIST_PAD,), jnp.int32),
        pltpu.VMEM((2 * BATCH,), jnp.int32),
        pltpu.VMEM((2 * BATCH,), jnp.int32),
        pltpu.VMEM((BATCH,), jnp.int32),
        pltpu.VMEM((BATCH,), jnp.float32),
        pltpu.VMEM((BATCH,), jnp.float32),
        pltpu.SemaphoreType.DMA,
        pltpu.SemaphoreType.DMA,
        pltpu.SemaphoreType.DMA,
    ],
    compiler_params=_sc_params,
)
def _count_kernel(qT, pT, df_hbm, outc, dfq_hbm,
                  hist, qp_a, qp_b, acc,
                  dfq_a, dfq_b, sem_in, sem_g, sem_out):
    qps = (qp_a, qp_b)
    dfqs = (dfq_a, dfq_b)
    wid = lax.axis_index("s") * NC + lax.axis_index("c")
    ones = jnp.full((LANES,), 1, jnp.int32)
    neg_ones = jnp.full((LANES,), -1, jnp.int32)
    p_ones = jnp.full((LANES,), PHI, jnp.int32)
    neg_p_ones = jnp.full((LANES,), -PHI, jnp.int32)
    zeros16 = jnp.zeros((LANES,), jnp.int32)

    def fire_loads(k):
        j = wid * COLS + k

        @pl.when(j < L_SEQ)
        def _():
            qp = qps[k % 2]
            pltpu.async_copy(qT.at[j], qp.at[pl.ds(0, BATCH)], sem_in)
            pltpu.async_copy(pT.at[j], qp.at[pl.ds(BATCH, BATCH)], sem_in)

    def wait_loads(k):
        j = wid * COLS + k

        @pl.when(j < L_SEQ)
        def _():
            qp = qps[k % 2]
            pltpu.make_async_copy(
                qT.at[j], qp.at[pl.ds(0, BATCH)], sem_in).wait()
            pltpu.make_async_copy(
                pT.at[j], qp.at[pl.ds(BATCH, BATCH)], sem_in).wait()

    fire_loads(0)

    @plsc.parallel_loop(0, HIST_PAD // LANES, unroll=16)
    def zero_hist(i):
        hist[pl.ds(i * LANES, LANES)] = zeros16

    @plsc.parallel_loop(0, VREGS_B, unroll=8)
    def zero_acc(i):
        acc[pl.ds(i * LANES, LANES)] = zeros16
        dfq_a[pl.ds(i * LANES, LANES)] = jnp.zeros((LANES,), jnp.float32)
        dfq_b[pl.ds(i * LANES, LANES)] = jnp.zeros((LANES,), jnp.float32)

    for k in range(COLS):
        j = wid * COLS + k
        qp = qps[k % 2]
        dfq = dfqs[k % 2]

        wait_loads(k)
        if k + 1 < COLS:
            fire_loads(k + 1)
        if k >= 2:
            jm2 = wid * COLS + (k - 2)
            pltpu.make_async_copy(dfq, dfq_hbm.at[jm2], sem_out).wait()

        @pl.when(j < L_SEQ)
        def _():
            for c in range(BATCH // IDX_CHUNK):
                sl = pl.ds(c * IDX_CHUNK, IDX_CHUNK)
                pltpu.async_copy(df_hbm.at[qp.at[sl]], dfq.at[sl], sem_g)

            def scatter_qp(sign):
                @plsc.parallel_loop(0, 2 * VREGS_B, unroll=UNROLL)
                def body(i):
                    idx = qp[pl.ds(i * LANES, LANES)]
                    is_q = jnp.broadcast_to(i, (LANES,)) < VREGS_B
                    delta = jnp.where(is_q, sign, sign * PHI)
                    plsc.addupdate_scatter(hist, [idx], delta)

            scatter_qp(1)

            @plsc.parallel_loop(0, VREGS_B, unroll=UNROLL)
            def gather_both(i):
                sl = pl.ds(i * LANES, LANES)
                idx = qp[sl]
                acc[sl] = acc[sl] + plsc.load_gather(hist, [idx])

            if k + 1 < COLS:
                scatter_qp(-1)

            for c in range(BATCH // IDX_CHUNK):
                sl = pl.ds(c * IDX_CHUNK, IDX_CHUNK)
                pltpu.make_async_copy(
                    df_hbm.at[qp.at[sl]], dfq.at[sl], sem_g
                ).wait()

        pltpu.async_copy(dfq, dfq_hbm.at[j], sem_out)

    for k in (COLS - 2, COLS - 1):
        j = wid * COLS + k
        pltpu.make_async_copy(dfqs[k % 2], dfq_hbm.at[j], sem_out).wait()

    pltpu.sync_copy(acc, outc.at[wid])


def _finish_body(c_ref, dfq_ref, out_ref):
    packed = c_ref[...]
    qtf = jnp.sum(packed & (PHI - 1), axis=0).astype(jnp.float32)
    ptf = jnp.sum(packed >> 16, axis=0).astype(jnp.float32)
    w = (qtf / (K3 + qtf)) * (K1 * ptf / (ptf + _DENOM))
    df = dfq_ref[...]
    idf = jnp.log2((N_DOCS - df + 0.5) / (df + 0.5))
    score = jnp.sum(idf * w[None, :], axis=1)
    out_ref[...] = (1.0 / (1.0 + jnp.exp(-score)))[None, :]


def _finish(c_parts, dfq):
    return pl.pallas_call(
        _finish_body,
        out_shape=jax.ShapeDtypeStruct((1, LPAD), jnp.float32),
    )(c_parts, dfq)


@jax.jit
def kernel(ids, masks, DF_table):
    del masks
    qT = jnp.transpose(ids[0])
    pT = jnp.transpose(ids[1])
    c_parts, dfq = _count_kernel(qT, pT, DF_table)
    return _finish(c_parts, dfq)[0, :L_SEQ]

# --- scband reference (transcript-rebuilt; emitter-appended) ---
"""Pipeline reference for scband-bm25-scoring-model-40329742909606 (READ-ONLY COPY).

The authoritative reference and input builder live on the scoring server;
editing this copy changes nothing except your own understanding.
"""

import jax, jax.numpy as jnp
import numpy as np

K1 = 1.2
K2 = 100.0  # unused by forward, kept for fidelity to __init__
K3 = 8.0
B_PARAM = 0.75
N_DOCS = 8800000.0
LAVE = 250.0
VOCAB = 100000
BATCH = 1024
L = 200


def setup_inputs(seed: int = 0) -> dict:
    key = jax.random.key(seed)
    k_ids, k_df = jax.random.split(key, 2)
    # ids[0] = query_ids [B, L], ids[1] = passage_ids [B, L]
    ids = jax.random.randint(k_ids, (2, BATCH, L), 0, VOCAB)
    masks = jnp.ones((2, BATCH, L), dtype=jnp.float32)  # unused by forward, kept for fidelity
    # DF is a document-frequency lookup: DF(id) -> DF_table[id]
    DF_table = jax.random.randint(k_df, (VOCAB,), 1, 100000).astype(jnp.float32)
    return {"ids": ids, "masks": masks, "DF_table": DF_table}


def reference(ids, masks, DF_table):
    query_ids = ids[0]    # [B, L]
    passage_ids = ids[1]  # [B, L]
    Ld = passage_ids.shape[1]
    denom_norm = K1 * (1.0 - B_PARAM + B_PARAM * Ld / LAVE)

    def per_row(id_row):  # id_row: [L], mirrors `for id in query_ids`
        qtf = jnp.sum(query_ids == id_row[None, :]).astype(jnp.float32)
        ptf = jnp.sum(passage_ids == id_row[None, :]).astype(jnp.float32)
        df = jnp.take(DF_table, id_row, axis=0)  # DF(id) -> [L]
        idf = jnp.log2((N_DOCS - df + 0.5) / (df + 0.5))
        return (qtf / (K3 + qtf)) * (K1 * ptf / (ptf + denom_norm)) * idf  # [L]

    terms = jax.lax.map(per_row, query_ids)  # [B, L]; score accumulated over rows
    score = jnp.sum(terms, axis=0)           # [L]
    return jax.nn.sigmoid(score)

if __name__ == "__main__":
    import jax
    _d = setup_inputs()
    print(jax.jit(kernel)(*tuple(_d.values())))

</pallas_src>

<mosaic_0001>
#map = affine_map<(d0, d1) -> (0, 0)>
#map1 = affine_map<(d0, d1) -> (0)>
module attributes {stable_mosaic.version = 14 : i64} {
  func.func @_count_kernel(%arg0: i32, %arg1: i32, %arg2: memref<200x1024xi32, #tpu.memory_space<hbm>>, %arg3: memref<200x1024xi32, #tpu.memory_space<hbm>>, %arg4: memref<100000xf32, #tpu.memory_space<hbm>>, %arg5: memref<32x1024xi32, #tpu.memory_space<hbm>>, %arg6: memref<224x1024xf32, #tpu.memory_space<hbm>>, %arg7: memref<100352xi32, #tpu.memory_space<vmem>>, %arg8: memref<2048xi32, #tpu.memory_space<vmem>>, %arg9: memref<2048xi32, #tpu.memory_space<vmem>>, %arg10: memref<1024xi32, #tpu.memory_space<vmem>>, %arg11: memref<1024xf32, #tpu.memory_space<vmem>>, %arg12: memref<1024xf32, #tpu.memory_space<vmem>>, %arg13: memref<!tpu.dma_semaphore, #tpu.memory_space<semaphore_mem>>, %arg14: memref<!tpu.dma_semaphore, #tpu.memory_space<semaphore_mem>>, %arg15: memref<!tpu.dma_semaphore, #tpu.memory_space<semaphore_mem>>) attributes {dimension_semantics = [#tpu.dimension_semantics<core_parallel>, #tpu.dimension_semantics<subcore_parallel>], iteration_bounds = array<i64: 2, 16>, scalar_prefetch = 0 : i64, scratch_operands = 9 : i64, tpu.core_type = #tpu.core_type<sc_vector_subcore>, window_params = [{transform_indices = #map}, {transform_indices = #map}, {transform_indices = #map1}, {transform_indices = #map}, {transform_indices = #map}]} {
    %mul3A = arith.constant 2 : i32
    %mul3A_0 = arith.muli %arg1, %mul3A : i32
    %add3A = arith.addi %mul3A_0, %arg0 : i32
    %broadcast_in_dim3A = arith.constant 1 : i32
    %broadcast_in_dim3A_1 = vector.broadcast %broadcast_in_dim3A : i32 to vector<16xi32>
    %broadcast_in_dim3A_2 = arith.constant -1 : i32
    %broadcast_in_dim3A_3 = vector.broadcast %broadcast_in_dim3A_2 : i32 to vector<16xi32>
    %broadcast_in_dim3A_4 = arith.constant 65536 : i32
    %broadcast_in_dim3A_5 = vector.broadcast %broadcast_in_dim3A_4 : i32 to vector<16xi32>
    %broadcast_in_dim3A_6 = arith.constant -65536 : i32
    %broadcast_in_dim3A_7 = vector.broadcast %broadcast_in_dim3A_6 : i32 to vector<16xi32>
    %broadcast_in_dim3A_8 = arith.constant 0 : i32
    %broadcast_in_dim3A_9 = vector.broadcast %broadcast_in_dim3A_8 : i32 to vector<16xi32>
    %mul3A_10 = arith.constant 7 : i32
    %mul3A_11 = arith.muli %add3A, %mul3A_10 : i32
    %add3A_12 = arith.constant 0 : i32
    %add3A_13 = arith.addi %mul3A_11, %add3A_12 : i32
    %lt3A = arith.constant 200 : i32
    %lt3A_14 = arith.cmpi slt, %add3A_13, %lt3A : i32
    %convert_element_type3A = arith.extui %lt3A_14 : i1 to i32
    %cond3A = arith.constant 0 : i32
    %cond3A_15 = arith.cmpi ne, %convert_element_type3A, %cond3A : i32
    scf.if %cond3A_15 {
      %dma_start3A_311 = arith.constant 0 : i32
      %dma_start3A_312 = tpu.memref_slice %arg8[%dma_start3A_311] : memref<2048xi32, #tpu.memory_space<vmem>> -> memref<1024xi32, #tpu.memory_space<vmem>>
      %dma_start3A_313 = arith.constant 0 : i32
      %dma_start3A_314 = tpu.memref_slice %arg2[%add3A_13, %dma_start3A_313] : memref<200x1024xi32, #tpu.memory_space<hbm>> -> memref<1x1024xi32, #tpu.memory_space<hbm>>
      %dma_start3A_315 = tpu.memref_squeeze %dma_start3A_314 : memref<1x1024xi32, #tpu.memory_space<hbm>> -> memref<1024xi32, #tpu.memory_space<hbm>>
      %dma_start3A_316 = arith.constant 0 : i32
      %dma_start3A_317 = tpu.memref_slice %arg8[%dma_start3A_316] : memref<2048xi32, #tpu.memory_space<vmem>> -> memref<1024xi32, #tpu.memory_space<vmem>>
      %dma_start3A_318 = arith.constant 0 : i32
      %dma_start3A_319 = tpu.memref_slice %arg2[%add3A_13, %dma_start3A_318] : memref<200x1024xi32, #tpu.memory_space<hbm>> -> memref<1x1024xi32, #tpu.memory_space<hbm>>
      %dma_start3A_320 = tpu.memref_squeeze %dma_start3A_319 : memref<1x1024xi32, #tpu.memory_space<hbm>> -> memref<1024xi32, #tpu.memory_space<hbm>>
      tpu.enqueue_dma source(%dma_start3A_320 : memref<1024xi32, #tpu.memory_space<hbm>>) target(%dma_start3A_317 : memref<1024xi32, #tpu.memory_space<vmem>>) target_semaphore(%arg13 : memref<!tpu.dma_semaphore, #tpu.memory_space<semaphore_mem>>)
      %dma_start3A_321 = arith.constant 1024 : i32
      %dma_start3A_322 = tpu.memref_slice %arg8[%dma_start3A_321] : memref<2048xi32, #tpu.memory_space<vmem>> -> memref<1024xi32, #tpu.memory_space<vmem>>
      %dma_start3A_323 = arith.constant 0 : i32
      %dma_start3A_324 = tpu.memref_slice %arg3[%add3A_13, %dma_start3A_323] : memref<200x1024xi32, #tpu.memory_space<hbm>> -> memref<1x1024xi32, #tpu.memory_space<hbm>>
      %dma_start3A_325 = tpu.memref_squeeze %dma_start3A_324 : memref<1x1024xi32, #tpu.memory_space<hbm>> -> memref<1024xi32, #tpu.memory_space<hbm>>
      %dma_start3A_326 = arith.constant 1024 : i32
      %dma_start3A_327 = tpu.memref_slice %arg8[%dma_start3A_326] : memref<2048xi32, #tpu.memory_space<vmem>> -> memref<1024xi32, #tpu.memory_space<vmem>>
      %dma_start3A_328 = arith.constant 0 : i32
      %dma_start3A_329 = tpu.memref_slice %arg3[%add3A_13, %dma_start3A_328] : memref<200x1024xi32, #tpu.memory_space<hbm>> -> memref<1x1024xi32, #tpu.memory_space<hbm>>
      %dma_start3A_330 = tpu.memref_squeeze %dma_start3A_329 : memref<1x1024xi32, #tpu.memory_space<hbm>> -> memref<1024xi32, #tpu.memory_space<hbm>>
      tpu.enqueue_dma source(%dma_start3A_330 : memref<1024xi32, #tpu.memory_space<hbm>>) target(%dma_start3A_327 : memref<1024xi32, #tpu.memory_space<vmem>>) target_semaphore(%arg13 : memref<!tpu.dma_semaphore, #tpu.memory_space<semaphore_mem>>)
    } else {
    }
    %parallel_loop3A = arith.constant 0 : i32
    %parallel_loop3A_16 = arith.constant 6272 : i32
    %parallel_loop3A_17 = arith.constant 1 : i32
    scf.for %parallel_loop3A_311 = %parallel_loop3A to %parallel_loop3A_16 step %parallel_loop3A_17  : i32 {
      %parallel_loop3A_312 = arith.constant 16 : i32
      %parallel_loop3A_313 = arith.muli %parallel_loop3A_311, %parallel_loop3A_312 : i32
      %parallel_loop3A_314 = arith.index_cast %parallel_loop3A_313 : i32 to index
      %parallel_loop3A_315 = tpu.vector_load %arg7[%parallel_loop3A_314] {strides = array<i32>} : memref<100352xi32, #tpu.memory_space<vmem>>, vector<16xi32>,
      tpu.vector_store %arg7[%parallel_loop3A_314], %broadcast_in_dim3A_9 {strides = array<i32>} : memref<100352xi32, #tpu.memory_space<vmem>>, vector<16xi32>,
    } {sc.loop_unroll_factor = 16 : i64, sc.parallel_access}
    %parallel_loop3A_18 = arith.constant 0 : i32
    %parallel_loop3A_19 = arith.constant 64 : i32
    %parallel_loop3A_20 = arith.constant 1 : i32
    scf.for %parallel_loop3A_311 = %parallel_loop3A_18 to %parallel_loop3A_19 step %parallel_loop3A_20  : i32 {
      %parallel_loop3A_312 = arith.constant 16 : i32
      %parallel_loop3A_313 = arith.muli %parallel_loop3A_311, %parallel_loop3A_312 : i32
      %parallel_loop3A_314 = arith.index_cast %parallel_loop3A_313 : i32 to index
      %parallel_loop3A_315 = tpu.vector_load %arg10[%parallel_loop3A_314] {strides = array<i32>} : memref<1024xi32, #tpu.memory_space<vmem>>, vector<16xi32>,
      tpu.vector_store %arg10[%parallel_loop3A_314], %broadcast_in_dim3A_9 {strides = array<i32>} : memref<1024xi32, #tpu.memory_space<vmem>>, vector<16xi32>,
      %parallel_loop3A_316 = arith.constant 0.000000e+00 : f32
      %parallel_loop3A_317 = vector.broadcast %parallel_loop3A_316 : f32 to vector<16xf32>
      %parallel_loop3A_318 = arith.constant 16 : i32
      %parallel_loop3A_319 = arith.muli %parallel_loop3A_311, %parallel_loop3A_318 : i32
      %parallel_loop3A_320 = arith.index_cast %parallel_loop3A_319 : i32 to index
      %parallel_loop3A_321 = tpu.vector_load %arg11[%parallel_loop3A_320] {strides = array<i32>} : memref<1024xf32, #tpu.memory_space<vmem>>, vector<16xf32>,
      tpu.vector_store %arg11[%parallel_loop3A_320], %parallel_loop3A_317 {strides = array<i32>} : memref<1024xf32, #tpu.memory_space<vmem>>, vector<16xf32>,
      %parallel_loop3A_322 = arith.constant 0.000000e+00 : f32
      %parallel_loop3A_323 = vector.broadcast %parallel_loop3A_322 : f32 to vector<16xf32>
      %parallel_loop3A_324 = arith.constant 16 : i32
      %parallel_loop3A_325 = arith.muli %parallel_loop3A_311, %parallel_loop3A_324 : i32
      %parallel_loop3A_326 = arith.index_cast %parallel_loop3A_325 : i32 to index
      %parallel_loop3A_327 = tpu.vector_load %arg12[%parallel_loop3A_326] {strides = array<i32>} : memref<1024xf32, #tpu.memory_space<vmem>>, vector<16xf32>,
      tpu.vector_store %arg12[%parallel_loop3A_326], %parallel_loop3A_323 {strides = array<i32>} : memref<1024xf32, #tpu.memory_space<vmem>>, vector<16xf32>,
    } {sc.loop_unroll_factor = 8 : i64, sc.parallel_access}
    %mul3A_21 = arith.constant 7 : i32
    %mul3A_22 = arith.muli %add3A, %mul3A_21 : i32
    %add3A_23 = arith.constant 0 : i32
    %add3A_24 = arith.addi %mul3A_22, %add3A_23 : i32
    %mul3A_25 = arith.constant 7 : i32
    %mul3A_26 = arith.muli %add3A, %mul3A_25 : i32
    %add3A_27 = arith.constant 0 : i32
    %add3A_28 = arith.addi %mul3A_26, %add3A_27 : i32
    %lt3A_29 = arith.constant 200 : i32
    %lt3A_30 = arith.cmpi slt, %add3A_28, %lt3A_29 : i32
    %convert_element_type3A_31 = arith.extui %lt3A_30 : i1 to i32
    %cond3A_32 = arith.constant 0 : i32
    %cond3A_33 = arith.cmpi ne, %convert_element_type3A_31, %cond3A_32 : i32
    scf.if %cond3A_33 {
      %dma_wait3A_311 = arith.constant 0 : i32
      %dma_wait3A_312 = tpu.memref_slice %arg8[%dma_wait3A_311] : memref<2048xi32, #tpu.memory_space<vmem>> -> memref<1024xi32, #tpu.memory_space<vmem>>
      %dma_wait3A_313 = arith.constant 0 : i32
      %dma_wait3A_314 = tpu.memref_slice %arg2[%add3A_28, %dma_wait3A_313] : memref<200x1024xi32, #tpu.memory_space<hbm>> -> memref<1x1024xi32, #tpu.memory_space<hbm>>
      %dma_wait3A_315 = tpu.memref_squeeze %dma_wait3A_314 : memref<1x1024xi32, #tpu.memory_space<hbm>> -> memref<1024xi32, #tpu.memory_space<hbm>>
      %dma_wait3A_316 = arith.constant 0 : i32
      %dma_wait3A_317 = tpu.memref_slice %arg8[%dma_wait3A_316] : memref<2048xi32, #tpu.memory_space<vmem>> -> memref<1024xi32, #tpu.memory_space<vmem>>
      %dma_wait3A_318 = arith.constant 0 : i32
      %dma_wait3A_319 = tpu.memref_slice %arg2[%add3A_28, %dma_wait3A_318] : memref<200x1024xi32, #tpu.memory_space<hbm>> -> memref<1x1024xi32, #tpu.memory_space<hbm>>
      %dma_wait3A_320 = tpu.memref_squeeze %dma_wait3A_319 : memref<1x1024xi32, #tpu.memory_space<hbm>> -> memref<1024xi32, #tpu.memory_space<hbm>>
      tpu.wait_dma2 semaphore(%arg13 : memref<!tpu.dma_semaphore, #tpu.memory_space<semaphore_mem>>) src(%dma_wait3A_320 : memref<1024xi32, #tpu.memory_space<hbm>>) dst(%dma_wait3A_317 : memref<1024xi32, #tpu.memory_space<vmem>>)
      %dma_wait3A_321 = arith.constant 1024 : i32
      %dma_wait3A_322 = tpu.memref_slice %arg8[%dma_wait3A_321] : memref<2048xi32, #tpu.memory_space<vmem>> -> memref<1024xi32, #tpu.memory_space<vmem>>
      %dma_wait3A_323 = arith.constant 0 : i32
      %dma_wait3A_324 = tpu.memref_slice %arg3[%add3A_28, %dma_wait3A_323] : memref<200x1024xi32, #tpu.memory_space<hbm>> -> memref<1x1024xi32, #tpu.memory_space<hbm>>
      %dma_wait3A_325 = tpu.memref_squeeze %dma_wait3A_324 : memref<1x1024xi32, #tpu.memory_space<hbm>> -> memref<1024xi32, #tpu.memory_space<hbm>>
      %dma_wait3A_326 = arith.constant 1024 : i32
      %dma_wait3A_327 = tpu.memref_slice %arg8[%dma_wait3A_326] : memref<2048xi32, #tpu.memory_space<vmem>> -> memref<1024xi32, #tpu.memory_space<vmem>>
      %dma_wait3A_328 = arith.constant 0 : i32
      %dma_wait3A_329 = tpu.memref_slice %arg3[%add3A_28, %dma_wait3A_328] : memref<200x1024xi32, #tpu.memory_space<hbm>> -> memref<1x1024xi32, #tpu.memory_space<hbm>>
      %dma_wait3A_330 = tpu.memref_squeeze %dma_wait3A_329 : memref<1x1024xi32, #tpu.memory_space<hbm>> -> memref<1024xi32, #tpu.memory_space<hbm>>
      tpu.wait_dma2 semaphore(%arg13 : memref<!tpu.dma_semaphore, #tpu.memory_space<semaphore_mem>>) src(%dma_wait3A_330 : memref<1024xi32, #tpu.memory_space<hbm>>) dst(%dma_wait3A_327 : memref<1024xi32, #tpu.memory_space<vmem>>)
    } else {
    }
    %mul3A_34 = arith.constant 7 : i32
    %mul3A_35 = arith.muli %add3A, %mul3A_34 : i32
    %add3A_36 = arith.constant 1 : i32
    %add3A_37 = arith.addi %mul3A_35, %add3A_36 : i32
    %lt3A_38 = arith.constant 200 : i32
    %lt3A_39 = arith.cmpi slt, %add3A_37, %lt3A_38 : i32
    %convert_element_type3A_40 = arith.extui %lt3A_39 : i1 to i32
    %cond3A_41 = arith.constant 0 : i32
    %cond3A_42 = arith.cmpi ne, %convert_element_type3A_40, %cond3A_41 : i32
    scf.if %cond3A_42 {
      %dma_start3A_311 = arith.constant 0 : i32
      %dma_start3A_312 = tpu.memref_slice %arg9[%dma_start3A_311] : memref<2048xi32, #tpu.memory_space<vmem>> -> memref<1024xi32, #tpu.memory_space<vmem>>
      %dma_start3A_313 = arith.constant 0 : i32
      %dma_start3A_314 = tpu.memref_slice %arg2[%add3A_37, %dma_start3A_313] : memref<200x1024xi32, #tpu.memory_space<hbm>> -> memref<1x1024xi32, #tpu.memory_space<hbm>>
      %dma_start3A_315 = tpu.memref_squeeze %dma_start3A_314 : memref<1x1024xi32, #tpu.memory_space<hbm>> -> memref<1024xi32, #tpu.memory_space<hbm>>
      %dma_start3A_316 = arith.constant 0 : i32
      %dma_start3A_317 = tpu.memref_slice %arg9[%dma_start3A_316] : memref<2048xi32, #tpu.memory_space<vmem>> -> memref<1024xi32, #tpu.memory_space<vmem>>
      %dma_start3A_318 = arith.constant 0 : i32
      %dma_start3A_319 = tpu.memref_slice %arg2[%add3A_37, %dma_start3A_318] : memref<200x1024xi32, #tpu.memory_space<hbm>> -> memref<1x1024xi32, #tpu.memory_space<hbm>>
      %dma_start3A_320 = tpu.memref_squeeze %dma_start3A_319 : memref<1x1024xi32, #tpu.memory_space<hbm>> -> memref<1024xi32, #tpu.memory_space<hbm>>
      tpu.enqueue_dma source(%dma_start3A_320 : memref<1024xi32, #tpu.memory_space<hbm>>) target(%dma_start3A_317 : memref<1024xi32, #tpu.memory_space<vmem>>) target_semaphore(%arg13 : memref<!tpu.dma_semaphore, #tpu.memory_space<semaphore_mem>>)
      %dma_start3A_321 = arith.constant 1024 : i32
      %dma_start3A_322 = tpu.memref_slice %arg9[%dma_start3A_321] : memref<2048xi32, #tpu.memory_space<vmem>> -> memref<1024xi32, #tpu.memory_space<vmem>>
      %dma_start3A_323 = arith.constant 0 : i32
      %dma_start3A_324 = tpu.memref_slice %arg3[%add3A_37, %dma_start3A_323] : memref<200x1024xi32, #tpu.memory_space<hbm>> -> memref<1x1024xi32, #tpu.memory_space<hbm>>
      %dma_start3A_325 = tpu.memref_squeeze %dma_start3A_324 : memref<1x1024xi32, #tpu.memory_space<hbm>> -> memref<1024xi32, #tpu.memory_space<hbm>>
      %dma_start3A_326 = arith.constant 1024 : i32
      %dma_start3A_327 = tpu.memref_slice %arg9[%dma_start3A_326] : memref<2048xi32, #tpu.memory_space<vmem>> -> memref<1024xi32, #tpu.memory_space<vmem>>
      %dma_start3A_328 = arith.constant 0 : i32
      %dma_start3A_329 = tpu.memref_slice %arg3[%add3A_37, %dma_start3A_328] : memref<200x1024xi32, #tpu.memory_space<hbm>> -> memref<1x1024xi32, #tpu.memory_space<hbm>>
      %dma_start3A_330 = tpu.memref_squeeze %dma_start3A_329 : memref<1x1024xi32, #tpu.memory_space<hbm>> -> memref<1024xi32, #tpu.memory_space<hbm>>
      tpu.enqueue_dma source(%dma_start3A_330 : memref<1024xi32, #tpu.memory_space<hbm>>) target(%dma_start3A_327 : memref<1024xi32, #tpu.memory_space<vmem>>) target_semaphore(%arg13 : memref<!tpu.dma_semaphore, #tpu.memory_space<semaphore_mem>>)
    } else {
    }
    %lt3A_43 = arith.constant 200 : i32
    %lt3A_44 = arith.cmpi slt, %add3A_24, %lt3A_43 : i32
    %convert_element_type3A_45 = arith.extui %lt3A_44 : i1 to i32
    %cond3A_46 = arith.constant 0 : i32
    %cond3A_47 = arith.cmpi ne, %convert_element_type3A_45, %cond3A_46 : i32
    scf.if %cond3A_47 {
      %dma_start3A_311 = arith.constant 0 : i32
      %dma_start3A_312 = tpu.memref_slice %arg11[%dma_start3A_311] : memref<1024xf32, #tpu.memory_space<vmem>> -> memref<128xf32, #tpu.memory_space<vmem>>
      %dma_start3A_313 = arith.constant 0 : i32
      %dma_start3A_314 = tpu.memref_slice %arg8[%dma_start3A_313] : memref<2048xi32, #tpu.memory_space<vmem>> -> memref<128xi32, #tpu.memory_space<vmem>>
      %dma_start3A_315 = arith.constant 0 : i32
      %dma_start3A_316 = tpu.memref_slice %arg4[%dma_start3A_315] : memref<100000xf32, #tpu.memory_space<hbm>> -> memref<100000xf32, #tpu.memory_space<hbm>>
      tpu.enqueue_indirect_dma source(%dma_start3A_316 : memref<100000xf32, #tpu.memory_space<hbm>>) target(%dma_start3A_312 : memref<128xf32, #tpu.memory_space<vmem>>) offsets(%dma_start3A_314 : memref<128xi32, #tpu.memory_space<vmem>>) semaphore(%arg14 : memref<!tpu.dma_semaphore, #tpu.memory_space<semaphore_mem>>)
      %dma_start3A_317 = arith.constant 128 : i32
      %dma_start3A_318 = tpu.memref_slice %arg11[%dma_start3A_317] : memref<1024xf32, #tpu.memory_space<vmem>> -> memref<128xf32, #tpu.memory_space<vmem>>
      %dma_start3A_319 = arith.constant 128 : i32
      %dma_start3A_320 = tpu.memref_slice %arg8[%dma_start3A_319] : memref<2048xi32, #tpu.memory_space<vmem>> -> memref<128xi32, #tpu.memory_space<vmem>>
      %dma_start3A_321 = arith.constant 0 : i32
      %dma_start3A_322 = tpu.memref_slice %arg4[%dma_start3A_321] : memref<100000xf32, #tpu.memory_space<hbm>> -> memref<100000xf32, #tpu.memory_space<hbm>>
      tpu.enqueue_indirect_dma source(%dma_start3A_322 : memref<100000xf32, #tpu.memory_space<hbm>>) target(%dma_start3A_318 : memref<128xf32, #tpu.memory_space<vmem>>) offsets(%dma_start3A_320 : memref<128xi32, #tpu.memory_space<vmem>>) semaphore(%arg14 : memref<!tpu.dma_semaphore, #tpu.memory_space<semaphore_mem>>)
      %dma_start3A_323 = arith.constant 256 : i32
      %dma_start3A_324 = tpu.memref_slice %arg11[%dma_start3A_323] : memref<1024xf32, #tpu.memory_space<vmem>> -> memref<128xf32, #tpu.memory_space<vmem>>
      %dma_start3A_325 = arith.constant 256 : i32
      %dma_start3A_326 = tpu.memref_slice %arg8[%dma_start3A_325] : memref<2048xi32, #tpu.memory_space<vmem>> -> memref<128xi32, #tpu.memory_space<vmem>>
      %dma_start3A_327 = arith.constant 0 : i32
      %dma_start3A_328 = tpu.memref_slice %arg4[%dma_start3A_327] : memref<100000xf32, #tpu.memory_space<hbm>> -> memref<100000xf32, #tpu.memory_space<hbm>>
      tpu.enqueue_indirect_dma source(%dma_start3A_328 : memref<100000xf32, #tpu.memory_space<hbm>>) target(%dma_start3A_324 : memref<128xf32, #tpu.memory_space<vmem>>) offsets(%dma_start3A_326 : memref<128xi32, #tpu.memory_space<vmem>>) semaphore(%arg14 : memref<!tpu.dma_semaphore, #tpu.memory_space<semaphore_mem>>)
      %dma_start3A_329 = arith.constant 384 : i32
      %dma_start3A_330 = tpu.memref_slice %arg11[%dma_start3A_329] : memref<1024xf32, #tpu.memory_space<vmem>> -> memref<128xf32, #tpu.memory_space<vmem>>
      %dma_start3A_331 = arith.constant 384 : i32
      %dma_start3A_332 = tpu.memref_slice %arg8[%dma_start3A_331] : memref<2048xi32, #tpu.memory_space<vmem>> -> memref<128xi32, #tpu.memory_space<vmem>>
      %dma_start3A_333 = arith.constant 0 : i32
      %dma_start3A_334 = tpu.memref_slice %arg4[%dma_start3A_333] : memref<100000xf32, #tpu.memory_space<hbm>> -> memref<100000xf32, #tpu.memory_space<hbm>>
      tpu.enqueue_indirect_dma source(%dma_start3A_334 : memref<100000xf32, #tpu.memory_space<hbm>>) target(%dma_start3A_330 : memref<128xf32, #tpu.memory_space<vmem>>) offsets(%dma_start3A_332 : memref<128xi32, #tpu.memory_space<vmem>>) semaphore(%arg14 : memref<!tpu.dma_semaphore, #tpu.memory_space<semaphore_mem>>)
      %dma_start3A_335 = arith.constant 512 : i32
      %dma_start3A_336 = tpu.memref_slice %arg11[%dma_start3A_335] : memref<1024xf32, #tpu.memory_space<vmem>> -> memref<128xf32, #tpu.memory_space<vmem>>
      %dma_start3A_337 = arith.constant 512 : i32
      %dma_start3A_338 = tpu.memref_slice %arg8[%dma_start3A_337] : memref<2048xi32, #tpu.memory_space<vmem>> -> memref<128xi32, #tpu.memory_space<vmem>>
      %dma_start3A_339 = arith.constant 0 : i32
      %dma_start3A_340 = tpu.memref_slice %arg4[%dma_start3A_339] : memref<100000xf32, #tpu.memory_space<hbm>> -> memref<100000xf32, #tpu.memory_space<hbm>>
      tpu.enqueue_indirect_dma source(%dma_start3A_340 : memref<100000xf32, #tpu.memory_space<hbm>>) target(%dma_start3A_336 : memref<128xf32, #tpu.memory_space<vmem>>) offsets(%dma_start3A_338 : memref<128xi32, #tpu.memory_space<vmem>>) semaphore(%arg14 : memref<!tpu.dma_semaphore, #tpu.memory_space<semaphore_mem>>)
      %dma_start3A_341 = arith.constant 640 : i32
      %dma_start3A_342 = tpu.memref_slice %arg11[%dma_start3A_341] : memref<1024xf32, #tpu.memory_space<vmem>> -> memref<128xf32, #tpu.memory_space<vmem>>
      %dma_start3A_343 = arith.constant 640 : i32
      %dma_start3A_344 = tpu.memref_slice %arg8[%dma_start3A_343] : memref<2048xi32, #tpu.memory_space<vmem>> -> memref<128xi32, #tpu.memory_space<vmem>>
      %dma_start3A_345 = arith.constant 0 : i32
      %dma_start3A_346 = tpu.memref_slice %arg4[%dma_start3A_345] : memref<100000xf32, #tpu.memory_space<hbm>> -> memref<100000xf32, #tpu.memory_space<hbm>>
      tpu.enqueue_indirect_dma source(%dma_start3A_346 : memref<100000xf32, #tpu.memory_space<hbm>>) target(%dma_start3A_342 : memref<128xf32, #tpu.memory_space<vmem>>) offsets(%dma_start3A_344 : memref<128xi32, #tpu.memory_space<vmem>>) semaphore(%arg14 : memref<!tpu.dma_semaphore, #tpu.memory_space<semaphore_mem>>)
      %dma_start3A_347 = arith.constant 768 : i32
      %dma_start3A_348 = tpu.memref_slice %arg11[%dma_start3A_347] : memref<1024xf32, #tpu.memory_space<vmem>> -> memref<128xf32, #tpu.memory_space<vmem>>
      %dma_start3A_349 = arith.constant 768 : i32
      %dma_start3A_350 = tpu.memref_slice %arg8[%dma_start3A_349] : memref<2048xi32, #tpu.memory_space<vmem>> -> memref<128xi32, #tpu.memory_space<vmem>>
      %dma_start3A_351 = arith.constant 0 : i32
      %dma_start3A_352 = tpu.memref_slice %arg4[%dma_start3A_351] : memref<100000xf32, #tpu.memory_space<hbm>> -> memref<100000xf32, #tpu.memory_space<hbm>>
      tpu.enqueue_indirect_dma source(%dma_start3A_352 : memref<100000xf32, #tpu.memory_space<hbm>>) target(%dma_start3A_348 : memref<128xf32, #tpu.memory_space<vmem>>) offsets(%dma_start3A_350 : memref<128xi32, #tpu.memory_space<vmem>>) semaphore(%arg14 : memref<!tpu.dma_semaphore, #tpu.memory_space<semaphore_mem>>)
      %dma_start3A_353 = arith.constant 896 : i32
      %dma_start3A_354 = tpu.memref_slice %arg11[%dma_start3A_353] : memref<1024xf32, #tpu.memory_space<vmem>> -> memref<128xf32, #tpu.memory_space<vmem>>
      %dma_start3A_355 = arith.constant 896 : i32
      %dma_start3A_356 = tpu.memref_slice %arg8[%dma_start3A_355] : memref<2048xi32, #tpu.memory_space<vmem>> -> memref<128xi32, #tpu.memory_space<vmem>>
      %dma_start3A_357 = arith.constant 0 : i32
      %dma_start3A_358 = tpu.memref_slice %arg4[%dma_start3A_357] : memref<100000xf32, #tpu.memory_space<hbm>> -> memref<100000xf32, #tpu.memory_space<hbm>>
      tpu.enqueue_indirect_dma source(%dma_start3A_358 : memref<100000xf32, #tpu.memory_space<hbm>>) target(%dma_start3A_354 : memref<128xf32, #tpu.memory_space<vmem>>) offsets(%dma_start3A_356 : memref<128xi32, #tpu.memory_space<vmem>>) semaphore(%arg14 : memref<!tpu.dma_semaphore, #tpu.memory_space<semaphore_mem>>)
      %parallel_loop3A_359 = arith.constant 0 : i32
      %parallel_loop3A_360 = arith.constant 128 : i32
      %parallel_loop3A_361 = arith.constant 1 : i32
      scf.for %parallel_loop3A_416 = %parallel_loop3A_359 to %parallel_loop3A_360 step %parallel_loop3A_361  : i32 {
        %parallel_loop3A_417 = arith.constant 16 : i32
        %parallel_loop3A_418 = arith.muli %parallel_loop3A_416, %parallel_loop3A_417 : i32
        %parallel_loop3A_419 = arith.index_cast %parallel_loop3A_418 : i32 to index
        %parallel_loop3A_420 = tpu.vector_load %arg8[%parallel_loop3A_419] {strides = array<i32>} : memref<2048xi32, #tpu.memory_space<vmem>>, vector<16xi32>,
        %parallel_loop3A_421 = vector.broadcast %parallel_loop3A_416 : i32 to vector<16xi32>
        %parallel_loop3A_422 = arith.constant 64 : i32
        %parallel_loop3A_423 = vector.broadcast %parallel_loop3A_422 : i32 to vector<16xi32>
        %parallel_loop3A_424 = arith.cmpi slt, %parallel_loop3A_421, %parallel_loop3A_423 : vector<16xi32>
        %parallel_loop3A_425 = arith.constant 1 : i32
        %parallel_loop3A_426 = arith.constant 65536 : i32
        %parallel_loop3A_427 = vector.broadcast %parallel_loop3A_425 : i32 to vector<16xi32>
        %parallel_loop3A_428 = vector.broadcast %parallel_loop3A_426 : i32 to vector<16xi32>
        %parallel_loop3A_429 = arith.select %parallel_loop3A_424, %parallel_loop3A_427, %parallel_loop3A_428 : vector<16xi1>, vector<16xi32>
        tpu.vector_store_idx %arg7[%parallel_loop3A_420], %parallel_loop3A_429 {add = true} : memref<100352xi32, #tpu.memory_space<vmem>>[vector<16xi32>], vector<16xi32>,
      } {sc.loop_unroll_factor = 16 : i64, sc.parallel_access}
      %parallel_loop3A_362 = arith.constant 0 : i32
      %parallel_loop3A_363 = arith.constant 64 : i32
      %parallel_loop3A_364 = arith.constant 1 : i32
      scf.for %parallel_loop3A_416 = %parallel_loop3A_362 to %parallel_loop3A_363 step %parallel_loop3A_364  : i32 {
        %parallel_loop3A_417 = arith.constant 16 : i32
        %parallel_loop3A_418 = arith.muli %parallel_loop3A_416, %parallel_loop3A_417 : i32
        %parallel_loop3A_419 = arith.index_cast %parallel_loop3A_418 : i32 to index
        %parallel_loop3A_420 = tpu.vector_load %arg8[%parallel_loop3A_419] {strides = array<i32>} : memref<2048xi32, #tpu.memory_space<vmem>>, vector<16xi32>,
        %parallel_loop3A_421 = arith.index_cast %parallel_loop3A_418 : i32 to index
        %parallel_loop3A_422 = tpu.vector_load %arg10[%parallel_loop3A_421] {strides = array<i32>} : memref<1024xi32, #tpu.memory_space<vmem>>, vector<16xi32>,
        %parallel_loop3A_423 = tpu.vector_load_idx %arg7[%parallel_loop3A_420] : memref<100352xi32, #tpu.memory_space<vmem>>[vector<16xi32>], vector<16xi32>,
        %parallel_loop3A_424 = arith.addi %parallel_loop3A_422, %parallel_loop3A_423 : vector<16xi32>
        %parallel_loop3A_425 = arith.index_cast %parallel_loop3A_418 : i32 to index
        %parallel_loop3A_426 = tpu.vector_load %arg10[%parallel_loop3A_425] {strides = array<i32>} : memref<1024xi32, #tpu.memory_space<vmem>>, vector<16xi32>,
        tpu.vector_store %arg10[%parallel_loop3A_425], %parallel_loop3A_424 {strides = array<i32>} : memref<1024xi32, #tpu.memory_space<vmem>>, vector<16xi32>,
      } {sc.loop_unroll_factor = 16 : i64, sc.parallel_access}
      %parallel_loop3A_365 = arith.constant 0 : i32
      %parallel_loop3A_366 = arith.constant 128 : i32
      %parallel_loop3A_367 = arith.constant 1 : i32
      scf.for %parallel_loop3A_416 = %parallel_loop3A_365 to %parallel_loop3A_366 step %parallel_loop3A_367  : i32 {
        %parallel_loop3A_417 = arith.constant 16 : i32
        %parallel_loop3A_418 = arith.muli %parallel_loop3A_416, %parallel_loop3A_417 : i32
        %parallel_loop3A_419 = arith.index_cast %parallel_loop3A_418 : i32 to index
        %parallel_loop3A_420 = tpu.vector_load %arg8[%parallel_loop3A_419] {strides = array<i32>} : memref<2048xi32, #tpu.memory_space<vmem>>, vector<16xi32>,
        %parallel_loop3A_421 = vector.broadcast %parallel_loop3A_416 : i32 to vector<16xi32>
        %parallel_loop3A_422 = arith.constant 64 : i32
        %parallel_loop3A_423 = vector.broadcast %parallel_loop3A_422 : i32 to vector<16xi32>
        %parallel_loop3A_424 = arith.cmpi slt, %parallel_loop3A_421, %parallel_loop3A_423 : vector<16xi32>
        %parallel_loop3A_425 = arith.constant -1 : i32
        %parallel_loop3A_426 = arith.constant -65536 : i32
        %parallel_loop3A_427 = vector.broadcast %parallel_loop3A_425 : i32 to vector<16xi32>
        %parallel_loop3A_428 = vector.broadcast %parallel_loop3A_426 : i32 to vector<16xi32>
        %parallel_loop3A_429 = arith.select %parallel_loop3A_424, %parallel_loop3A_427, %parallel_loop3A_428 : vector<16xi1>, vector<16xi32>
        tpu.vector_store_idx %arg7[%parallel_loop3A_420], %parallel_loop3A_429 {add = true} : memref<100352xi32, #tpu.memory_space<vmem>>[vector<16xi32>], vector<16xi32>,
      } {sc.loop_unroll_factor = 16 : i64, sc.parallel_access}
      %dma_wait3A_368 = arith.constant 0 : i32
      %dma_wait3A_369 = tpu.memref_slice %arg11[%dma_wait3A_368] : memref<1024xf32, #tpu.memory_space<vmem>> -> memref<128xf32, #tpu.memory_space<vmem>>
      %dma_wait3A_370 = arith.constant 0 : i32
      %dma_wait3A_371 = tpu.memref_slice %arg8[%dma_wait3A_370] : memref<2048xi32, #tpu.memory_space<vmem>> -> memref<128xi32, #tpu.memory_space<vmem>>
      %dma_wait3A_372 = arith.constant 0 : i32
      %dma_wait3A_373 = tpu.memref_slice %arg4[%dma_wait3A_372] : memref<100000xf32, #tpu.memory_space<hbm>> -> memref<100000xf32, #tpu.memory_space<hbm>>
      tpu.wait_indirect_dma semaphore(%arg14 : memref<!tpu.dma_semaphore, #tpu.memory_space<semaphore_mem>>) src(%dma_wait3A_373 : memref<100000xf32, #tpu.memory_space<hbm>>) dst(%dma_wait3A_369 : memref<128xf32, #tpu.memory_space<vmem>>)
      %dma_wait3A_374 = arith.constant 128 : i32
      %dma_wait3A_375 = tpu.memref_slice %arg11[%dma_wait3A_374] : memref<1024xf32, #tpu.memory_space<vmem>> -> memref<128xf32, #tpu.memory_space<vmem>>
      %dma_wait3A_376 = arith.constant 128 : i32
      %dma_wait3A_377 = tpu.memref_slice %arg8[%dma_wait3A_376] : memref<2048xi32, #tpu.memory_space<vmem>> -> memref<128xi32, #tpu.memory_space<vmem>>
      %dma_wait3A_378 = arith.constant 0 : i32
      %dma_wait3A_379 = tpu.memref_slice %arg4[%dma_wait3A_378] : memref<100000xf32, #tpu.memory_space<hbm>> -> memref<100000xf32, #tpu.memory_space<hbm>>
      tpu.wait_indirect_dma semaphore(%arg14 : memref<!tpu.dma_semaphore, #tpu.memory_space<semaphore_mem>>) src(%dma_wait3A_379 : memref<100000xf32, #tpu.memory_space<hbm>>) dst(%dma_wait3A_375 : memref<128xf32, #tpu.memory_space<vmem>>)
      %dma_wait3A_380 = arith.constant 256 : i32
      %dma_wait3A_381 = tpu.memref_slice %arg11[%dma_wait3A_380] : memref<1024xf32, #tpu.memory_space<vmem>> -> memref<128xf32, #tpu.memory_space<vmem>>
      %dma_wait3A_382 = arith.constant 256 : i32
      %dma_wait3A_383 = tpu.memref_slice %arg8[%dma_wait3A_382] : memref<2048xi32, #tpu.memory_space<vmem>> -> memref<128xi32, #tpu.memory_space<vmem>>
      %dma_wait3A_384 = arith.constant 0 : i32
      %dma_wait3A_385 = tpu.memref_slice %arg4[%dma_wait3A_384] : memref<100000xf32, #tpu.memory_space<hbm>> -> memref<100000xf32, #tpu.memory_space<hbm>>
      tpu.wait_indirect_dma semaphore(%arg14 : memref<!tpu.dma_semaphore, #tpu.memory_space<semaphore_mem>>) src(%dma_wait3A_385 : memref<100000xf32, #tpu.memory_space<hbm>>) dst(%dma_wait3A_381 : memref<128xf32, #tpu.memory_space<vmem>>)
      %dma_wait3A_386 = arith.constant 384 : i32
      %dma_wait3A_387 = tpu.memref_slice %arg11[%dma_wait3A_386] : memref<1024xf32, #tpu.memory_space<vmem>> -> memref<128xf32, #tpu.memory_space<vmem>>
      %dma_wait3A_388 = arith.constant 384 : i32
      %dma_wait3A_389 = tpu.memref_slice %arg8[%dma_wait3A_388] : memref<2048xi32, #tpu.memory_space<vmem>> -> memref<128xi32, #tpu.memory_space<vmem>>
      %dma_wait3A_390 = arith.constant 0 : i32
      %dma_wait3A_391 = tpu.memref_slice %arg4[%dma_wait3A_390] : memref<100000xf32, #tpu.memory_space<hbm>> -> memref<100000xf32, #tpu.memory_space<hbm>>
      tpu.wait_indirect_dma semaphore(%arg14 : memref<!tpu.dma_semaphore, #tpu.memory_space<semaphore_mem>>) src(%dma_wait3A_391 : memref<100000xf32, #tpu.memory_space<hbm>>) dst(%dma_wait3A_387 : memref<128xf32, #tpu.memory_space<vmem>>)
      %dma_wait3A_392 = arith.constant 512 : i32
      %dma_wait3A_393 = tpu.memref_slice %arg11[%dma_wait3A_392] : memref<1024xf32, #tpu.memory_space<vmem>> -> memref<128xf32, #tpu.memory_space<vmem>>
      %dma_wait3A_394 = arith.constant 512 : i32
      %dma_wait3A_395 = tpu.memref_slice %arg8[%dma_wait3A_394] : memref<2048xi32, #tpu.memory_space<vmem>> -> memref<128xi32, #tpu.memory_space<vmem>>
      %dma_wait3A_396 = arith.constant 0 : i32
      %dma_wait3A_397 = tpu.memref_slice %arg4[%dma_wait3A_396] : memref<100000xf32, #tpu.memory_space<hbm>> -> memref<100000xf32, #tpu.memory_space<hbm>>
      tpu.wait_indirect_dma semaphore(%arg14 : memref<!tpu.dma_semaphore, #tpu.memory_space<semaphore_mem>>) src(%dma_wait3A_397 : memref<100000xf32, #tpu.memory_space<hbm>>) dst(%dma_wait3A_393 : memref<128xf32, #tpu.memory_space<vmem>>)
      %dma_wait3A_398 = arith.constant 640 : i32
      %dma_wait3A_399 = tpu.memref_slice %arg11[%dma_wait3A_398] : memref<1024xf32, #tpu.memory_space<vmem>> -> memref<128xf32, #tpu.memory_space<vmem>>
      %dma_wait3A_400 = arith.constant 640 : i32
      %dma_wait3A_401 = tpu.memref_slice %arg8[%dma_wait3A_400] : memref<2048xi32, #tpu.memory_space<vmem>> -> memref<128xi32, #tpu.memory_space<vmem>>
      %dma_wait3A_402 = arith.constant 0 : i32
      %dma_wait3A_403 = tpu.memref_slice %arg4[%dma_wait3A_402] : memref<100000xf32, #tpu.memory_space<hbm>> -> memref<100000xf32, #tpu.memory_space<hbm>>
      tpu.wait_indirect_dma semaphore(%arg14 : memref<!tpu.dma_semaphore, #tpu.memory_space<semaphore_mem>>) src(%dma_wait3A_403 : memref<100000xf32, #tpu.memory_space<hbm>>) dst(%dma_wait3A_399 : memref<128xf32, #tpu.memory_space<vmem>>)
      %dma_wait3A_404 = arith.constant 768 : i32
      %dma_wait3A_405 = tpu.memref_slice %arg11[%dma_wait3A_404] : memref<1024xf32, #tpu.memory_space<vmem>> -> memref<128xf32, #tpu.memory_space<vmem>>
      %dma_wait3A_406 = arith.constant 768 : i32
      %dma_wait3A_407 = tpu.memref_slice %arg8[%dma_wait3A_406] : memref<2048xi32, #tpu.memory_space<vmem>> -> memref<128xi32, #tpu.memory_space<vmem>>
      %dma_wait3A_408 = arith.constant 0 : i32
      %dma_wait3A_409 = tpu.memref_slice %arg4[%dma_wait3A_408] : memref<100000xf32, #tpu.memory_space<hbm>> -> memref<100000xf32, #tpu.memory_space<hbm>>
      tpu.wait_indirect_dma semaphore(%arg14 : memref<!tpu.dma_semaphore, #tpu.memory_space<semaphore_mem>>) src(%dma_wait3A_409 : memref<100000xf32, #tpu.memory_space<hbm>>) dst(%dma_wait3A_405 : memref<128xf32, #tpu.memory_space<vmem>>)
      %dma_wait3A_410 = arith.constant 896 : i32
      %dma_wait3A_411 = tpu.memref_slice %arg11[%dma_wait3A_410] : memref<1024xf32, #tpu.memory_space<vmem>> -> memref<128xf32, #tpu.memory_space<vmem>>
      %dma_wait3A_412 = arith.constant 896 : i32
      %dma_wait3A_413 = tpu.memref_slice %arg8[%dma_wait3A_412] : memref<2048xi32, #tpu.memory_space<vmem>> -> memref<128xi32, #tpu.memory_space<vmem>>
      %dma_wait3A_414 = arith.constant 0 : i32
      %dma_wait3A_415 = tpu.memref_slice %arg4[%dma_wait3A_414] : memref<100000xf32, #tpu.memory_space<hbm>> -> memref<100000xf32, #tpu.memory_space<hbm>>
      tpu.wait_indirect_dma semaphore(%arg14 : memref<!tpu.dma_semaphore, #tpu.memory_space<semaphore_mem>>) src(%dma_wait3A_415 : memref<100000xf32, #tpu.memory_space<hbm>>) dst(%dma_wait3A_411 : memref<128xf32, #tpu.memory_space<vmem>>)
    } else {
    }
    %dma_start3A = arith.constant 0 : i32
    %dma_start3A_48 = tpu.memref_slice %arg6[%add3A_24, %dma_start3A] : memref<224x1024xf32, #tpu.memory_space<hbm>> -> memref<1x1024xf32, #tpu.memory_space<hbm>>
    %dma_start3A_49 = tpu.memref_squeeze %dma_start3A_48 : memref<1x1024xf32, #tpu.memory_space<hbm>> -> memref<1024xf32, #tpu.memory_space<hbm>>
    %dma_start3A_50 = arith.constant 0 : i32
    %dma_start3A_51 = tpu.memref_slice %arg6[%add3A_24, %dma_start3A_50] : memref<224x1024xf32, #tpu.memory_space<hbm>> -> memref<1x1024xf32, #tpu.memory_space<hbm>>
    %dma_start3A_52 = tpu.memref_squeeze %dma_start3A_51 : memref<1x1024xf32, #tpu.memory_space<hbm>> -> memref<1024xf32, #tpu.memory_space<hbm>>
    tpu.enqueue_dma source(%arg11 : memref<1024xf32, #tpu.memory_space<vmem>>) target(%dma_start3A_52 : memref<1024xf32, #tpu.memory_space<hbm>>) target_semaphore(%arg15 : memref<!tpu.dma_semaphore, #tpu.memory_space<semaphore_mem>>)
    %mul3A_53 = arith.constant 7 : i32
    %mul3A_54 = arith.muli %add3A, %mul3A_53 : i32
    %add3A_55 = arith.constant 1 : i32
    %add3A_56 = arith.addi %mul3A_54, %add3A_55 : i32
    %mul3A_57 = arith.constant 7 : i32
    %mul3A_58 = arith.muli %add3A, %mul3A_57 : i32
    %add3A_59 = arith.constant 1 : i32
    %add3A_60 = arith.addi %mul3A_58, %add3A_59 : i32
    %lt3A_61 = arith.constant 200 : i32
    %lt3A_62 = arith.cmpi slt, %add3A_60, %lt3A_61 : i32
    %convert_element_type3A_63 = arith.extui %lt3A_62 : i1 to i32
    %cond3A_64 = arith.constant 0 : i32
    %cond3A_65 = arith.cmpi ne, %convert_element_type3A_63, %cond3A_64 : i32
    scf.if %cond3A_65 {
      %dma_wait3A_311 = arith.constant 0 : i32
      %dma_wait3A_312 = tpu.memref_slice %arg9[%dma_wait3A_311] : memref<2048xi32, #tpu.memory_space<vmem>> -> memref<1024xi32, #tpu.memory_space<vmem>>
      %dma_wait3A_313 = arith.constant 0 : i32
      %dma_wait3A_314 = tpu.memref_slice %arg2[%add3A_60, %dma_wait3A_313] : memref<200x1024xi32, #tpu.memory_space<hbm>> -> memref<1x1024xi32, #tpu.memory_space<hbm>>
      %dma_wait3A_315 = tpu.memref_squeeze %dma_wait3A_314 : memref<1x1024xi32, #tpu.memory_space<hbm>> -> memref<1024xi32, #tpu.memory_space<hbm>>
      %dma_wait3A_316 = arith.constant 0 : i32
      %dma_wait3A_317 = tpu.memref_slice %arg9[%dma_wait3A_316] : memref<2048xi32, #tpu.memory_space<vmem>> -> memref<1024xi32, #tpu.memory_space<vmem>>
      %dma_wait3A_318 = arith.constant 0 : i32
      %dma_wait3A_319 = tpu.memref_slice %arg2[%add3A_60, %dma_wait3A_318] : memref<200x1024xi32, #tpu.memory_space<hbm>> -> memref<1x1024xi32, #tpu.memory_space<hbm>>
      %dma_wait3A_320 = tpu.memref_squeeze %dma_wait3A_319 : memref<1x1024xi32, #tpu.memory_space<hbm>> -> memref<1024xi32, #tpu.memory_space<hbm>>
      tpu.wait_dma2 semaphore(%arg13 : memref<!tpu.dma_semaphore, #tpu.memory_space<semaphore_mem>>) src(%dma_wait3A_320 : memref<1024xi32, #tpu.memory_space<hbm>>) dst(%dma_wait3A_317 : memref<1024xi32, #tpu.memory_space<vmem>>)
      %dma_wait3A_321 = arith.constant 1024 : i32
      %dma_wait3A_322 = tpu.memref_slice %arg9[%dma_wait3A_321] : memref<2048xi32, #tpu.memory_space<vmem>> -> memref<1024xi32, #tpu.memory_space<vmem>>
      %dma_wait3A_323 = arith.constant 0 : i32
      %dma_wait3A_324 = tpu.memref_slice %arg3[%add3A_60, %dma_wait3A_323] : memref<200x1024xi32, #tpu.memory_space<hbm>> -> memref<1x1024xi32, #tpu.memory_space<hbm>>
      %dma_wait3A_325 = tpu.memref_squeeze %dma_wait3A_324 : memref<1x1024xi32, #tpu.memory_space<hbm>> -> memref<1024xi32, #tpu.memory_space<hbm>>
      %dma_wait3A_326 = arith.constant 1024 : i32
      %dma_wait3A_327 = tpu.memref_slice %arg9[%dma_wait3A_326] : memref<2048xi32, #tpu.memory_space<vmem>> -> memref<1024xi32, #tpu.memory_space<vmem>>
      %dma_wait3A_328 = arith.constant 0 : i32
      %dma_wait3A_329 = tpu.memref_slice %arg3[%add3A_60, %dma_wait3A_328] : memref<200x1024xi32, #tpu.memory_space<hbm>> -> memref<1x1024xi32, #tpu.memory_space<hbm>>
      %dma_wait3A_330 = tpu.memref_squeeze %dma_wait3A_329 : memref<1x1024xi32, #tpu.memory_space<hbm>> -> memref<1024xi32, #tpu.memory_space<hbm>>
      tpu.wait_dma2 semaphore(%arg13 : memref<!tpu.dma_semaphore, #tpu.memory_space<semaphore_mem>>) src(%dma_wait3A_330 : memref<1024xi32, #tpu.memory_space<hbm>>) dst(%dma_wait3A_327 : memref<1024xi32, #tpu.memory_space<vmem>>)
    } else {
    }
    %mul3A_66 = arith.constant 7 : i32
    %mul3A_67 = arith.muli %add3A, %mul3A_66 : i32
    %add3A_68 = arith.constant 2 : i32
    %add3A_69 = arith.addi %mul3A_67, %add3A_68 : i32
    %lt3A_70 = arith.constant 200 : i32
    %lt3A_71 = arith.cmpi slt, %add3A_69, %lt3A_70 : i32
    %convert_element_type3A_72 = arith.extui %lt3A_71 : i1 to i32
    %cond3A_73 = arith.constant 0 : i32
    %cond3A_74 = arith.cmpi ne, %convert_element_type3A_72, %cond3A_73 : i32
    scf.if %cond3A_74 {
      %dma_start3A_311 = arith.constant 0 : i32
      %dma_start3A_312 = tpu.memref_slice %arg8[%dma_start3A_311] : memref<2048xi32, #tpu.memory_space<vmem>> -> memref<1024xi32, #tpu.memory_space<vmem>>
      %dma_start3A_313 = arith.constant 0 : i32
      %dma_start3A_314 = tpu.memref_slice %arg2[%add3A_69, %dma_start3A_313] : memref<200x1024xi32, #tpu.memory_space<hbm>> -> memref<1x1024xi32, #tpu.memory_space<hbm>>
      %dma_start3A_315 = tpu.memref_squeeze %dma_start3A_314 : memref<1x1024xi32, #tpu.memory_space<hbm>> -> memref<1024xi32, #tpu.memory_space<hbm>>
      %dma_start3A_316 = arith.constant 0 : i32
      %dma_start3A_317 = tpu.memref_slice %arg8[%dma_start3A_316] : memref<2048xi32, #tpu.memory_space<vmem>> -> memref<1024xi32, #tpu.memory_space<vmem>>
      %dma_start3A_318 = arith.constant 0 : i32
      %dma_start3A_319 = tpu.memref_slice %arg2[%add3A_69, %dma_start3A_318] : memref<200x1024xi32, #tpu.memory_space<hbm>> -> memref<1x1024xi32, #tpu.memory_space<hbm>>
      %dma_start3A_320 = tpu.memref_squeeze %dma_start3A_319 : memref<1x1024xi32, #tpu.memory_space<hbm>> -> memref<1024xi32, #tpu.memory_space<hbm>>
      tpu.enqueue_dma source(%dma_start3A_320 : memref<1024xi32, #tpu.memory_space<hbm>>) target(%dma_start3A_317 : memref<1024xi32, #tpu.memory_space<vmem>>) target_semaphore(%arg13 : memref<!tpu.dma_semaphore, #tpu.memory_space<semaphore_mem>>)
      %dma_start3A_321 = arith.constant 1024 : i32
      %dma_start3A_322 = tpu.memref_slice %arg8[%dma_start3A_321] : memref<2048xi32, #tpu.memory_space<vmem>> -> memref<1024xi32, #tpu.memory_space<vmem>>
      %dma_start3A_323 = arith.constant 0 : i32
      %dma_start3A_324 = tpu.memref_slice %arg3[%add3A_69, %dma_start3A_323] : memref<200x1024xi32, #tpu.memory_space<hbm>> -> memref<1x1024xi32, #tpu.memory_space<hbm>>
      %dma_start3A_325 = tpu.memref_squeeze %dma_start3A_324 : memref<1x1024xi32, #tpu.memory_space<hbm>> -> memref<1024xi32, #tpu.memory_space<hbm>>
      %dma_start3A_326 = arith.constant 1024 : i32
      %dma_start3A_327 = tpu.memref_slice %arg8[%dma_start3A_326] : memref<2048xi32, #tpu.memory_space<vmem>> -> memref<1024xi32, #tpu.memory_space<vmem>>
      %dma_start3A_328 = arith.constant 0 : i32
      %dma_start3A_329 = tpu.memref_slice %arg3[%add3A_69, %dma_start3A_328] : memref<200x1024xi32, #tpu.memory_space<hbm>> -> memref<1x1024xi32, #tpu.memory_space<hbm>>
      %dma_start3A_330 = tpu.memref_squeeze %dma_start3A_329 : memref<1x1024xi32, #tpu.memory_space<hbm>> -> memref<1024xi32, #tpu.memory_space<hbm>>
      tpu.enqueue_dma source(%dma_start3A_330 : memref<1024xi32, #tpu.memory_space<hbm>>) target(%dma_start3A_327 : memref<1024xi32, #tpu.memory_space<vmem>>) target_semaphore(%arg13 : memref<!tpu.dma_semaphore, #tpu.memory_space<semaphore_mem>>)
    } else {
    }
    %lt3A_75 = arith.constant 200 : i32
    %lt3A_76 = arith.cmpi slt, %add3A_56, %lt3A_75 : i32
    %convert_element_type3A_77 = arith.extui %lt3A_76 : i1 to i32
    %cond3A_78 = arith.constant 0 : i32
    %cond3A_79 = arith.cmpi ne, %convert_element_type3A_77, %cond3A_78 : i32
    scf.if %cond3A_79 {
      %dma_start3A_311 = arith.constant 0 : i32
      %dma_start3A_312 = tpu.memref_slice %arg12[%dma_start3A_311] : memref<1024xf32, #tpu.memory_space<vmem>> -> memref<128xf32, #tpu.memory_space<vmem>>
      %dma_start3A_313 = arith.constant 0 : i32
      %dma_start3A_314 = tpu.memref_slice %arg9[%dma_start3A_313] : memref<2048xi32, #tpu.memory_space<vmem>> -> memref<128xi32, #tpu.memory_space<vmem>>
      %dma_start3A_315 = arith.constant 0 : i32
      %dma_start3A_316 = tpu.memref_slice %arg4[%dma_start3A_315] : memref<100000xf32, #tpu.memory_space<hbm>> -> memref<100000xf32, #tpu.memory_space<hbm>>
      tpu.enqueue_indirect_dma source(%dma_start3A_316 : memref<100000xf32, #tpu.memory_space<hbm>>) target(%dma_start3A_312 : memref<128xf32, #tpu.memory_space<vmem>>) offsets(%dma_start3A_314 : memref<128xi32, #tpu.memory_space<vmem>>) semaphore(%arg14 : memref<!tpu.dma_semaphore, #tpu.memory_space<semaphore_mem>>)
      %dma_start3A_317 = arith.constant 128 : i32
      %dma_start3A_318 = tpu.memref_slice %arg12[%dma_start3A_317] : memref<1024xf32, #tpu.memory_space<vmem>> -> memref<128xf32, #tpu.memory_space<vmem>>
      %dma_start3A_319 = arith.constant 128 : i32
      %dma_start3A_320 = tpu.memref_slice %arg9[%dma_start3A_319] : memref<2048xi32, #tpu.memory_space<vmem>> -> memref<128xi32, #tpu.memory_space<vmem>>
      %dma_start3A_321 = arith.constant 0 : i32
      %dma_start3A_322 = tpu.memref_slice %arg4[%dma_start3A_321] : memref<100000xf32, #tpu.memory_space<hbm>> -> memref<100000xf32, #tpu.memory_space<hbm>>
      tpu.enqueue_indirect_dma source(%dma_start3A_322 : memref<100000xf32, #tpu.memory_space<hbm>>) target(%dma_start3A_318 : memref<128xf32, #tpu.memory_space<vmem>>) offsets(%dma_start3A_320 : memref<128xi32, #tpu.memory_space<vmem>>) semaphore(%arg14 : memref<!tpu.dma_semaphore, #tpu.memory_space<semaphore_mem>>)
      %dma_start3A_323 = arith.constant 256 : i32
      %dma_start3A_324 = tpu.memref_slice %arg12[%dma_start3A_323] : memref<1024xf32, #tpu.memory_space<vmem>> -> memref<128xf32, #tpu.memory_space<vmem>>
      %dma_start3A_325 = arith.constant 256 : i32
      %dma_start3A_326 = tpu.memref_slice %arg9[%dma_start3A_325] : memref<2048xi32, #tpu.memory_space<vmem>> -> memref<128xi32, #tpu.memory_space<vmem>>
      %dma_start3A_327 = arith.constant 0 : i32
      %dma_start3A_328 = tpu.memref_slice %arg4[%dma_start3A_327] : memref<100000xf32, #tpu.memory_space<hbm>> -> memref<100000xf32, #tpu.memory_space<hbm>>
      tpu.enqueue_indirect_dma source(%dma_start3A_328 : memref<100000xf32, #tpu.memory_space<hbm>>) target(%dma_start3A_324 : memref<128xf32, #tpu.memory_space<vmem>>) offsets(%dma_start3A_326 : memref<128xi32, #tpu.memory_space<vmem>>) semaphore(%arg14 : memref<!tpu.dma_semaphore, #tpu.memory_space<semaphore_mem>>)
      %dma_start3A_329 = arith.constant 384 : i32
      %dma_start3A_330 = tpu.memref_slice %arg12[%dma_start3A_329] : memref<1024xf32, #tpu.memory_space<vmem>> -> memref<128xf32, #tpu.memory_space<vmem>>
      %dma_start3A_331 = arith.constant 384 : i32
      %dma_start3A_332 = tpu.memref_slice %arg9[%dma_start3A_331] : memref<2048xi32, #tpu.memory_space<vmem>> -> memref<128xi32, #tpu.memory_space<vmem>>
      %dma_start3A_333 = arith.constant 0 : i32
      %dma_start3A_334 = tpu.memref_slice %arg4[%dma_start3A_333] : memref<100000xf32, #tpu.memory_space<hbm>> -> memref<100000xf32, #tpu.memory_space<hbm>>
      tpu.enqueue_indirect_dma source(%dma_start3A_334 : memref<100000xf32, #tpu.memory_space<hbm>>) target(%dma_start3A_330 : memref<128xf32, #tpu.memory_space<vmem>>) offsets(%dma_start3A_332 : memref<128xi32, #tpu.memory_space<vmem>>) semaphore(%arg14 : memref<!tpu.dma_semaphore, #tpu.memory_space<semaphore_mem>>)
      %dma_start3A_335 = arith.constant 512 : i32
      %dma_start3A_336 = tpu.memref_slice %arg12[%dma_start3A_335] : memref<1024xf32, #tpu.memory_space<vmem>> -> memref<128xf32, #tpu.memory_space<vmem>>
      %dma_start3A_337 = arith.constant 512 : i32
      %dma_start3A_338 = tpu.memref_slice %arg9[%dma_start3A_337] : memref<2048xi32, #tpu.memory_space<vmem>> -> memref<128xi32, #tpu.memory_space<vmem>>
      %dma_start3A_339 = arith.constant 0 : i32
      %dma_start3A_340 = tpu.memref_slice %arg4[%dma_start3A_339] : memref<100000xf32, #tpu.memory_space<hbm>> -> memref<100000xf32, #tpu.memory_space<hbm>>
      tpu.enqueue_indirect_dma source(%dma_start3A_340 : memref<100000xf32, #tpu.memory_space<hbm>>) target(%dma_start3A_336 : memref<128xf32, #tpu.memory_space<vmem>>) offsets(%dma_start3A_338 : memref<128xi32, #tpu.memory_space<vmem>>) semaphore(%arg14 : memref<!tpu.dma_semaphore, #tpu.memory_space<semaphore_mem>>)
      %dma_start3A_341 = arith.constant 640 : i32
      %dma_start3A_342 = tpu.memref_slice %arg12[%dma_start3A_341] : memref<1024xf32, #tpu.memory_space<vmem>> -> memref<128xf32, #tpu.memory_space<vmem>>
      %dma_start3A_343 = arith.constant 640 : i32
      %dma_start3A_344 = tpu.memref_slice %arg9[%dma_start3A_343] : memref<2048xi32, #tpu.memory_space<vmem>> -> memref<128xi32, #tpu.memory_space<vmem>>
      %dma_start3A_345 = arith.constant 0 : i32
      %dma_start3A_346 = tpu.memref_slice %arg4[%dma_start3A_345] : memref<100000xf32, #tpu.memory_space<hbm>> -> memref<100000xf32, #tpu.memory_space<hbm>>
      tpu.enqueue_indirect_dma source(%dma_start3A_346 : memref<100000xf32, #tpu.memory_space<hbm>>) target(%dma_start3A_342 : memref<128xf32, #tpu.memory_space<vmem>>) offsets(%dma_start3A_344 : memref<128xi32, #tpu.memory_space<vmem>>) semaphore(%arg14 : memref<!tpu.dma_semaphore, #tpu.memory_space<semaphore_mem>>)
      %dma_start3A_347 = arith.constant 768 : i32
      %dma_start3A_348 = tpu.memref_slice %arg12[%dma_start3A_347] : memref<1024xf32, #tpu.memory_space<vmem>> -> memref<128xf32, #tpu.memory_space<vmem>>
      %dma_start3A_349 = arith.constant 768 : i32
      %dma_start3A_350 = tpu.memref_slice %arg9[%dma_start3A_349] : memref<2048xi32, #tpu.memory_space<vmem>> -> memref<128xi32, #tpu.memory_space<vmem>>
      %dma_start3A_351 = arith.constant 0 : i32
      %dma_start3A_352 = tpu.memref_slice %arg4[%dma_start3A_351] : memref<100000xf32, #tpu.memory_space<hbm>> -> memref<100000xf32, #tpu.memory_space<hbm>>
      tpu.enqueue_indirect_dma source(%dma_start3A_352 : memref<100000xf32, #tpu.memory_space<hbm>>) target(%dma_start3A_348 : memref<128xf32, #tpu.memory_space<vmem>>) offsets(%dma_start3A_350 : memref<128xi32, #tpu.memory_space<vmem>>) semaphore(%arg14 : memref<!tpu.dma_semaphore, #tpu.memory_space<semaphore_mem>>)
      %dma_start3A_353 = arith.constant 896 : i32
      %dma_start3A_354 = tpu.memref_slice %arg12[%dma_start3A_353] : memref<1024xf32, #tpu.memory_space<vmem>> -> memref<128xf32, #tpu.memory_space<vmem>>
      %dma_start3A_355 = arith.constant 896 : i32
      %dma_start3A_356 = tpu.memref_slice %arg9[%dma_start3A_355] : memref<2048xi32, #tpu.memory_space<vmem>> -> memref<128xi32, #tpu.memory_space<vmem>>
      %dma_start3A_357 = arith.constant 0 : i32
      %dma_start3A_358 = tpu.memref_slice %arg4[%dma_start3A_357] : memref<100000xf32, #tpu.memory_space<hbm>> -> memref<100000xf32, #tpu.memory_space<hbm>>
      tpu.enqueue_indirect_dma source(%dma_start3A_358 : memref<100000xf32, #tpu.memory_space<hbm>>) target(%dma_start3A_354 : memref<128xf32, #tpu.memory_space<vmem>>) offsets(%dma_start3A_356 : memref<128xi32, #tpu.memory_space<vmem>>) semaphore(%arg14 : memref<!tpu.dma_semaphore, #tpu.memory_space<semaphore_mem>>)
      %parallel_loop3A_359 = arith.constant 0 : i32
      %parallel_loop3A_360 = arith.constant 128 : i32
      %parallel_loop3A_361 = arith.constant 1 : i32
      scf.for %parallel_loop3A_416 = %parallel_loop3A_359 to %parallel_loop3A_360 step %parallel_loop3A_361  : i32 {
        %parallel_loop3A_417 = arith.constant 16 : i32
        %parallel_loop3A_418 = arith.muli %parallel_loop3A_416, %parallel_loop3A_417 : i32
        %parallel_loop3A_419 = arith.index_cast %parallel_loop3A_418 : i32 to index
        %parallel_loop3A_420 = tpu.vector_load %arg9[%parallel_loop3A_419] {strides = array<i32>} : memref<2048xi32, #tpu.memory_space<vmem>>, vector<16xi32>,
        %parallel_loop3A_421 = vector.broadcast %parallel_loop3A_416 : i32 to vector<16xi32>
        %parallel_loop3A_422 = arith.constant 64 : i32
        %parallel_loop3A_423 = vector.broadcast %parallel_loop3A_422 : i32 to vector<16xi32>
        %parallel_loop3A_424 = arith.cmpi slt, %parallel_loop3A_421, %parallel_loop3A_423 : vector<16xi32>
        %parallel_loop3A_425 = arith.constant 1 : i32
        %parallel_loop3A_426 = arith.constant 65536 : i32
        %parallel_loop3A_427 = vector.broadcast %parallel_loop3A_425 : i32 to vector<16xi32>
        %parallel_loop3A_428 = vector.broadcast %parallel_loop3A_426 : i32 to vector<16xi32>
        %parallel_loop3A_429 = arith.select %parallel_loop3A_424, %parallel_loop3A_427, %parallel_loop3A_428 : vector<16xi1>, vector<16xi32>
        tpu.vector_store_idx %arg7[%parallel_loop3A_420], %parallel_loop3A_429 {add = true} : memref<100352xi32, #tpu.memory_space<vmem>>[vector<16xi32>], vector<16xi32>,
      } {sc.loop_unroll_factor = 16 : i64, sc.parallel_access}
      %parallel_loop3A_362 = arith.constant 0 : i32
      %parallel_loop3A_363 = arith.constant 64 : i32
      %parallel_loop3A_364 = arith.constant 1 : i32
      scf.for %parallel_loop3A_416 = %parallel_loop3A_362 to %parallel_loop3A_363 step %parallel_loop3A_364  : i32 {
        %parallel_loop3A_417 = arith.constant 16 : i32
        %parallel_loop3A_418 = arith.muli %parallel_loop3A_416, %parallel_loop3A_417 : i32
        %parallel_loop3A_419 = arith.index_cast %parallel_loop3A_418 : i32 to index
        %parallel_loop3A_420 = tpu.vector_load %arg9[%parallel_loop3A_419] {strides = array<i32>} : memref<2048xi32, #tpu.memory_space<vmem>>, vector<16xi32>,
        %parallel_loop3A_421 = arith.index_cast %parallel_loop3A_418 : i32 to index
        %parallel_loop3A_422 = tpu.vector_load %arg10[%parallel_loop3A_421] {strides = array<i32>} : memref<1024xi32, #tpu.memory_space<vmem>>, vector<16xi32>,
        %parallel_loop3A_423 = tpu.vector_load_idx %arg7[%parallel_loop3A_420] : memref<100352xi32, #tpu.memory_space<vmem>>[vector<16xi32>], vector<16xi32>,
        %parallel_loop3A_424 = arith.addi %parallel_loop3A_422, %parallel_loop3A_423 : vector<16xi32>
        %parallel_loop3A_425 = arith.index_cast %parallel_loop3A_418 : i32 to index
        %parallel_loop3A_426 = tpu.vector_load %arg10[%parallel_loop3A_425] {strides = array<i32>} : memref<1024xi32, #tpu.memory_space<vmem>>, vector<16xi32>,
        tpu.vector_store %arg10[%parallel_loop3A_425], %parallel_loop3A_424 {strides = array<i32>} : memref<1024xi32, #tpu.memory_space<vmem>>, vector<16xi32>,
      } {sc.loop_unroll_factor = 16 : i64, sc.parallel_access}
      %parallel_loop3A_365 = arith.constant 0 : i32
      %parallel_loop3A_366 = arith.constant 128 : i32
      %parallel_loop3A_367 = arith.constant 1 : i32
      scf.for %parallel_loop3A_416 = %parallel_loop3A_365 to %parallel_loop3A_366 step %parallel_loop3A_367  : i32 {
        %parallel_loop3A_417 = arith.constant 16 : i32
        %parallel_loop3A_418 = arith.muli %parallel_loop3A_416, %parallel_loop3A_417 : i32
        %parallel_loop3A_419 = arith.index_cast %parallel_loop3A_418 : i32 to index
        %parallel_loop3A_420 = tpu.vector_load %arg9[%parallel_loop3A_419] {strides = array<i32>} : memref<2048xi32, #tpu.memory_space<vmem>>, vector<16xi32>,
        %parallel_loop3A_421 = vector.broadcast %parallel_loop3A_416 : i32 to vector<16xi32>
        %parallel_loop3A_422 = arith.constant 64 : i32
        %parallel_loop3A_423 = vector.broadcast %parallel_loop3A_422 : i32 to vector<16xi32>
        %parallel_loop3A_424 = arith.cmpi slt, %parallel_loop3A_421, %parallel_loop3A_423 : vector<16xi32>
        %parallel_loop3A_425 = arith.constant -1 : i32
        %parallel_loop3A_426 = arith.constant -65536 : i32
        %parallel_loop3A_427 = vector.broadcast %parallel_loop3A_425 : i32 to vector<16xi32>
        %parallel_loop3A_428 = vector.broadcast %parallel_loop3A_426 : i32 to vector<16xi32>
        %parallel_loop3A_429 = arith.select %parallel_loop3A_424, %parallel_loop3A_427, %parallel_loop3A_428 : vector<16xi1>, vector<16xi32>
        tpu.vector_store_idx %arg7[%parallel_loop3A_420], %parallel_loop3A_429 {add = true} : memref<100352xi32, #tpu.memory_space<vmem>>[vector<16xi32>], vector<16xi32>,
      } {sc.loop_unroll_factor = 16 : i64, sc.parallel_access}
      %dma_wait3A_368 = arith.constant 0 : i32
      %dma_wait3A_369 = tpu.memref_slice %arg12[%dma_wait3A_368] : memref<1024xf32, #tpu.memory_space<vmem>> -> memref<128xf32, #tpu.memory_space<vmem>>
      %dma_wait3A_370 = arith.constant 0 : i32
      %dma_wait3A_371 = tpu.memref_slice %arg9[%dma_wait3A_370] : memref<2048xi32, #tpu.memory_space<vmem>> -> memref<128xi32, #tpu.memory_space<vmem>>
      %dma_wait3A_372 = arith.constant 0 : i32
      %dma_wait3A_373 = tpu.memref_slice %arg4[%dma_wait3A_372] : memref<100000xf32, #tpu.memory_space<hbm>> -> memref<100000xf32, #tpu.memory_space<hbm>>
      tpu.wait_indirect_dma semaphore(%arg14 : memref<!tpu.dma_semaphore, #tpu.memory_space<semaphore_mem>>) src(%dma_wait3A_373 : memref<100000xf32, #tpu.memory_space<hbm>>) dst(%dma_wait3A_369 : memref<128xf32, #tpu.memory_space<vmem>>)
      %dma_wait3A_374 = arith.constant 128 : i32
      %dma_wait3A_375 = tpu.memref_slice %arg12[%dma_wait3A_374] : memref<1024xf32, #tpu.memory_space<vmem>> -> memref<128xf32, #tpu.memory_space<vmem>>
      %dma_wait3A_376 = arith.constant 128 : i32
      %dma_wait3A_377 = tpu.memref_slice %arg9[%dma_wait3A_376] : memref<2048xi32, #tpu.memory_space<vmem>> -> memref<128xi32, #tpu.memory_space<vmem>>
      %dma_wait3A_378 = arith.constant 0 : i32
      %dma_wait3A_379 = tpu.memref_slice %arg4[%dma_wait3A_378] : memref<100000xf32, #tpu.memory_space<hbm>> -> memref<100000xf32, #tpu.memory_space<hbm>>
      tpu.wait_indirect_dma semaphore(%arg14 : memref<!tpu.dma_semaphore, #tpu.memory_space<semaphore_mem>>) src(%dma_wait3A_379 : memref<100000xf32, #tpu.memory_space<hbm>>) dst(%dma_wait3A_375 : memref<128xf32, #tpu.memory_space<vmem>>)
      %dma_wait3A_380 = arith.constant 256 : i32
      %dma_wait3A_381 = tpu.memref_slice %arg12[%dma_wait3A_380] : memref<1024xf32, #tpu.memory_space<vmem>> -> memref<128xf32, #tpu.memory_space<vmem>>
      %dma_wait3A_382 = arith.constant 256 : i32
      %dma_wait3A_383 = tpu.memref_slice %arg9[%dma_wait3A_382] : memref<2048xi32, #tpu.memory_space<vmem>> -> memref<128xi32, #tpu.memory_space<vmem>>
      %dma_wait3A_384 = arith.constant 0 : i32
      %dma_wait3A_385 = tpu.memref_slice %arg4[%dma_wait3A_384] : memref<100000xf32, #tpu.memory_space<hbm>> -> memref<100000xf32, #tpu.memory_space<hbm>>
      tpu.wait_indirect_dma semaphore(%arg14 : memref<!tpu.dma_semaphore, #tpu.memory_space<semaphore_mem>>) src(%dma_wait3A_385 : memref<100000xf32, #tpu.memory_space<hbm>>) dst(%dma_wait3A_381 : memref<128xf32, #tpu.memory_space<vmem>>)
      %dma_wait3A_386 = arith.constant 384 : i32
      %dma_wait3A_387 = tpu.memref_slice %arg12[%dma_wait3A_386] : memref<1024xf32, #tpu.memory_space<vmem>> -> memref<128xf32, #tpu.memory_space<vmem>>
      %dma_wait3A_388 = arith.constant 384 : i32
      %dma_wait3A_389 = tpu.memref_slice %arg9[%dma_wait3A_388] : memref<2048xi32, #tpu.memory_space<vmem>> -> memref<128xi32, #tpu.memory_space<vmem>>
      %dma_wait3A_390 = arith.constant 0 : i32
      %dma_wait3A_391 = tpu.memref_slice %arg4[%dma_wait3A_390] : memref<100000xf32, #tpu.memory_space<hbm>> -> memref<100000xf32, #tpu.memory_space<hbm>>
      tpu.wait_indirect_dma semaphore(%arg14 : memref<!tpu.dma_semaphore, #tpu.memory_space<semaphore_mem>>) src(%dma_wait3A_391 : memref<100000xf32, #tpu.memory_space<hbm>>) dst(%dma_wait3A_387 : memref<128xf32, #tpu.memory_space<vmem>>)
      %dma_wait3A_392 = arith.constant 512 : i32
      %dma_wait3A_393 = tpu.memref_slice %arg12[%dma_wait3A_392] : memref<1024xf32, #tpu.memory_space<vmem>> -> memref<128xf32, #tpu.memory_space<vmem>>
      %dma_wait3A_394 = arith.constant 512 : i32
      %dma_wait3A_395 = tpu.memref_slice %arg9[%dma_wait3A_394] : memref<2048xi32, #tpu.memory_space<vmem>> -> memref<128xi32, #tpu.memory_space<vmem>>
      %dma_wait3A_396 = arith.constant 0 : i32
      %dma_wait3A_397 = tpu.memref_slice %arg4[%dma_wait3A_396] : memref<100000xf32, #tpu.memory_space<hbm>> -> memref<100000xf32, #tpu.memory_space<hbm>>
      tpu.wait_indirect_dma semaphore(%arg14 : memref<!tpu.dma_semaphore, #tpu.memory_space<semaphore_mem>>) src(%dma_wait3A_397 : memref<100000xf32, #tpu.memory_space<hbm>>) dst(%dma_wait3A_393 : memref<128xf32, #tpu.memory_space<vmem>>)
      %dma_wait3A_398 = arith.constant 640 : i32
      %dma_wait3A_399 = tpu.memref_slice %arg12[%dma_wait3A_398] : memref<1024xf32, #tpu.memory_space<vmem>> -> memref<128xf32, #tpu.memory_space<vmem>>
      %dma_wait3A_400 = arith.constant 640 : i32
      %dma_wait3A_401 = tpu.memref_slice %arg9[%dma_wait3A_400] : memref<2048xi32, #tpu.memory_space<vmem>> -> memref<128xi32, #tpu.memory_space<vmem>>
      %dma_wait3A_402 = arith.constant 0 : i32
      %dma_wait3A_403 = tpu.memref_slice %arg4[%dma_wait3A_402] : memref<100000xf32, #tpu.memory_space<hbm>> -> memref<100000xf32, #tpu.memory_space<hbm>>
      tpu.wait_indirect_dma semaphore(%arg14 : memref<!tpu.dma_semaphore, #tpu.memory_space<semaphore_mem>>) src(%dma_wait3A_403 : memref<100000xf32, #tpu.memory_space<hbm>>) dst(%dma_wait3A_399 : memref<128xf32, #tpu.memory_space<vmem>>)
      %dma_wait3A_404 = arith.constant 768 : i32
      %dma_wait3A_405 = tpu.memref_slice %arg12[%dma_wait3A_404] : memref<1024xf32, #tpu.memory_space<vmem>> -> memref<128xf32, #tpu.memory_space<vmem>>
      %dma_wait3A_406 = arith.constant 768 : i32
      %dma_wait3A_407 = tpu.memref_slice %arg9[%dma_wait3A_406] : memref<2048xi32, #tpu.memory_space<vmem>> -> memref<128xi32, #tpu.memory_space<vmem>>
      %dma_wait3A_408 = arith.constant 0 : i32
      %dma_wait3A_409 = tpu.memref_slice %arg4[%dma_wait3A_408] : memref<100000xf32, #tpu.memory_space<hbm>> -> memref<100000xf32, #tpu.memory_space<hbm>>
      tpu.wait_indirect_dma semaphore(%arg14 : memref<!tpu.dma_semaphore, #tpu.memory_space<semaphore_mem>>) src(%dma_wait3A_409 : memref<100000xf32, #tpu.memory_space<hbm>>) dst(%dma_wait3A_405 : memref<128xf32, #tpu.memory_space<vmem>>)
      %dma_wait3A_410 = arith.constant 896 : i32
      %dma_wait3A_411 = tpu.memref_slice %arg12[%dma_wait3A_410] : memref<1024xf32, #tpu.memory_space<vmem>> -> memref<128xf32, #tpu.memory_space<vmem>>
      %dma_wait3A_412 = arith.constant 896 : i32
      %dma_wait3A_413 = tpu.memref_slice %arg9[%dma_wait3A_412] : memref<2048xi32, #tpu.memory_space<vmem>> -> memref<128xi32, #tpu.memory_space<vmem>>
      %dma_wait3A_414 = arith.constant 0 : i32
      %dma_wait3A_415 = tpu.memref_slice %arg4[%dma_wait3A_414] : memref<100000xf32, #tpu.memory_space<hbm>> -> memref<100000xf32, #tpu.memory_space<hbm>>
      tpu.wait_indirect_dma semaphore(%arg14 : memref<!tpu.dma_semaphore, #tpu.memory_space<semaphore_mem>>) src(%dma_wait3A_415 : memref<100000xf32, #tpu.memory_space<hbm>>) dst(%dma_wait3A_411 : memref<128xf32, #tpu.memory_space<vmem>>)
    } else {
    }
    %dma_start3A_80 = arith.constant 0 : i32
    %dma_start3A_81 = tpu.memref_slice %arg6[%add3A_56, %dma_start3A_80] : memref<224x1024xf32, #tpu.memory_space<hbm>> -> memref<1x1024xf32, #tpu.memory_space<hbm>>
    %dma_start3A_82 = tpu.memref_squeeze %dma_start3A_81 : memref<1x1024xf32, #tpu.memory_space<hbm>> -> memref<1024xf32, #tpu.memory_space<hbm>>
    %dma_start3A_83 = arith.constant 0 : i32
    %dma_start3A_84 = tpu.memref_slice %arg6[%add3A_56, %dma_start3A_83] : memref<224x1024xf32, #tpu.memory_space<hbm>> -> memref<1x1024xf32, #tpu.memory_space<hbm>>
    %dma_start3A_85 = tpu.memref_squeeze %dma_start3A_84 : memref<1x1024xf32, #tpu.memory_space<hbm>> -> memref<1024xf32, #tpu.memory_space<hbm>>
    tpu.enqueue_dma source(%arg12 : memref<1024xf32, #tpu.memory_space<vmem>>) target(%dma_start3A_85 : memref<1024xf32, #tpu.memory_space<hbm>>) target_semaphore(%arg15 : memref<!tpu.dma_semaphore, #tpu.memory_space<semaphore_mem>>)
    %mul3A_86 = arith.constant 7 : i32
    %mul3A_87 = arith.muli %add3A, %mul3A_86 : i32
    %add3A_88 = arith.constant 2 : i32
    %add3A_89 = arith.addi %mul3A_87, %add3A_88 : i32
    %mul3A_90 = arith.constant 7 : i32
    %mul3A_91 = arith.muli %add3A, %mul3A_90 : i32
    %add3A_92 = arith.constant 2 : i32
    %add3A_93 = arith.addi %mul3A_91, %add3A_92 : i32
    %lt3A_94 = arith.constant 200 : i32
    %lt3A_95 = arith.cmpi slt, %add3A_93, %lt3A_94 : i32
    %convert_element_type3A_96 = arith.extui %lt3A_95 : i1 to i32
    %cond3A_97 = arith.constant 0 : i32
    %cond3A_98 = arith.cmpi ne, %convert_element_type3A_96, %cond3A_97 : i32
    scf.if %cond3A_98 {
      %dma_wait3A_311 = arith.constant 0 : i32
      %dma_wait3A_312 = tpu.memref_slice %arg8[%dma_wait3A_311] : memref<2048xi32, #tpu.memory_space<vmem>> -> memref<1024xi32, #tpu.memory_space<vmem>>
      %dma_wait3A_313 = arith.constant 0 : i32
      %dma_wait3A_314 = tpu.memref_slice %arg2[%add3A_93, %dma_wait3A_313] : memref<200x1024xi32, #tpu.memory_space<hbm>> -> memref<1x1024xi32, #tpu.memory_space<hbm>>
      %dma_wait3A_315 = tpu.memref_squeeze %dma_wait3A_314 : memref<1x1024xi32, #tpu.memory_space<hbm>> -> memref<1024xi32, #tpu.memory_space<hbm>>
      %dma_wait3A_316 = arith.constant 0 : i32
      %dma_wait3A_317 = tpu.memref_slice %arg8[%dma_wait3A_316] : memref<2048xi32, #tpu.memory_space<vmem>> -> memref<1024xi32, #tpu.memory_space<vmem>>
      %dma_wait3A_318 = arith.constant 0 : i32
      %dma_wait3A_319 = tpu.memref_slice %arg2[%add3A_93, %dma_wait3A_318] : memref<200x1024xi32, #tpu.memory_space<hbm>> -> memref<1x1024xi32, #tpu.memory_space<hbm>>
      %dma_wait3A_320 = tpu.memref_squeeze %dma_wait3A_319 : memref<1x1024xi32, #tpu.memory_space<hbm>> -> memref<1024xi32, #tpu.memory_space<hbm>>
      tpu.wait_dma2 semaphore(%arg13 : memref<!tpu.dma_semaphore, #tpu.memory_space<semaphore_mem>>) src(%dma_wait3A_320 : memref<1024xi32, #tpu.memory_space<hbm>>) dst(%dma_wait3A_317 : memref<1024xi32, #tpu.memory_space<vmem>>)
      %dma_wait3A_321 = arith.constant 1024 : i32
      %dma_wait3A_322 = tpu.memref_slice %arg8[%dma_wait3A_321] : memref<2048xi32, #tpu.memory_space<vmem>> -> memref<1024xi32, #tpu.memory_space<vmem>>
      %dma_wait3A_323 = arith.constant 0 : i32
      %dma_wait3A_324 = tpu.memref_slice %arg3[%add3A_93, %dma_wait3A_323] : memref<200x1024xi32, #tpu.memory_space<hbm>> -> memref<1x1024xi32, #tpu.memory_space<hbm>>
      %dma_wait3A_325 = tpu.memref_squeeze %dma_wait3A_324 : memref<1x1024xi32, #tpu.memory_space<hbm>> -> memref<1024xi32, #tpu.memory_space<hbm>>
      %dma_wait3A_326 = arith.constant 1024 : i32
      %dma_wait3A_327 = tpu.memref_slice %arg8[%dma_wait3A_326] : memref<2048xi32, #tpu.memory_space<vmem>> -> memref<1024xi32, #tpu.memory_space<vmem>>
      %dma_wait3A_328 = arith.constant 0 : i32
      %dma_wait3A_329 = tpu.memref_slice %arg3[%add3A_93, %dma_wait3A_328] : memref<200x1024xi32, #tpu.memory_space<hbm>> -> memref<1x1024xi32, #tpu.memory_space<hbm>>
      %dma_wait3A_330 = tpu.memref_squeeze %dma_wait3A_329 : memref<1x1024xi32, #tpu.memory_space<hbm>> -> memref<1024xi32, #tpu.memory_space<hbm>>
      tpu.wait_dma2 semaphore(%arg13 : memref<!tpu.dma_semaphore, #tpu.memory_space<semaphore_mem>>) src(%dma_wait3A_330 : memref<1024xi32, #tpu.memory_space<hbm>>) dst(%dma_wait3A_327 : memref<1024xi32, #tpu.memory_space<vmem>>)
    } else {
    }
    %mul3A_99 = arith.constant 7 : i32
    %mul3A_100 = arith.muli %add3A, %mul3A_99 : i32
    %add3A_101 = arith.constant 3 : i32
    %add3A_102 = arith.addi %mul3A_100, %add3A_101 : i32
    %lt3A_103 = arith.constant 200 : i32
    %lt3A_104 = arith.cmpi slt, %add3A_102, %lt3A_103 : i32
    %convert_element_type3A_105 = arith.extui %lt3A_104 : i1 to i32
    %cond3A_106 = arith.constant 0 : i32
    %cond3A_107 = arith.cmpi ne, %convert_element_type3A_105, %cond3A_106 : i32
    scf.if %cond3A_107 {
      %dma_start3A_311 = arith.constant 0 : i32
      %dma_start3A_312 = tpu.memref_slice %arg9[%dma_start3A_311] : memref<2048xi32, #tpu.memory_space<vmem>> -> memref<1024xi32, #tpu.memory_space<vmem>>
      %dma_start3A_313 = arith.constant 0 : i32
      %dma_start3A_314 = tpu.memref_slice %arg2[%add3A_102, %dma_start3A_313] : memref<200x1024xi32, #tpu.memory_space<hbm>> -> memref<1x1024xi32, #tpu.memory_space<hbm>>
      %dma_start3A_315 = tpu.memref_squeeze %dma_start3A_314 : memref<1x1024xi32, #tpu.memory_space<hbm>> -> memref<1024xi32, #tpu.memory_space<hbm>>
      %dma_start3A_316 = arith.constant 0 : i32
      %dma_start3A_317 = tpu.memref_slice %arg9[%dma_start3A_316] : memref<2048xi32, #tpu.memory_space<vmem>> -> memref<1024xi32, #tpu.memory_space<vmem>>
      %dma_start3A_318 = arith.constant 0 : i32
      %dma_start3A_319 = tpu.memref_slice %arg2[%add3A_102, %dma_start3A_318] : memref<200x1024xi32, #tpu.memory_space<hbm>> -> memref<1x1024xi32, #tpu.memory_space<hbm>>
      %dma_start3A_320 = tpu.memref_squeeze %dma_start3A_319 : memref<1x1024xi32, #tpu.memory_space<hbm>> -> memref<1024xi32, #tpu.memory_space<hbm>>
      tpu.enqueue_dma source(%dma_start3A_320 : memref<1024xi32, #tpu.memory_space<hbm>>) target(%dma_start3A_317 : memref<1024xi32, #tpu.memory_space<vmem>>) target_semaphore(%arg13 : memref<!tpu.dma_semaphore, #tpu.memory_space<semaphore_mem>>)
      %dma_start3A_321 = arith.constant 1024 : i32
      %dma_start3A_322 = tpu.memref_slice %arg9[%dma_start3A_321] : memref<2048xi32, #tpu.memory_space<vmem>> -> memref<1024xi32, #tpu.memory_space<vmem>>
      %dma_start3A_323 = arith.constant 0 : i32
      %dma_start3A_324 = tpu.memref_slice %arg3[%add3A_102, %dma_start3A_323] : memref<200x1024xi32, #tpu.memory_space<hbm>> -> memref<1x1024xi32, #tpu.memory_space<hbm>>
      %dma_start3A_325 = tpu.memref_squeeze %dma_start3A_324 : memref<1x1024xi32, #tpu.memory_space<hbm>> -> memref<1024xi32, #tpu.memory_space<hbm>>
      %dma_start3A_326 = arith.constant 1024 : i32
      %dma_start3A_327 = tpu.memref_slice %arg9[%dma_start3A_326] : memref<2048xi32, #tpu.memory_space<vmem>> -> memref<1024xi32, #tpu.memory_space<vmem>>
      %dma_start3A_328 = arith.constant 0 : i32
      %dma_start3A_329 = tpu.memref_slice %arg3[%add3A_102, %dma_start3A_328] : memref<200x1024xi32, #tpu.memory_space<hbm>> -> memref<1x1024xi32, #tpu.memory_space<hbm>>
      %dma_start3A_330 = tpu.memref_squeeze %dma_start3A_329 : memref<1x1024xi32, #tpu.memory_space<hbm>> -> memref<1024xi32, #tpu.memory_space<hbm>>
      tpu.enqueue_dma source(%dma_start3A_330 : memref<1024xi32, #tpu.memory_space<hbm>>) target(%dma_start3A_327 : memref<1024xi32, #tpu.memory_space<vmem>>) target_semaphore(%arg13 : memref<!tpu.dma_semaphore, #tpu.memory_space<semaphore_mem>>)
    } else {
    }
    %mul3A_108 = arith.constant 7 : i32
    %mul3A_109 = arith.muli %add3A, %mul3A_108 : i32
    %add3A_110 = arith.constant 0 : i32
    %add3A_111 = arith.addi %mul3A_109, %add3A_110 : i32
    %dma_wait3A = arith.constant 0 : i32
    %dma_wait3A_112 = tpu.memref_slice %arg6[%add3A_111, %dma_wait3A] : memref<224x1024xf32, #tpu.memory_space<hbm>> -> memref<1x1024xf32, #tpu.memory_space<hbm>>
    %dma_wait3A_113 = tpu.memref_squeeze %dma_wait3A_112 : memref<1x1024xf32, #tpu.memory_space<hbm>> -> memref<1024xf32, #tpu.memory_space<hbm>>
    %dma_wait3A_114 = arith.constant 0 : i32
    %dma_wait3A_115 = tpu.memref_slice %arg6[%add3A_111, %dma_wait3A_114] : memref<224x1024xf32, #tpu.memory_space<hbm>> -> memref<1x1024xf32, #tpu.memory_space<hbm>>
    %dma_wait3A_116 = tpu.memref_squeeze %dma_wait3A_115 : memref<1x1024xf32, #tpu.memory_space<hbm>> -> memref<1024xf32, #tpu.memory_space<hbm>>
    tpu.wait_dma2 semaphore(%arg15 : memref<!tpu.dma_semaphore, #tpu.memory_space<semaphore_mem>>) src(%arg11 : memref<1024xf32, #tpu.memory_space<vmem>>) dst(%dma_wait3A_116 : memref<1024xf32, #tpu.memory_space<hbm>>)
    %lt3A_117 = arith.constant 200 : i32
    %lt3A_118 = arith.cmpi slt, %add3A_89, %lt3A_117 : i32
    %convert_element_type3A_119 = arith.extui %lt3A_118 : i1 to i32
    %cond3A_120 = arith.constant 0 : i32
    %cond3A_121 = arith.cmpi ne, %convert_element_type3A_119, %cond3A_120 : i32
    scf.if %cond3A_121 {
      %dma_start3A_311 = arith.constant 0 : i32
      %dma_start3A_312 = tpu.memref_slice %arg11[%dma_start3A_311] : memref<1024xf32, #tpu.memory_space<vmem>> -> memref<128xf32, #tpu.memory_space<vmem>>
      %dma_start3A_313 = arith.constant 0 : i32
      %dma_start3A_314 = tpu.memref_slice %arg8[%dma_start3A_313] : memref<2048xi32, #tpu.memory_space<vmem>> -> memref<128xi32, #tpu.memory_space<vmem>>
      %dma_start3A_315 = arith.constant 0 : i32
      %dma_start3A_316 = tpu.memref_slice %arg4[%dma_start3A_315] : memref<100000xf32, #tpu.memory_space<hbm>> -> memref<100000xf32, #tpu.memory_space<hbm>>
      tpu.enqueue_indirect_dma source(%dma_start3A_316 : memref<100000xf32, #tpu.memory_space<hbm>>) target(%dma_start3A_312 : memref<128xf32, #tpu.memory_space<vmem>>) offsets(%dma_start3A_314 : memref<128xi32, #tpu.memory_space<vmem>>) semaphore(%arg14 : memref<!tpu.dma_semaphore, #tpu.memory_space<semaphore_mem>>)
      %dma_start3A_317 = arith.constant 128 : i32
      %dma_start3A_318 = tpu.memref_slice %arg11[%dma_start3A_317] : memref<1024xf32, #tpu.memory_space<vmem>> -> memref<128xf32, #tpu.memory_space<vmem>>
      %dma_start3A_319 = arith.constant 128 : i32
      %dma_start3A_320 = tpu.memref_slice %arg8[%dma_start3A_319] : memref<2048xi32, #tpu.memory_space<vmem>> -> memref<128xi32, #tpu.memory_space<vmem>>
      %dma_start3A_321 = arith.constant 0 : i32
      %dma_start3A_322 = tpu.memref_slice %arg4[%dma_start3A_321] : memref<100000xf32, #tpu.memory_space<hbm>> -> memref<100000xf32, #tpu.memory_space<hbm>>
      tpu.enqueue_indirect_dma source(%dma_start3A_322 : memref<100000xf32, #tpu.memory_space<hbm>>) target(%dma_start3A_318 : memref<128xf32, #tpu.memory_space<vmem>>) offsets(%dma_start3A_320 : memref<128xi32, #tpu.memory_space<vmem>>) semaphore(%arg14 : memref<!tpu.dma_semaphore, #tpu.memory_space<semaphore_mem>>)
      %dma_start3A_323 = arith.constant 256 : i32
      %dma_start3A_324 = tpu.memref_slice %arg11[%dma_start3A_323] : memref<1024xf32, #tpu.memory_space<vmem>> -> memref<128xf32, #tpu.memory_space<vmem>>
      %dma_start3A_325 = arith.constant 256 : i32
      %dma_start3A_326 = tpu.memref_slice %arg8[%dma_start3A_325] : memref<2048xi32, #tpu.memory_space<vmem>> -> memref<128xi32, #tpu.memory_space<vmem>>
      %dma_start3A_327 = arith.constant 0 : i32
      %dma_start3A_328 = tpu.memref_slice %arg4[%dma_start3A_327] : memref<100000xf32, #tpu.memory_space<hbm>> -> memref<100000xf32, #tpu.memory_space<hbm>>
      tpu.enqueue_indirect_dma source(%dma_start3A_328 : memref<100000xf32, #tpu.memory_space<hbm>>) target(%dma_start3A_324 : memref<128xf32, #tpu.memory_space<vmem>>) offsets(%dma_start3A_326 : memref<128xi32, #tpu.memory_space<vmem>>) semaphore(%arg14 : memref<!tpu.dma_semaphore, #tpu.memory_space<semaphore_mem>>)
      %dma_start3A_329 = arith.constant 384 : i32
      %dma_start3A_330 = tpu.memref_slice %arg11[%dma_start3A_329] : memref<1024xf32, #tpu.memory_space<vmem>> -> memref<128xf32, #tpu.memory_space<vmem>>
      %dma_start3A_331 = arith.constant 384 : i32
      %dma_start3A_332 = tpu.memref_slice %arg8[%dma_start3A_331] : memref<2048xi32, #tpu.memory_space<vmem>> -> memref<128xi32, #tpu.memory_space<vmem>>
      %dma_start3A_333 = arith.constant 0 : i32
      %dma_start3A_334 = tpu.memref_slice %arg4[%dma_start3A_333] : memref<100000xf32, #tpu.memory_space<hbm>> -> memref<100000xf32, #tpu.memory_space<hbm>>
      tpu.enqueue_indirect_dma source(%dma_start3A_334 : memref<100000xf32, #tpu.memory_space<hbm>>) target(%dma_start3A_330 : memref<128xf32, #tpu.memory_space<vmem>>) offsets(%dma_start3A_332 : memref<128xi32, #tpu.memory_space<vmem>>) semaphore(%arg14 : memref<!tpu.dma_semaphore, #tpu.memory_space<semaphore_mem>>)
      %dma_start3A_335 = arith.constant 512 : i32
      %dma_start3A_336 = tpu.memref_slice %arg11[%dma_start3A_335] : memref<1024xf32, #tpu.memory_space<vmem>> -> memref<128xf32, #tpu.memory_space<vmem>>
      %dma_start3A_337 = arith.constant 512 : i32
      %dma_start3A_338 = tpu.memref_slice %arg8[%dma_start3A_337] : memref<2048xi32, #tpu.memory_space<vmem>> -> memref<128xi32, #tpu.memory_space<vmem>>
      %dma_start3A_339 = arith.constant 0 : i32
      %dma_start3A_340 = tpu.memref_slice %arg4[%dma_start3A_339] : memref<100000xf32, #tpu.memory_space<hbm>> -> memref<100000xf32, #tpu.memory_space<hbm>>
      tpu.enqueue_indirect_dma source(%dma_start3A_340 : memref<100000xf32, #tpu.memory_space<hbm>>) target(%dma_start3A_336 : memref<128xf32, #tpu.memory_space<vmem>>) offsets(%dma_start3A_338 : memref<128xi32, #tpu.memory_space<vmem>>) semaphore(%arg14 : memref<!tpu.dma_semaphore, #tpu.memory_space<semaphore_mem>>)
      %dma_start3A_341 = arith.constant 640 : i32
      %dma_start3A_342 = tpu.memref_slice %arg11[%dma_start3A_341] : memref<1024xf32, #tpu.memory_space<vmem>> -> memref<128xf32, #tpu.memory_space<vmem>>
      %dma_start3A_343 = arith.constant 640 : i32
      %dma_start3A_344 = tpu.memref_slice %arg8[%dma_start3A_343] : memref<2048xi32, #tpu.memory_space<vmem>> -> memref<128xi32, #tpu.memory_space<vmem>>
      %dma_start3A_345 = arith.constant 0 : i32
      %dma_start3A_346 = tpu.memref_slice %arg4[%dma_start3A_345] : memref<100000xf32, #tpu.memory_space<hbm>> -> memref<100000xf32, #tpu.memory_space<hbm>>
      tpu.enqueue_indirect_dma source(%dma_start3A_346 : memref<100000xf32, #tpu.memory_space<hbm>>) target(%dma_start3A_342 : memref<128xf32, #tpu.memory_space<vmem>>) offsets(%dma_start3A_344 : memref<128xi32, #tpu.memory_space<vmem>>) semaphore(%arg14 : memref<!tpu.dma_semaphore, #tpu.memory_space<semaphore_mem>>)
      %dma_start3A_347 = arith.constant 768 : i32
      %dma_start3A_348 = tpu.memref_slice %arg11[%dma_start3A_347] : memref<1024xf32, #tpu.memory_space<vmem>> -> memref<128xf32, #tpu.memory_space<vmem>>
      %dma_start3A_349 = arith.constant 768 : i32
      %dma_start3A_350 = tpu.memref_slice %arg8[%dma_start3A_349] : memref<2048xi32, #tpu.memory_space<vmem>> -> memref<128xi32, #tpu.memory_space<vmem>>
      %dma_start3A_351 = arith.constant 0 : i32
      %dma_start3A_352 = tpu.memref_slice %arg4[%dma_start3A_351] : memref<100000xf32, #tpu.memory_space<hbm>> -> memref<100000xf32, #tpu.memory_space<hbm>>
      tpu.enqueue_indirect_dma source(%dma_start3A_352 : memref<100000xf32, #tpu.memory_space<hbm>>) target(%dma_start3A_348 : memref<128xf32, #tpu.memory_space<vmem>>) offsets(%dma_start3A_350 : memref<128xi32, #tpu.memory_space<vmem>>) semaphore(%arg14 : memref<!tpu.dma_semaphore, #tpu.memory_space<semaphore_mem>>)
      %dma_start3A_353 = arith.constant 896 : i32
      %dma_start3A_354 = tpu.memref_slice %arg11[%dma_start3A_353] : memref<1024xf32, #tpu.memory_space<vmem>> -> memref<128xf32, #tpu.memory_space<vmem>>
      %dma_start3A_355 = arith.constant 896 : i32
      %dma_start3A_356 = tpu.memref_slice %arg8[%dma_start3A_355] : memref<2048xi32, #tpu.memory_space<vmem>> -> memref<128xi32, #tpu.memory_space<vmem>>
      %dma_start3A_357 = arith.constant 0 : i32
      %dma_start3A_358 = tpu.memref_slice %arg4[%dma_start3A_357] : memref<100000xf32, #tpu.memory_space<hbm>> -> memref<100000xf32, #tpu.memory_space<hbm>>
      tpu.enqueue_indirect_dma source(%dma_start3A_358 : memref<100000xf32, #tpu.memory_space<hbm>>) target(%dma_start3A_354 : memref<128xf32, #tpu.memory_space<vmem>>) offsets(%dma_start3A_356 : memref<128xi32, #tpu.memory_space<vmem>>) semaphore(%arg14 : memref<!tpu.dma_semaphore, #tpu.memory_space<semaphore_mem>>)
      %parallel_loop3A_359 = arith.constant 0 : i32
      %parallel_loop3A_360 = arith.constant 128 : i32
      %parallel_loop3A_361 = arith.constant 1 : i32
      scf.for %parallel_loop3A_416 = %parallel_loop3A_359 to %parallel_loop3A_360 step %parallel_loop3A_361  : i32 {
        %parallel_loop3A_417 = arith.constant 16 : i32
        %parallel_loop3A_418 = arith.muli %parallel_loop3A_416, %parallel_loop3A_417 : i32
        %parallel_loop3A_419 = arith.index_cast %parallel_loop3A_418 : i32 to index
        %parallel_loop3A_420 = tpu.vector_load %arg8[%parallel_loop3A_419] {strides = array<i32>} : memref<2048xi32, #tpu.memory_space<vmem>>, vector<16xi32>,
        %parallel_loop3A_421 = vector.broadcast %parallel_loop3A_416 : i32 to vector<16xi32>
        %parallel_loop3A_422 = arith.constant 64 : i32
        %parallel_loop3A_423 = vector.broadcast %parallel_loop3A_422 : i32 to vector<16xi32>
        %parallel_loop3A_424 = arith.cmpi slt, %parallel_loop3A_421, %parallel_loop3A_423 : vector<16xi32>
        %parallel_loop3A_425 = arith.constant 1 : i32
        %parallel_loop3A_426 = arith.constant 65536 : i32
        %parallel_loop3A_427 = vector.broadcast %parallel_loop3A_425 : i32 to vector<16xi32>
        %parallel_loop3A_428 = vector.broadcast %parallel_loop3A_426 : i32 to vector<16xi32>
        %parallel_loop3A_429 = arith.select %parallel_loop3A_424, %parallel_loop3A_427, %parallel_loop3A_428 : vector<16xi1>, vector<16xi32>
        tpu.vector_store_idx %arg7[%parallel_loop3A_420], %parallel_loop3A_429 {add = true} : memref<100352xi32, #tpu.memory_space<vmem>>[vector<16xi32>], vector<16xi32>,
      } {sc.loop_unroll_factor = 16 : i64, sc.parallel_access}
      %parallel_loop3A_362 = arith.constant 0 : i32
      %parallel_loop3A_363 = arith.constant 64 : i32
      %parallel_loop3A_364 = arith.constant 1 : i32
      scf.for %parallel_loop3A_416 = %parallel_loop3A_362 to %parallel_loop3A_363 step %parallel_loop3A_364  : i32 {
        %parallel_loop3A_417 = arith.constant 16 : i32
        %parallel_loop3A_418 = arith.muli %parallel_loop3A_416, %parallel_loop3A_417 : i32
        %parallel_loop3A_419 = arith.index_cast %parallel_loop3A_418 : i32 to index
        %parallel_loop3A_420 = tpu.vector_load %arg8[%parallel_loop3A_419] {strides = array<i32>} : memref<2048xi32, #tpu.memory_space<vmem>>, vector<16xi32>,
        %parallel_loop3A_421 = arith.index_cast %parallel_loop3A_418 : i32 to index
        %parallel_loop3A_422 = tpu.vector_load %arg10[%parallel_loop3A_421] {strides = array<i32>} : memref<1024xi32, #tpu.memory_space<vmem>>, vector<16xi32>,
        %parallel_loop3A_423 = tpu.vector_load_idx %arg7[%parallel_loop3A_420] : memref<100352xi32, #tpu.memory_space<vmem>>[vector<16xi32>], vector<16xi32>,
        %parallel_loop3A_424 = arith.addi %parallel_loop3A_422, %parallel_loop3A_423 : vector<16xi32>
        %parallel_loop3A_425 = arith.index_cast %parallel_loop3A_418 : i32 to index
        %parallel_loop3A_426 = tpu.vector_load %arg10[%parallel_loop3A_425] {strides = array<i32>} : memref<1024xi32, #tpu.memory_space<vmem>>, vector<16xi32>,
        tpu.vector_store %arg10[%parallel_loop3A_425], %parallel_loop3A_424 {strides = array<i32>} : memref<1024xi32, #tpu.memory_space<vmem>>, vector<16xi32>,
      } {sc.loop_unroll_factor = 16 : i64, sc.parallel_access}
      %parallel_loop3A_365 = arith.constant 0 : i32
      %parallel_loop3A_366 = arith.constant 128 : i32
      %parallel_loop3A_367 = arith.constant 1 : i32
      scf.for %parallel_loop3A_416 = %parallel_loop3A_365 to %parallel_loop3A_366 step %parallel_loop3A_367  : i32 {
        %parallel_loop3A_417 = arith.constant 16 : i32
        %parallel_loop3A_418 = arith.muli %parallel_loop3A_416, %parallel_loop3A_417 : i32
        %parallel_loop3A_419 = arith.index_cast %parallel_loop3A_418 : i32 to index
        %parallel_loop3A_420 = tpu.vector_load %arg8[%parallel_loop3A_419] {strides = array<i32>} : memref<2048xi32, #tpu.memory_space<vmem>>, vector<16xi32>,
        %parallel_loop3A_421 = vector.broadcast %parallel_loop3A_416 : i32 to vector<16xi32>
        %parallel_loop3A_422 = arith.constant 64 : i32
        %parallel_loop3A_423 = vector.broadcast %parallel_loop3A_422 : i32 to vector<16xi32>
        %parallel_loop3A_424 = arith.cmpi slt, %parallel_loop3A_421, %parallel_loop3A_423 : vector<16xi32>
        %parallel_loop3A_425 = arith.constant -1 : i32
        %parallel_loop3A_426 = arith.constant -65536 : i32
        %parallel_loop3A_427 = vector.broadcast %parallel_loop3A_425 : i32 to vector<16xi32>
        %parallel_loop3A_428 = vector.broadcast %parallel_loop3A_426 : i32 to vector<16xi32>
        %parallel_loop3A_429 = arith.select %parallel_loop3A_424, %parallel_loop3A_427, %parallel_loop3A_428 : vector<16xi1>, vector<16xi32>
        tpu.vector_store_idx %arg7[%parallel_loop3A_420], %parallel_loop3A_429 {add = true} : memref<100352xi32, #tpu.memory_space<vmem>>[vector<16xi32>], vector<16xi32>,
      } {sc.loop_unroll_factor = 16 : i64, sc.parallel_access}
      %dma_wait3A_368 = arith.constant 0 : i32
      %dma_wait3A_369 = tpu.memref_slice %arg11[%dma_wait3A_368] : memref<1024xf32, #tpu.memory_space<vmem>> -> memref<128xf32, #tpu.memory_space<vmem>>
      %dma_wait3A_370 = arith.constant 0 : i32
      %dma_wait3A_371 = tpu.memref_slice %arg8[%dma_wait3A_370] : memref<2048xi32, #tpu.memory_space<vmem>> -> memref<128xi32, #tpu.memory_space<vmem>>
      %dma_wait3A_372 = arith.constant 0 : i32
      %dma_wait3A_373 = tpu.memref_slice %arg4[%dma_wait3A_372] : memref<100000xf32, #tpu.memory_space<hbm>> -> memref<100000xf32, #tpu.memory_space<hbm>>
      tpu.wait_indirect_dma semaphore(%arg14 : memref<!tpu.dma_semaphore, #tpu.memory_space<semaphore_mem>>) src(%dma_wait3A_373 : memref<100000xf32, #tpu.memory_space<hbm>>) dst(%dma_wait3A_369 : memref<128xf32, #tpu.memory_space<vmem>>)
      %dma_wait3A_374 = arith.constant 128 : i32
      %dma_wait3A_375 = tpu.memref_slice %arg11[%dma_wait3A_374] : memref<1024xf32, #tpu.memory_space<vmem>> -> memref<128xf32, #tpu.memory_space<vmem>>
      %dma_wait3A_376 = arith.constant 128 : i32
      %dma_wait3A_377 = tpu.memref_slice %arg8[%dma_wait3A_376] : memref<2048xi32, #tpu.memory_space<vmem>> -> memref<128xi32, #tpu.memory_space<vmem>>
      %dma_wait3A_378 = arith.constant 0 : i32
      %dma_wait3A_379 = tpu.memref_slice %arg4[%dma_wait3A_378] : memref<100000xf32, #tpu.memory_space<hbm>> -> memref<100000xf32, #tpu.memory_space<hbm>>
      tpu.wait_indirect_dma semaphore(%arg14 : memref<!tpu.dma_semaphore, #tpu.memory_space<semaphore_mem>>) src(%dma_wait3A_379 : memref<100000xf32, #tpu.memory_space<hbm>>) dst(%dma_wait3A_375 : memref<128xf32, #tpu.memory_space<vmem>>)
      %dma_wait3A_380 = arith.constant 256 : i32
      %dma_wait3A_381 = tpu.memref_slice %arg11[%dma_wait3A_380] : memref<1024xf32, #tpu.memory_space<vmem>> -> memref<128xf32, #tpu.memory_space<vmem>>
      %dma_wait3A_382 = arith.constant 256 : i32
      %dma_wait3A_383 = tpu.memref_slice %arg8[%dma_wait3A_382] : memref<2048xi32, #tpu.memory_space<vmem>> -> memref<128xi32, #tpu.memory_space<vmem>>
      %dma_wait3A_384 = arith.constant 0 : i32
      %dma_wait3A_385 = tpu.memref_slice %arg4[%dma_wait3A_384] : memref<100000xf32, #tpu.memory_space<hbm>> -> memref<100000xf32, #tpu.memory_space<hbm>>
      tpu.wait_indirect_dma semaphore(%arg14 : memref<!tpu.dma_semaphore, #tpu.memory_space<semaphore_mem>>) src(%dma_wait3A_385 : memref<100000xf32, #tpu.memory_space<hbm>>) dst(%dma_wait3A_381 : memref<128xf32, #tpu.memory_space<vmem>>)
      %dma_wait3A_386 = arith.constant 384 : i32
      %dma_wait3A_387 = tpu.memref_slice %arg11[%dma_wait3A_386] : memref<1024xf32, #tpu.memory_space<vmem>> -> memref<128xf32, #tpu.memory_space<vmem>>
      %dma_wait3A_388 = arith.constant 384 : i32
      %dma_wait3A_389 = tpu.memref_slice %arg8[%dma_wait3A_388] : memref<2048xi32, #tpu.memory_space<vmem>> -> memref<128xi32, #tpu.memory_space<vmem>>
      %dma_wait3A_390 = arith.constant 0 : i32
      %dma_wait3A_391 = tpu.memref_slice %arg4[%dma_wait3A_390] : memref<100000xf32, #tpu.memory_space<hbm>> -> memref<100000xf32, #tpu.memory_space<hbm>>
      tpu.wait_indirect_dma semaphore(%arg14 : memref<!tpu.dma_semaphore, #tpu.memory_space<semaphore_mem>>) src(%dma_wait3A_391 : memref<100000xf32, #tpu.memory_space<hbm>>) dst(%dma_wait3A_387 : memref<128xf32, #tpu.memory_space<vmem>>)
      %dma_wait3A_392 = arith.constant 512 : i32
      %dma_wait3A_393 = tpu.memref_slice %arg11[%dma_wait3A_392] : memref<1024xf32, #tpu.memory_space<vmem>> -> memref<128xf32, #tpu.memory_space<vmem>>
      %dma_wait3A_394 = arith.constant 512 : i32
      %dma_wait3A_395 = tpu.memref_slice %arg8[%dma_wait3A_394] : memref<2048xi32, #tpu.memory_space<vmem>> -> memref<128xi32, #tpu.memory_space<vmem>>
      %dma_wait3A_396 = arith.constant 0 : i32
      %dma_wait3A_397 = tpu.memref_slice %arg4[%dma_wait3A_396] : memref<100000xf32, #tpu.memory_space<hbm>> -> memref<100000xf32, #tpu.memory_space<hbm>>
      tpu.wait_indirect_dma semaphore(%arg14 : memref<!tpu.dma_semaphore, #tpu.memory_space<semaphore_mem>>) src(%dma_wait3A_397 : memref<100000xf32, #tpu.memory_space<hbm>>) dst(%dma_wait3A_393 : memref<128xf32, #tpu.memory_space<vmem>>)
      %dma_wait3A_398 = arith.constant 640 : i32
      %dma_wait3A_399 = tpu.memref_slice %arg11[%dma_wait3A_398] : memref<1024xf32, #tpu.memory_space<vmem>> -> memref<128xf32, #tpu.memory_space<vmem>>
      %dma_wait3A_400 = arith.constant 640 : i32
      %dma_wait3A_401 = tpu.memref_slice %arg8[%dma_wait3A_400] : memref<2048xi32, #tpu.memory_space<vmem>> -> memref<128xi32, #tpu.memory_space<vmem>>
      %dma_wait3A_402 = arith.constant 0 : i32
      %dma_wait3A_403 = tpu.memref_slice %arg4[%dma_wait3A_402] : memref<100000xf32, #tpu.memory_space<hbm>> -> memref<100000xf32, #tpu.memory_space<hbm>>
      tpu.wait_indirect_dma semaphore(%arg14 : memref<!tpu.dma_semaphore, #tpu.memory_space<semaphore_mem>>) src(%dma_wait3A_403 : memref<100000xf32, #tpu.memory_space<hbm>>) dst(%dma_wait3A_399 : memref<128xf32, #tpu.memory_space<vmem>>)
      %dma_wait3A_404 = arith.constant 768 : i32
      %dma_wait3A_405 = tpu.memref_slice %arg11[%dma_wait3A_404] : memref<1024xf32, #tpu.memory_space<vmem>> -> memref<128xf32, #tpu.memory_space<vmem>>
      %dma_wait3A_406 = arith.constant 768 : i32
      %dma_wait3A_407 = tpu.memref_slice %arg8[%dma_wait3A_406] : memref<2048xi32, #tpu.memory_space<vmem>> -> memref<128xi32, #tpu.memory_space<vmem>>
      %dma_wait3A_408 = arith.constant 0 : i32
      %dma_wait3A_409 = tpu.memref_slice %arg4[%dma_wait3A_408] : memref<100000xf32, #tpu.memory_space<hbm>> -> memref<100000xf32, #tpu.memory_space<hbm>>
      tpu.wait_indirect_dma semaphore(%arg14 : memref<!tpu.dma_semaphore, #tpu.memory_space<semaphore_mem>>) src(%dma_wait3A_409 : memref<100000xf32, #tpu.memory_space<hbm>>) dst(%dma_wait3A_405 : memref<128xf32, #tpu.memory_space<vmem>>)
      %dma_wait3A_410 = arith.constant 896 : i32
      %dma_wait3A_411 = tpu.memref_slice %arg11[%dma_wait3A_410] : memref<1024xf32, #tpu.memory_space<vmem>> -> memref<128xf32, #tpu.memory_space<vmem>>
      %dma_wait3A_412 = arith.constant 896 : i32
      %dma_wait3A_413 = tpu.memref_slice %arg8[%dma_wait3A_412] : memref<2048xi32, #tpu.memory_space<vmem>> -> memref<128xi32, #tpu.memory_space<vmem>>
      %dma_wait3A_414 = arith.constant 0 : i32
      %dma_wait3A_415 = tpu.memref_slice %arg4[%dma_wait3A_414] : memref<100000xf32, #tpu.memory_space<hbm>> -> memref<100000xf32, #tpu.memory_space<hbm>>
      tpu.wait_indirect_dma semaphore(%arg14 : memref<!tpu.dma_semaphore, #tpu.memory_space<semaphore_mem>>) src(%dma_wait3A_415 : memref<100000xf32, #tpu.memory_space<hbm>>) dst(%dma_wait3A_411 : memref<128xf32, #tpu.memory_space<vmem>>)
    } else {
    }
    %dma_start3A_122 = arith.constant 0 : i32
    %dma_start3A_123 = tpu.memref_slice %arg6[%add3A_89, %dma_start3A_122] : memref<224x1024xf32, #tpu.memory_space<hbm>> -> memref<1x1024xf32, #tpu.memory_space<hbm>>
    %dma_start3A_124 = tpu.memref_squeeze %dma_start3A_123 : memref<1x1024xf32, #tpu.memory_space<hbm>> -> memref<1024xf32, #tpu.memory_space<hbm>>
    %dma_start3A_125 = arith.constant 0 : i32
    %dma_start3A_126 = tpu.memref_slice %arg6[%add3A_89, %dma_start3A_125] : memref<224x1024xf32, #tpu.memory_space<hbm>> -> memref<1x1024xf32, #tpu.memory_space<hbm>>
    %dma_start3A_127 = tpu.memref_squeeze %dma_start3A_126 : memref<1x1024xf32, #tpu.memory_space<hbm>> -> memref<1024xf32, #tpu.memory_space<hbm>>
    tpu.enqueue_dma source(%arg11 : memref<1024xf32, #tpu.memory_space<vmem>>) target(%dma_start3A_127 : memref<1024xf32, #tpu.memory_space<hbm>>) target_semaphore(%arg15 : memref<!tpu.dma_semaphore, #tpu.memory_space<semaphore_mem>>)
    %mul3A_128 = arith.constant 7 : i32
    %mul3A_129 = arith.muli %add3A, %mul3A_128 : i32
    %add3A_130 = arith.constant 3 : i32
    %add3A_131 = arith.addi %mul3A_129, %add3A_130 : i32
    %mul3A_132 = arith.constant 7 : i32
    %mul3A_133 = arith.muli %add3A, %mul3A_132 : i32
    %add3A_134 = arith.constant 3 : i32
    %add3A_135 = arith.addi %mul3A_133, %add3A_134 : i32
    %lt3A_136 = arith.constant 200 : i32
    %lt3A_137 = arith.cmpi slt, %add3A_135, %lt3A_136 : i32
    %convert_element_type3A_138 = arith.extui %lt3A_137 : i1 to i32
    %cond3A_139 = arith.constant 0 : i32
    %cond3A_140 = arith.cmpi ne, %convert_element_type3A_138, %cond3A_139 : i32
    scf.if %cond3A_140 {
      %dma_wait3A_311 = arith.constant 0 : i32
      %dma_wait3A_312 = tpu.memref_slice %arg9[%dma_wait3A_311] : memref<2048xi32, #tpu.memory_space<vmem>> -> memref<1024xi32, #tpu.memory_space<vmem>>
      %dma_wait3A_313 = arith.constant 0 : i32
      %dma_wait3A_314 = tpu.memref_slice %arg2[%add3A_135, %dma_wait3A_313] : memref<200x1024xi32, #tpu.memory_space<hbm>> -> memref<1x1024xi32, #tpu.memory_space<hbm>>
      %dma_wait3A_315 = tpu.memref_squeeze %dma_wait3A_314 : memref<1x1024xi32, #tpu.memory_space<hbm>> -> memref<1024xi32, #tpu.memory_space<hbm>>
      %dma_wait3A_316 = arith.constant 0 : i32
      %dma_wait3A_317 = tpu.memref_slice %arg9[%dma_wait3A_316] : memref<2048xi32, #tpu.memory_space<vmem>> -> memref<1024xi32, #tpu.memory_space<vmem>>
      %dma_wait3A_318 = arith.constant 0 : i32
      %dma_wait3A_319 = tpu.memref_slice %arg2[%add3A_135, %dma_wait3A_318] : memref<200x1024xi32, #tpu.memory_space<hbm>> -> memref<1x1024xi32, #tpu.memory_space<hbm>>
      %dma_wait3A_320 = tpu.memref_squeeze %dma_wait3A_319 : memref<1x1024xi32, #tpu.memory_space<hbm>> -> memref<1024xi32, #tpu.memory_space<hbm>>
      tpu.wait_dma2 semaphore(%arg13 : memref<!tpu.dma_semaphore, #tpu.memory_space<semaphore_mem>>) src(%dma_wait3A_320 : memref<1024xi32, #tpu.memory_space<hbm>>) dst(%dma_wait3A_317 : memref<1024xi32, #tpu.memory_space<vmem>>)
      %dma_wait3A_321 = arith.constant 1024 : i32
      %dma_wait3A_322 = tpu.memref_slice %arg9[%dma_wait3A_321] : memref<2048xi32, #tpu.memory_space<vmem>> -> memref<1024xi32, #tpu.memory_space<vmem>>
      %dma_wait3A_323 = arith.constant 0 : i32
      %dma_wait3A_324 = tpu.memref_slice %arg3[%add3A_135, %dma_wait3A_323] : memref<200x1024xi32, #tpu.memory_space<hbm>> -> memref<1x1024xi32, #tpu.memory_space<hbm>>
      %dma_wait3A_325 = tpu.memref_squeeze %dma_wait3A_324 : memref<1x1024xi32, #tpu.memory_space<hbm>> -> memref<1024xi32, #tpu.memory_space<hbm>>
      %dma_wait3A_326 = arith.constant 1024 : i32
      %dma_wait3A_327 = tpu.memref_slice %arg9[%dma_wait3A_326] : memref<2048xi32, #tpu.memory_space<vmem>> -> memref<1024xi32, #tpu.memory_space<vmem>>
      %dma_wait3A_328 = arith.constant 0 : i32
      %dma_wait3A_329 = tpu.memref_slice %arg3[%add3A_135, %dma_wait3A_328] : memref<200x1024xi32, #tpu.memory_space<hbm>> -> memref<1x1024xi32, #tpu.memory_space<hbm>>
      %dma_wait3A_330 = tpu.memref_squeeze %dma_wait3A_329 : memref<1x1024xi32, #tpu.memory_space<hbm>> -> memref<1024xi32, #tpu.memory_space<hbm>>
      tpu.wait_dma2 semaphore(%arg13 : memref<!tpu.dma_semaphore, #tpu.memory_space<semaphore_mem>>) src(%dma_wait3A_330 : memref<1024xi32, #tpu.memory_space<hbm>>) dst(%dma_wait3A_327 : memref<1024xi32, #tpu.memory_space<vmem>>)
    } else {
    }
    %mul3A_141 = arith.constant 7 : i32
    %mul3A_142 = arith.muli %add3A, %mul3A_141 : i32
    %add3A_143 = arith.constant 4 : i32
    %add3A_144 = arith.addi %mul3A_142, %add3A_143 : i32
    %lt3A_145 = arith.constant 200 : i32
    %lt3A_146 = arith.cmpi slt, %add3A_144, %lt3A_145 : i32
    %convert_element_type3A_147 = arith.extui %lt3A_146 : i1 to i32
    %cond3A_148 = arith.constant 0 : i32
    %cond3A_149 = arith.cmpi ne, %convert_element_type3A_147, %cond3A_148 : i32
    scf.if %cond3A_149 {
      %dma_start3A_311 = arith.constant 0 : i32
      %dma_start3A_312 = tpu.memref_slice %arg8[%dma_start3A_311] : memref<2048xi32, #tpu.memory_space<vmem>> -> memref<1024xi32, #tpu.memory_space<vmem>>
      %dma_start3A_313 = arith.constant 0 : i32
      %dma_start3A_314 = tpu.memref_slice %arg2[%add3A_144, %dma_start3A_313] : memref<200x1024xi32, #tpu.memory_space<hbm>> -> memref<1x1024xi32, #tpu.memory_space<hbm>>
      %dma_start3A_315 = tpu.memref_squeeze %dma_start3A_314 : memref<1x1024xi32, #tpu.memory_space<hbm>> -> memref<1024xi32, #tpu.memory_space<hbm>>
      %dma_start3A_316 = arith.constant 0 : i32
      %dma_start3A_317 = tpu.memref_slice %arg8[%dma_start3A_316] : memref<2048xi32, #tpu.memory_space<vmem>> -> memref<1024xi32, #tpu.memory_space<vmem>>
      %dma_start3A_318 = arith.constant 0 : i32
      %dma_start3A_319 = tpu.memref_slice %arg2[%add3A_144, %dma_start3A_318] : memref<200x1024xi32, #tpu.memory_space<hbm>> -> memref<1x1024xi32, #tpu.memory_space<hbm>>
      %dma_start3A_320 = tpu.memref_squeeze %dma_start3A_319 : memref<1x1024xi32, #tpu.memory_space<hbm>> -> memref<1024xi32, #tpu.memory_space<hbm>>
      tpu.enqueue_dma source(%dma_start3A_320 : memref<1024xi32, #tpu.memory_space<hbm>>) target(%dma_start3A_317 : memref<1024xi32, #tpu.memory_space<vmem>>) target_semaphore(%arg13 : memref<!tpu.dma_semaphore, #tpu.memory_space<semaphore_mem>>)
      %dma_start3A_321 = arith.constant 1024 : i32
      %dma_start3A_322 = tpu.memref_slice %arg8[%dma_start3A_321] : memref<2048xi32, #tpu.memory_space<vmem>> -> memref<1024xi32, #tpu.memory_space<vmem>>
      %dma_start3A_323 = arith.constant 0 : i32
      %dma_start3A_324 = tpu.memref_slice %arg3[%add3A_144, %dma_start3A_323] : memref<200x1024xi32, #tpu.memory_space<hbm>> -> memref<1x1024xi32, #tpu.memory_space<hbm>>
      %dma_start3A_325 = tpu.memref_squeeze %dma_start3A_324 : memref<1x1024xi32, #tpu.memory_space<hbm>> -> memref<1024xi32, #tpu.memory_space<hbm>>
      %dma_start3A_326 = arith.constant 1024 : i32
      %dma_start3A_327 = tpu.memref_slice %arg8[%dma_start3A_326] : memref<2048xi32, #tpu.memory_space<vmem>> -> memref<1024xi32, #tpu.memory_space<vmem>>
      %dma_start3A_328 = arith.constant 0 : i32
      %dma_start3A_329 = tpu.memref_slice %arg3[%add3A_144, %dma_start3A_328] : memref<200x1024xi32, #tpu.memory_space<hbm>> -> memref<1x1024xi32, #tpu.memory_space<hbm>>
      %dma_start3A_330 = tpu.memref_squeeze %dma_start3A_329 : memref<1x1024xi32, #tpu.memory_space<hbm>> -> memref<1024xi32, #tpu.memory_space<hbm>>
      tpu.enqueue_dma source(%dma_start3A_330 : memref<1024xi32, #tpu.memory_space<hbm>>) target(%dma_start3A_327 : memref<1024xi32, #tpu.memory_space<vmem>>) target_semaphore(%arg13 : memref<!tpu.dma_semaphore, #tpu.memory_space<semaphore_mem>>)
    } else {
    }
    %mul3A_150 = arith.constant 7 : i32
    %mul3A_151 = arith.muli %add3A, %mul3A_150 : i32
    %add3A_152 = arith.constant 1 : i32
    %add3A_153 = arith.addi %mul3A_151, %add3A_152 : i32
    %dma_wait3A_154 = arith.constant 0 : i32
    %dma_wait3A_155 = tpu.memref_slice %arg6[%add3A_153, %dma_wait3A_154] : memref<224x1024xf32, #tpu.memory_space<hbm>> -> memref<1x1024xf32, #tpu.memory_space<hbm>>
    %dma_wait3A_156 = tpu.memref_squeeze %dma_wait3A_155 : memref<1x1024xf32, #tpu.memory_space<hbm>> -> memref<1024xf32, #tpu.memory_space<hbm>>
    %dma_wait3A_157 = arith.constant 0 : i32
    %dma_wait3A_158 = tpu.memref_slice %arg6[%add3A_153, %dma_wait3A_157] : memref<224x1024xf32, #tpu.memory_space<hbm>> -> memref<1x1024xf32, #tpu.memory_space<hbm>>
    %dma_wait3A_159 = tpu.memref_squeeze %dma_wait3A_158 : memref<1x1024xf32, #tpu.memory_space<hbm>> -> memref<1024xf32, #tpu.memory_space<hbm>>
    tpu.wait_dma2 semaphore(%arg15 : memref<!tpu.dma_semaphore, #tpu.memory_space<semaphore_mem>>) src(%arg12 : memref<1024xf32, #tpu.memory_space<vmem>>) dst(%dma_wait3A_159 : memref<1024xf32, #tpu.memory_space<hbm>>)
    %lt3A_160 = arith.constant 200 : i32
    %lt3A_161 = arith.cmpi slt, %add3A_131, %lt3A_160 : i32
    %convert_element_type3A_162 = arith.extui %lt3A_161 : i1 to i32
    %cond3A_163 = arith.constant 0 : i32
    %cond3A_164 = arith.cmpi ne, %convert_element_type3A_162, %cond3A_163 : i32
    scf.if %cond3A_164 {
      %dma_start3A_311 = arith.constant 0 : i32
      %dma_start3A_312 = tpu.memref_slice %arg12[%dma_start3A_311] : memref<1024xf32, #tpu.memory_space<vmem>> -> memref<128xf32, #tpu.memory_space<vmem>>
      %dma_start3A_313 = arith.constant 0 : i32
      %dma_start3A_314 = tpu.memref_slice %arg9[%dma_start3A_313] : memref<2048xi32, #tpu.memory_space<vmem>> -> memref<128xi32, #tpu.memory_space<vmem>>
      %dma_start3A_315 = arith.constant 0 : i32
      %dma_start3A_316 = tpu.memref_slice %arg4[%dma_start3A_315] : memref<100000xf32, #tpu.memory_space<hbm>> -> memref<100000xf32, #tpu.memory_space<hbm>>
      tpu.enqueue_indirect_dma source(%dma_start3A_316 : memref<100000xf32, #tpu.memory_space<hbm>>) target(%dma_start3A_312 : memref<128xf32, #tpu.memory_space<vmem>>) offsets(%dma_start3A_314 : memref<128xi32, #tpu.memory_space<vmem>>) semaphore(%arg14 : memref<!tpu.dma_semaphore, #tpu.memory_space<semaphore_mem>>)
      %dma_start3A_317 = arith.constant 128 : i32
      %dma_start3A_318 = tpu.memref_slice %arg12[%dma_start3A_317] : memref<1024xf32, #tpu.memory_space<vmem>> -> memref<128xf32, #tpu.memory_space<vmem>>
      %dma_start3A_319 = arith.constant 128 : i32
      %dma_start3A_320 = tpu.memref_slice %arg9[%dma_start3A_319] : memref<2048xi32, #tpu.memory_space<vmem>> -> memref<128xi32, #tpu.memory_space<vmem>>
      %dma_start3A_321 = arith.constant 0 : i32
      %dma_start3A_322 = tpu.memref_slice %arg4[%dma_start3A_321] : memref<100000xf32, #tpu.memory_space<hbm>> -> memref<100000xf32, #tpu.memory_space<hbm>>
      tpu.enqueue_indirect_dma source(%dma_start3A_322 : memref<100000xf32, #tpu.memory_space<hbm>>) target(%dma_start3A_318 : memref<128xf32, #tpu.memory_space<vmem>>) offsets(%dma_start3A_320 : memref<128xi32, #tpu.memory_space<vmem>>) semaphore(%arg14 : memref<!tpu.dma_semaphore, #tpu.memory_space<semaphore_mem>>)
      %dma_start3A_323 = arith.constant 256 : i32
      %dma_start3A_324 = tpu.memref_slice %arg12[%dma_start3A_323] : memref<1024xf32, #tpu.memory_space<vmem>> -> memref<128xf32, #tpu.memory_space<vmem>>
      %dma_start3A_325 = arith.constant 256 : i32
      %dma_start3A_326 = tpu.memref_slice %arg9[%dma_start3A_325] : memref<2048xi32, #tpu.memory_space<vmem>> -> memref<128xi32, #tpu.memory_space<vmem>>
      %dma_start3A_327 = arith.constant 0 : i32
      %dma_start3A_328 = tpu.memref_slice %arg4[%dma_start3A_327] : memref<100000xf32, #tpu.memory_space<hbm>> -> memref<100000xf32, #tpu.memory_space<hbm>>
      tpu.enqueue_indirect_dma source(%dma_start3A_328 : memref<100000xf32, #tpu.memory_space<hbm>>) target(%dma_start3A_324 : memref<128xf32, #tpu.memory_space<vmem>>) offsets(%dma_start3A_326 : memref<128xi32, #tpu.memory_space<vmem>>) semaphore(%arg14 : memref<!tpu.dma_semaphore, #tpu.memory_space<semaphore_mem>>)
      %dma_start3A_329 = arith.constant 384 : i32
      %dma_start3A_330 = tpu.memref_slice %arg12[%dma_start3A_329] : memref<1024xf32, #tpu.memory_space<vmem>> -> memref<128xf32, #tpu.memory_space<vmem>>
      %dma_start3A_331 = arith.constant 384 : i32
      %dma_start3A_332 = tpu.memref_slice %arg9[%dma_start3A_331] : memref<2048xi32, #tpu.memory_space<vmem>> -> memref<128xi32, #tpu.memory_space<vmem>>
      %dma_start3A_333 = arith.constant 0 : i32
      %dma_start3A_334 = tpu.memref_slice %arg4[%dma_start3A_333] : memref<100000xf32, #tpu.memory_space<hbm>> -> memref<100000xf32, #tpu.memory_space<hbm>>
      tpu.enqueue_indirect_dma source(%dma_start3A_334 : memref<100000xf32, #tpu.memory_space<hbm>>) target(%dma_start3A_330 : memref<128xf32, #tpu.memory_space<vmem>>) offsets(%dma_start3A_332 : memref<128xi32, #tpu.memory_space<vmem>>) semaphore(%arg14 : memref<!tpu.dma_semaphore, #tpu.memory_space<semaphore_mem>>)
      %dma_start3A_335 = arith.constant 512 : i32
      %dma_start3A_336 = tpu.memref_slice %arg12[%dma_start3A_335] : memref<1024xf32, #tpu.memory_space<vmem>> -> memref<128xf32, #tpu.memory_space<vmem>>
      %dma_start3A_337 = arith.constant 512 : i32
      %dma_start3A_338 = tpu.memref_slice %arg9[%dma_start3A_337] : memref<2048xi32, #tpu.memory_space<vmem>> -> memref<128xi32, #tpu.memory_space<vmem>>
      %dma_start3A_339 = arith.constant 0 : i32
      %dma_start3A_340 = tpu.memref_slice %arg4[%dma_start3A_339] : memref<100000xf32, #tpu.memory_space<hbm>> -> memref<100000xf32, #tpu.memory_space<hbm>>
      tpu.enqueue_indirect_dma source(%dma_start3A_340 : memref<100000xf32, #tpu.memory_space<hbm>>) target(%dma_start3A_336 : memref<128xf32, #tpu.memory_space<vmem>>) offsets(%dma_start3A_338 : memref<128xi32, #tpu.memory_space<vmem>>) semaphore(%arg14 : memref<!tpu.dma_semaphore, #tpu.memory_space<semaphore_mem>>)
      %dma_start3A_341 = arith.constant 640 : i32
      %dma_start3A_342 = tpu.memref_slice %arg12[%dma_start3A_341] : memref<1024xf32, #tpu.memory_space<vmem>> -> memref<128xf32, #tpu.memory_space<vmem>>
      %dma_start3A_343 = arith.constant 640 : i32
      %dma_start3A_344 = tpu.memref_slice %arg9[%dma_start3A_343] : memref<2048xi32, #tpu.memory_space<vmem>> -> memref<128xi32, #tpu.memory_space<vmem>>
      %dma_start3A_345 = arith.constant 0 : i32
      %dma_start3A_346 = tpu.memref_slice %arg4[%dma_start3A_345] : memref<100000xf32, #tpu.memory_space<hbm>> -> memref<100000xf32, #tpu.memory_space<hbm>>
      tpu.enqueue_indirect_dma source(%dma_start3A_346 : memref<100000xf32, #tpu.memory_space<hbm>>) target(%dma_start3A_342 : memref<128xf32, #tpu.memory_space<vmem>>) offsets(%dma_start3A_344 : memref<128xi32, #tpu.memory_space<vmem>>) semaphore(%arg14 : memref<!tpu.dma_semaphore, #tpu.memory_space<semaphore_mem>>)
      %dma_start3A_347 = arith.constant 768 : i32
      %dma_start3A_348 = tpu.memref_slice %arg12[%dma_start3A_347] : memref<1024xf32, #tpu.memory_space<vmem>> -> memref<128xf32, #tpu.memory_space<vmem>>
      %dma_start3A_349 = arith.constant 768 : i32
      %dma_start3A_350 = tpu.memref_slice %arg9[%dma_start3A_349] : memref<2048xi32, #tpu.memory_space<vmem>> -> memref<128xi32, #tpu.memory_space<vmem>>
      %dma_start3A_351 = arith.constant 0 : i32
      %dma_start3A_352 = tpu.memref_slice %arg4[%dma_start3A_351] : memref<100000xf32, #tpu.memory_space<hbm>> -> memref<100000xf32, #tpu.memory_space<hbm>>
      tpu.enqueue_indirect_dma source(%dma_start3A_352 : memref<100000xf32, #tpu.memory_space<hbm>>) target(%dma_start3A_348 : memref<128xf32, #tpu.memory_space<vmem>>) offsets(%dma_start3A_350 : memref<128xi32, #tpu.memory_space<vmem>>) semaphore(%arg14 : memref<!tpu.dma_semaphore, #tpu.memory_space<semaphore_mem>>)
      %dma_start3A_353 = arith.constant 896 : i32
      %dma_start3A_354 = tpu.memref_slice %arg12[%dma_start3A_353] : memref<1024xf32, #tpu.memory_space<vmem>> -> memref<128xf32, #tpu.memory_space<vmem>>
      %dma_start3A_355 = arith.constant 896 : i32
      %dma_start3A_356 = tpu.memref_slice %arg9[%dma_start3A_355] : memref<2048xi32, #tpu.memory_space<vmem>> -> memref<128xi32, #tpu.memory_space<vmem>>
      %dma_start3A_357 = arith.constant 0 : i32
      %dma_start3A_358 = tpu.memref_slice %arg4[%dma_start3A_357] : memref<100000xf32, #tpu.memory_space<hbm>> -> memref<100000xf32, #tpu.memory_space<hbm>>
      tpu.enqueue_indirect_dma source(%dma_start3A_358 : memref<100000xf32, #tpu.memory_space<hbm>>) target(%dma_start3A_354 : memref<128xf32, #tpu.memory_space<vmem>>) offsets(%dma_start3A_356 : memref<128xi32, #tpu.memory_space<vmem>>) semaphore(%arg14 : memref<!tpu.dma_semaphore, #tpu.memory_space<semaphore_mem>>)
      %parallel_loop3A_359 = arith.constant 0 : i32
      %parallel_loop3A_360 = arith.constant 128 : i32
      %parallel_loop3A_361 = arith.constant 1 : i32
      scf.for %parallel_loop3A_416 = %parallel_loop3A_359 to %parallel_loop3A_360 step %parallel_loop3A_361  : i32 {
        %parallel_loop3A_417 = arith.constant 16 : i32
        %parallel_loop3A_418 = arith.muli %parallel_loop3A_416, %parallel_loop3A_417 : i32
        %parallel_loop3A_419 = arith.index_cast %parallel_loop3A_418 : i32 to index
        %parallel_loop3A_420 = tpu.vector_load %arg9[%parallel_loop3A_419] {strides = array<i32>} : memref<2048xi32, #tpu.memory_space<vmem>>, vector<16xi32>,
        %parallel_loop3A_421 = vector.broadcast %parallel_loop3A_416 : i32 to vector<16xi32>
        %parallel_loop3A_422 = arith.constant 64 : i32
        %parallel_loop3A_423 = vector.broadcast %parallel_loop3A_422 : i32 to vector<16xi32>
        %parallel_loop3A_424 = arith.cmpi slt, %parallel_loop3A_421, %parallel_loop3A_423 : vector<16xi32>
        %parallel_loop3A_425 = arith.constant 1 : i32
        %parallel_loop3A_426 = arith.constant 65536 : i32
        %parallel_loop3A_427 = vector.broadcast %parallel_loop3A_425 : i32 to vector<16xi32>
        %parallel_loop3A_428 = vector.broadcast %parallel_loop3A_426 : i32 to vector<16xi32>
        %parallel_loop3A_429 = arith.select %parallel_loop3A_424, %parallel_loop3A_427, %parallel_loop3A_428 : vector<16xi1>, vector<16xi32>
        tpu.vector_store_idx %arg7[%parallel_loop3A_420], %parallel_loop3A_429 {add = true} : memref<100352xi32, #tpu.memory_space<vmem>>[vector<16xi32>], vector<16xi32>,
      } {sc.loop_unroll_factor = 16 : i64, sc.parallel_access}
      %parallel_loop3A_362 = arith.constant 0 : i32
      %parallel_loop3A_363 = arith.constant 64 : i32
      %parallel_loop3A_364 = arith.constant 1 : i32
      scf.for %parallel_loop3A_416 = %parallel_loop3A_362 to %parallel_loop3A_363 step %parallel_loop3A_364  : i32 {
        %parallel_loop3A_417 = arith.constant 16 : i32
        %parallel_loop3A_418 = arith.muli %parallel_loop3A_416, %parallel_loop3A_417 : i32
        %parallel_loop3A_419 = arith.index_cast %parallel_loop3A_418 : i32 to index
        %parallel_loop3A_420 = tpu.vector_load %arg9[%parallel_loop3A_419] {strides = array<i32>} : memref<2048xi32, #tpu.memory_space<vmem>>, vector<16xi32>,
        %parallel_loop3A_421 = arith.index_cast %parallel_loop3A_418 : i32 to index
        %parallel_loop3A_422 = tpu.vector_load %arg10[%parallel_loop3A_421] {strides = array<i32>} : memref<1024xi32, #tpu.memory_space<vmem>>, vector<16xi32>,
        %parallel_loop3A_423 = tpu.vector_load_idx %arg7[%parallel_loop3A_420] : memref<100352xi32, #tpu.memory_space<vmem>>[vector<16xi32>], vector<16xi32>,
        %parallel_loop3A_424 = arith.addi %parallel_loop3A_422, %parallel_loop3A_423 : vector<16xi32>
        %parallel_loop3A_425 = arith.index_cast %parallel_loop3A_418 : i32 to index
        %parallel_loop3A_426 = tpu.vector_load %arg10[%parallel_loop3A_425] {strides = array<i32>} : memref<1024xi32, #tpu.memory_space<vmem>>, vector<16xi32>,
        tpu.vector_store %arg10[%parallel_loop3A_425], %parallel_loop3A_424 {strides = array<i32>} : memref<1024xi32, #tpu.memory_space<vmem>>, vector<16xi32>,
      } {sc.loop_unroll_factor = 16 : i64, sc.parallel_access}
      %parallel_loop3A_365 = arith.constant 0 : i32
      %parallel_loop3A_366 = arith.constant 128 : i32
      %parallel_loop3A_367 = arith.constant 1 : i32
      scf.for %parallel_loop3A_416 = %parallel_loop3A_365 to %parallel_loop3A_366 step %parallel_loop3A_367  : i32 {
        %parallel_loop3A_417 = arith.constant 16 : i32
        %parallel_loop3A_418 = arith.muli %parallel_loop3A_416, %parallel_loop3A_417 : i32
        %parallel_loop3A_419 = arith.index_cast %parallel_loop3A_418 : i32 to index
        %parallel_loop3A_420 = tpu.vector_load %arg9[%parallel_loop3A_419] {strides = array<i32>} : memref<2048xi32, #tpu.memory_space<vmem>>, vector<16xi32>,
        %parallel_loop3A_421 = vector.broadcast %parallel_loop3A_416 : i32 to vector<16xi32>
        %parallel_loop3A_422 = arith.constant 64 : i32
        %parallel_loop3A_423 = vector.broadcast %parallel_loop3A_422 : i32 to vector<16xi32>
        %parallel_loop3A_424 = arith.cmpi slt, %parallel_loop3A_421, %parallel_loop3A_423 : vector<16xi32>
        %parallel_loop3A_425 = arith.constant -1 : i32
        %parallel_loop3A_426 = arith.constant -65536 : i32
        %parallel_loop3A_427 = vector.broadcast %parallel_loop3A_425 : i32 to vector<16xi32>
        %parallel_loop3A_428 = vector.broadcast %parallel_loop3A_426 : i32 to vector<16xi32>
        %parallel_loop3A_429 = arith.select %parallel_loop3A_424, %parallel_loop3A_427, %parallel_loop3A_428 : vector<16xi1>, vector<16xi32>
        tpu.vector_store_idx %arg7[%parallel_loop3A_420], %parallel_loop3A_429 {add = true} : memref<100352xi32, #tpu.memory_space<vmem>>[vector<16xi32>], vector<16xi32>,
      } {sc.loop_unroll_factor = 16 : i64, sc.parallel_access}
      %dma_wait3A_368 = arith.constant 0 : i32
      %dma_wait3A_369 = tpu.memref_slice %arg12[%dma_wait3A_368] : memref<1024xf32, #tpu.memory_space<vmem>> -> memref<128xf32, #tpu.memory_space<vmem>>
      %dma_wait3A_370 = arith.constant 0 : i32
      %dma_wait3A_371 = tpu.memref_slice %arg9[%dma_wait3A_370] : memref<2048xi32, #tpu.memory_space<vmem>> -> memref<128xi32, #tpu.memory_space<vmem>>
      %dma_wait3A_372 = arith.constant 0 : i32
      %dma_wait3A_373 = tpu.memref_slice %arg4[%dma_wait3A_372] : memref<100000xf32, #tpu.memory_space<hbm>> -> memref<100000xf32, #tpu.memory_space<hbm>>
      tpu.wait_indirect_dma semaphore(%arg14 : memref<!tpu.dma_semaphore, #tpu.memory_space<semaphore_mem>>) src(%dma_wait3A_373 : memref<100000xf32, #tpu.memory_space<hbm>>) dst(%dma_wait3A_369 : memref<128xf32, #tpu.memory_space<vmem>>)
      %dma_wait3A_374 = arith.constant 128 : i32
      %dma_wait3A_375 = tpu.memref_slice %arg12[%dma_wait3A_374] : memref<1024xf32, #tpu.memory_space<vmem>> -> memref<128xf32, #tpu.memory_space<vmem>>
      %dma_wait3A_376 = arith.constant 128 : i32
      %dma_wait3A_377 = tpu.memref_slice %arg9[%dma_wait3A_376] : memref<2048xi32, #tpu.memory_space<vmem>> -> memref<128xi32, #tpu.memory_space<vmem>>
      %dma_wait3A_378 = arith.constant 0 : i32
      %dma_wait3A_379 = tpu.memref_slice %arg4[%dma_wait3A_378] : memref<100000xf32, #tpu.memory_space<hbm>> -> memref<100000xf32, #tpu.memory_space<hbm>>
      tpu.wait_indirect_dma semaphore(%arg14 : memref<!tpu.dma_semaphore, #tpu.memory_space<semaphore_mem>>) src(%dma_wait3A_379 : memref<100000xf32, #tpu.memory_space<hbm>>) dst(%dma_wait3A_375 : memref<128xf32, #tpu.memory_space<vmem>>)
      %dma_wait3A_380 = arith.constant 256 : i32
      %dma_wait3A_381 = tpu.memref_slice %arg12[%dma_wait3A_380] : memref<1024xf32, #tpu.memory_space<vmem>> -> memref<128xf32, #tpu.memory_space<vmem>>
      %dma_wait3A_382 = arith.constant 256 : i32
      %dma_wait3A_383 = tpu.memref_slice %arg9[%dma_wait3A_382] : memref<2048xi32, #tpu.memory_space<vmem>> -> memref<128xi32, #tpu.memory_space<vmem>>
      %dma_wait3A_384 = arith.constant 0 : i32
      %dma_wait3A_385 = tpu.memref_slice %arg4[%dma_wait3A_384] : memref<100000xf32, #tpu.memory_space<hbm>> -> memref<100000xf32, #tpu.memory_space<hbm>>
      tpu.wait_indirect_dma semaphore(%arg14 : memref<!tpu.dma_semaphore, #tpu.memory_space<semaphore_mem>>) src(%dma_wait3A_385 : memref<100000xf32, #tpu.memory_space<hbm>>) dst(%dma_wait3A_381 : memref<128xf32, #tpu.memory_space<vmem>>)
      %dma_wait3A_386 = arith.constant 384 : i32
      %dma_wait3A_387 = tpu.memref_slice %arg12[%dma_wait3A_386] : memref<1024xf32, #tpu.memory_space<vmem>> -> memref<128xf32, #tpu.memory_space<vmem>>
      %dma_wait3A_388 = arith.constant 384 : i32
      %dma_wait3A_389 = tpu.memref_slice %arg9[%dma_wait3A_388] : memref<2048xi32, #tpu.memory_space<vmem>> -> memref<128xi32, #tpu.memory_space<vmem>>
      %dma_wait3A_390 = arith.constant 0 : i32
      %dma_wait3A_391 = tpu.memref_slice %arg4[%dma_wait3A_390] : memref<100000xf32, #tpu.memory_space<hbm>> -> memref<100000xf32, #tpu.memory_space<hbm>>
      tpu.wait_indirect_dma semaphore(%arg14 : memref<!tpu.dma_semaphore, #tpu.memory_space<semaphore_mem>>) src(%dma_wait3A_391 : memref<100000xf32, #tpu.memory_space<hbm>>) dst(%dma_wait3A_387 : memref<128xf32, #tpu.memory_space<vmem>>)
      %dma_wait3A_392 = arith.constant 512 : i32
      %dma_wait3A_393 = tpu.memref_slice %arg12[%dma_wait3A_392] : memref<1024xf32, #tpu.memory_space<vmem>> -> memref<128xf32, #tpu.memory_space<vmem>>
      %dma_wait3A_394 = arith.constant 512 : i32
      %dma_wait3A_395 = tpu.memref_slice %arg9[%dma_wait3A_394] : memref<2048xi32, #tpu.memory_space<vmem>> -> memref<128xi32, #tpu.memory_space<vmem>>
      %dma_wait3A_396 = arith.constant 0 : i32
      %dma_wait3A_397 = tpu.memref_slice %arg4[%dma_wait3A_396] : memref<100000xf32, #tpu.memory_space<hbm>> -> memref<100000xf32, #tpu.memory_space<hbm>>
      tpu.wait_indirect_dma semaphore(%arg14 : memref<!tpu.dma_semaphore, #tpu.memory_space<semaphore_mem>>) src(%dma_wait3A_397 : memref<100000xf32, #tpu.memory_space<hbm>>) dst(%dma_wait3A_393 : memref<128xf32, #tpu.memory_space<vmem>>)
      %dma_wait3A_398 = arith.constant 640 : i32
      %dma_wait3A_399 = tpu.memref_slice %arg12[%dma_wait3A_398] : memref<1024xf32, #tpu.memory_space<vmem>> -> memref<128xf32, #tpu.memory_space<vmem>>
      %dma_wait3A_400 = arith.constant 640 : i32
      %dma_wait3A_401 = tpu.memref_slice %arg9[%dma_wait3A_400] : memref<2048xi32, #tpu.memory_space<vmem>> -> memref<128xi32, #tpu.memory_space<vmem>>
      %dma_wait3A_402 = arith.constant 0 : i32
      %dma_wait3A_403 = tpu.memref_slice %arg4[%dma_wait3A_402] : memref<100000xf32, #tpu.memory_space<hbm>> -> memref<100000xf32, #tpu.memory_space<hbm>>
      tpu.wait_indirect_dma semaphore(%arg14 : memref<!tpu.dma_semaphore, #tpu.memory_space<semaphore_mem>>) src(%dma_wait3A_403 : memref<100000xf32, #tpu.memory_space<hbm>>) dst(%dma_wait3A_399 : memref<128xf32, #tpu.memory_space<vmem>>)
      %dma_wait3A_404 = arith.constant 768 : i32
      %dma_wait3A_405 = tpu.memref_slice %arg12[%dma_wait3A_404] : memref<1024xf32, #tpu.memory_space<vmem>> -> memref<128xf32, #tpu.memory_space<vmem>>
      %dma_wait3A_406 = arith.constant 768 : i32
      %dma_wait3A_407 = tpu.memref_slice %arg9[%dma_wait3A_406] : memref<2048xi32, #tpu.memory_space<vmem>> -> memref<128xi32, #tpu.memory_space<vmem>>
      %dma_wait3A_408 = arith.constant 0 : i32
      %dma_wait3A_409 = tpu.memref_slice %arg4[%dma_wait3A_408] : memref<100000xf32, #tpu.memory_space<hbm>> -> memref<100000xf32, #tpu.memory_space<hbm>>
      tpu.wait_indirect_dma semaphore(%arg14 : memref<!tpu.dma_semaphore, #tpu.memory_space<semaphore_mem>>) src(%dma_wait3A_409 : memref<100000xf32, #tpu.memory_space<hbm>>) dst(%dma_wait3A_405 : memref<128xf32, #tpu.memory_space<vmem>>)
      %dma_wait3A_410 = arith.constant 896 : i32
      %dma_wait3A_411 = tpu.memref_slice %arg12[%dma_wait3A_410] : memref<1024xf32, #tpu.memory_space<vmem>> -> memref<128xf32, #tpu.memory_space<vmem>>
      %dma_wait3A_412 = arith.constant 896 : i32
      %dma_wait3A_413 = tpu.memref_slice %arg9[%dma_wait3A_412] : memref<2048xi32, #tpu.memory_space<vmem>> -> memref<128xi32, #tpu.memory_space<vmem>>
      %dma_wait3A_414 = arith.constant 0 : i32
      %dma_wait3A_415 = tpu.memref_slice %arg4[%dma_wait3A_414] : memref<100000xf32, #tpu.memory_space<hbm>> -> memref<100000xf32, #tpu.memory_space<hbm>>
      tpu.wait_indirect_dma semaphore(%arg14 : memref<!tpu.dma_semaphore, #tpu.memory_space<semaphore_mem>>) src(%dma_wait3A_415 : memref<100000xf32, #tpu.memory_space<hbm>>) dst(%dma_wait3A_411 : memref<128xf32, #tpu.memory_space<vmem>>)
    } else {
    }
    %dma_start3A_165 = arith.constant 0 : i32
    %dma_start3A_166 = tpu.memref_slice %arg6[%add3A_131, %dma_start3A_165] : memref<224x1024xf32, #tpu.memory_space<hbm>> -> memref<1x1024xf32, #tpu.memory_space<hbm>>
    %dma_start3A_167 = tpu.memref_squeeze %dma_start3A_166 : memref<1x1024xf32, #tpu.memory_space<hbm>> -> memref<1024xf32, #tpu.memory_space<hbm>>
    %dma_start3A_168 = arith.constant 0 : i32
    %dma_start3A_169 = tpu.memref_slice %arg6[%add3A_131, %dma_start3A_168] : memref<224x1024xf32, #tpu.memory_space<hbm>> -> memref<1x1024xf32, #tpu.memory_space<hbm>>
    %dma_start3A_170 = tpu.memref_squeeze %dma_start3A_169 : memref<1x1024xf32, #tpu.memory_space<hbm>> -> memref<1024xf32, #tpu.memory_space<hbm>>
    tpu.enqueue_dma source(%arg12 : memref<1024xf32, #tpu.memory_space<vmem>>) target(%dma_start3A_170 : memref<1024xf32, #tpu.memory_space<hbm>>) target_semaphore(%arg15 : memref<!tpu.dma_semaphore, #tpu.memory_space<semaphore_mem>>)
    %mul3A_171 = arith.constant 7 : i32
    %mul3A_172 = arith.muli %add3A, %mul3A_171 : i32
    %add3A_173 = arith.constant 4 : i32
    %add3A_174 = arith.addi %mul3A_172, %add3A_173 : i32
    %mul3A_175 = arith.constant 7 : i32
    %mul3A_176 = arith.muli %add3A, %mul3A_175 : i32
    %add3A_177 = arith.constant 4 : i32
    %add3A_178 = arith.addi %mul3A_176, %add3A_177 : i32
    %lt3A_179 = arith.constant 200 : i32
    %lt3A_180 = arith.cmpi slt, %add3A_178, %lt3A_179 : i32
    %convert_element_type3A_181 = arith.extui %lt3A_180 : i1 to i32
    %cond3A_182 = arith.constant 0 : i32
    %cond3A_183 = arith.cmpi ne, %convert_element_type3A_181, %cond3A_182 : i32
    scf.if %cond3A_183 {
      %dma_wait3A_311 = arith.constant 0 : i32
      %dma_wait3A_312 = tpu.memref_slice %arg8[%dma_wait3A_311] : memref<2048xi32, #tpu.memory_space<vmem>> -> memref<1024xi32, #tpu.memory_space<vmem>>
      %dma_wait3A_313 = arith.constant 0 : i32
      %dma_wait3A_314 = tpu.memref_slice %arg2[%add3A_178, %dma_wait3A_313] : memref<200x1024xi32, #tpu.memory_space<hbm>> -> memref<1x1024xi32, #tpu.memory_space<hbm>>
      %dma_wait3A_315 = tpu.memref_squeeze %dma_wait3A_314 : memref<1x1024xi32, #tpu.memory_space<hbm>> -> memref<1024xi32, #tpu.memory_space<hbm>>
      %dma_wait3A_316 = arith.constant 0 : i32
      %dma_wait3A_317 = tpu.memref_slice %arg8[%dma_wait3A_316] : memref<2048xi32, #tpu.memory_space<vmem>> -> memref<1024xi32, #tpu.memory_space<vmem>>
      %dma_wait3A_318 = arith.constant 0 : i32
      %dma_wait3A_319 = tpu.memref_slice %arg2[%add3A_178, %dma_wait3A_318] : memref<200x1024xi32, #tpu.memory_space<hbm>> -> memref<1x1024xi32, #tpu.memory_space<hbm>>
      %dma_wait3A_320 = tpu.memref_squeeze %dma_wait3A_319 : memref<1x1024xi32, #tpu.memory_space<hbm>> -> memref<1024xi32, #tpu.memory_space<hbm>>
      tpu.wait_dma2 semaphore(%arg13 : memref<!tpu.dma_semaphore, #tpu.memory_space<semaphore_mem>>) src(%dma_wait3A_320 : memref<1024xi32, #tpu.memory_space<hbm>>) dst(%dma_wait3A_317 : memref<1024xi32, #tpu.memory_space<vmem>>)
      %dma_wait3A_321 = arith.constant 1024 : i32
      %dma_wait3A_322 = tpu.memref_slice %arg8[%dma_wait3A_321] : memref<2048xi32, #tpu.memory_space<vmem>> -> memref<1024xi32, #tpu.memory_space<vmem>>
      %dma_wait3A_323 = arith.constant 0 : i32
      %dma_wait3A_324 = tpu.memref_slice %arg3[%add3A_178, %dma_wait3A_323] : memref<200x1024xi32, #tpu.memory_space<hbm>> -> memref<1x1024xi32, #tpu.memory_space<hbm>>
      %dma_wait3A_325 = tpu.memref_squeeze %dma_wait3A_324 : memref<1x1024xi32, #tpu.memory_space<hbm>> -> memref<1024xi32, #tpu.memory_space<hbm>>
      %dma_wait3A_326 = arith.constant 1024 : i32
      %dma_wait3A_327 = tpu.memref_slice %arg8[%dma_wait3A_326] : memref<2048xi32, #tpu.memory_space<vmem>> -> memref<1024xi32, #tpu.memory_space<vmem>>
      %dma_wait3A_328 = arith.constant 0 : i32
      %dma_wait3A_329 = tpu.memref_slice %arg3[%add3A_178, %dma_wait3A_328] : memref<200x1024xi32, #tpu.memory_space<hbm>> -> memref<1x1024xi32, #tpu.memory_space<hbm>>
      %dma_wait3A_330 = tpu.memref_squeeze %dma_wait3A_329 : memref<1x1024xi32, #tpu.memory_space<hbm>> -> memref<1024xi32, #tpu.memory_space<hbm>>
      tpu.wait_dma2 semaphore(%arg13 : memref<!tpu.dma_semaphore, #tpu.memory_space<semaphore_mem>>) src(%dma_wait3A_330 : memref<1024xi32, #tpu.memory_space<hbm>>) dst(%dma_wait3A_327 : memref<1024xi32, #tpu.memory_space<vmem>>)
    } else {
    }
    %mul3A_184 = arith.constant 7 : i32
    %mul3A_185 = arith.muli %add3A, %mul3A_184 : i32
    %add3A_186 = arith.constant 5 : i32
    %add3A_187 = arith.addi %mul3A_185, %add3A_186 : i32
    %lt3A_188 = arith.constant 200 : i32
    %lt3A_189 = arith.cmpi slt, %add3A_187, %lt3A_188 : i32
    %convert_element_type3A_190 = arith.extui %lt3A_189 : i1 to i32
    %cond3A_191 = arith.constant 0 : i32
    %cond3A_192 = arith.cmpi ne, %convert_element_type3A_190, %cond3A_191 : i32
    scf.if %cond3A_192 {
      %dma_start3A_311 = arith.constant 0 : i32
      %dma_start3A_312 = tpu.memref_slice %arg9[%dma_start3A_311] : memref<2048xi32, #tpu.memory_space<vmem>> -> memref<1024xi32, #tpu.memory_space<vmem>>
      %dma_start3A_313 = arith.constant 0 : i32
      %dma_start3A_314 = tpu.memref_slice %arg2[%add3A_187, %dma_start3A_313] : memref<200x1024xi32, #tpu.memory_space<hbm>> -> memref<1x1024xi32, #tpu.memory_space<hbm>>
      %dma_start3A_315 = tpu.memref_squeeze %dma_start3A_314 : memref<1x1024xi32, #tpu.memory_space<hbm>> -> memref<1024xi32, #tpu.memory_space<hbm>>
      %dma_start3A_316 = arith.constant 0 : i32
      %dma_start3A_317 = tpu.memref_slice %arg9[%dma_start3A_316] : memref<2048xi32, #tpu.memory_space<vmem>> -> memref<1024xi32, #tpu.memory_space<vmem>>
      %dma_start3A_318 = arith.constant 0 : i32
      %dma_start3A_319 = tpu.memref_slice %arg2[%add3A_187, %dma_start3A_318] : memref<200x1024xi32, #tpu.memory_space<hbm>> -> memref<1x1024xi32, #tpu.memory_space<hbm>>
      %dma_start3A_320 = tpu.memref_squeeze %dma_start3A_319 : memref<1x1024xi32, #tpu.memory_space<hbm>> -> memref<1024xi32, #tpu.memory_space<hbm>>
      tpu.enqueue_dma source(%dma_start3A_320 : memref<1024xi32, #tpu.memory_space<hbm>>) target(%dma_start3A_317 : memref<1024xi32, #tpu.memory_space<vmem>>) target_semaphore(%arg13 : memref<!tpu.dma_semaphore, #tpu.memory_space<semaphore_mem>>)
      %dma_start3A_321 = arith.constant 1024 : i32
      %dma_start3A_322 = tpu.memref_slice %arg9[%dma_start3A_321] : memref<2048xi32, #tpu.memory_space<vmem>> -> memref<1024xi32, #tpu.memory_space<vmem>>
      %dma_start3A_323 = arith.constant 0 : i32
      %dma_start3A_324 = tpu.memref_slice %arg3[%add3A_187, %dma_start3A_323] : memref<200x1024xi32, #tpu.memory_space<hbm>> -> memref<1x1024xi32, #tpu.memory_space<hbm>>
      %dma_start3A_325 = tpu.memref_squeeze %dma_start3A_324 : memref<1x1024xi32, #tpu.memory_space<hbm>> -> memref<1024xi32, #tpu.memory_space<hbm>>
      %dma_start3A_326 = arith.constant 1024 : i32
      %dma_start3A_327 = tpu.memref_slice %arg9[%dma_start3A_326] : memref<2048xi32, #tpu.memory_space<vmem>> -> memref<1024xi32, #tpu.memory_space<vmem>>
      %dma_start3A_328 = arith.constant 0 : i32
      %dma_start3A_329 = tpu.memref_slice %arg3[%add3A_187, %dma_start3A_328] : memref<200x1024xi32, #tpu.memory_space<hbm>> -> memref<1x1024xi32, #tpu.memory_space<hbm>>
      %dma_start3A_330 = tpu.memref_squeeze %dma_start3A_329 : memref<1x1024xi32, #tpu.memory_space<hbm>> -> memref<1024xi32, #tpu.memory_space<hbm>>
      tpu.enqueue_dma source(%dma_start3A_330 : memref<1024xi32, #tpu.memory_space<hbm>>) target(%dma_start3A_327 : memref<1024xi32, #tpu.memory_space<vmem>>) target_semaphore(%arg13 : memref<!tpu.dma_semaphore, #tpu.memory_space<semaphore_mem>>)
    } else {
    }
    %mul3A_193 = arith.constant 7 : i32
    %mul3A_194 = arith.muli %add3A, %mul3A_193 : i32
    %add3A_195 = arith.constant 2 : i32
    %add3A_196 = arith.addi %mul3A_194, %add3A_195 : i32
    %dma_wait3A_197 = arith.constant 0 : i32
    %dma_wait3A_198 = tpu.memref_slice %arg6[%add3A_196, %dma_wait3A_197] : memref<224x1024xf32, #tpu.memory_space<hbm>> -> memref<1x1024xf32, #tpu.memory_space<hbm>>
    %dma_wait3A_199 = tpu.memref_squeeze %dma_wait3A_198 : memref<1x1024xf32, #tpu.memory_space<hbm>> -> memref<1024xf32, #tpu.memory_space<hbm>>
    %dma_wait3A_200 = arith.constant 0 : i32
    %dma_wait3A_201 = tpu.memref_slice %arg6[%add3A_196, %dma_wait3A_200] : memref<224x1024xf32, #tpu.memory_space<hbm>> -> memref<1x1024xf32, #tpu.memory_space<hbm>>
    %dma_wait3A_202 = tpu.memref_squeeze %dma_wait3A_201 : memref<1x1024xf32, #tpu.memory_space<hbm>> -> memref<1024xf32, #tpu.memory_space<hbm>>
    tpu.wait_dma2 semaphore(%arg15 : memref<!tpu.dma_semaphore, #tpu.memory_space<semaphore_mem>>) src(%arg11 : memref<1024xf32, #tpu.memory_space<vmem>>) dst(%dma_wait3A_202 : memref<1024xf32, #tpu.memory_space<hbm>>)
    %lt3A_203 = arith.constant 200 : i32
    %lt3A_204 = arith.cmpi slt, %add3A_174, %lt3A_203 : i32
    %convert_element_type3A_205 = arith.extui %lt3A_204 : i1 to i32
    %cond3A_206 = arith.constant 0 : i32
    %cond3A_207 = arith.cmpi ne, %convert_element_type3A_205, %cond3A_206 : i32
    scf.if %cond3A_207 {
      %dma_start3A_311 = arith.constant 0 : i32
      %dma_start3A_312 = tpu.memref_slice %arg11[%dma_start3A_311] : memref<1024xf32, #tpu.memory_space<vmem>> -> memref<128xf32, #tpu.memory_space<vmem>>
      %dma_start3A_313 = arith.constant 0 : i32
      %dma_start3A_314 = tpu.memref_slice %arg8[%dma_start3A_313] : memref<2048xi32, #tpu.memory_space<vmem>> -> memref<128xi32, #tpu.memory_space<vmem>>
      %dma_start3A_315 = arith.constant 0 : i32
      %dma_start3A_316 = tpu.memref_slice %arg4[%dma_start3A_315] : memref<100000xf32, #tpu.memory_space<hbm>> -> memref<100000xf32, #tpu.memory_space<hbm>>
      tpu.enqueue_indirect_dma source(%dma_start3A_316 : memref<100000xf32, #tpu.memory_space<hbm>>) target(%dma_start3A_312 : memref<128xf32, #tpu.memory_space<vmem>>) offsets(%dma_start3A_314 : memref<128xi32, #tpu.memory_space<vmem>>) semaphore(%arg14 : memref<!tpu.dma_semaphore, #tpu.memory_space<semaphore_mem>>)
      %dma_start3A_317 = arith.constant 128 : i32
      %dma_start3A_318 = tpu.memref_slice %arg11[%dma_start3A_317] : memref<1024xf32, #tpu.memory_space<vmem>> -> memref<128xf32, #tpu.memory_space<vmem>>
      %dma_start3A_319 = arith.constant 128 : i32
      %dma_start3A_320 = tpu.memref_slice %arg8[%dma_start3A_319] : memref<2048xi32, #tpu.memory_space<vmem>> -> memref<128xi32, #tpu.memory_space<vmem>>
      %dma_start3A_321 = arith.constant 0 : i32
      %dma_start3A_322 = tpu.memref_slice %arg4[%dma_start3A_321] : memref<100000xf32, #tpu.memory_space<hbm>> -> memref<100000xf32, #tpu.memory_space<hbm>>
      tpu.enqueue_indirect_dma source(%dma_start3A_322 : memref<100000xf32, #tpu.memory_space<hbm>>) target(%dma_start3A_318 : memref<128xf32, #tpu.memory_space<vmem>>) offsets(%dma_start3A_320 : memref<128xi32, #tpu.memory_space<vmem>>) semaphore(%arg14 : memref<!tpu.dma_semaphore, #tpu.memory_space<semaphore_mem>>)
      %dma_start3A_323 = arith.constant 256 : i32
      %dma_start3A_324 = tpu.memref_slice %arg11[%dma_start3A_323] : memref<1024xf32, #tpu.memory_space<vmem>> -> memref<128xf32, #tpu.memory_space<vmem>>
      %dma_start3A_325 = arith.constant 256 : i32
      %dma_start3A_326 = tpu.memref_slice %arg8[%dma_start3A_325] : memref<2048xi32, #tpu.memory_space<vmem>> -> memref<128xi32, #tpu.memory_space<vmem>>
      %dma_start3A_327 = arith.constant 0 : i32
      %dma_start3A_328 = tpu.memref_slice %arg4[%dma_start3A_327] : memref<100000xf32, #tpu.memory_space<hbm>> -> memref<100000xf32, #tpu.memory_space<hbm>>
      tpu.enqueue_indirect_dma source(%dma_start3A_328 : memref<100000xf32, #tpu.memory_space<hbm>>) target(%dma_start3A_324 : memref<128xf32, #tpu.memory_space<vmem>>) offsets(%dma_start3A_326 : memref<128xi32, #tpu.memory_space<vmem>>) semaphore(%arg14 : memref<!tpu.dma_semaphore, #tpu.memory_space<semaphore_mem>>)
      %dma_start3A_329 = arith.constant 384 : i32
      %dma_start3A_330 = tpu.memref_slice %arg11[%dma_start3A_329] : memref<1024xf32, #tpu.memory_space<vmem>> -> memref<128xf32, #tpu.memory_space<vmem>>
      %dma_start3A_331 = arith.constant 384 : i32
      %dma_start3A_332 = tpu.memref_slice %arg8[%dma_start3A_331] : memref<2048xi32, #tpu.memory_space<vmem>> -> memref<128xi32, #tpu.memory_space<vmem>>
      %dma_start3A_333 = arith.constant 0 : i32
      %dma_start3A_334 = tpu.memref_slice %arg4[%dma_start3A_333] : memref<100000xf32, #tpu.memory_space<hbm>> -> memref<100000xf32, #tpu.memory_space<hbm>>
      tpu.enqueue_indirect_dma source(%dma_start3A_334 : memref<100000xf32, #tpu.memory_space<hbm>>) target(%dma_start3A_330 : memref<128xf32, #tpu.memory_space<vmem>>) offsets(%dma_start3A_332 : memref<128xi32, #tpu.memory_space<vmem>>) semaphore(%arg14 : memref<!tpu.dma_semaphore, #tpu.memory_space<semaphore_mem>>)
      %dma_start3A_335 = arith.constant 512 : i32
      %dma_start3A_336 = tpu.memref_slice %arg11[%dma_start3A_335] : memref<1024xf32, #tpu.memory_space<vmem>> -> memref<128xf32, #tpu.memory_space<vmem>>
      %dma_start3A_337 = arith.constant 512 : i32
      %dma_start3A_338 = tpu.memref_slice %arg8[%dma_start3A_337] : memref<2048xi32, #tpu.memory_space<vmem>> -> memref<128xi32, #tpu.memory_space<vmem>>
      %dma_start3A_339 = arith.constant 0 : i32
      %dma_start3A_340 = tpu.memref_slice %arg4[%dma_start3A_339] : memref<100000xf32, #tpu.memory_space<hbm>> -> memref<100000xf32, #tpu.memory_space<hbm>>
      tpu.enqueue_indirect_dma source(%dma_start3A_340 : memref<100000xf32, #tpu.memory_space<hbm>>) target(%dma_start3A_336 : memref<128xf32, #tpu.memory_space<vmem>>) offsets(%dma_start3A_338 : memref<128xi32, #tpu.memory_space<vmem>>) semaphore(%arg14 : memref<!tpu.dma_semaphore, #tpu.memory_space<semaphore_mem>>)
      %dma_start3A_341 = arith.constant 640 : i32
      %dma_start3A_342 = tpu.memref_slice %arg11[%dma_start3A_341] : memref<1024xf32, #tpu.memory_space<vmem>> -> memref<128xf32, #tpu.memory_space<vmem>>
      %dma_start3A_343 = arith.constant 640 : i32
      %dma_start3A_344 = tpu.memref_slice %arg8[%dma_start3A_343] : memref<2048xi32, #tpu.memory_space<vmem>> -> memref<128xi32, #tpu.memory_space<vmem>>
      %dma_start3A_345 = arith.constant 0 : i32
      %dma_start3A_346 = tpu.memref_slice %arg4[%dma_start3A_345] : memref<100000xf32, #tpu.memory_space<hbm>> -> memref<100000xf32, #tpu.memory_space<hbm>>
      tpu.enqueue_indirect_dma source(%dma_start3A_346 : memref<100000xf32, #tpu.memory_space<hbm>>) target(%dma_start3A_342 : memref<128xf32, #tpu.memory_space<vmem>>) offsets(%dma_start3A_344 : memref<128xi32, #tpu.memory_space<vmem>>) semaphore(%arg14 : memref<!tpu.dma_semaphore, #tpu.memory_space<semaphore_mem>>)
      %dma_start3A_347 = arith.constant 768 : i32
      %dma_start3A_348 = tpu.memref_slice %arg11[%dma_start3A_347] : memref<1024xf32, #tpu.memory_space<vmem>> -> memref<128xf32, #tpu.memory_space<vmem>>
      %dma_start3A_349 = arith.constant 768 : i32
      %dma_start3A_350 = tpu.memref_slice %arg8[%dma_start3A_349] : memref<2048xi32, #tpu.memory_space<vmem>> -> memref<128xi32, #tpu.memory_space<vmem>>
      %dma_start3A_351 = arith.constant 0 : i32
      %dma_start3A_352 = tpu.memref_slice %arg4[%dma_start3A_351] : memref<100000xf32, #tpu.memory_space<hbm>> -> memref<100000xf32, #tpu.memory_space<hbm>>
      tpu.enqueue_indirect_dma source(%dma_start3A_352 : memref<100000xf32, #tpu.memory_space<hbm>>) target(%dma_start3A_348 : memref<128xf32, #tpu.memory_space<vmem>>) offsets(%dma_start3A_350 : memref<128xi32, #tpu.memory_space<vmem>>) semaphore(%arg14 : memref<!tpu.dma_semaphore, #tpu.memory_space<semaphore_mem>>)
      %dma_start3A_353 = arith.constant 896 : i32
      %dma_start3A_354 = tpu.memref_slice %arg11[%dma_start3A_353] : memref<1024xf32, #tpu.memory_space<vmem>> -> memref<128xf32, #tpu.memory_space<vmem>>
      %dma_start3A_355 = arith.constant 896 : i32
      %dma_start3A_356 = tpu.memref_slice %arg8[%dma_start3A_355] : memref<2048xi32, #tpu.memory_space<vmem>> -> memref<128xi32, #tpu.memory_space<vmem>>
      %dma_start3A_357 = arith.constant 0 : i32
      %dma_start3A_358 = tpu.memref_slice %arg4[%dma_start3A_357] : memref<100000xf32, #tpu.memory_space<hbm>> -> memref<100000xf32, #tpu.memory_space<hbm>>
      tpu.enqueue_indirect_dma source(%dma_start3A_358 : memref<100000xf32, #tpu.memory_space<hbm>>) target(%dma_start3A_354 : memref<128xf32, #tpu.memory_space<vmem>>) offsets(%dma_start3A_356 : memref<128xi32, #tpu.memory_space<vmem>>) semaphore(%arg14 : memref<!tpu.dma_semaphore, #tpu.memory_space<semaphore_mem>>)
      %parallel_loop3A_359 = arith.constant 0 : i32
      %parallel_loop3A_360 = arith.constant 128 : i32
      %parallel_loop3A_361 = arith.constant 1 : i32
      scf.for %parallel_loop3A_416 = %parallel_loop3A_359 to %parallel_loop3A_360 step %parallel_loop3A_361  : i32 {
        %parallel_loop3A_417 = arith.constant 16 : i32
        %parallel_loop3A_418 = arith.muli %parallel_loop3A_416, %parallel_loop3A_417 : i32
        %parallel_loop3A_419 = arith.index_cast %parallel_loop3A_418 : i32 to index
        %parallel_loop3A_420 = tpu.vector_load %arg8[%parallel_loop3A_419] {strides = array<i32>} : memref<2048xi32, #tpu.memory_space<vmem>>, vector<16xi32>,
        %parallel_loop3A_421 = vector.broadcast %parallel_loop3A_416 : i32 to vector<16xi32>
        %parallel_loop3A_422 = arith.constant 64 : i32
        %parallel_loop3A_423 = vector.broadcast %parallel_loop3A_422 : i32 to vector<16xi32>
        %parallel_loop3A_424 = arith.cmpi slt, %parallel_loop3A_421, %parallel_loop3A_423 : vector<16xi32>
        %parallel_loop3A_425 = arith.constant 1 : i32
        %parallel_loop3A_426 = arith.constant 65536 : i32
        %parallel_loop3A_427 = vector.broadcast %parallel_loop3A_425 : i32 to vector<16xi32>
        %parallel_loop3A_428 = vector.broadcast %parallel_loop3A_426 : i32 to vector<16xi32>
        %parallel_loop3A_429 = arith.select %parallel_loop3A_424, %parallel_loop3A_427, %parallel_loop3A_428 : vector<16xi1>, vector<16xi32>
        tpu.vector_store_idx %arg7[%parallel_loop3A_420], %parallel_loop3A_429 {add = true} : memref<100352xi32, #tpu.memory_space<vmem>>[vector<16xi32>], vector<16xi32>,
      } {sc.loop_unroll_factor = 16 : i64, sc.parallel_access}
      %parallel_loop3A_362 = arith.constant 0 : i32
      %parallel_loop3A_363 = arith.constant 64 : i32
      %parallel_loop3A_364 = arith.constant 1 : i32
      scf.for %parallel_loop3A_416 = %parallel_loop3A_362 to %parallel_loop3A_363 step %parallel_loop3A_364  : i32 {
        %parallel_loop3A_417 = arith.constant 16 : i32
        %parallel_loop3A_418 = arith.muli %parallel_loop3A_416, %parallel_loop3A_417 : i32
        %parallel_loop3A_419 = arith.index_cast %parallel_loop3A_418 : i32 to index
        %parallel_loop3A_420 = tpu.vector_load %arg8[%parallel_loop3A_419] {strides = array<i32>} : memref<2048xi32, #tpu.memory_space<vmem>>, vector<16xi32>,
        %parallel_loop3A_421 = arith.index_cast %parallel_loop3A_418 : i32 to index
        %parallel_loop3A_422 = tpu.vector_load %arg10[%parallel_loop3A_421] {strides = array<i32>} : memref<1024xi32, #tpu.memory_space<vmem>>, vector<16xi32>,
        %parallel_loop3A_423 = tpu.vector_load_idx %arg7[%parallel_loop3A_420] : memref<100352xi32, #tpu.memory_space<vmem>>[vector<16xi32>], vector<16xi32>,
        %parallel_loop3A_424 = arith.addi %parallel_loop3A_422, %parallel_loop3A_423 : vector<16xi32>
        %parallel_loop3A_425 = arith.index_cast %parallel_loop3A_418 : i32 to index
        %parallel_loop3A_426 = tpu.vector_load %arg10[%parallel_loop3A_425] {strides = array<i32>} : memref<1024xi32, #tpu.memory_space<vmem>>, vector<16xi32>,
        tpu.vector_store %arg10[%parallel_loop3A_425], %parallel_loop3A_424 {strides = array<i32>} : memref<1024xi32, #tpu.memory_space<vmem>>, vector<16xi32>,
      } {sc.loop_unroll_factor = 16 : i64, sc.parallel_access}
      %parallel_loop3A_365 = arith.constant 0 : i32
      %parallel_loop3A_366 = arith.constant 128 : i32
      %parallel_loop3A_367 = arith.constant 1 : i32
      scf.for %parallel_loop3A_416 = %parallel_loop3A_365 to %parallel_loop3A_366 step %parallel_loop3A_367  : i32 {
        %parallel_loop3A_417 = arith.constant 16 : i32
        %parallel_loop3A_418 = arith.muli %parallel_loop3A_416, %parallel_loop3A_417 : i32
        %parallel_loop3A_419 = arith.index_cast %parallel_loop3A_418 : i32 to index
        %parallel_loop3A_420 = tpu.vector_load %arg8[%parallel_loop3A_419] {strides = array<i32>} : memref<2048xi32, #tpu.memory_space<vmem>>, vector<16xi32>,
        %parallel_loop3A_421 = vector.broadcast %parallel_loop3A_416 : i32 to vector<16xi32>
        %parallel_loop3A_422 = arith.constant 64 : i32
        %parallel_loop3A_423 = vector.broadcast %parallel_loop3A_422 : i32 to vector<16xi32>
        %parallel_loop3A_424 = arith.cmpi slt, %parallel_loop3A_421, %parallel_loop3A_423 : vector<16xi32>
        %parallel_loop3A_425 = arith.constant -1 : i32
        %parallel_loop3A_426 = arith.constant -65536 : i32
        %parallel_loop3A_427 = vector.broadcast %parallel_loop3A_425 : i32 to vector<16xi32>
        %parallel_loop3A_428 = vector.broadcast %parallel_loop3A_426 : i32 to vector<16xi32>
        %parallel_loop3A_429 = arith.select %parallel_loop3A_424, %parallel_loop3A_427, %parallel_loop3A_428 : vector<16xi1>, vector<16xi32>
        tpu.vector_store_idx %arg7[%parallel_loop3A_420], %parallel_loop3A_429 {add = true} : memref<100352xi32, #tpu.memory_space<vmem>>[vector<16xi32>], vector<16xi32>,
      } {sc.loop_unroll_factor = 16 : i64, sc.parallel_access}
      %dma_wait3A_368 = arith.constant 0 : i32
      %dma_wait3A_369 = tpu.memref_slice %arg11[%dma_wait3A_368] : memref<1024xf32, #tpu.memory_space<vmem>> -> memref<128xf32, #tpu.memory_space<vmem>>
      %dma_wait3A_370 = arith.constant 0 : i32
      %dma_wait3A_371 = tpu.memref_slice %arg8[%dma_wait3A_370] : memref<2048xi32, #tpu.memory_space<vmem>> -> memref<128xi32, #tpu.memory_space<vmem>>
      %dma_wait3A_372 = arith.constant 0 : i32
      %dma_wait3A_373 = tpu.memref_slice %arg4[%dma_wait3A_372] : memref<100000xf32, #tpu.memory_space<hbm>> -> memref<100000xf32, #tpu.memory_space<hbm>>
      tpu.wait_indirect_dma semaphore(%arg14 : memref<!tpu.dma_semaphore, #tpu.memory_space<semaphore_mem>>) src(%dma_wait3A_373 : memref<100000xf32, #tpu.memory_space<hbm>>) dst(%dma_wait3A_369 : memref<128xf32, #tpu.memory_space<vmem>>)
      %dma_wait3A_374 = arith.constant 128 : i32
      %dma_wait3A_375 = tpu.memref_slice %arg11[%dma_wait3A_374] : memref<1024xf32, #tpu.memory_space<vmem>> -> memref<128xf32, #tpu.memory_space<vmem>>
      %dma_wait3A_376 = arith.constant 128 : i32
      %dma_wait3A_377 = tpu.memref_slice %arg8[%dma_wait3A_376] : memref<2048xi32, #tpu.memory_space<vmem>> -> memref<128xi32, #tpu.memory_space<vmem>>
      %dma_wait3A_378 = arith.constant 0 : i32
      %dma_wait3A_379 = tpu.memref_slice %arg4[%dma_wait3A_378] : memref<100000xf32, #tpu.memory_space<hbm>> -> memref<100000xf32, #tpu.memory_space<hbm>>
      tpu.wait_indirect_dma semaphore(%arg14 : memref<!tpu.dma_semaphore, #tpu.memory_space<semaphore_mem>>) src(%dma_wait3A_379 : memref<100000xf32, #tpu.memory_space<hbm>>) dst(%dma_wait3A_375 : memref<128xf32, #tpu.memory_space<vmem>>)
      %dma_wait3A_380 = arith.constant 256 : i32
      %dma_wait3A_381 = tpu.memref_slice %arg11[%dma_wait3A_380] : memref<1024xf32, #tpu.memory_space<vmem>> -> memref<128xf32, #tpu.memory_space<vmem>>
      %dma_wait3A_382 = arith.constant 256 : i32
      %dma_wait3A_383 = tpu.memref_slice %arg8[%dma_wait3A_382] : memref<2048xi32, #tpu.memory_space<vmem>> -> memref<128xi32, #tpu.memory_space<vmem>>
      %dma_wait3A_384 = arith.constant 0 : i32
      %dma_wait3A_385 = tpu.memref_slice %arg4[%dma_wait3A_384] : memref<100000xf32, #tpu.memory_space<hbm>> -> memref<100000xf32, #tpu.memory_space<hbm>>
      tpu.wait_indirect_dma semaphore(%arg14 : memref<!tpu.dma_semaphore, #tpu.memory_space<semaphore_mem>>) src(%dma_wait3A_385 : memref<100000xf32, #tpu.memory_space<hbm>>) dst(%dma_wait3A_381 : memref<128xf32, #tpu.memory_space<vmem>>)
      %dma_wait3A_386 = arith.constant 384 : i32
      %dma_wait3A_387 = tpu.memref_slice %arg11[%dma_wait3A_386] : memref<1024xf32, #tpu.memory_space<vmem>> -> memref<128xf32, #tpu.memory_space<vmem>>
      %dma_wait3A_388 = arith.constant 384 : i32
      %dma_wait3A_389 = tpu.memref_slice %arg8[%dma_wait3A_388] : memref<2048xi32, #tpu.memory_space<vmem>> -> memref<128xi32, #tpu.memory_space<vmem>>
      %dma_wait3A_390 = arith.constant 0 : i32
      %dma_wait3A_391 = tpu.memref_slice %arg4[%dma_wait3A_390] : memref<100000xf32, #tpu.memory_space<hbm>> -> memref<100000xf32, #tpu.memory_space<hbm>>
      tpu.wait_indirect_dma semaphore(%arg14 : memref<!tpu.dma_semaphore, #tpu.memory_space<semaphore_mem>>) src(%dma_wait3A_391 : memref<100000xf32, #tpu.memory_space<hbm>>) dst(%dma_wait3A_387 : memref<128xf32, #tpu.memory_space<vmem>>)
      %dma_wait3A_392 = arith.constant 512 : i32
      %dma_wait3A_393 = tpu.memref_slice %arg11[%dma_wait3A_392] : memref<1024xf32, #tpu.memory_space<vmem>> -> memref<128xf32, #tpu.memory_space<vmem>>
      %dma_wait3A_394 = arith.constant 512 : i32
      %dma_wait3A_395 = tpu.memref_slice %arg8[%dma_wait3A_394] : memref<2048xi32, #tpu.memory_space<vmem>> -> memref<128xi32, #tpu.memory_space<vmem>>
      %dma_wait3A_396 = arith.constant 0 : i32
      %dma_wait3A_397 = tpu.memref_slice %arg4[%dma_wait3A_396] : memref<100000xf32, #tpu.memory_space<hbm>> -> memref<100000xf32, #tpu.memory_space<hbm>>
      tpu.wait_indirect_dma semaphore(%arg14 : memref<!tpu.dma_semaphore, #tpu.memory_space<semaphore_mem>>) src(%dma_wait3A_397 : memref<100000xf32, #tpu.memory_space<hbm>>) dst(%dma_wait3A_393 : memref<128xf32, #tpu.memory_space<vmem>>)
      %dma_wait3A_398 = arith.constant 640 : i32
      %dma_wait3A_399 = tpu.memref_slice %arg11[%dma_wait3A_398] : memref<1024xf32, #tpu.memory_space<vmem>> -> memref<128xf32, #tpu.memory_space<vmem>>
      %dma_wait3A_400 = arith.constant 640 : i32
      %dma_wait3A_401 = tpu.memref_slice %arg8[%dma_wait3A_400] : memref<2048xi32, #tpu.memory_space<vmem>> -> memref<128xi32, #tpu.memory_space<vmem>>
      %dma_wait3A_402 = arith.constant 0 : i32
      %dma_wait3A_403 = tpu.memref_slice %arg4[%dma_wait3A_402] : memref<100000xf32, #tpu.memory_space<hbm>> -> memref<100000xf32, #tpu.memory_space<hbm>>
      tpu.wait_indirect_dma semaphore(%arg14 : memref<!tpu.dma_semaphore, #tpu.memory_space<semaphore_mem>>) src(%dma_wait3A_403 : memref<100000xf32, #tpu.memory_space<hbm>>) dst(%dma_wait3A_399 : memref<128xf32, #tpu.memory_space<vmem>>)
      %dma_wait3A_404 = arith.constant 768 : i32
      %dma_wait3A_405 = tpu.memref_slice %arg11[%dma_wait3A_404] : memref<1024xf32, #tpu.memory_space<vmem>> -> memref<128xf32, #tpu.memory_space<vmem>>
      %dma_wait3A_406 = arith.constant 768 : i32
      %dma_wait3A_407 = tpu.memref_slice %arg8[%dma_wait3A_406] : memref<2048xi32, #tpu.memory_space<vmem>> -> memref<128xi32, #tpu.memory_space<vmem>>
      %dma_wait3A_408 = arith.constant 0 : i32
      %dma_wait3A_409 = tpu.memref_slice %arg4[%dma_wait3A_408] : memref<100000xf32, #tpu.memory_space<hbm>> -> memref<100000xf32, #tpu.memory_space<hbm>>
      tpu.wait_indirect_dma semaphore(%arg14 : memref<!tpu.dma_semaphore, #tpu.memory_space<semaphore_mem>>) src(%dma_wait3A_409 : memref<100000xf32, #tpu.memory_space<hbm>>) dst(%dma_wait3A_405 : memref<128xf32, #tpu.memory_space<vmem>>)
      %dma_wait3A_410 = arith.constant 896 : i32
      %dma_wait3A_411 = tpu.memref_slice %arg11[%dma_wait3A_410] : memref<1024xf32, #tpu.memory_space<vmem>> -> memref<128xf32, #tpu.memory_space<vmem>>
      %dma_wait3A_412 = arith.constant 896 : i32
      %dma_wait3A_413 = tpu.memref_slice %arg8[%dma_wait3A_412] : memref<2048xi32, #tpu.memory_space<vmem>> -> memref<128xi32, #tpu.memory_space<vmem>>
      %dma_wait3A_414 = arith.constant 0 : i32
      %dma_wait3A_415 = tpu.memref_slice %arg4[%dma_wait3A_414] : memref<100000xf32, #tpu.memory_space<hbm>> -> memref<100000xf32, #tpu.memory_space<hbm>>
      tpu.wait_indirect_dma semaphore(%arg14 : memref<!tpu.dma_semaphore, #tpu.memory_space<semaphore_mem>>) src(%dma_wait3A_415 : memref<100000xf32, #tpu.memory_space<hbm>>) dst(%dma_wait3A_411 : memref<128xf32, #tpu.memory_space<vmem>>)
    } else {
    }
    %dma_start3A_208 = arith.constant 0 : i32
    %dma_start3A_209 = tpu.memref_slice %arg6[%add3A_174, %dma_start3A_208] : memref<224x1024xf32, #tpu.memory_space<hbm>> -> memref<1x1024xf32, #tpu.memory_space<hbm>>
    %dma_start3A_210 = tpu.memref_squeeze %dma_start3A_209 : memref<1x1024xf32, #tpu.memory_space<hbm>> -> memref<1024xf32, #tpu.memory_space<hbm>>
    %dma_start3A_211 = arith.constant 0 : i32
    %dma_start3A_212 = tpu.memref_slice %arg6[%add3A_174, %dma_start3A_211] : memref<224x1024xf32, #tpu.memory_space<hbm>> -> memref<1x1024xf32, #tpu.memory_space<hbm>>
    %dma_start3A_213 = tpu.memref_squeeze %dma_start3A_212 : memref<1x1024xf32, #tpu.memory_space<hbm>> -> memref<1024xf32, #tpu.memory_space<hbm>>
    tpu.enqueue_dma source(%arg11 : memref<1024xf32, #tpu.memory_space<vmem>>) target(%dma_start3A_213 : memref<1024xf32, #tpu.memory_space<hbm>>) target_semaphore(%arg15 : memref<!tpu.dma_semaphore, #tpu.memory_space<semaphore_mem>>)
    %mul3A_214 = arith.constant 7 : i32
    %mul3A_215 = arith.muli %add3A, %mul3A_214 : i32
    %add3A_216 = arith.constant 5 : i32
    %add3A_217 = arith.addi %mul3A_215, %add3A_216 : i32
    %mul3A_218 = arith.constant 7 : i32
    %mul3A_219 = arith.muli %add3A, %mul3A_218 : i32
    %add3A_220 = arith.constant 5 : i32
    %add3A_221 = arith.addi %mul3A_219, %add3A_220 : i32
    %lt3A_222 = arith.constant 200 : i32
    %lt3A_223 = arith.cmpi slt, %add3A_221, %lt3A_222 : i32
    %convert_element_type3A_224 = arith.extui %lt3A_223 : i1 to i32
    %cond3A_225 = arith.constant 0 : i32
    %cond3A_226 = arith.cmpi ne, %convert_element_type3A_224, %cond3A_225 : i32
    scf.if %cond3A_226 {
      %dma_wait3A_311 = arith.constant 0 : i32
      %dma_wait3A_312 = tpu.memref_slice %arg9[%dma_wait3A_311] : memref<2048xi32, #tpu.memory_space<vmem>> -> memref<1024xi32, #tpu.memory_space<vmem>>
      %dma_wait3A_313 = arith.constant 0 : i32
      %dma_wait3A_314 = tpu.memref_slice %arg2[%add3A_221, %dma_wait3A_313] : memref<200x1024xi32, #tpu.memory_space<hbm>> -> memref<1x1024xi32, #tpu.memory_space<hbm>>
      %dma_wait3A_315 = tpu.memref_squeeze %dma_wait3A_314 : memref<1x1024xi32, #tpu.memory_space<hbm>> -> memref<1024xi32, #tpu.memory_space<hbm>>
      %dma_wait3A_316 = arith.constant 0 : i32
      %dma_wait3A_317 = tpu.memref_slice %arg9[%dma_wait3A_316] : memref<2048xi32, #tpu.memory_space<vmem>> -> memref<1024xi32, #tpu.memory_space<vmem>>
      %dma_wait3A_318 = arith.constant 0 : i32
      %dma_wait3A_319 = tpu.memref_slice %arg2[%add3A_221, %dma_wait3A_318] : memref<200x1024xi32, #tpu.memory_space<hbm>> -> memref<1x1024xi32, #tpu.memory_space<hbm>>
      %dma_wait3A_320 = tpu.memref_squeeze %dma_wait3A_319 : memref<1x1024xi32, #tpu.memory_space<hbm>> -> memref<1024xi32, #tpu.memory_space<hbm>>
      tpu.wait_dma2 semaphore(%arg13 : memref<!tpu.dma_semaphore, #tpu.memory_space<semaphore_mem>>) src(%dma_wait3A_320 : memref<1024xi32, #tpu.memory_space<hbm>>) dst(%dma_wait3A_317 : memref<1024xi32, #tpu.memory_space<vmem>>)
      %dma_wait3A_321 = arith.constant 1024 : i32
      %dma_wait3A_322 = tpu.memref_slice %arg9[%dma_wait3A_321] : memref<2048xi32, #tpu.memory_space<vmem>> -> memref<1024xi32, #tpu.memory_space<vmem>>
      %dma_wait3A_323 = arith.constant 0 : i32
      %dma_wait3A_324 = tpu.memref_slice %arg3[%add3A_221, %dma_wait3A_323] : memref<200x1024xi32, #tpu.memory_space<hbm>> -> memref<1x1024xi32, #tpu.memory_space<hbm>>
      %dma_wait3A_325 = tpu.memref_squeeze %dma_wait3A_324 : memref<1x1024xi32, #tpu.memory_space<hbm>> -> memref<1024xi32, #tpu.memory_space<hbm>>
      %dma_wait3A_326 = arith.constant 1024 : i32
      %dma_wait3A_327 = tpu.memref_slice %arg9[%dma_wait3A_326] : memref<2048xi32, #tpu.memory_space<vmem>> -> memref<1024xi32, #tpu.memory_space<vmem>>
      %dma_wait3A_328 = arith.constant 0 : i32
      %dma_wait3A_329 = tpu.memref_slice %arg3[%add3A_221, %dma_wait3A_328] : memref<200x1024xi32, #tpu.memory_space<hbm>> -> memref<1x1024xi32, #tpu.memory_space<hbm>>
      %dma_wait3A_330 = tpu.memref_squeeze %dma_wait3A_329 : memref<1x1024xi32, #tpu.memory_space<hbm>> -> memref<1024xi32, #tpu.memory_space<hbm>>
      tpu.wait_dma2 semaphore(%arg13 : memref<!tpu.dma_semaphore, #tpu.memory_space<semaphore_mem>>) src(%dma_wait3A_330 : memref<1024xi32, #tpu.memory_space<hbm>>) dst(%dma_wait3A_327 : memref<1024xi32, #tpu.memory_space<vmem>>)
    } else {
    }
    %mul3A_227 = arith.constant 7 : i32
    %mul3A_228 = arith.muli %add3A, %mul3A_227 : i32
    %add3A_229 = arith.constant 6 : i32
    %add3A_230 = arith.addi %mul3A_228, %add3A_229 : i32
    %lt3A_231 = arith.constant 200 : i32
    %lt3A_232 = arith.cmpi slt, %add3A_230, %lt3A_231 : i32
    %convert_element_type3A_233 = arith.extui %lt3A_232 : i1 to i32
    %cond3A_234 = arith.constant 0 : i32
    %cond3A_235 = arith.cmpi ne, %convert_element_type3A_233, %cond3A_234 : i32
    scf.if %cond3A_235 {
      %dma_start3A_311 = arith.constant 0 : i32
      %dma_start3A_312 = tpu.memref_slice %arg8[%dma_start3A_311] : memref<2048xi32, #tpu.memory_space<vmem>> -> memref<1024xi32, #tpu.memory_space<vmem>>
      %dma_start3A_313 = arith.constant 0 : i32
      %dma_start3A_314 = tpu.memref_slice %arg2[%add3A_230, %dma_start3A_313] : memref<200x1024xi32, #tpu.memory_space<hbm>> -> memref<1x1024xi32, #tpu.memory_space<hbm>>
      %dma_start3A_315 = tpu.memref_squeeze %dma_start3A_314 : memref<1x1024xi32, #tpu.memory_space<hbm>> -> memref<1024xi32, #tpu.memory_space<hbm>>
      %dma_start3A_316 = arith.constant 0 : i32
      %dma_start3A_317 = tpu.memref_slice %arg8[%dma_start3A_316] : memref<2048xi32, #tpu.memory_space<vmem>> -> memref<1024xi32, #tpu.memory_space<vmem>>
      %dma_start3A_318 = arith.constant 0 : i32
      %dma_start3A_319 = tpu.memref_slice %arg2[%add3A_230, %dma_start3A_318] : memref<200x1024xi32, #tpu.memory_space<hbm>> -> memref<1x1024xi32, #tpu.memory_space<hbm>>
      %dma_start3A_320 = tpu.memref_squeeze %dma_start3A_319 : memref<1x1024xi32, #tpu.memory_space<hbm>> -> memref<1024xi32, #tpu.memory_space<hbm>>
      tpu.enqueue_dma source(%dma_start3A_320 : memref<1024xi32, #tpu.memory_space<hbm>>) target(%dma_start3A_317 : memref<1024xi32, #tpu.memory_space<vmem>>) target_semaphore(%arg13 : memref<!tpu.dma_semaphore, #tpu.memory_space<semaphore_mem>>)
      %dma_start3A_321 = arith.constant 1024 : i32
      %dma_start3A_322 = tpu.memref_slice %arg8[%dma_start3A_321] : memref<2048xi32, #tpu.memory_space<vmem>> -> memref<1024xi32, #tpu.memory_space<vmem>>
      %dma_start3A_323 = arith.constant 0 : i32
      %dma_start3A_324 = tpu.memref_slice %arg3[%add3A_230, %dma_start3A_323] : memref<200x1024xi32, #tpu.memory_space<hbm>> -> memref<1x1024xi32, #tpu.memory_space<hbm>>
      %dma_start3A_325 = tpu.memref_squeeze %dma_start3A_324 : memref<1x1024xi32, #tpu.memory_space<hbm>> -> memref<1024xi32, #tpu.memory_space<hbm>>
      %dma_start3A_326 = arith.constant 1024 : i32
      %dma_start3A_327 = tpu.memref_slice %arg8[%dma_start3A_326] : memref<2048xi32, #tpu.memory_space<vmem>> -> memref<1024xi32, #tpu.memory_space<vmem>>
      %dma_start3A_328 = arith.constant 0 : i32
      %dma_start3A_329 = tpu.memref_slice %arg3[%add3A_230, %dma_start3A_328] : memref<200x1024xi32, #tpu.memory_space<hbm>> -> memref<1x1024xi32, #tpu.memory_space<hbm>>
      %dma_start3A_330 = tpu.memref_squeeze %dma_start3A_329 : memref<1x1024xi32, #tpu.memory_space<hbm>> -> memref<1024xi32, #tpu.memory_space<hbm>>
      tpu.enqueue_dma source(%dma_start3A_330 : memref<1024xi32, #tpu.memory_space<hbm>>) target(%dma_start3A_327 : memref<1024xi32, #tpu.memory_space<vmem>>) target_semaphore(%arg13 : memref<!tpu.dma_semaphore, #tpu.memory_space<semaphore_mem>>)
    } else {
    }
    %mul3A_236 = arith.constant 7 : i32
    %mul3A_237 = arith.muli %add3A, %mul3A_236 : i32
    %add3A_238 = arith.constant 3 : i32
    %add3A_239 = arith.addi %mul3A_237, %add3A_238 : i32
    %dma_wait3A_240 = arith.constant 0 : i32
    %dma_wait3A_241 = tpu.memref_slice %arg6[%add3A_239, %dma_wait3A_240] : memref<224x1024xf32, #tpu.memory_space<hbm>> -> memref<1x1024xf32, #tpu.memory_space<hbm>>
    %dma_wait3A_242 = tpu.memref_squeeze %dma_wait3A_241 : memref<1x1024xf32, #tpu.memory_space<hbm>> -> memref<1024xf32, #tpu.memory_space<hbm>>
    %dma_wait3A_243 = arith.constant 0 : i32
    %dma_wait3A_244 = tpu.memref_slice %arg6[%add3A_239, %dma_wait3A_243] : memref<224x1024xf32, #tpu.memory_space<hbm>> -> memref<1x1024xf32, #tpu.memory_space<hbm>>
    %dma_wait3A_245 = tpu.memref_squeeze %dma_wait3A_244 : memref<1x1024xf32, #tpu.memory_space<hbm>> -> memref<1024xf32, #tpu.memory_space<hbm>>
    tpu.wait_dma2 semaphore(%arg15 : memref<!tpu.dma_semaphore, #tpu.memory_space<semaphore_mem>>) src(%arg12 : memref<1024xf32, #tpu.memory_space<vmem>>) dst(%dma_wait3A_245 : memref<1024xf32, #tpu.memory_space<hbm>>)
    %lt3A_246 = arith.constant 200 : i32
    %lt3A_247 = arith.cmpi slt, %add3A_217, %lt3A_246 : i32
    %convert_element_type3A_248 = arith.extui %lt3A_247 : i1 to i32
    %cond3A_249 = arith.constant 0 : i32
    %cond3A_250 = arith.cmpi ne, %convert_element_type3A_248, %cond3A_249 : i32
    scf.if %cond3A_250 {
      %dma_start3A_311 = arith.constant 0 : i32
      %dma_start3A_312 = tpu.memref_slice %arg12[%dma_start3A_311] : memref<1024xf32, #tpu.memory_space<vmem>> -> memref<128xf32, #tpu.memory_space<vmem>>
      %dma_start3A_313 = arith.constant 0 : i32
      %dma_start3A_314 = tpu.memref_slice %arg9[%dma_start3A_313] : memref<2048xi32, #tpu.memory_space<vmem>> -> memref<128xi32, #tpu.memory_space<vmem>>
      %dma_start3A_315 = arith.constant 0 : i32
      %dma_start3A_316 = tpu.memref_slice %arg4[%dma_start3A_315] : memref<100000xf32, #tpu.memory_space<hbm>> -> memref<100000xf32, #tpu.memory_space<hbm>>
      tpu.enqueue_indirect_dma source(%dma_start3A_316 : memref<100000xf32, #tpu.memory_space<hbm>>) target(%dma_start3A_312 : memref<128xf32, #tpu.memory_space<vmem>>) offsets(%dma_start3A_314 : memref<128xi32, #tpu.memory_space<vmem>>) semaphore(%arg14 : memref<!tpu.dma_semaphore, #tpu.memory_space<semaphore_mem>>)
      %dma_start3A_317 = arith.constant 128 : i32
      %dma_start3A_318 = tpu.memref_slice %arg12[%dma_start3A_317] : memref<1024xf32, #tpu.memory_space<vmem>> -> memref<128xf32, #tpu.memory_space<vmem>>
      %dma_start3A_319 = arith.constant 128 : i32
      %dma_start3A_320 = tpu.memref_slice %arg9[%dma_start3A_319] : memref<2048xi32, #tpu.memory_space<vmem>> -> memref<128xi32, #tpu.memory_space<vmem>>
      %dma_start3A_321 = arith.constant 0 : i32
      %dma_start3A_322 = tpu.memref_slice %arg4[%dma_start3A_321] : memref<100000xf32, #tpu.memory_space<hbm>> -> memref<100000xf32, #tpu.memory_space<hbm>>
      tpu.enqueue_indirect_dma source(%dma_start3A_322 : memref<100000xf32, #tpu.memory_space<hbm>>) target(%dma_start3A_318 : memref<128xf32, #tpu.memory_space<vmem>>) offsets(%dma_start3A_320 : memref<128xi32, #tpu.memory_space<vmem>>) semaphore(%arg14 : memref<!tpu.dma_semaphore, #tpu.memory_space<semaphore_mem>>)
      %dma_start3A_323 = arith.constant 256 : i32
      %dma_start3A_324 = tpu.memref_slice %arg12[%dma_start3A_323] : memref<1024xf32, #tpu.memory_space<vmem>> -> memref<128xf32, #tpu.memory_space<vmem>>
      %dma_start3A_325 = arith.constant 256 : i32
      %dma_start3A_326 = tpu.memref_slice %arg9[%dma_start3A_325] : memref<2048xi32, #tpu.memory_space<vmem>> -> memref<128xi32, #tpu.memory_space<vmem>>
      %dma_start3A_327 = arith.constant 0 : i32
      %dma_start3A_328 = tpu.memref_slice %arg4[%dma_start3A_327] : memref<100000xf32, #tpu.memory_space<hbm>> -> memref<100000xf32, #tpu.memory_space<hbm>>
      tpu.enqueue_indirect_dma source(%dma_start3A_328 : memref<100000xf32, #tpu.memory_space<hbm>>) target(%dma_start3A_324 : memref<128xf32, #tpu.memory_space<vmem>>) offsets(%dma_start3A_326 : memref<128xi32, #tpu.memory_space<vmem>>) semaphore(%arg14 : memref<!tpu.dma_semaphore, #tpu.memory_space<semaphore_mem>>)
      %dma_start3A_329 = arith.constant 384 : i32
      %dma_start3A_330 = tpu.memref_slice %arg12[%dma_start3A_329] : memref<1024xf32, #tpu.memory_space<vmem>> -> memref<128xf32, #tpu.memory_space<vmem>>
      %dma_start3A_331 = arith.constant 384 : i32
      %dma_start3A_332 = tpu.memref_slice %arg9[%dma_start3A_331] : memref<2048xi32, #tpu.memory_space<vmem>> -> memref<128xi32, #tpu.memory_space<vmem>>
      %dma_start3A_333 = arith.constant 0 : i32
      %dma_start3A_334 = tpu.memref_slice %arg4[%dma_start3A_333] : memref<100000xf32, #tpu.memory_space<hbm>> -> memref<100000xf32, #tpu.memory_space<hbm>>
      tpu.enqueue_indirect_dma source(%dma_start3A_334 : memref<100000xf32, #tpu.memory_space<hbm>>) target(%dma_start3A_330 : memref<128xf32, #tpu.memory_space<vmem>>) offsets(%dma_start3A_332 : memref<128xi32, #tpu.memory_space<vmem>>) semaphore(%arg14 : memref<!tpu.dma_semaphore, #tpu.memory_space<semaphore_mem>>)
      %dma_start3A_335 = arith.constant 512 : i32
      %dma_start3A_336 = tpu.memref_slice %arg12[%dma_start3A_335] : memref<1024xf32, #tpu.memory_space<vmem>> -> memref<128xf32, #tpu.memory_space<vmem>>
      %dma_start3A_337 = arith.constant 512 : i32
      %dma_start3A_338 = tpu.memref_slice %arg9[%dma_start3A_337] : memref<2048xi32, #tpu.memory_space<vmem>> -> memref<128xi32, #tpu.memory_space<vmem>>
      %dma_start3A_339 = arith.constant 0 : i32
      %dma_start3A_340 = tpu.memref_slice %arg4[%dma_start3A_339] : memref<100000xf32, #tpu.memory_space<hbm>> -> memref<100000xf32, #tpu.memory_space<hbm>>
      tpu.enqueue_indirect_dma source(%dma_start3A_340 : memref<100000xf32, #tpu.memory_space<hbm>>) target(%dma_start3A_336 : memref<128xf32, #tpu.memory_space<vmem>>) offsets(%dma_start3A_338 : memref<128xi32, #tpu.memory_space<vmem>>) semaphore(%arg14 : memref<!tpu.dma_semaphore, #tpu.memory_space<semaphore_mem>>)
      %dma_start3A_341 = arith.constant 640 : i32
      %dma_start3A_342 = tpu.memref_slice %arg12[%dma_start3A_341] : memref<1024xf32, #tpu.memory_space<vmem>> -> memref<128xf32, #tpu.memory_space<vmem>>
      %dma_start3A_343 = arith.constant 640 : i32
      %dma_start3A_344 = tpu.memref_slice %arg9[%dma_start3A_343] : memref<2048xi32, #tpu.memory_space<vmem>> -> memref<128xi32, #tpu.memory_space<vmem>>
      %dma_start3A_345 = arith.constant 0 : i32
      %dma_start3A_346 = tpu.memref_slice %arg4[%dma_start3A_345] : memref<100000xf32, #tpu.memory_space<hbm>> -> memref<100000xf32, #tpu.memory_space<hbm>>
      tpu.enqueue_indirect_dma source(%dma_start3A_346 : memref<100000xf32, #tpu.memory_space<hbm>>) target(%dma_start3A_342 : memref<128xf32, #tpu.memory_space<vmem>>) offsets(%dma_start3A_344 : memref<128xi32, #tpu.memory_space<vmem>>) semaphore(%arg14 : memref<!tpu.dma_semaphore, #tpu.memory_space<semaphore_mem>>)
      %dma_start3A_347 = arith.constant 768 : i32
      %dma_start3A_348 = tpu.memref_slice %arg12[%dma_start3A_347] : memref<1024xf32, #tpu.memory_space<vmem>> -> memref<128xf32, #tpu.memory_space<vmem>>
      %dma_start3A_349 = arith.constant 768 : i32
      %dma_start3A_350 = tpu.memref_slice %arg9[%dma_start3A_349] : memref<2048xi32, #tpu.memory_space<vmem>> -> memref<128xi32, #tpu.memory_space<vmem>>
      %dma_start3A_351 = arith.constant 0 : i32
      %dma_start3A_352 = tpu.memref_slice %arg4[%dma_start3A_351] : memref<100000xf32, #tpu.memory_space<hbm>> -> memref<100000xf32, #tpu.memory_space<hbm>>
      tpu.enqueue_indirect_dma source(%dma_start3A_352 : memref<100000xf32, #tpu.memory_space<hbm>>) target(%dma_start3A_348 : memref<128xf32, #tpu.memory_space<vmem>>) offsets(%dma_start3A_350 : memref<128xi32, #tpu.memory_space<vmem>>) semaphore(%arg14 : memref<!tpu.dma_semaphore, #tpu.memory_space<semaphore_mem>>)
      %dma_start3A_353 = arith.constant 896 : i32
      %dma_start3A_354 = tpu.memref_slice %arg12[%dma_start3A_353] : memref<1024xf32, #tpu.memory_space<vmem>> -> memref<128xf32, #tpu.memory_space<vmem>>
      %dma_start3A_355 = arith.constant 896 : i32
      %dma_start3A_356 = tpu.memref_slice %arg9[%dma_start3A_355] : memref<2048xi32, #tpu.memory_space<vmem>> -> memref<128xi32, #tpu.memory_space<vmem>>
      %dma_start3A_357 = arith.constant 0 : i32
      %dma_start3A_358 = tpu.memref_slice %arg4[%dma_start3A_357] : memref<100000xf32, #tpu.memory_space<hbm>> -> memref<100000xf32, #tpu.memory_space<hbm>>
      tpu.enqueue_indirect_dma source(%dma_start3A_358 : memref<100000xf32, #tpu.memory_space<hbm>>) target(%dma_start3A_354 : memref<128xf32, #tpu.memory_space<vmem>>) offsets(%dma_start3A_356 : memref<128xi32, #tpu.memory_space<vmem>>) semaphore(%arg14 : memref<!tpu.dma_semaphore, #tpu.memory_space<semaphore_mem>>)
      %parallel_loop3A_359 = arith.constant 0 : i32
      %parallel_loop3A_360 = arith.constant 128 : i32
      %parallel_loop3A_361 = arith.constant 1 : i32
      scf.for %parallel_loop3A_416 = %parallel_loop3A_359 to %parallel_loop3A_360 step %parallel_loop3A_361  : i32 {
        %parallel_loop3A_417 = arith.constant 16 : i32
        %parallel_loop3A_418 = arith.muli %parallel_loop3A_416, %parallel_loop3A_417 : i32
        %parallel_loop3A_419 = arith.index_cast %parallel_loop3A_418 : i32 to index
        %parallel_loop3A_420 = tpu.vector_load %arg9[%parallel_loop3A_419] {strides = array<i32>} : memref<2048xi32, #tpu.memory_space<vmem>>, vector<16xi32>,
        %parallel_loop3A_421 = vector.broadcast %parallel_loop3A_416 : i32 to vector<16xi32>
        %parallel_loop3A_422 = arith.constant 64 : i32
        %parallel_loop3A_423 = vector.broadcast %parallel_loop3A_422 : i32 to vector<16xi32>
        %parallel_loop3A_424 = arith.cmpi slt, %parallel_loop3A_421, %parallel_loop3A_423 : vector<16xi32>
        %parallel_loop3A_425 = arith.constant 1 : i32
        %parallel_loop3A_426 = arith.constant 65536 : i32
        %parallel_loop3A_427 = vector.broadcast %parallel_loop3A_425 : i32 to vector<16xi32>
        %parallel_loop3A_428 = vector.broadcast %parallel_loop3A_426 : i32 to vector<16xi32>
        %parallel_loop3A_429 = arith.select %parallel_loop3A_424, %parallel_loop3A_427, %parallel_loop3A_428 : vector<16xi1>, vector<16xi32>
        tpu.vector_store_idx %arg7[%parallel_loop3A_420], %parallel_loop3A_429 {add = true} : memref<100352xi32, #tpu.memory_space<vmem>>[vector<16xi32>], vector<16xi32>,
      } {sc.loop_unroll_factor = 16 : i64, sc.parallel_access}
      %parallel_loop3A_362 = arith.constant 0 : i32
      %parallel_loop3A_363 = arith.constant 64 : i32
      %parallel_loop3A_364 = arith.constant 1 : i32
      scf.for %parallel_loop3A_416 = %parallel_loop3A_362 to %parallel_loop3A_363 step %parallel_loop3A_364  : i32 {
        %parallel_loop3A_417 = arith.constant 16 : i32
        %parallel_loop3A_418 = arith.muli %parallel_loop3A_416, %parallel_loop3A_417 : i32
        %parallel_loop3A_419 = arith.index_cast %parallel_loop3A_418 : i32 to index
        %parallel_loop3A_420 = tpu.vector_load %arg9[%parallel_loop3A_419] {strides = array<i32>} : memref<2048xi32, #tpu.memory_space<vmem>>, vector<16xi32>,
        %parallel_loop3A_421 = arith.index_cast %parallel_loop3A_418 : i32 to index
        %parallel_loop3A_422 = tpu.vector_load %arg10[%parallel_loop3A_421] {strides = array<i32>} : memref<1024xi32, #tpu.memory_space<vmem>>, vector<16xi32>,
        %parallel_loop3A_423 = tpu.vector_load_idx %arg7[%parallel_loop3A_420] : memref<100352xi32, #tpu.memory_space<vmem>>[vector<16xi32>], vector<16xi32>,
        %parallel_loop3A_424 = arith.addi %parallel_loop3A_422, %parallel_loop3A_423 : vector<16xi32>
        %parallel_loop3A_425 = arith.index_cast %parallel_loop3A_418 : i32 to index
        %parallel_loop3A_426 = tpu.vector_load %arg10[%parallel_loop3A_425] {strides = array<i32>} : memref<1024xi32, #tpu.memory_space<vmem>>, vector<16xi32>,
        tpu.vector_store %arg10[%parallel_loop3A_425], %parallel_loop3A_424 {strides = array<i32>} : memref<1024xi32, #tpu.memory_space<vmem>>, vector<16xi32>,
      } {sc.loop_unroll_factor = 16 : i64, sc.parallel_access}
      %parallel_loop3A_365 = arith.constant 0 : i32
      %parallel_loop3A_366 = arith.constant 128 : i32
      %parallel_loop3A_367 = arith.constant 1 : i32
      scf.for %parallel_loop3A_416 = %parallel_loop3A_365 to %parallel_loop3A_366 step %parallel_loop3A_367  : i32 {
        %parallel_loop3A_417 = arith.constant 16 : i32
        %parallel_loop3A_418 = arith.muli %parallel_loop3A_416, %parallel_loop3A_417 : i32
        %parallel_loop3A_419 = arith.index_cast %parallel_loop3A_418 : i32 to index
        %parallel_loop3A_420 = tpu.vector_load %arg9[%parallel_loop3A_419] {strides = array<i32>} : memref<2048xi32, #tpu.memory_space<vmem>>, vector<16xi32>,
        %parallel_loop3A_421 = vector.broadcast %parallel_loop3A_416 : i32 to vector<16xi32>
        %parallel_loop3A_422 = arith.constant 64 : i32
        %parallel_loop3A_423 = vector.broadcast %parallel_loop3A_422 : i32 to vector<16xi32>
        %parallel_loop3A_424 = arith.cmpi slt, %parallel_loop3A_421, %parallel_loop3A_423 : vector<16xi32>
        %parallel_loop3A_425 = arith.constant -1 : i32
        %parallel_loop3A_426 = arith.constant -65536 : i32
        %parallel_loop3A_427 = vector.broadcast %parallel_loop3A_425 : i32 to vector<16xi32>
        %parallel_loop3A_428 = vector.broadcast %parallel_loop3A_426 : i32 to vector<16xi32>
        %parallel_loop3A_429 = arith.select %parallel_loop3A_424, %parallel_loop3A_427, %parallel_loop3A_428 : vector<16xi1>, vector<16xi32>
        tpu.vector_store_idx %arg7[%parallel_loop3A_420], %parallel_loop3A_429 {add = true} : memref<100352xi32, #tpu.memory_space<vmem>>[vector<16xi32>], vector<16xi32>,
      } {sc.loop_unroll_factor = 16 : i64, sc.parallel_access}
      %dma_wait3A_368 = arith.constant 0 : i32
      %dma_wait3A_369 = tpu.memref_slice %arg12[%dma_wait3A_368] : memref<1024xf32, #tpu.memory_space<vmem>> -> memref<128xf32, #tpu.memory_space<vmem>>
      %dma_wait3A_370 = arith.constant 0 : i32
      %dma_wait3A_371 = tpu.memref_slice %arg9[%dma_wait3A_370] : memref<2048xi32, #tpu.memory_space<vmem>> -> memref<128xi32, #tpu.memory_space<vmem>>
      %dma_wait3A_372 = arith.constant 0 : i32
      %dma_wait3A_373 = tpu.memref_slice %arg4[%dma_wait3A_372] : memref<100000xf32, #tpu.memory_space<hbm>> -> memref<100000xf32, #tpu.memory_space<hbm>>
      tpu.wait_indirect_dma semaphore(%arg14 : memref<!tpu.dma_semaphore, #tpu.memory_space<semaphore_mem>>) src(%dma_wait3A_373 : memref<100000xf32, #tpu.memory_space<hbm>>) dst(%dma_wait3A_369 : memref<128xf32, #tpu.memory_space<vmem>>)
      %dma_wait3A_374 = arith.constant 128 : i32
      %dma_wait3A_375 = tpu.memref_slice %arg12[%dma_wait3A_374] : memref<1024xf32, #tpu.memory_space<vmem>> -> memref<128xf32, #tpu.memory_space<vmem>>
      %dma_wait3A_376 = arith.constant 128 : i32
      %dma_wait3A_377 = tpu.memref_slice %arg9[%dma_wait3A_376] : memref<2048xi32, #tpu.memory_space<vmem>> -> memref<128xi32, #tpu.memory_space<vmem>>
      %dma_wait3A_378 = arith.constant 0 : i32
      %dma_wait3A_379 = tpu.memref_slice %arg4[%dma_wait3A_378] : memref<100000xf32, #tpu.memory_space<hbm>> -> memref<100000xf32, #tpu.memory_space<hbm>>
      tpu.wait_indirect_dma semaphore(%arg14 : memref<!tpu.dma_semaphore, #tpu.memory_space<semaphore_mem>>) src(%dma_wait3A_379 : memref<100000xf32, #tpu.memory_space<hbm>>) dst(%dma_wait3A_375 : memref<128xf32, #tpu.memory_space<vmem>>)
      %dma_wait3A_380 = arith.constant 256 : i32
      %dma_wait3A_381 = tpu.memref_slice %arg12[%dma_wait3A_380] : memref<1024xf32, #tpu.memory_space<vmem>> -> memref<128xf32, #tpu.memory_space<vmem>>
      %dma_wait3A_382 = arith.constant 256 : i32
      %dma_wait3A_383 = tpu.memref_slice %arg9[%dma_wait3A_382] : memref<2048xi32, #tpu.memory_space<vmem>> -> memref<128xi32, #tpu.memory_space<vmem>>
      %dma_wait3A_384 = arith.constant 0 : i32
      %dma_wait3A_385 = tpu.memref_slice %arg4[%dma_wait3A_384] : memref<100000xf32, #tpu.memory_space<hbm>> -> memref<100000xf32, #tpu.memory_space<hbm>>
      tpu.wait_indirect_dma semaphore(%arg14 : memref<!tpu.dma_semaphore, #tpu.memory_space<semaphore_mem>>) src(%dma_wait3A_385 : memref<100000xf32, #tpu.memory_space<hbm>>) dst(%dma_wait3A_381 : memref<128xf32, #tpu.memory_space<vmem>>)
      %dma_wait3A_386 = arith.constant 384 : i32
      %dma_wait3A_387 = tpu.memref_slice %arg12[%dma_wait3A_386] : memref<1024xf32, #tpu.memory_space<vmem>> -> memref<128xf32, #tpu.memory_space<vmem>>
      %dma_wait3A_388 = arith.constant 384 : i32
      %dma_wait3A_389 = tpu.memref_slice %arg9[%dma_wait3A_388] : memref<2048xi32, #tpu.memory_space<vmem>> -> memref<128xi32, #tpu.memory_space<vmem>>
      %dma_wait3A_390 = arith.constant 0 : i32
      %dma_wait3A_391 = tpu.memref_slice %arg4[%dma_wait3A_390] : memref<100000xf32, #tpu.memory_space<hbm>> -> memref<100000xf32, #tpu.memory_space<hbm>>
      tpu.wait_indirect_dma semaphore(%arg14 : memref<!tpu.dma_semaphore, #tpu.memory_space<semaphore_mem>>) src(%dma_wait3A_391 : memref<100000xf32, #tpu.memory_space<hbm>>) dst(%dma_wait3A_387 : memref<128xf32, #tpu.memory_space<vmem>>)
      %dma_wait3A_392 = arith.constant 512 : i32
      %dma_wait3A_393 = tpu.memref_slice %arg12[%dma_wait3A_392] : memref<1024xf32, #tpu.memory_space<vmem>> -> memref<128xf32, #tpu.memory_space<vmem>>
      %dma_wait3A_394 = arith.constant 512 : i32
      %dma_wait3A_395 = tpu.memref_slice %arg9[%dma_wait3A_394] : memref<2048xi32, #tpu.memory_space<vmem>> -> memref<128xi32, #tpu.memory_space<vmem>>
      %dma_wait3A_396 = arith.constant 0 : i32
      %dma_wait3A_397 = tpu.memref_slice %arg4[%dma_wait3A_396] : memref<100000xf32, #tpu.memory_space<hbm>> -> memref<100000xf32, #tpu.memory_space<hbm>>
      tpu.wait_indirect_dma semaphore(%arg14 : memref<!tpu.dma_semaphore, #tpu.memory_space<semaphore_mem>>) src(%dma_wait3A_397 : memref<100000xf32, #tpu.memory_space<hbm>>) dst(%dma_wait3A_393 : memref<128xf32, #tpu.memory_space<vmem>>)
      %dma_wait3A_398 = arith.constant 640 : i32
      %dma_wait3A_399 = tpu.memref_slice %arg12[%dma_wait3A_398] : memref<1024xf32, #tpu.memory_space<vmem>> -> memref<128xf32, #tpu.memory_space<vmem>>
      %dma_wait3A_400 = arith.constant 640 : i32
      %dma_wait3A_401 = tpu.memref_slice %arg9[%dma_wait3A_400] : memref<2048xi32, #tpu.memory_space<vmem>> -> memref<128xi32, #tpu.memory_space<vmem>>
      %dma_wait3A_402 = arith.constant 0 : i32
      %dma_wait3A_403 = tpu.memref_slice %arg4[%dma_wait3A_402] : memref<100000xf32, #tpu.memory_space<hbm>> -> memref<100000xf32, #tpu.memory_space<hbm>>
      tpu.wait_indirect_dma semaphore(%arg14 : memref<!tpu.dma_semaphore, #tpu.memory_space<semaphore_mem>>) src(%dma_wait3A_403 : memref<100000xf32, #tpu.memory_space<hbm>>) dst(%dma_wait3A_399 : memref<128xf32, #tpu.memory_space<vmem>>)
      %dma_wait3A_404 = arith.constant 768 : i32
      %dma_wait3A_405 = tpu.memref_slice %arg12[%dma_wait3A_404] : memref<1024xf32, #tpu.memory_space<vmem>> -> memref<128xf32, #tpu.memory_space<vmem>>
      %dma_wait3A_406 = arith.constant 768 : i32
      %dma_wait3A_407 = tpu.memref_slice %arg9[%dma_wait3A_406] : memref<2048xi32, #tpu.memory_space<vmem>> -> memref<128xi32, #tpu.memory_space<vmem>>
      %dma_wait3A_408 = arith.constant 0 : i32
      %dma_wait3A_409 = tpu.memref_slice %arg4[%dma_wait3A_408] : memref<100000xf32, #tpu.memory_space<hbm>> -> memref<100000xf32, #tpu.memory_space<hbm>>
      tpu.wait_indirect_dma semaphore(%arg14 : memref<!tpu.dma_semaphore, #tpu.memory_space<semaphore_mem>>) src(%dma_wait3A_409 : memref<100000xf32, #tpu.memory_space<hbm>>) dst(%dma_wait3A_405 : memref<128xf32, #tpu.memory_space<vmem>>)
      %dma_wait3A_410 = arith.constant 896 : i32
      %dma_wait3A_411 = tpu.memref_slice %arg12[%dma_wait3A_410] : memref<1024xf32, #tpu.memory_space<vmem>> -> memref<128xf32, #tpu.memory_space<vmem>>
      %dma_wait3A_412 = arith.constant 896 : i32
      %dma_wait3A_413 = tpu.memref_slice %arg9[%dma_wait3A_412] : memref<2048xi32, #tpu.memory_space<vmem>> -> memref<128xi32, #tpu.memory_space<vmem>>
      %dma_wait3A_414 = arith.constant 0 : i32
      %dma_wait3A_415 = tpu.memref_slice %arg4[%dma_wait3A_414] : memref<100000xf32, #tpu.memory_space<hbm>> -> memref<100000xf32, #tpu.memory_space<hbm>>
      tpu.wait_indirect_dma semaphore(%arg14 : memref<!tpu.dma_semaphore, #tpu.memory_space<semaphore_mem>>) src(%dma_wait3A_415 : memref<100000xf32, #tpu.memory_space<hbm>>) dst(%dma_wait3A_411 : memref<128xf32, #tpu.memory_space<vmem>>)
    } else {
    }
    %dma_start3A_251 = arith.constant 0 : i32
    %dma_start3A_252 = tpu.memref_slice %arg6[%add3A_217, %dma_start3A_251] : memref<224x1024xf32, #tpu.memory_space<hbm>> -> memref<1x1024xf32, #tpu.memory_space<hbm>>
    %dma_start3A_253 = tpu.memref_squeeze %dma_start3A_252 : memref<1x1024xf32, #tpu.memory_space<hbm>> -> memref<1024xf32, #tpu.memory_space<hbm>>
    %dma_start3A_254 = arith.constant 0 : i32
    %dma_start3A_255 = tpu.memref_slice %arg6[%add3A_217, %dma_start3A_254] : memref<224x1024xf32, #tpu.memory_space<hbm>> -> memref<1x1024xf32, #tpu.memory_space<hbm>>
    %dma_start3A_256 = tpu.memref_squeeze %dma_start3A_255 : memref<1x1024xf32, #tpu.memory_space<hbm>> -> memref<1024xf32, #tpu.memory_space<hbm>>
    tpu.enqueue_dma source(%arg12 : memref<1024xf32, #tpu.memory_space<vmem>>) target(%dma_start3A_256 : memref<1024xf32, #tpu.memory_space<hbm>>) target_semaphore(%arg15 : memref<!tpu.dma_semaphore, #tpu.memory_space<semaphore_mem>>)
    %mul3A_257 = arith.constant 7 : i32
    %mul3A_258 = arith.muli %add3A, %mul3A_257 : i32
    %add3A_259 = arith.constant 6 : i32
    %add3A_260 = arith.addi %mul3A_258, %add3A_259 : i32
    %mul3A_261 = arith.constant 7 : i32
    %mul3A_262 = arith.muli %add3A, %mul3A_261 : i32
    %add3A_263 = arith.constant 6 : i32
    %add3A_264 = arith.addi %mul3A_262, %add3A_263 : i32
    %lt3A_265 = arith.constant 200 : i32
    %lt3A_266 = arith.cmpi slt, %add3A_264, %lt3A_265 : i32
    %convert_element_type3A_267 = arith.extui %lt3A_266 : i1 to i32
    %cond3A_268 = arith.constant 0 : i32
    %cond3A_269 = arith.cmpi ne, %convert_element_type3A_267, %cond3A_268 : i32
    scf.if %cond3A_269 {
      %dma_wait3A_311 = arith.constant 0 : i32
      %dma_wait3A_312 = tpu.memref_slice %arg8[%dma_wait3A_311] : memref<2048xi32, #tpu.memory_space<vmem>> -> memref<1024xi32, #tpu.memory_space<vmem>>
      %dma_wait3A_313 = arith.constant 0 : i32
      %dma_wait3A_314 = tpu.memref_slice %arg2[%add3A_264, %dma_wait3A_313] : memref<200x1024xi32, #tpu.memory_space<hbm>> -> memref<1x1024xi32, #tpu.memory_space<hbm>>
      %dma_wait3A_315 = tpu.memref_squeeze %dma_wait3A_314 : memref<1x1024xi32, #tpu.memory_space<hbm>> -> memref<1024xi32, #tpu.memory_space<hbm>>
      %dma_wait3A_316 = arith.constant 0 : i32
      %dma_wait3A_317 = tpu.memref_slice %arg8[%dma_wait3A_316] : memref<2048xi32, #tpu.memory_space<vmem>> -> memref<1024xi32, #tpu.memory_space<vmem>>
      %dma_wait3A_318 = arith.constant 0 : i32
      %dma_wait3A_319 = tpu.memref_slice %arg2[%add3A_264, %dma_wait3A_318] : memref<200x1024xi32, #tpu.memory_space<hbm>> -> memref<1x1024xi32, #tpu.memory_space<hbm>>
      %dma_wait3A_320 = tpu.memref_squeeze %dma_wait3A_319 : memref<1x1024xi32, #tpu.memory_space<hbm>> -> memref<1024xi32, #tpu.memory_space<hbm>>
      tpu.wait_dma2 semaphore(%arg13 : memref<!tpu.dma_semaphore, #tpu.memory_space<semaphore_mem>>) src(%dma_wait3A_320 : memref<1024xi32, #tpu.memory_space<hbm>>) dst(%dma_wait3A_317 : memref<1024xi32, #tpu.memory_space<vmem>>)
      %dma_wait3A_321 = arith.constant 1024 : i32
      %dma_wait3A_322 = tpu.memref_slice %arg8[%dma_wait3A_321] : memref<2048xi32, #tpu.memory_space<vmem>> -> memref<1024xi32, #tpu.memory_space<vmem>>
      %dma_wait3A_323 = arith.constant 0 : i32
      %dma_wait3A_324 = tpu.memref_slice %arg3[%add3A_264, %dma_wait3A_323] : memref<200x1024xi32, #tpu.memory_space<hbm>> -> memref<1x1024xi32, #tpu.memory_space<hbm>>
      %dma_wait3A_325 = tpu.memref_squeeze %dma_wait3A_324 : memref<1x1024xi32, #tpu.memory_space<hbm>> -> memref<1024xi32, #tpu.memory_space<hbm>>
      %dma_wait3A_326 = arith.constant 1024 : i32
      %dma_wait3A_327 = tpu.memref_slice %arg8[%dma_wait3A_326] : memref<2048xi32, #tpu.memory_space<vmem>> -> memref<1024xi32, #tpu.memory_space<vmem>>
      %dma_wait3A_328 = arith.constant 0 : i32
      %dma_wait3A_329 = tpu.memref_slice %arg3[%add3A_264, %dma_wait3A_328] : memref<200x1024xi32, #tpu.memory_space<hbm>> -> memref<1x1024xi32, #tpu.memory_space<hbm>>
      %dma_wait3A_330 = tpu.memref_squeeze %dma_wait3A_329 : memref<1x1024xi32, #tpu.memory_space<hbm>> -> memref<1024xi32, #tpu.memory_space<hbm>>
      tpu.wait_dma2 semaphore(%arg13 : memref<!tpu.dma_semaphore, #tpu.memory_space<semaphore_mem>>) src(%dma_wait3A_330 : memref<1024xi32, #tpu.memory_space<hbm>>) dst(%dma_wait3A_327 : memref<1024xi32, #tpu.memory_space<vmem>>)
    } else {
    }
    %mul3A_270 = arith.constant 7 : i32
    %mul3A_271 = arith.muli %add3A, %mul3A_270 : i32
    %add3A_272 = arith.constant 4 : i32
    %add3A_273 = arith.addi %mul3A_271, %add3A_272 : i32
    %dma_wait3A_274 = arith.constant 0 : i32
    %dma_wait3A_275 = tpu.memref_slice %arg6[%add3A_273, %dma_wait3A_274] : memref<224x1024xf32, #tpu.memory_space<hbm>> -> memref<1x1024xf32, #tpu.memory_space<hbm>>
    %dma_wait3A_276 = tpu.memref_squeeze %dma_wait3A_275 : memref<1x1024xf32, #tpu.memory_space<hbm>> -> memref<1024xf32, #tpu.memory_space<hbm>>
    %dma_wait3A_277 = arith.constant 0 : i32
    %dma_wait3A_278 = tpu.memref_slice %arg6[%add3A_273, %dma_wait3A_277] : memref<224x1024xf32, #tpu.memory_space<hbm>> -> memref<1x1024xf32, #tpu.memory_space<hbm>>
    %dma_wait3A_279 = tpu.memref_squeeze %dma_wait3A_278 : memref<1x1024xf32, #tpu.memory_space<hbm>> -> memref<1024xf32, #tpu.memory_space<hbm>>
    tpu.wait_dma2 semaphore(%arg15 : memref<!tpu.dma_semaphore, #tpu.memory_space<semaphore_mem>>) src(%arg11 : memref<1024xf32, #tpu.memory_space<vmem>>) dst(%dma_wait3A_279 : memref<1024xf32, #tpu.memory_space<hbm>>)
    %lt3A_280 = arith.constant 200 : i32
    %lt3A_281 = arith.cmpi slt, %add3A_260, %lt3A_280 : i32
    %convert_element_type3A_282 = arith.extui %lt3A_281 : i1 to i32
    %cond3A_283 = arith.constant 0 : i32
    %cond3A_284 = arith.cmpi ne, %convert_element_type3A_282, %cond3A_283 : i32
    scf.if %cond3A_284 {
      %dma_start3A_311 = arith.constant 0 : i32
      %dma_start3A_312 = tpu.memref_slice %arg11[%dma_start3A_311] : memref<1024xf32, #tpu.memory_space<vmem>> -> memref<128xf32, #tpu.memory_space<vmem>>
      %dma_start3A_313 = arith.constant 0 : i32
      %dma_start3A_314 = tpu.memref_slice %arg8[%dma_start3A_313] : memref<2048xi32, #tpu.memory_space<vmem>> -> memref<128xi32, #tpu.memory_space<vmem>>
      %dma_start3A_315 = arith.constant 0 : i32
      %dma_start3A_316 = tpu.memref_slice %arg4[%dma_start3A_315] : memref<100000xf32, #tpu.memory_space<hbm>> -> memref<100000xf32, #tpu.memory_space<hbm>>
      tpu.enqueue_indirect_dma source(%dma_start3A_316 : memref<100000xf32, #tpu.memory_space<hbm>>) target(%dma_start3A_312 : memref<128xf32, #tpu.memory_space<vmem>>) offsets(%dma_start3A_314 : memref<128xi32, #tpu.memory_space<vmem>>) semaphore(%arg14 : memref<!tpu.dma_semaphore, #tpu.memory_space<semaphore_mem>>)
      %dma_start3A_317 = arith.constant 128 : i32
      %dma_start3A_318 = tpu.memref_slice %arg11[%dma_start3A_317] : memref<1024xf32, #tpu.memory_space<vmem>> -> memref<128xf32, #tpu.memory_space<vmem>>
      %dma_start3A_319 = arith.constant 128 : i32
      %dma_start3A_320 = tpu.memref_slice %arg8[%dma_start3A_319] : memref<2048xi32, #tpu.memory_space<vmem>> -> memref<128xi32, #tpu.memory_space<vmem>>
      %dma_start3A_321 = arith.constant 0 : i32
      %dma_start3A_322 = tpu.memref_slice %arg4[%dma_start3A_321] : memref<100000xf32, #tpu.memory_space<hbm>> -> memref<100000xf32, #tpu.memory_space<hbm>>
      tpu.enqueue_indirect_dma source(%dma_start3A_322 : memref<100000xf32, #tpu.memory_space<hbm>>) target(%dma_start3A_318 : memref<128xf32, #tpu.memory_space<vmem>>) offsets(%dma_start3A_320 : memref<128xi32, #tpu.memory_space<vmem>>) semaphore(%arg14 : memref<!tpu.dma_semaphore, #tpu.memory_space<semaphore_mem>>)
      %dma_start3A_323 = arith.constant 256 : i32
      %dma_start3A_324 = tpu.memref_slice %arg11[%dma_start3A_323] : memref<1024xf32, #tpu.memory_space<vmem>> -> memref<128xf32, #tpu.memory_space<vmem>>
      %dma_start3A_325 = arith.constant 256 : i32
      %dma_start3A_326 = tpu.memref_slice %arg8[%dma_start3A_325] : memref<2048xi32, #tpu.memory_space<vmem>> -> memref<128xi32, #tpu.memory_space<vmem>>
      %dma_start3A_327 = arith.constant 0 : i32
      %dma_start3A_328 = tpu.memref_slice %arg4[%dma_start3A_327] : memref<100000xf32, #tpu.memory_space<hbm>> -> memref<100000xf32, #tpu.memory_space<hbm>>
      tpu.enqueue_indirect_dma source(%dma_start3A_328 : memref<100000xf32, #tpu.memory_space<hbm>>) target(%dma_start3A_324 : memref<128xf32, #tpu.memory_space<vmem>>) offsets(%dma_start3A_326 : memref<128xi32, #tpu.memory_space<vmem>>) semaphore(%arg14 : memref<!tpu.dma_semaphore, #tpu.memory_space<semaphore_mem>>)
      %dma_start3A_329 = arith.constant 384 : i32
      %dma_start3A_330 = tpu.memref_slice %arg11[%dma_start3A_329] : memref<1024xf32, #tpu.memory_space<vmem>> -> memref<128xf32, #tpu.memory_space<vmem>>
      %dma_start3A_331 = arith.constant 384 : i32
      %dma_start3A_332 = tpu.memref_slice %arg8[%dma_start3A_331] : memref<2048xi32, #tpu.memory_space<vmem>> -> memref<128xi32, #tpu.memory_space<vmem>>
      %dma_start3A_333 = arith.constant 0 : i32
      %dma_start3A_334 = tpu.memref_slice %arg4[%dma_start3A_333] : memref<100000xf32, #tpu.memory_space<hbm>> -> memref<100000xf32, #tpu.memory_space<hbm>>
      tpu.enqueue_indirect_dma source(%dma_start3A_334 : memref<100000xf32, #tpu.memory_space<hbm>>) target(%dma_start3A_330 : memref<128xf32, #tpu.memory_space<vmem>>) offsets(%dma_start3A_332 : memref<128xi32, #tpu.memory_space<vmem>>) semaphore(%arg14 : memref<!tpu.dma_semaphore, #tpu.memory_space<semaphore_mem>>)
      %dma_start3A_335 = arith.constant 512 : i32
      %dma_start3A_336 = tpu.memref_slice %arg11[%dma_start3A_335] : memref<1024xf32, #tpu.memory_space<vmem>> -> memref<128xf32, #tpu.memory_space<vmem>>
      %dma_start3A_337 = arith.constant 512 : i32
      %dma_start3A_338 = tpu.memref_slice %arg8[%dma_start3A_337] : memref<2048xi32, #tpu.memory_space<vmem>> -> memref<128xi32, #tpu.memory_space<vmem>>
      %dma_start3A_339 = arith.constant 0 : i32
      %dma_start3A_340 = tpu.memref_slice %arg4[%dma_start3A_339] : memref<100000xf32, #tpu.memory_space<hbm>> -> memref<100000xf32, #tpu.memory_space<hbm>>
      tpu.enqueue_indirect_dma source(%dma_start3A_340 : memref<100000xf32, #tpu.memory_space<hbm>>) target(%dma_start3A_336 : memref<128xf32, #tpu.memory_space<vmem>>) offsets(%dma_start3A_338 : memref<128xi32, #tpu.memory_space<vmem>>) semaphore(%arg14 : memref<!tpu.dma_semaphore, #tpu.memory_space<semaphore_mem>>)
      %dma_start3A_341 = arith.constant 640 : i32
      %dma_start3A_342 = tpu.memref_slice %arg11[%dma_start3A_341] : memref<1024xf32, #tpu.memory_space<vmem>> -> memref<128xf32, #tpu.memory_space<vmem>>
      %dma_start3A_343 = arith.constant 640 : i32
      %dma_start3A_344 = tpu.memref_slice %arg8[%dma_start3A_343] : memref<2048xi32, #tpu.memory_space<vmem>> -> memref<128xi32, #tpu.memory_space<vmem>>
      %dma_start3A_345 = arith.constant 0 : i32
      %dma_start3A_346 = tpu.memref_slice %arg4[%dma_start3A_345] : memref<100000xf32, #tpu.memory_space<hbm>> -> memref<100000xf32, #tpu.memory_space<hbm>>
      tpu.enqueue_indirect_dma source(%dma_start3A_346 : memref<100000xf32, #tpu.memory_space<hbm>>) target(%dma_start3A_342 : memref<128xf32, #tpu.memory_space<vmem>>) offsets(%dma_start3A_344 : memref<128xi32, #tpu.memory_space<vmem>>) semaphore(%arg14 : memref<!tpu.dma_semaphore, #tpu.memory_space<semaphore_mem>>)
      %dma_start3A_347 = arith.constant 768 : i32
      %dma_start3A_348 = tpu.memref_slice %arg11[%dma_start3A_347] : memref<1024xf32, #tpu.memory_space<vmem>> -> memref<128xf32, #tpu.memory_space<vmem>>
      %dma_start3A_349 = arith.constant 768 : i32
      %dma_start3A_350 = tpu.memref_slice %arg8[%dma_start3A_349] : memref<2048xi32, #tpu.memory_space<vmem>> -> memref<128xi32, #tpu.memory_space<vmem>>
      %dma_start3A_351 = arith.constant 0 : i32
      %dma_start3A_352 = tpu.memref_slice %arg4[%dma_start3A_351] : memref<100000xf32, #tpu.memory_space<hbm>> -> memref<100000xf32, #tpu.memory_space<hbm>>
      tpu.enqueue_indirect_dma source(%dma_start3A_352 : memref<100000xf32, #tpu.memory_space<hbm>>) target(%dma_start3A_348 : memref<128xf32, #tpu.memory_space<vmem>>) offsets(%dma_start3A_350 : memref<128xi32, #tpu.memory_space<vmem>>) semaphore(%arg14 : memref<!tpu.dma_semaphore, #tpu.memory_space<semaphore_mem>>)
      %dma_start3A_353 = arith.constant 896 : i32
      %dma_start3A_354 = tpu.memref_slice %arg11[%dma_start3A_353] : memref<1024xf32, #tpu.memory_space<vmem>> -> memref<128xf32, #tpu.memory_space<vmem>>
      %dma_start3A_355 = arith.constant 896 : i32
      %dma_start3A_356 = tpu.memref_slice %arg8[%dma_start3A_355] : memref<2048xi32, #tpu.memory_space<vmem>> -> memref<128xi32, #tpu.memory_space<vmem>>
      %dma_start3A_357 = arith.constant 0 : i32
      %dma_start3A_358 = tpu.memref_slice %arg4[%dma_start3A_357] : memref<100000xf32, #tpu.memory_space<hbm>> -> memref<100000xf32, #tpu.memory_space<hbm>>
      tpu.enqueue_indirect_dma source(%dma_start3A_358 : memref<100000xf32, #tpu.memory_space<hbm>>) target(%dma_start3A_354 : memref<128xf32, #tpu.memory_space<vmem>>) offsets(%dma_start3A_356 : memref<128xi32, #tpu.memory_space<vmem>>) semaphore(%arg14 : memref<!tpu.dma_semaphore, #tpu.memory_space<semaphore_mem>>)
      %parallel_loop3A_359 = arith.constant 0 : i32
      %parallel_loop3A_360 = arith.constant 128 : i32
      %parallel_loop3A_361 = arith.constant 1 : i32
      scf.for %parallel_loop3A_413 = %parallel_loop3A_359 to %parallel_loop3A_360 step %parallel_loop3A_361  : i32 {
        %parallel_loop3A_414 = arith.constant 16 : i32
        %parallel_loop3A_415 = arith.muli %parallel_loop3A_413, %parallel_loop3A_414 : i32
        %parallel_loop3A_416 = arith.index_cast %parallel_loop3A_415 : i32 to index
        %parallel_loop3A_417 = tpu.vector_load %arg8[%parallel_loop3A_416] {strides = array<i32>} : memref<2048xi32, #tpu.memory_space<vmem>>, vector<16xi32>,
        %parallel_loop3A_418 = vector.broadcast %parallel_loop3A_413 : i32 to vector<16xi32>
        %parallel_loop3A_419 = arith.constant 64 : i32
        %parallel_loop3A_420 = vector.broadcast %parallel_loop3A_419 : i32 to vector<16xi32>
        %parallel_loop3A_421 = arith.cmpi slt, %parallel_loop3A_418, %parallel_loop3A_420 : vector<16xi32>
        %parallel_loop3A_422 = arith.constant 1 : i32
        %parallel_loop3A_423 = arith.constant 65536 : i32
        %parallel_loop3A_424 = vector.broadcast %parallel_loop3A_422 : i32 to vector<16xi32>
        %parallel_loop3A_425 = vector.broadcast %parallel_loop3A_423 : i32 to vector<16xi32>
        %parallel_loop3A_426 = arith.select %parallel_loop3A_421, %parallel_loop3A_424, %parallel_loop3A_425 : vector<16xi1>, vector<16xi32>
        tpu.vector_store_idx %arg7[%parallel_loop3A_417], %parallel_loop3A_426 {add = true} : memref<100352xi32, #tpu.memory_space<vmem>>[vector<16xi32>], vector<16xi32>,
      } {sc.loop_unroll_factor = 16 : i64, sc.parallel_access}
      %parallel_loop3A_362 = arith.constant 0 : i32
      %parallel_loop3A_363 = arith.constant 64 : i32
      %parallel_loop3A_364 = arith.constant 1 : i32
      scf.for %parallel_loop3A_413 = %parallel_loop3A_362 to %parallel_loop3A_363 step %parallel_loop3A_364  : i32 {
        %parallel_loop3A_414 = arith.constant 16 : i32
        %parallel_loop3A_415 = arith.muli %parallel_loop3A_413, %parallel_loop3A_414 : i32
        %parallel_loop3A_416 = arith.index_cast %parallel_loop3A_415 : i32 to index
        %parallel_loop3A_417 = tpu.vector_load %arg8[%parallel_loop3A_416] {strides = array<i32>} : memref<2048xi32, #tpu.memory_space<vmem>>, vector<16xi32>,
        %parallel_loop3A_418 = arith.index_cast %parallel_loop3A_415 : i32 to index
        %parallel_loop3A_419 = tpu.vector_load %arg10[%parallel_loop3A_418] {strides = array<i32>} : memref<1024xi32, #tpu.memory_space<vmem>>, vector<16xi32>,
        %parallel_loop3A_420 = tpu.vector_load_idx %arg7[%parallel_loop3A_417] : memref<100352xi32, #tpu.memory_space<vmem>>[vector<16xi32>], vector<16xi32>,
        %parallel_loop3A_421 = arith.addi %parallel_loop3A_419, %parallel_loop3A_420 : vector<16xi32>
        %parallel_loop3A_422 = arith.index_cast %parallel_loop3A_415 : i32 to index
        %parallel_loop3A_423 = tpu.vector_load %arg10[%parallel_loop3A_422] {strides = array<i32>} : memref<1024xi32, #tpu.memory_space<vmem>>, vector<16xi32>,
        tpu.vector_store %arg10[%parallel_loop3A_422], %parallel_loop3A_421 {strides = array<i32>} : memref<1024xi32, #tpu.memory_space<vmem>>, vector<16xi32>,
      } {sc.loop_unroll_factor = 16 : i64, sc.parallel_access}
      %dma_wait3A_365 = arith.constant 0 : i32
      %dma_wait3A_366 = tpu.memref_slice %arg11[%dma_wait3A_365] : memref<1024xf32, #tpu.memory_space<vmem>> -> memref<128xf32, #tpu.memory_space<vmem>>
      %dma_wait3A_367 = arith.constant 0 : i32
      %dma_wait3A_368 = tpu.memref_slice %arg8[%dma_wait3A_367] : memref<2048xi32, #tpu.memory_space<vmem>> -> memref<128xi32, #tpu.memory_space<vmem>>
      %dma_wait3A_369 = arith.constant 0 : i32
      %dma_wait3A_370 = tpu.memref_slice %arg4[%dma_wait3A_369] : memref<100000xf32, #tpu.memory_space<hbm>> -> memref<100000xf32, #tpu.memory_space<hbm>>
      tpu.wait_indirect_dma semaphore(%arg14 : memref<!tpu.dma_semaphore, #tpu.memory_space<semaphore_mem>>) src(%dma_wait3A_370 : memref<100000xf32, #tpu.memory_space<hbm>>) dst(%dma_wait3A_366 : memref<128xf32, #tpu.memory_space<vmem>>)
      %dma_wait3A_371 = arith.constant 128 : i32
      %dma_wait3A_372 = tpu.memref_slice %arg11[%dma_wait3A_371] : memref<1024xf32, #tpu.memory_space<vmem>> -> memref<128xf32, #tpu.memory_space<vmem>>
      %dma_wait3A_373 = arith.constant 128 : i32
      %dma_wait3A_374 = tpu.memref_slice %arg8[%dma_wait3A_373] : memref<2048xi32, #tpu.memory_space<vmem>> -> memref<128xi32, #tpu.memory_space<vmem>>
      %dma_wait3A_375 = arith.constant 0 : i32
      %dma_wait3A_376 = tpu.memref_slice %arg4[%dma_wait3A_375] : memref<100000xf32, #tpu.memory_space<hbm>> -> memref<100000xf32, #tpu.memory_space<hbm>>
      tpu.wait_indirect_dma semaphore(%arg14 : memref<!tpu.dma_semaphore, #tpu.memory_space<semaphore_mem>>) src(%dma_wait3A_376 : memref<100000xf32, #tpu.memory_space<hbm>>) dst(%dma_wait3A_372 : memref<128xf32, #tpu.memory_space<vmem>>)
      %dma_wait3A_377 = arith.constant 256 : i32
      %dma_wait3A_378 = tpu.memref_slice %arg11[%dma_wait3A_377] : memref<1024xf32, #tpu.memory_space<vmem>> -> memref<128xf32, #tpu.memory_space<vmem>>
      %dma_wait3A_379 = arith.constant 256 : i32
      %dma_wait3A_380 = tpu.memref_slice %arg8[%dma_wait3A_379] : memref<2048xi32, #tpu.memory_space<vmem>> -> memref<128xi32, #tpu.memory_space<vmem>>
      %dma_wait3A_381 = arith.constant 0 : i32
      %dma_wait3A_382 = tpu.memref_slice %arg4[%dma_wait3A_381] : memref<100000xf32, #tpu.memory_space<hbm>> -> memref<100000xf32, #tpu.memory_space<hbm>>
      tpu.wait_indirect_dma semaphore(%arg14 : memref<!tpu.dma_semaphore, #tpu.memory_space<semaphore_mem>>) src(%dma_wait3A_382 : memref<100000xf32, #tpu.memory_space<hbm>>) dst(%dma_wait3A_378 : memref<128xf32, #tpu.memory_space<vmem>>)
      %dma_wait3A_383 = arith.constant 384 : i32
      %dma_wait3A_384 = tpu.memref_slice %arg11[%dma_wait3A_383] : memref<1024xf32, #tpu.memory_space<vmem>> -> memref<128xf32, #tpu.memory_space<vmem>>
      %dma_wait3A_385 = arith.constant 384 : i32
      %dma_wait3A_386 = tpu.memref_slice %arg8[%dma_wait3A_385] : memref<2048xi32, #tpu.memory_space<vmem>> -> memref<128xi32, #tpu.memory_space<vmem>>
      %dma_wait3A_387 = arith.constant 0 : i32
      %dma_wait3A_388 = tpu.memref_slice %arg4[%dma_wait3A_387] : memref<100000xf32, #tpu.memory_space<hbm>> -> memref<100000xf32, #tpu.memory_space<hbm>>
      tpu.wait_indirect_dma semaphore(%arg14 : memref<!tpu.dma_semaphore, #tpu.memory_space<semaphore_mem>>) src(%dma_wait3A_388 : memref<100000xf32, #tpu.memory_space<hbm>>) dst(%dma_wait3A_384 : memref<128xf32, #tpu.memory_space<vmem>>)
      %dma_wait3A_389 = arith.constant 512 : i32
      %dma_wait3A_390 = tpu.memref_slice %arg11[%dma_wait3A_389] : memref<1024xf32, #tpu.memory_space<vmem>> -> memref<128xf32, #tpu.memory_space<vmem>>
      %dma_wait3A_391 = arith.constant 512 : i32
      %dma_wait3A_392 = tpu.memref_slice %arg8[%dma_wait3A_391] : memref<2048xi32, #tpu.memory_space<vmem>> -> memref<128xi32, #tpu.memory_space<vmem>>
      %dma_wait3A_393 = arith.constant 0 : i32
      %dma_wait3A_394 = tpu.memref_slice %arg4[%dma_wait3A_393] : memref<100000xf32, #tpu.memory_space<hbm>> -> memref<100000xf32, #tpu.memory_space<hbm>>
      tpu.wait_indirect_dma semaphore(%arg14 : memref<!tpu.dma_semaphore, #tpu.memory_space<semaphore_mem>>) src(%dma_wait3A_394 : memref<100000xf32, #tpu.memory_space<hbm>>) dst(%dma_wait3A_390 : memref<128xf32, #tpu.memory_space<vmem>>)
      %dma_wait3A_395 = arith.constant 640 : i32
      %dma_wait3A_396 = tpu.memref_slice %arg11[%dma_wait3A_395] : memref<1024xf32, #tpu.memory_space<vmem>> -> memref<128xf32, #tpu.memory_space<vmem>>
      %dma_wait3A_397 = arith.constant 640 : i32
      %dma_wait3A_398 = tpu.memref_slice %arg8[%dma_wait3A_397] : memref<2048xi32, #tpu.memory_space<vmem>> -> memref<128xi32, #tpu.memory_space<vmem>>
      %dma_wait3A_399 = arith.constant 0 : i32
      %dma_wait3A_400 = tpu.memref_slice %arg4[%dma_wait3A_399] : memref<100000xf32, #tpu.memory_space<hbm>> -> memref<100000xf32, #tpu.memory_space<hbm>>
      tpu.wait_indirect_dma semaphore(%arg14 : memref<!tpu.dma_semaphore, #tpu.memory_space<semaphore_mem>>) src(%dma_wait3A_400 : memref<100000xf32, #tpu.memory_space<hbm>>) dst(%dma_wait3A_396 : memref<128xf32, #tpu.memory_space<vmem>>)
      %dma_wait3A_401 = arith.constant 768 : i32
      %dma_wait3A_402 = tpu.memref_slice %arg11[%dma_wait3A_401] : memref<1024xf32, #tpu.memory_space<vmem>> -> memref<128xf32, #tpu.memory_space<vmem>>
      %dma_wait3A_403 = arith.constant 768 : i32
      %dma_wait3A_404 = tpu.memref_slice %arg8[%dma_wait3A_403] : memref<2048xi32, #tpu.memory_space<vmem>> -> memref<128xi32, #tpu.memory_space<vmem>>
      %dma_wait3A_405 = arith.constant 0 : i32
      %dma_wait3A_406 = tpu.memref_slice %arg4[%dma_wait3A_405] : memref<100000xf32, #tpu.memory_space<hbm>> -> memref<100000xf32, #tpu.memory_space<hbm>>
      tpu.wait_indirect_dma semaphore(%arg14 : memref<!tpu.dma_semaphore, #tpu.memory_space<semaphore_mem>>) src(%dma_wait3A_406 : memref<100000xf32, #tpu.memory_space<hbm>>) dst(%dma_wait3A_402 : memref<128xf32, #tpu.memory_space<vmem>>)
      %dma_wait3A_407 = arith.constant 896 : i32
      %dma_wait3A_408 = tpu.memref_slice %arg11[%dma_wait3A_407] : memref<1024xf32, #tpu.memory_space<vmem>> -> memref<128xf32, #tpu.memory_space<vmem>>
      %dma_wait3A_409 = arith.constant 896 : i32
      %dma_wait3A_410 = tpu.memref_slice %arg8[%dma_wait3A_409] : memref<2048xi32, #tpu.memory_space<vmem>> -> memref<128xi32, #tpu.memory_space<vmem>>
      %dma_wait3A_411 = arith.constant 0 : i32
      %dma_wait3A_412 = tpu.memref_slice %arg4[%dma_wait3A_411] : memref<100000xf32, #tpu.memory_space<hbm>> -> memref<100000xf32, #tpu.memory_space<hbm>>
      tpu.wait_indirect_dma semaphore(%arg14 : memref<!tpu.dma_semaphore, #tpu.memory_space<semaphore_mem>>) src(%dma_wait3A_412 : memref<100000xf32, #tpu.memory_space<hbm>>) dst(%dma_wait3A_408 : memref<128xf32, #tpu.memory_space<vmem>>)
    } else {
    }
    %dma_start3A_285 = arith.constant 0 : i32
    %dma_start3A_286 = tpu.memref_slice %arg6[%add3A_260, %dma_start3A_285] : memref<224x1024xf32, #tpu.memory_space<hbm>> -> memref<1x1024xf32, #tpu.memory_space<hbm>>
    %dma_start3A_287 = tpu.memref_squeeze %dma_start3A_286 : memref<1x1024xf32, #tpu.memory_space<hbm>> -> memref<1024xf32, #tpu.memory_space<hbm>>
    %dma_start3A_288 = arith.constant 0 : i32
    %dma_start3A_289 = tpu.memref_slice %arg6[%add3A_260, %dma_start3A_288] : memref<224x1024xf32, #tpu.memory_space<hbm>> -> memref<1x1024xf32, #tpu.memory_space<hbm>>
    %dma_start3A_290 = tpu.memref_squeeze %dma_start3A_289 : memref<1x1024xf32, #tpu.memory_space<hbm>> -> memref<1024xf32, #tpu.memory_space<hbm>>
    tpu.enqueue_dma source(%arg11 : memref<1024xf32, #tpu.memory_space<vmem>>) target(%dma_start3A_290 : memref<1024xf32, #tpu.memory_space<hbm>>) target_semaphore(%arg15 : memref<!tpu.dma_semaphore, #tpu.memory_space<semaphore_mem>>)
    %mul3A_291 = arith.constant 7 : i32
    %mul3A_292 = arith.muli %add3A, %mul3A_291 : i32
    %add3A_293 = arith.constant 5 : i32
    %add3A_294 = arith.addi %mul3A_292, %add3A_293 : i32
    %dma_wait3A_295 = arith.constant 0 : i32
    %dma_wait3A_296 = tpu.memref_slice %arg6[%add3A_294, %dma_wait3A_295] : memref<224x1024xf32, #tpu.memory_space<hbm>> -> memref<1x1024xf32, #tpu.memory_space<hbm>>
    %dma_wait3A_297 = tpu.memref_squeeze %dma_wait3A_296 : memref<1x1024xf32, #tpu.memory_space<hbm>> -> memref<1024xf32, #tpu.memory_space<hbm>>
    %dma_wait3A_298 = arith.constant 0 : i32
    %dma_wait3A_299 = tpu.memref_slice %arg6[%add3A_294, %dma_wait3A_298] : memref<224x1024xf32, #tpu.memory_space<hbm>> -> memref<1x1024xf32, #tpu.memory_space<hbm>>
    %dma_wait3A_300 = tpu.memref_squeeze %dma_wait3A_299 : memref<1x1024xf32, #tpu.memory_space<hbm>> -> memref<1024xf32, #tpu.memory_space<hbm>>
    tpu.wait_dma2 semaphore(%arg15 : memref<!tpu.dma_semaphore, #tpu.memory_space<semaphore_mem>>) src(%arg12 : memref<1024xf32, #tpu.memory_space<vmem>>) dst(%dma_wait3A_300 : memref<1024xf32, #tpu.memory_space<hbm>>)
    %mul3A_301 = arith.constant 7 : i32
    %mul3A_302 = arith.muli %add3A, %mul3A_301 : i32
    %add3A_303 = arith.constant 6 : i32
    %add3A_304 = arith.addi %mul3A_302, %add3A_303 : i32
    %dma_wait3A_305 = arith.constant 0 : i32
    %dma_wait3A_306 = tpu.memref_slice %arg6[%add3A_304, %dma_wait3A_305] : memref<224x1024xf32, #tpu.memory_space<hbm>> -> memref<1x1024xf32, #tpu.memory_space<hbm>>
    %dma_wait3A_307 = tpu.memref_squeeze %dma_wait3A_306 : memref<1x1024xf32, #tpu.memory_space<hbm>> -> memref<1024xf32, #tpu.memory_space<hbm>>
    %dma_wait3A_308 = arith.constant 0 : i32
    %dma_wait3A_309 = tpu.memref_slice %arg6[%add3A_304, %dma_wait3A_308] : memref<224x1024xf32, #tpu.memory_space<hbm>> -> memref<1x1024xf32, #tpu.memory_space<hbm>>
    %dma_wait3A_310 = tpu.memref_squeeze %dma_wait3A_309 : memref<1x1024xf32, #tpu.memory_space<hbm>> -> memref<1024xf32, #tpu.memory_space<hbm>>
    tpu.wait_dma2 semaphore(%arg15 : memref<!tpu.dma_semaphore, #tpu.memory_space<semaphore_mem>>) src(%arg11 : memref<1024xf32, #tpu.memory_space<vmem>>) dst(%dma_wait3A_310 : memref<1024xf32, #tpu.memory_space<hbm>>)
    "tpu.region"() ({
      %run_scoped3A = tpu.sem_alloc : memref<!tpu.dma_semaphore, #tpu.memory_space<semaphore_mem>>
      %dma_start3A_311 = arith.constant 0 : i32
      %dma_start3A_312 = tpu.memref_slice %arg5[%add3A, %dma_start3A_311] : memref<32x1024xi32, #tpu.memory_space<hbm>> -> memref<1x1024xi32, #tpu.memory_space<hbm>>
      %dma_start3A_313 = tpu.memref_squeeze %dma_start3A_312 : memref<1x1024xi32, #tpu.memory_space<hbm>> -> memref<1024xi32, #tpu.memory_space<hbm>>
      %dma_start3A_314 = arith.constant 0 : i32
      %dma_start3A_315 = tpu.memref_slice %arg5[%add3A, %dma_start3A_314] : memref<32x1024xi32, #tpu.memory_space<hbm>> -> memref<1x1024xi32, #tpu.memory_space<hbm>>
      %dma_start3A_316 = tpu.memref_squeeze %dma_start3A_315 : memref<1x1024xi32, #tpu.memory_space<hbm>> -> memref<1024xi32, #tpu.memory_space<hbm>>
      tpu.enqueue_dma source(%arg10 : memref<1024xi32, #tpu.memory_space<vmem>>) target(%dma_start3A_316 : memref<1024xi32, #tpu.memory_space<hbm>>) target_semaphore(%run_scoped3A : memref<!tpu.dma_semaphore, #tpu.memory_space<semaphore_mem>>)
      %dma_wait3A_317 = arith.constant 0 : i32
      %dma_wait3A_318 = tpu.memref_slice %arg5[%add3A, %dma_wait3A_317] : memref<32x1024xi32, #tpu.memory_space<hbm>> -> memref<1x1024xi32, #tpu.memory_space<hbm>>
      %dma_wait3A_319 = tpu.memref_squeeze %dma_wait3A_318 : memref<1x1024xi32, #tpu.memory_space<hbm>> -> memref<1024xi32, #tpu.memory_space<hbm>>
      %dma_wait3A_320 = arith.constant 0 : i32
      %dma_wait3A_321 = tpu.memref_slice %arg5[%add3A, %dma_wait3A_320] : memref<32x1024xi32, #tpu.memory_space<hbm>> -> memref<1x1024xi32, #tpu.memory_space<hbm>>
      %dma_wait3A_322 = tpu.memref_squeeze %dma_wait3A_321 : memref<1x1024xi32, #tpu.memory_space<hbm>> -> memref<1024xi32, #tpu.memory_space<hbm>>
      tpu.wait_dma2 semaphore(%run_scoped3A : memref<!tpu.dma_semaphore, #tpu.memory_space<semaphore_mem>>) src(%arg10 : memref<1024xi32, #tpu.memory_space<vmem>>) dst(%dma_wait3A_322 : memref<1024xi32, #tpu.memory_space<hbm>>)
      tpu.yield
    }) : () -> ()
    return
  }
}

module attributes {stable_mosaic.version = 14 : i64} {
  func.func @_finish_body(%arg0: memref<32x1024xi32, #tpu.memory_space<vmem>>, %arg1: memref<224x1024xf32, #tpu.memory_space<vmem>>, %arg2: memref<1x224xf32, #tpu.memory_space<vmem>>) attributes {dimension_semantics = [], scalar_prefetch = 0 : i64, scratch_operands = 0 : i64, tpu.core_type = #tpu.core_type<tc>} {
    %get3A = arith.constant 0 : index
    %get3A_0 = arith.constant 0 : index
    %get3A_1 = vector.load %arg0[%get3A, %get3A_0] : memref<32x1024xi32, #tpu.memory_space<vmem>>, vector<32x1024xi32>
    %and3A = arith.constant 65535 : i32
    %and3A_2 = vector.broadcast %and3A : i32 to vector<32x1024xi32>
    %and3A_3 = arith.andi %get3A_1, %and3A_2 : vector<32x1024xi32>
    %reduce_sum3A = arith.constant dense<0> : vector<1024xi32>
    %reduce_sum3A_4 = vector.multi_reduction <add>, %and3A_3, %reduce_sum3A [0] : vector<32x1024xi32> to vector<1024xi32>
    %convert_element_type3A = arith.sitofp %reduce_sum3A_4 : vector<1024xi32> to vector<1024xf32>
    %shift_right_arithmetic3A = arith.constant 16 : i32
    %shift_right_arithmetic3A_5 = vector.broadcast %shift_right_arithmetic3A : i32 to vector<32x1024xi32>
    %shift_right_arithmetic3A_6 = arith.shrsi %get3A_1, %shift_right_arithmetic3A_5 : vector<32x1024xi32>
    %reduce_sum3A_7 = arith.constant dense<0> : vector<1024xi32>
    %reduce_sum3A_8 = vector.multi_reduction <add>, %shift_right_arithmetic3A_6, %reduce_sum3A_7 [0] : vector<32x1024xi32> to vector<1024xi32>
    %convert_element_type3A_9 = arith.sitofp %reduce_sum3A_8 : vector<1024xi32> to vector<1024xf32>
    %add3A = arith.constant 8.000000e+00 : f32
    %add3A_10 = vector.broadcast %add3A : f32 to vector<1024xf32>
    %add3A_11 = arith.addf %add3A_10, %convert_element_type3A : vector<1024xf32>
    %div3A = arith.divf %convert_element_type3A, %add3A_11 : vector<1024xf32>
    %mul3A = arith.constant 1.200000e+00 : f32
    %mul3A_12 = vector.broadcast %mul3A : f32 to vector<1024xf32>
    %mul3A_13 = arith.mulf %mul3A_12, %convert_element_type3A_9 : vector<1024xf32>
    %add3A_14 = arith.constant 1.020000e+00 : f32
    %add3A_15 = vector.broadcast %add3A_14 : f32 to vector<1024xf32>
    %add3A_16 = arith.addf %convert_element_type3A_9, %add3A_15 : vector<1024xf32>
    %div3A_17 = arith.divf %mul3A_13, %add3A_16 : vector<1024xf32>
    %mul3A_18 = arith.mulf %div3A, %div3A_17 : vector<1024xf32>
    %get3A_19 = arith.constant 0 : index
    %get3A_20 = arith.constant 0 : index
    %get3A_21 = vector.load %arg1[%get3A_19, %get3A_20] : memref<224x1024xf32, #tpu.memory_space<vmem>>, vector<224x1024xf32>
    %sub3A = arith.constant 8.800000e+06 : f32
    %sub3A_22 = vector.broadcast %sub3A : f32 to vector<224x1024xf32>
    %sub3A_23 = arith.subf %sub3A_22, %get3A_21 : vector<224x1024xf32>
    %add3A_24 = arith.constant 5.000000e-01 : f32
    %add3A_25 = vector.broadcast %add3A_24 : f32 to vector<224x1024xf32>
    %add3A_26 = arith.addf %sub3A_23, %add3A_25 : vector<224x1024xf32>
    %add3A_27 = arith.constant 5.000000e-01 : f32
    %add3A_28 = vector.broadcast %add3A_27 : f32 to vector<224x1024xf32>
    %add3A_29 = arith.addf %get3A_21, %add3A_28 : vector<224x1024xf32>
    %div3A_30 = arith.divf %add3A_26, %add3A_29 : vector<224x1024xf32>
    %log3A = math.log %div3A_30 : vector<224x1024xf32>
    %log3A_31 = arith.constant 2.000000e+00 : f32
    %log3A_32 = math.log %log3A_31 : f32
    %div3A_33 = vector.broadcast %log3A_32 : f32 to vector<224x1024xf32>
    %div3A_34 = arith.divf %log3A, %div3A_33 : vector<224x1024xf32>
    %broadcast_in_dim3A = vector.shape_cast %mul3A_18 : vector<1024xf32> to vector<1x1024xf32>
    %mul3A_35 = vector.broadcast %broadcast_in_dim3A : vector<1x1024xf32> to vector<224x1024xf32>
    %mul3A_36 = arith.mulf %div3A_34, %mul3A_35 : vector<224x1024xf32>
    %reduce_sum3A_37 = arith.constant dense<0.000000e+00> : vector<224xf32>
    %reduce_sum3A_38 = vector.multi_reduction <add>, %mul3A_36, %reduce_sum3A_37 [1] : vector<224x1024xf32> to vector<224xf32>
    %neg3A = arith.constant 0.000000e+00 : f32
    %neg3A_39 = vector.broadcast %neg3A : f32 to vector<224xf32>
    %neg3A_40 = arith.subf %neg3A_39, %reduce_sum3A_38 : vector<224xf32>
    %exp3A = math.exp %neg3A_40 : vector<224xf32>
    %add3A_41 = arith.constant 1.000000e+00 : f32
    %add3A_42 = vector.broadcast %add3A_41 : f32 to vector<224xf32>
    %add3A_43 = arith.addf %add3A_42, %exp3A : vector<224xf32>
    %div3A_44 = arith.constant 1.000000e+00 : f32
    %div3A_45 = vector.broadcast %div3A_44 : f32 to vector<224xf32>
    %div3A_46 = arith.divf %div3A_45, %add3A_43 : vector<224xf32>
    %broadcast_in_dim3A_47 = vector.shape_cast %div3A_46 : vector<224xf32> to vector<1x224xf32>
    %swap3A = arith.constant 0 : index
    %swap3A_48 = arith.constant 0 : index
    %swap3A_49 = vector.load %arg2[%swap3A, %swap3A_48] : memref<1x224xf32, #tpu.memory_space<vmem>>, vector<1x224xf32>
    tpu.vector_store %arg2[%swap3A, %swap3A_48], %broadcast_in_dim3A_47 {strides = array<i32>} : memref<1x224xf32, #tpu.memory_space<vmem>>, vector<1x224xf32>,
    return
  }
}

</mosaic_0001>

<sc_bundles>
// kernel: kernel.4.cloned.1.call-start
scs
__scs_entry_jumppad:
0x0: {  	(pc) =	sbr.rel $0x88, $3  }
0x1: {  	(tag) =	ssettag $0x0;
	lr =	simm.s32 $0x1  }
0x2: {  	[smem:$0x3F9F] =	sst lr;
	_ =	strace $0xD0000000  }
0x3: {  	_ = 	snop  }
0x4: {  	_ = 	snop  }
0x5: {  	_ = 	snop  }
0x6: {  	_ = 	snop  }
0x7: {  	_ = 	snop  }
__scs_overlays_trampoline_lowered:
0x8: {  	[smem:$0x3FAE] =	sst s0  }
0x9: {  	[smem:$0x3FAF] =	sst s1  }
0xa: {  	[smem:$0x3FB0] =	sst s2  }
0xb: {  	[smem:$0x3FB1] =	sst s3  }
0xc: {  	[smem:$0x3FB2] =	sst s4  }
0xd: {  	[smem:$0x3FB3] =	sst s5  }
0xe: {  	[smem:$0x3FB4] =	sst s6  }
0xf: {  	[smem:$0x3FB5] =	sst s7  }
0x10: {  	[smem:$0x3FB6] =	sst s8  }
0x11: {  	[smem:$0x3FB7] =	sst s9;
	s0 =	simm.s32 @!p0 $0x0  }
0x12: {  	s1 =	sld [smem:$0x3F9D];
	s0 =	simm.s32 @p0 $0x1  }
0x13: {  	[smem:$0x3FB8] =	sst s0;
	s0 =	simm.s32 @!p1 $0x0  }
0x14: {  	s2 =	sld [smem:$0x3F9C];
	s0 =	simm.s32 @p1 $0x1  }
0x15: {  	[smem:$0x3FB9] =	sst s0;
	s0 =	simm.s32 @!p2 $0x0  }
0x16: {  	s3 =	sld [smem:$0x3FDB];
	s0 =	simm.s32 @p2 $0x1  }
0x17: {  	s4 =	simm.s32 $0x1BF5;
	[smem:$0x3FBB] =	sst s0  }
0x18: {  	s0 =	sld [smem:$0x3F9E];
	_ =	swait.ge [sflag:s4], $0x0  }
0x19: {  	s7 =	sld [smem:$0x3F9F]  }
0x1a: {  	s8 =	sadd.s32 $0xFFFFE003, lr  }
0x1b: {  	s9 =	sadd.s32 $0xFFFFFEF7, lr;
	s5 =	simm.s32 $0xFFFFFFFF;
	p2 =	slt.u32 s8, $0xFFFFF086  }
0x1c: {  	p1 =	slt.u32 s9, $0xF7A;
	s5 =	simm.s32 @!p2 $0x0  }
0x1d: {  	s5 =	simm.s32 @p1 $0x1;
	p0 =	seq.s32 s7, s2  }
0x1e: {  	s7 =	smul.u32 @!p0 $0xF7A, s2;
	p2 =	seq.s32 @!p0 s5, $0x0  }
0x1f: {  	s9 =	smul.u32 $0xF7A, s1;
	s8 =	simm.s32 @!p0 $0x1BF5;
	p2 =	por !p2, p0  }
0x20: {  	[sflag:s8] =	ssyncset.s32 @!p0 $0xFFFFF086;
	s6 =	sadd.s32 @!p0 s3, s7;
	s7 =	simm.s32 @!p0 $0x108  }
0x21: {  	s3 =	sadd.s32 s3, s9;
	s6 =	sadd.s32 @!p0 $0x88, s6;
	s7 =	simm.s32 @p2 $0x1082  }
0x22: {  	[simem:s7], [sflag:s8] =	dma.local @!p0 [hbm:s6], $0xF7A  }
0x23: {  	s9 =	sor.u32 $0xD0000000, s2;
	s6 =	simm.s32 $0x108;
	_ =	swait.ge @!p0 [sflag:s8], $0x0  }
0x24: {  	s3 =	sadd.s32 $0x88, s3;
	s6 =	simm.s32 @!p1 $0x1082;
	[sflag:s4] =	ssyncset.s32 $0xFFFFF086  }
0x25: {  	[simem:s6], [sflag:s4] =	dma.local [hbm:s3], $0xF7A  }
0x26: {  	[smem:$0x3F9F] =	sst s1;
	(tag) =	ssettag s2;
	_ =	strace s9  }
0x27: {  	s1 =	sld [smem:$0x3FAF]  }
0x28: {  	s2 =	sld [smem:$0x3FB0]  }
0x29: {  	s4 =	sld [smem:$0x3FB2]  }
0x2a: {  	p0 =	seq.s32 s5, $0x0;
	s5 =	sld [smem:$0x3FB3]  }
0x2b: {  	s6 =	sld [smem:$0x3FB4]  }
0x2c: {  	s7 =	sld [smem:$0x3FB5]  }
0x2d: {  	s3 =	simm.s32 $0x108;
	s8 =	sld [smem:$0x3FB6]  }
0x2e: {  	s3 =	simm.s32 @!p0 $0x1082;
	s9 =	sld [smem:$0x3FB7]  }
0x2f: {  	lr =	sadd.s32 s0, s3;
	s0 =	sld [smem:$0x3FAE]  }
0x30: {  	s3 =	sld [smem:$0x3FB1]  }
0x31: {  	[smem:$0x3FBA] =	sst s10  }
0x32: {  	s10 =	sld [smem:$0x3FB8];
	_ =	sdelay $0x3  }
0x33: {  	p0 =	seq.s32 s10, $0x1;
	s10 =	sld [smem:$0x3FBA];
	_ =	sdelay $0x3  }
0x34: {  	[smem:$0x3FBA] =	sst s10  }
0x35: {  	s10 =	sld [smem:$0x3FB9];
	_ =	sdelay $0x3  }
0x36: {  	p1 =	seq.s32 s10, $0x1;
	s10 =	sld [smem:$0x3FBA];
	_ =	sdelay $0x3  }
0x37: {  	[smem:$0x3FBA] =	sst s10  }
0x38: {  	s10 =	sld [smem:$0x3FBB]  }
0x39: {  	_ = 	snop;
	(pc) =	sbr.ind lr, $3  }
0x3a: {  	_ = 	snop  }
0x3b: {  	_ = 	snop  }
0x3c: {  	p2 =	seq.s32 s10, $0x1;
	s10 =	sld [smem:$0x3FBA]  }
0x3d: {  	_ =	shalt  }
0x3e: {  	_ =	shalt  }
0x3f: {  	_ =	shalt  }
0x40: {  	_ =	shalt  }
0x41: {  	_ =	shalt  }
0x42: {  	_ =	shalt  }
0x43: {  	_ =	shalt  }
0x44: {  	_ =	shalt  }
0x45: {  	_ =	shalt  }
0x46: {  	_ =	shalt  }
0x47: {  	_ =	shalt  }
0x48: {  	_ =	shalt  }
0x49: {  	_ =	shalt  }
0x4a: {  	_ =	shalt  }
0x4b: {  	_ =	shalt  }
0x4c: {  	_ =	shalt  }
0x4d: {  	_ =	shalt  }
0x4e: {  	_ =	shalt  }
0x4f: {  	_ =	shalt  }
0x50: {  	_ =	shalt  }
0x51: {  	_ =	shalt  }
0x52: {  	_ =	shalt  }
0x53: {  	_ =	shalt  }
0x54: {  	_ =	shalt  }
0x55: {  	_ =	shalt  }
0x56: {  	_ =	shalt  }
0x57: {  	_ =	shalt  }
0x58: {  	_ =	shalt  }
0x59: {  	_ =	shalt  }
0x5a: {  	_ =	shalt  }
0x5b: {  	_ =	shalt  }
0x5c: {  	_ =	shalt  }
0x5d: {  	_ =	shalt  }
0x5e: {  	_ =	shalt  }
0x5f: {  	_ =	shalt  }
0x60: {  	_ =	shalt  }
0x61: {  	_ =	shalt  }
0x62: {  	_ =	shalt  }
0x63: {  	_ =	shalt  }
0x64: {  	_ =	shalt  }
0x65: {  	_ =	shalt  }
0x66: {  	_ =	shalt  }
0x67: {  	_ =	shalt  }
0x68: {  	_ =	shalt  }
0x69: {  	_ =	shalt  }
0x6a: {  	_ =	shalt  }
0x6b: {  	_ =	shalt  }
0x6c: {  	_ =	shalt  }
0x6d: {  	_ =	shalt  }
0x6e: {  	_ =	shalt  }
0x6f: {  	_ =	shalt  }
0x70: {  	_ =	shalt  }
0x71: {  	_ =	shalt  }
0x72: {  	_ =	shalt  }
0x73: {  	_ =	shalt  }
0x74: {  	_ =	shalt  }
0x75: {  	_ =	shalt  }
0x76: {  	_ =	shalt  }
0x77: {  	_ =	shalt  }
0x78: {  	_ =	shalt  }
0x79: {  	_ =	shalt  }
0x7a: {  	_ =	shalt  }
0x7b: {  	_ =	shalt  }
0x7c: {  	_ =	shalt  }
0x7d: {  	_ =	shalt  }
0x7e: {  	_ =	shalt  }
0x7f: {  	_ =	shalt  }
0x80: {  	_ =	shalt  }
0x81: {  	_ =	shalt  }
0x82: {  	_ =	shalt  }
0x83: {  	_ =	shalt  }
0x84: {  	_ =	shalt  }
0x85: {  	_ =	shalt  }
0x86: {  	_ =	shalt  }
0x87: {  	_ =	shalt  }
.Lfunc_end0:
.L_simem_size_0:
called_computation_lowered:
.L_overlay_start_0:
0x88: {  	s2 =	sld [smem:$0x3FD9]  }
0x89: {  	s3 =	sld [smem:$0x3FFE];
	_ =	sdelay $0x1  }
0x8a: {  	s1 =	srdreg.scid  }
0x8b: {  	s0 =	sand.u32 $0x1, s1  }
0x8c: {  	s17 =	sshll.u32 s0, $0xA;
	s2 =	sadd.s32 s3, s2  }
0x8d: {  	s2 =	sadd.s32 s2, s17  }
0x8e: {  	[smem:$0x3FC6] =	sst s2  }
0x8f: {  	_ = 	snop  }
0x90: {  	s2 =	sld [smem:$0x3FC8];
	(tm) =	ssettm $0x1  }
0x91: {  	s18 =	sld [smem:$0x3FFB];
	_ =	sdelay $0x3  }
0x92: {  	_ =	strace s18  }
0x93: {  	s3 =	sld [smem:$0x3FFC];
	_ =	sdelay $0x3  }
0x94: {  	_ =	strace s3  }
0x95: {  	s3 =	sld [smem:$0x3FFD];
	_ =	sdelay $0x3  }
0x96: {  	_ =	strace s3  }
0x97: {  	_ =	strace $0x8FFFFFFF  }
0x98: {  	s19 =	sld [smem:$0x3FDB];
	_ =	sdelay $0x1  }
0x99: {  	s4 =	simm.s32 $_scs_section_size  }
0x9a: {  	s5 =	simm.s32 $_size__tile_overlayer_lowered;
	s6 =	simm.s32 $_tile_overlayer_lowered  }
0x9b: {  	s22 =	simm.s32 $0x1BFF;
	s21 =	sshll.u32 s6, $0x1;
	s3 =	sadd.s32 s4, s19  }
0x9c: {  	s7 =	simm.s32 $0x0;
	s20 =	sshll.u32 s5, $0x1;
	s5 =	sadd.s32 s21, s3  }
0x9d: {  	[timem:s7], [sflag:s22] =	dma.local [hbm:s5], s20  }
0x9e: {  	_ =	swait.ge [sflag:s22], s20  }
0x9f: {  	s4 =	ssub.s32 $0x0, s20;
	[sflag:s22] =	ssyncset.done $0x0  }
0xa0: {  	[sflag:s22] =	ssyncadd.s32 s4;
	_ =	sdelay $0x1  }
0xa1: {  	s23 =	simm.s32 $0x1B8B  }
0xa2: {  	_ =	swait.ge [sflag:s23], $0x1  }
0xa3: {  	[sflag:s23] =	ssyncset.done $0x0  }
0xa4: {  	s25 =	simm.s32 $0x1B8E;
	s24 =	sld [smem:$0x3FFE];
	[sflag:s23] =	ssyncadd.s32 $0xFFFFFFFF  }
0xa5: {  	s26 =	simm.s32 $execute0_lowered;
	[smem:$0x3FD2] =	sst s25  }
0xa6: {  	s5 =	sshll.u32 s26, $0x1;
	_ =	strace $0x80000046;
	[dreg:$0x1] =	wrdreg $0xFFFFFFFF  }
0xa7: {  	s28 =	simm.s32 $_size_execute0_lowered;
	s3 =	sadd.s32 s3, s5;
	[dreg:$0x0] =	wrdreg $0x0  }
0xa8: {  	s5 =	sshll.u32 s28, $0x1;
	[dreg:$0x2] =	wrdreg s3  }
0xa9: {  	[dreg:$0x3] =	wrdreg s5  }
0xaa: {  	[dreg:$0x4] =	wrdreg $0xC0  }
0xab: {  	_ =	task [dreg:s7], $0x5FFFF  }
0xac: {  	[dreg:$0x1] =	wrdreg $0xFFFFFFFF  }
0xad: {  	[dreg:$0x0] =	wrdreg $0x60  }
0xae: {  	[dreg:$0x2] =	wrdreg s24  }
0xaf: {  	[dreg:$0x3] =	wrdreg s2  }
0xb0: {  	[dreg:$0x4] =	wrdreg $0x9  }
0xb1: {  	_ =	task.clear_ibuf [dreg:s7], $0x5FFFF;
	_ =	strace $0x90000046  }
0xb2: {  	s29 =	simm.s32 $0x9;
	_ =	strace $0x80000048  }
0xb3: {  	_ =	swait.ge [sflag:s29], $0x1  }
0xb4: {  	[sflag:s29] =	ssyncadd.s32 $0xFFFFFFFF  }
0xb5: {  	_ =	strace $0x90000048  }
0xb6: {  	_ =	sfence  }
0xb7: {  	s30 =	sld [smem:$0x0];
	_ =	sdelay $0x2  }
0xb8: {  	s31 =	sshll.u32 s1, $0xD;
	s1 =	sshrl.u32 s1, $0x2  }
0xb9: {  	s3 =	sand.u32 $0x4000, s31;
	s1 =	sadd.s32 s1, s30  }
0xba: {  	s0 =	sor.u32 s3, s0;
	s1 =	sshll.u32 s1, $0x11  }
0xbb: {  	s0 =	sor.u32 s1, s0  }
0xbc: {  	s0 =	sadd.s32 $0x8F2B, s0  }
0xbd: {  	[sflag:s0] =	ssyncadd.remote.s32 $0x1  }
0xbe: {  	_ =	sfence.sel $0xFFFF  }
0xbf: {  	[dreg:$0x0] =	wrdreg $0xFFFFFFFF;
	(pc) =	sbr.abs _section_cstart, $3  }
0xc0: {  	[dreg:$0x1] =	wrdreg $0xFFFFFFFF  }
0xc1: {  	_ =	task.clear_ibuf [dreg:s7], $0x2FFFF;
	_ =	strace $0x9FFFFFFF  }
0xc2: {  	(tm) =	ssettm $0x7FFFFFFF  }
0xc3: {  	_ =	shalt  }
tec
execute0_lowered:
.L_overlay_start_1:
0x0: {  	(tag) =	ssettag $0x1  }
0x1: {  	s28 =	stileid.u32  }
0x2: {  	s0 =	srdreg.scid;
	s4 =	rddreg [dreg:$0x0]  }
0x3: {  	s29 =	simm.s32 $0x80;
	s30 =	simm.s32 $0x400;
	s31 =	simm.s32 $0x19000  }
0x4: {  	s1 =	sand.u32 $0x1, s0;
	s23 =	sshll.u32 s28, $0x1;
	s3 =	sshll.u32 s28, $0x8  }
0x5: {  	p2 =	sgt.u32 s28, $0xD;
	p3 =	slt.u32 s28, $0xE;
	s0 =	sor.u32 s1, s23  }
0x6: {  	s28 =	simm.s32 $0x1;
	s1 =	ssub.s32 $0x2, s1;
	s2 =	smul.u32 $0x7, s0  }
0x7: {  	s8 =	sand.u32 $0xC00, s3;
	s3 =	sadd.s32 $0xD600, s4;
	s5 =	smul.u32 $0x1C00, s0  }
0x8: {  	s6 =	sshrl.u32 s1, $0x1;
	s7 =	smul.u32 $0x380, s0;
	s8 =	sadd.s32 s8, s4  }
0x9: {  	p0 =	sgt.u32 s0, $0x1C;
	p1 =	slt.u32 s0, $0x1D;
	s1 =	ssub.s32 s1, s6  }
0xa: {  	s5 =	sand.u32 $0x3E000, s5;
	s24 =	sand.u32 $0x380, s7;
	s25 =	sadd.s32 $0x1, s2  }
0xb: {  	s11 =	sadd.s32 $0x2, s2;
	s14 =	sadd.s32 $0x3, s2;
	s17 =	sadd.s32 $0x4, s2  }
0xc: {  	s18 =	sadd.s32 $0x5, s2;
	s5 =	sor.u32 s24, s5;
	s26 =	sshll.u32 s25, $0x7  }
0xd: {  	s9 =	sshll.u32 s25, $0x4;
	s12 =	sshll.u32 s11, $0x4;
	s15 =	sshll.u32 s14, $0x4  }
0xe: {  	s23 =	sshll.u32 s17, $0x7;
	s17 =	sshll.u32 s17, $0x4;
	s20 =	sshll.u32 s18, $0x7  }
0xf: {  	s21 =	sshll.u32 s18, $0x4;
	s7 =	sshll.u32 s25, $0xA;
	s18 =	sshll.u32 s18, $0xA  }
0x10: {  	s10 =	sand.u32 $0xFC00, s26;
	s9 =	sand.u32 $0x70, s9;
	s12 =	sand.u32 $0x70, s12  }
0x11: {  	s15 =	sand.u32 $0x70, s15;
	s17 =	sand.u32 $0x70, s17;
	s22 =	sand.u32 $0xFC00, s20  }
0x12: {  	s21 =	sand.u32 $0x70, s21;
	s9 =	sor.u32 s9, s10;
	s10 =	sshll.u32 s11, $0x7  }
0x13: {  	s7 =	sand.u32 $0x7E000, s7;
	s6 =	sand.u32 $0x380, s26;
	s13 =	sand.u32 $0xFC00, s10  }
0x14: {  	s5 =	sshrl.u32 s5, $0x3;
	s12 =	sor.u32 s12, s13;
	s13 =	sshll.u32 s14, $0x7  }
0x15: {  	s21 =	sor.u32 s21, s22;
	s6 =	sor.u32 s6, s7;
	s16 =	sand.u32 $0xFC00, s13  }
0x16: {  	s14 =	sshll.u32 s14, $0xA;
	s15 =	sor.u32 s15, s16;
	s16 =	sand.u32 $0xFC00, s23  }
0x17: {  	s23 =	sadd.s32 $0x6, s2;
	s19 =	sor.u32 s17, s16;
	s17 =	sadd.s32 s3, s17  }
0x18: {  	s22 =	sshll.u32 s23, $0x7;
	s2 =	sshll.u32 s23, $0x4;
	s16 =	sadd.s32 s16, s17  }
0x19: {  	s24 =	sand.u32 $0xFC00, s22;
	s2 =	sand.u32 $0x70, s2;
	[dreg:$0x3] =	wrdreg s16  }
0x1a: {  	s16 =	sor.u32 s2, s24;
	s24 =	sshll.u32 s0, $0x4;
	s2 =	simm.s32 $0x0  }
0x1b: {  	s0 =	simm.s32 $0x18800;
	s17 =	sand.u32 $0x70, s24;
	[smem:$0x7FF] =	sst s2  }
0x1c: {  	s8 =	sadd.s32 s17, s8;
	s17 =	sadd.s32 $0x7200, s4;
	s4 =	sadd.s32 $0xE00, s4  }
0x1d: {  	s24 =	sand.u32 $0x7E000, s14;
	s25 =	sadd.s32 s17, s9;
	s26 =	sadd.s32 s4, s9  }
0x1e: {  	s9 =	sshll.u32 s11, $0xA;
	s11 =	sand.u32 $0x380, s10;
	s14 =	sadd.s32 s17, s15  }
0x1f: {  	s15 =	sadd.s32 s4, s15;
	s10 =	sadd.s32 s4, s19;
	[dreg:$0x4] =	wrdreg s25  }
0x20: {  	[dreg:$0x5] =	wrdreg s26;
	s7 =	sand.u32 $0x7E000, s9;
	s25 =	sand.u32 $0x380, s13  }
0x21: {  	s26 =	sadd.s32 s17, s12;
	s13 =	sadd.s32 s4, s12;
	[dreg:$0x8] =	wrdreg s14  }
0x22: {  	[dreg:$0x9] =	wrdreg s15;
	s9 =	sand.u32 $0x7E000, s18;
	s15 =	sand.u32 $0x380, s22  }
0x23: {  	s18 =	sadd.s32 s17, s21;
	s22 =	sshrl.u32 s6, $0x3;
	[dreg:$0x6] =	wrdreg s26  }
0x24: {  	s6 =	simm.s32 $0x2;
	s7 =	sor.u32 s11, s7;
	[dreg:$0x7] =	wrdreg s13  }
0x25: {  	s11 =	sor.u32 s25, s24;
	s24 =	sand.u32 $0x380, s20;
	s25 =	sshll.u32 s23, $0xA  }
0x26: {  	[dreg:$0xa] =	wrdreg s18;
	s13 =	sadd.s32 s17, s5;
	s20 =	sadd.s32 s17, s16  }
0x27: {  	s18 =	sadd.s32 s3, s22;
	s26 =	sor.u32 s24, s9;
	s12 =	sand.u32 $0x7E000, s25  }
0x28: {  	s9 =	sadd.s32 s17, s19;
	s19 =	sadd.s32 s4, s21;
	[dreg:$0xc] =	wrdreg s20  }
0x29: {  	s21 =	sadd.s32 s4, s16;
	s16 =	sadd.s32 s4, s5;
	s17 =	sadd.s32 s3, s5  }
0x2a: {  	s23 =	sshrl.u32 s7, $0x3;
	s24 =	sshrl.u32 s11, $0x3;
	s7 =	simm.s32 $0x1A000  }
0x2b: {  	s11 =	simm.s32 $0x4;
	s12 =	sor.u32 s15, s12;
	[dreg:$0xb] =	wrdreg s19  }
.Ltmp0:
0x2c: {  	[dreg:$0xd] =	wrdreg s21;
	s19 =	sadd.s32 s3, s23;
	(pc) =	sbr.rel .LBB2_1-.Ltmp0, $4  }
0x2d: {  	s20 =	sadd.s32 s3, s24;
	s25 =	sshrl.u32 s26, $0x3;
	s24 =	rddreg [dreg:$0x1]  }
0x2e: {  	s26 =	sshrl.u32 s12, $0x3;
	s22 =	sadd.s32 s3, s25;
	_ =	strace $0x80000047  }
0x2f: {  	v0 =	vimm.s32 $0x0;
	s25 =	sadd.s32 $0x14600, s8;
	s8 =	simm.s32 $0x3;
	s12 =	simm.s32 $0x0  }
0x30: {  	v1 =	vimm.f32 $0.0e+00;
	v2 =	vimm.s32 $0x1;
	v3 =	vimm.s32 $0xFFFFFFFF;
	s23 =	sadd.s32 s3, s26;
	s26 =	smax.u32 s1, $0x1;
	s3 =	simm.s32 $0x19C00  }
.LBB2_61:
0x31: {  	_ =	swait.ge [sflag:s8], $0x400  }
0x32: {  	[sflag:s8] =	ssyncset.done $0x0  }
0x33: {  	[sflag:s8] =	ssyncadd.s32 $0xFFFFFC00  }
.LBB2_62:
0x34: {  	[hbm4b:s23+s29] =	stream.strided.scatter [tilespmem:s3], [sflag:$0x3], $0x400, s30, s29, $0x38;
	[tilespmem:$0x1A400] =	vst v63  }
0x35: {  	_ =	swait.ge [sflag:s8], $0x400  }
0x36: {  	[sflag:s8] =	ssyncset.done $0x0  }
0x37: {  	[sflag:s8] =	ssyncadd.s32 $0xFFFFFC00  }
0x38: {  	s12 =	sadd.s32 $0x1, s12;
	_ =	swait.ge [sflag:s8], $0x400  }
0x39: {  	p4 =	sne.s32 s12, s26;
	[sflag:s8] =	ssyncset.done $0x0  }
.Ltmp1:
0x3a: {  	s1 =	simm.s32 $0x19800;
	[sflag:s8] =	ssyncadd.s32 $0xFFFFFC00;
	(pc) =	sbr.rel @!p4 .LBB2_63-.Ltmp1, $4  }
0x3b: {  	[hbm4b:s25+s29] =	stream.strided.scatter [tilespmem:s1], [sflag:$0x4], $0x400, s30, s29, $0x38;
	[tilespmem:$0x1A400] =	vst v63  }
0x3c: {  	_ =	swait.ge [sflag:s11], $0x400  }
0x3d: {  	[sflag:s11] =	ssyncset.done $0x0  }
0x3e: {  	[sflag:s11] =	ssyncadd.s32 $0xFFFFFC00  }
.LBB2_1:
0x3f: {  	s1 =	simm.s32 @!p0 $0x80;
	s4 =	simm.s32 @!p0 $0x400;
	s14 =	simm.s32 @!p0 $0x18800  }
0x40: {  	[tilespmem:s14], [sflag:$0x1] =	stream.strided.gather @!p0 [hbm4b:s13+s1], $0x400, s4, s1, $0x38;
	[tilespmem:$0x1A400] =	vst v63  }
0x41: {  	s14 =	simm.s32 @!p0 $0x18C00  }
0x42: {  	[tilespmem:s14], [sflag:$0x1] =	stream.strided.gather @!p0 [hbm4b:s16+s1], $0x400, s4, s1, $0x38;
	[tilespmem:$0x1A400] =	vst v63  }
0x43: {  	[tilespmem:s29+$0xFFFFFF80] =	vst v0  }
0x44: {  	[tilespmem:s29+$0x70] =	vst v0  }
0x45: {  	[tilespmem:s29+$0x60] =	vst v0  }
0x46: {  	[tilespmem:s29+$0x50] =	vst v0  }
0x47: {  	[tilespmem:s29+$0x40] =	vst v0  }
0x48: {  	[tilespmem:s29+$0x30] =	vst v0  }
0x49: {  	[tilespmem:s29+$0x20] =	vst v0  }
0x4a: {  	[tilespmem:s29+$0x10] =	vst v0  }
0x4b: {  	[tilespmem:s29+$0x0] =	vst v0  }
0x4c: {  	[tilespmem:s29+$0xFFFFFFF0] =	vst v0  }
0x4d: {  	[tilespmem:s29+$0xFFFFFFE0] =	vst v0  }
0x4e: {  	[tilespmem:s29+$0xFFFFFFD0] =	vst v0  }
0x4f: {  	[tilespmem:s29+$0xFFFFFFC0] =	vst v0  }
0x50: {  	s15 =	simm.s32 $0x0;
	s21 =	simm.s32 $0x80;
	[tilespmem:s29+$0xFFFFFFB0] =	vst v0  }
0x51: {  	s1 =	simm.s32 $0x19840;
	s14 =	simm.s32 $0x19C40;
	s4 =	simm.s32 $0x1A040;
	[tilespmem:s29+$0xFFFFFFA0] =	vst v0  }
.LBB2_2:
0x52: {  	s15 =	sadd.s32 $0x10, s15;
	[tilespmem:s21+$0xFFFFFF90] =	vst v0;
	s21 =	sadd.s32 $0x100, s21  }
0x53: {  	[tilespmem:s21+$0xFFFFFF80] =	vst v0;
	p4 =	slt.u32 s15, $0x1870  }
0x54: {  	[tilespmem:s21+$0x70] =	vst v0  }
0x55: {  	[tilespmem:s21+$0x60] =	vst v0  }
0x56: {  	[tilespmem:s21+$0x50] =	vst v0  }
0x57: {  	[tilespmem:s21+$0x40] =	vst v0  }
0x58: {  	[tilespmem:s21+$0x30] =	vst v0  }
0x59: {  	[tilespmem:s21+$0x20] =	vst v0  }
0x5a: {  	[tilespmem:s21+$0x10] =	vst v0  }
0x5b: {  	[tilespmem:s21+$0x0] =	vst v0  }
0x5c: {  	[tilespmem:s21+$0xFFFFFFF0] =	vst v0  }
.Ltmp2:
0x5d: {  	[tilespmem:s21+$0xFFFFFFE0] =	vst v0;
	(pc) =	sbr.rel @p4 .LBB2_2-.Ltmp2, $4  }
0x5e: {  	[tilespmem:s21+$0xFFFFFFD0] =	vst v0  }
0x5f: {  	[tilespmem:s21+$0xFFFFFFC0] =	vst v0  }
0x60: {  	[tilespmem:s21+$0xFFFFFFB0] =	vst v0  }
0x61: {  	[tilespmem:s21+$0xFFFFFFA0] =	vst v0  }
0x62: {  	[tilespmem:s21+$0xFFFFFF90] =	vst v0  }
0x63: {  	[tilespmem:s1+$0xFFFFFFD0] =	vst v0  }
0x64: {  	[tilespmem:s1+$0x0] =	vst v0  }
0x65: {  	[tilespmem:s1+$0xFFFFFFC0] =	vst v0  }
0x66: {  	[tilespmem:s1+$0x30] =	vst v0  }
0x67: {  	[tilespmem:s1+$0xFFFFFFF0] =	vst v0  }
0x68: {  	[tilespmem:s1+$0xFFFFFFE0] =	vst v0  }
0x69: {  	[tilespmem:s1+$0x10] =	vst v0  }
0x6a: {  	[tilespmem:s1+$0x20] =	vst v0  }
0x6b: {  	[tilespmem:s14+$0xFFFFFFC0] =	vst v1  }
0x6c: {  	[tilespmem:s14+$0x30] =	vst v1  }
0x6d: {  	[tilespmem:s14+$0x0] =	vst v1  }
0x6e: {  	[tilespmem:s14+$0x20] =	vst v1  }
0x6f: {  	[tilespmem:s14+$0x10] =	vst v1  }
0x70: {  	[tilespmem:s14+$0xFFFFFFD0] =	vst v1  }
0x71: {  	[tilespmem:s14+$0xFFFFFFE0] =	vst v1  }
0x72: {  	[tilespmem:s14+$0xFFFFFFF0] =	vst v1  }
0x73: {  	[tilespmem:s4+$0xFFFFFFC0] =	vst v1  }
0x74: {  	[tilespmem:s4+$0x30] =	vst v1  }
0x75: {  	[tilespmem:s4+$0x20] =	vst v1  }
0x76: {  	[tilespmem:s4+$0x10] =	vst v1  }
0x77: {  	s15 =	simm.s32 $0x0;
	s21 =	simm.s32 $0x1A0C0;
	[tilespmem:s4+$0xFFFFFFD0] =	vst v1  }
.LBB2_4:
0x78: {  	s15 =	sadd.s32 $0x8, s15;
	[tilespmem:s4+$0xFFFFFFE0] =	vst v1;
	s1 =	sadd.s32 $0x80, s1;
	s14 =	sadd.s32 $0x80, s14  }
0x79: {  	p4 =	slt.u32 s15, $0x38;
	[tilespmem:s4+$0x0] =	vst v1  }
0x7a: {  	[tilespmem:s4+$0xFFFFFFF0] =	vst v1;
	s4 =	smov.u32 s21  }
0x7b: {  	[tilespmem:s1+$0xFFFFFFD0] =	vst v0  }
0x7c: {  	[tilespmem:s1+$0x0] =	vst v0  }
0x7d: {  	[tilespmem:s1+$0xFFFFFFC0] =	vst v0  }
0x7e: {  	[tilespmem:s14+$0xFFFFFFC0] =	vst v1  }
0x7f: {  	[tilespmem:s21+$0xFFFFFFC0] =	vst v1  }
0x80: {  	[tilespmem:s1+$0x30] =	vst v0  }
0x81: {  	[tilespmem:s14+$0x30] =	vst v1  }
0x82: {  	[tilespmem:s21+$0x30] =	vst v1  }
0x83: {  	[tilespmem:s14+$0x0] =	vst v1  }
0x84: {  	[tilespmem:s1+$0xFFFFFFF0] =	vst v0  }
0x85: {  	[tilespmem:s1+$0xFFFFFFE0] =	vst v0  }
0x86: {  	[tilespmem:s1+$0x10] =	vst v0  }
0x87: {  	[tilespmem:s1+$0x20] =	vst v0  }
0x88: {  	[tilespmem:s14+$0x20] =	vst v1  }
0x89: {  	[tilespmem:s21+$0x20] =	vst v1  }
0x8a: {  	[tilespmem:s14+$0x10] =	vst v1  }
.Ltmp3:
0x8b: {  	[tilespmem:s21+$0x10] =	vst v1;
	(pc) =	sbr.rel @p4 .LBB2_4-.Ltmp3, $4  }
0x8c: {  	[tilespmem:s14+$0xFFFFFFD0] =	vst v1  }
0x8d: {  	[tilespmem:s14+$0xFFFFFFE0] =	vst v1  }
0x8e: {  	[tilespmem:s21+$0xFFFFFFD0] =	vst v1  }
0x8f: {  	s21 =	sadd.s32 $0x80, s21;
	[tilespmem:s14+$0xFFFFFFF0] =	vst v1  }
.Ltmp4:
0x90: {  	(pc) =	sbr.rel @p0 .LBB2_19-.Ltmp4, $4  }
0x91: {  	_ = 	snop  }
0x92: {  	[tilespmem:s4+$0xFFFFFFE0] =	vst v1  }
0x93: {  	[tilespmem:s4+$0x0] =	vst v1  }
0x94: {  	[tilespmem:s4+$0xFFFFFFF0] =	vst v1  }
0x95: {  	_ =	swait.ge [sflag:s28], $0x400  }
0x96: {  	[sflag:s28] =	ssyncset.done $0x0  }
0x97: {  	[sflag:s28] =	ssyncadd.s32 $0xFFFFFC00  }
0x98: {  	_ =	swait.ge [sflag:s28], $0x400  }
0x99: {  	[sflag:s28] =	ssyncset.done $0x0  }
0x9a: {  	s1 =	rddreg [dreg:$0x4];
	[sflag:s28] =	ssyncadd.s32 $0xFFFFFC00  }
0x9b: {  	[tilespmem:s31], [sflag:$0x1] =	stream.strided.gather [hbm4b:s1+s29], $0x400, s30, s29, $0x38;
	[tilespmem:$0x1A400] =	vst v63  }
0x9c: {  	s4 =	simm.s32 $0x19400;
	s14 =	rddreg [dreg:$0x5]  }
0x9d: {  	[tilespmem:s4], [sflag:$0x1] =	stream.strided.gather [hbm4b:s14+s29], $0x400, s30, s29, $0x38;
	[tilespmem:$0x1A400] =	vst v63  }
0x9e: {  	_ = 	snop  }
0x9f: {  	[tilespmem:s3], [sflag:$0x2] =	stream.indirect.gather [hbm4b:s24+s29], $0x1, s0, s29, $0xb8;
	[tilespmem:$0x1A400] =	vst v63  }
0xa0: {  	s21 =	simm.s32 $0x18880;
	s15 =	simm.s32 $0x19C80  }
0xa1: {  	[tilespmem:s15], [sflag:$0x2] =	stream.indirect.gather [hbm4b:s24+s29], $0x1, s21, s29, $0xb8;
	[tilespmem:$0x1A400] =	vst v63  }
0xa2: {  	s5 =	simm.s32 $0x19D00;
	s4 =	simm.s32 $0x18900  }
0xa3: {  	[tilespmem:s5], [sflag:$0x2] =	stream.indirect.gather [hbm4b:s24+s29], $0x1, s4, s29, $0xb8;
	[tilespmem:$0x1A400] =	vst v63  }
0xa4: {  	s14 =	simm.s32 $0x18980;
	s15 =	simm.s32 $0x19D80  }
0xa5: {  	[tilespmem:s15], [sflag:$0x2] =	stream.indirect.gather [hbm4b:s24+s29], $0x1, s14, s29, $0xb8;
	[tilespmem:$0x1A400] =	vst v63  }
0xa6: {  	s4 =	simm.s32 $0x18A00;
	s5 =	simm.s32 $0x19E00  }
0xa7: {  	[tilespmem:s5], [sflag:$0x2] =	stream.indirect.gather [hbm4b:s24+s29], $0x1, s4, s29, $0xb8;
	[tilespmem:$0x1A400] =	vst v63  }
0xa8: {  	s14 =	simm.s32 $0x18A80;
	s15 =	simm.s32 $0x19E80  }
0xa9: {  	[tilespmem:s15], [sflag:$0x2] =	stream.indirect.gather [hbm4b:s24+s29], $0x1, s14, s29, $0xb8;
	[tilespmem:$0x1A400] =	vst v63  }
0xaa: {  	s4 =	simm.s32 $0x18B00;
	s5 =	simm.s32 $0x19F00  }
0xab: {  	[tilespmem:s5], [sflag:$0x2] =	stream.indirect.gather [hbm4b:s24+s29], $0x1, s4, s29, $0xb8;
	[tilespmem:$0x1A400] =	vst v63  }
0xac: {  	s14 =	simm.s32 $0x18B80;
	s15 =	simm.s32 $0x19F80  }
0xad: {  	[tilespmem:s15], [sflag:$0x2] =	stream.indirect.gather [hbm4b:s24+s29], $0x1, s14, s29, $0xb8;
	[tilespmem:$0x1A400] =	vst v63  }
0xae: {  	s1 =	simm.s32 $0x10;
	s4 =	simm.s32 $0x18880;
	s14 =	simm.s32 $0x0;
	v4 =	vld [tilespmem:s21+$0x70]  }
.LBB2_7:
0xaf: {  	p4 =	slt.u32 s1, $0x70;
	v5 =	vld [tilespmem:s4+$0xFFFFFF90]  }
0xb0: {  	v6 =	vld [tilespmem:s4+$0xFFFFFFA0]  }
0xb1: {  	v7 =	vld [tilespmem:s4+$0xFFFFFFB0]  }
0xb2: {  	v8 =	vld [tilespmem:s4+$0xFFFFFFC0]  }
0xb3: {  	s15 =	sadd.s32 $0xF, s14;
	v9 =	vld [tilespmem:s4+$0xFFFFFFD0]  }
0xb4: {  	p5 =	slt.s32 s15, $0x40;
	v10 =	vld [tilespmem:s4+$0xFFFFFFE0]  }
0xb5: {  	v12 =	vpsel !p5, $0x10000, v2;
	v11 =	vld [tilespmem:s4+$0xFFFFFFF0]  }
0xb6: {  	s15 =	simm.s32 $0x19880;
	[tilespmem:v4+s2+$0x0] =	vst.idx.add.s32.msk $0xffff, v12  }
0xb7: {  	v4 =	vld [tilespmem:s4+$0x0]  }
0xb8: {  	v12 =	vld [tilespmem:s4+$0x10]  }
0xb9: {  	v13 =	vld [tilespmem:s4+$0x20]  }
0xba: {  	v14 =	vld [tilespmem:s4+$0x30]  }
0xbb: {  	v15 =	vld [tilespmem:s4+$0x40]  }
0xbc: {  	s5 =	sadd.s32 $0x1, s14;
	v16 =	vld [tilespmem:s4+$0x50]  }
0xbd: {  	p5 =	slt.s32 s5, $0x40;
	s5 =	sadd.s32 $0x2, s14;
	v17 =	vld [tilespmem:s4+$0x60]  }
0xbe: {  	v19 =	vpsel !p5, $0x10000, v2;
	p5 =	slt.s32 s5, $0x40;
	s5 =	sadd.s32 $0x3, s14;
	v18 =	vld [tilespmem:s4+$0xFFFFFF80]  }
0xbf: {  	[tilespmem:v5+s2+$0x0] =	vst.idx.add.s32.msk $0xffff, v19;
	v5 =	vpsel !p5, $0x10000, v2;
	p5 =	slt.s32 s5, $0x40;
	s5 =	sadd.s32 $0x4, s14  }
0xc0: {  	[tilespmem:v6+s2+$0x0] =	vst.idx.add.s32.msk $0xffff, v5;
	v5 =	vpsel !p5, $0x10000, v2;
	p5 =	slt.s32 s5, $0x40;
	s5 =	sadd.s32 $0x5, s14  }
0xc1: {  	[tilespmem:v7+s2+$0x0] =	vst.idx.add.s32.msk $0xffff, v5;
	v5 =	vpsel !p5, $0x10000, v2;
	p5 =	slt.s32 s5, $0x40;
	s5 =	sadd.s32 $0x6, s14  }
0xc2: {  	[tilespmem:v8+s2+$0x0] =	vst.idx.add.s32.msk $0xffff, v5;
	v5 =	vpsel !p5, $0x10000, v2;
	p5 =	slt.s32 s5, $0x40;
	s5 =	sadd.s32 $0x7, s14  }
0xc3: {  	[tilespmem:v9+s2+$0x0] =	vst.idx.add.s32.msk $0xffff, v5;
	v5 =	vpsel !p5, $0x10000, v2;
	p5 =	slt.s32 s5, $0x40  }
0xc4: {  	p6 =	slt.s32 s14, $0x40;
	s5 =	sadd.s32 $0x8, s14;
	[tilespmem:v10+s2+$0x0] =	vst.idx.add.s32.msk $0xffff, v5;
	v5 =	vpsel !p5, $0x10000, v2  }
0xc5: {  	v6 =	vpsel !p6, $0x10000, v2;
	p5 =	slt.s32 s5, $0x40;
	s5 =	sadd.s32 $0x9, s14;
	[tilespmem:v11+s2+$0x0] =	vst.idx.add.s32.msk $0xffff, v5  }
0xc6: {  	v5 =	vpsel !p5, $0x10000, v2;
	p5 =	slt.s32 s5, $0x40;
	s5 =	sadd.s32 $0xA, s14;
	[tilespmem:v18+s2+$0x0] =	vst.idx.add.s32.msk $0xffff, v6  }
0xc7: {  	[tilespmem:v4+s2+$0x0] =	vst.idx.add.s32.msk $0xffff, v5;
	v4 =	vpsel !p5, $0x10000, v2;
	p5 =	slt.s32 s5, $0x40;
	s5 =	sadd.s32 $0xB, s14  }
0xc8: {  	[tilespmem:v12+s2+$0x0] =	vst.idx.add.s32.msk $0xffff, v4;
	v4 =	vpsel !p5, $0x10000, v2;
	p5 =	slt.s32 s5, $0x40;
	s5 =	sadd.s32 $0xC, s14  }
0xc9: {  	[tilespmem:v13+s2+$0x0] =	vst.idx.add.s32.msk $0xffff, v4;
	v4 =	vpsel !p5, $0x10000, v2;
	p5 =	slt.s32 s5, $0x40;
	s5 =	sadd.s32 $0xD, s14  }
.Ltmp5:
0xca: {  	[tilespmem:v14+s2+$0x0] =	vst.idx.add.s32.msk $0xffff, v4;
	v4 =	vpsel !p5, $0x10000, v2;
	p5 =	slt.s32 s5, $0x40;
	s5 =	sadd.s32 $0xE, s14;
	(pc) =	sbr.rel @p4 .LBB2_7-.Ltmp5, $4  }
0xcb: {  	s14 =	smov.u32 s1;
	[tilespmem:v15+s2+$0x0] =	vst.idx.add.s32.msk $0xffff, v4;
	v4 =	vpsel !p5, $0x10000, v2;
	p5 =	slt.s32 s5, $0x40  }
0xcc: {  	[tilespmem:v16+s2+$0x0] =	vst.idx.add.s32.msk $0xffff, v4;
	v4 =	vpsel !p5, $0x10000, v2  }
0xcd: {  	s4 =	sadd.s32 $0x100, s4;
	[tilespmem:v17+s2+$0x0] =	vst.idx.add.s32.msk $0xffff, v4  }
0xce: {  	s1 =	sadd.s32 $0x10, s1;
	v4 =	vld [tilespmem:s4+$0x70]  }
0xcf: {  	v5 =	vld [tilespmem:s4+$0xFFFFFF90]  }
0xd0: {  	v6 =	vld [tilespmem:s4+$0xFFFFFFA0]  }
0xd1: {  	v7 =	vld [tilespmem:s4+$0xFFFFFFB0]  }
0xd2: {  	v8 =	vld [tilespmem:s4+$0xFFFFFFC0]  }
0xd3: {  	v9 =	vld [tilespmem:s4+$0xFFFFFFD0]  }
0xd4: {  	v10 =	vld [tilespmem:s4+$0xFFFFFFE0]  }
0xd5: {  	v11 =	vld [tilespmem:s4+$0xFFFFFFF0]  }
0xd6: {  	v13 =	vld [tilespmem:s4+$0x20]  }
0xd7: {  	v14 =	vld [tilespmem:s4+$0x30]  }
0xd8: {  	v15 =	vld [tilespmem:s4+$0x40]  }
0xd9: {  	s1 =	sadd.s32 $0xF, s14;
	v16 =	vld [tilespmem:s4+$0x50]  }
0xda: {  	v17 =	vld [tilespmem:s4+$0x60];
	p4 =	slt.s32 s1, $0x40  }
0xdb: {  	v18 =	vld [tilespmem:s4+$0xFFFFFF80];
	v12 =	vpsel !p4, $0x10000, v2  }
0xdc: {  	s5 =	sadd.s32 $0x1, s14;
	[tilespmem:v4+s2+$0x0] =	vst.idx.add.s32.msk $0xffff, v12  }
0xdd: {  	p6 =	slt.s32 s5, $0x40;
	s5 =	sadd.s32 $0x2, s14;
	v4 =	vld [tilespmem:s4+$0x0]  }
0xde: {  	v19 =	vpsel !p6, $0x10000, v2;
	p5 =	slt.s32 s5, $0x40;
	s5 =	sadd.s32 $0x3, s14;
	v12 =	vld [tilespmem:s4+$0x10]  }
0xdf: {  	p6 =	slt.s32 s5, $0x40;
	s4 =	sadd.s32 $0x4, s14;
	[tilespmem:v5+s2+$0x0] =	vst.idx.add.s32.msk $0xffff, v19;
	v5 =	vpsel !p5, $0x10000, v2  }
0xe0: {  	s5 =	sadd.s32 $0x5, s14;
	p5 =	slt.s32 s4, $0x40;
	[tilespmem:v6+s2+$0x0] =	vst.idx.add.s32.msk $0xffff, v5;
	v5 =	vpsel !p6, $0x10000, v2  }
0xe1: {  	s4 =	sadd.s32 $0x6, s14;
	p6 =	slt.s32 s5, $0x40;
	[tilespmem:v7+s2+$0x0] =	vst.idx.add.s32.msk $0xffff, v5;
	v5 =	vpsel !p5, $0x10000, v2  }
0xe2: {  	s5 =	sadd.s32 $0x7, s14;
	p5 =	slt.s32 s4, $0x40;
	[tilespmem:v8+s2+$0x0] =	vst.idx.add.s32.msk $0xffff, v5;
	v5 =	vpsel !p6, $0x10000, v2  }
0xe3: {  	p6 =	slt.s32 s5, $0x40;
	[tilespmem:v9+s2+$0x0] =	vst.idx.add.s32.msk $0xffff, v5;
	v5 =	vpsel !p5, $0x10000, v2  }
0xe4: {  	s4 =	sadd.s32 $0x8, s14;
	p5 =	slt.s32 s14, $0x40;
	[tilespmem:v10+s2+$0x0] =	vst.idx.add.s32.msk $0xffff, v5;
	v5 =	vpsel !p6, $0x10000, v2  }
0xe5: {  	s5 =	sadd.s32 $0x9, s14;
	v6 =	vpsel !p5, $0x10000, v2;
	p6 =	slt.s32 s4, $0x40;
	[tilespmem:v11+s2+$0x0] =	vst.idx.add.s32.msk $0xffff, v5  }
0xe6: {  	p5 =	slt.s32 s5, $0x40;
	s4 =	sadd.s32 $0xA, s14;
	[tilespmem:v18+s2+$0x0] =	vst.idx.add.s32.msk $0xffff, v6;
	v5 =	vpsel !p6, $0x10000, v2  }
0xe7: {  	s5 =	sadd.s32 $0xB, s14;
	p6 =	slt.s32 s4, $0x40;
	[tilespmem:v4+s2+$0x0] =	vst.idx.add.s32.msk $0xffff, v5;
	v4 =	vpsel !p5, $0x10000, v2  }
0xe8: {  	s4 =	sadd.s32 $0xC, s14;
	p5 =	slt.s32 s5, $0x40;
	[tilespmem:v12+s2+$0x0] =	vst.idx.add.s32.msk $0xffff, v4;
	v4 =	vpsel !p6, $0x10000, v2  }
0xe9: {  	s5 =	sadd.s32 $0xD, s14;
	p6 =	slt.s32 s4, $0x40;
	[tilespmem:v13+s2+$0x0] =	vst.idx.add.s32.msk $0xffff, v4;
	v4 =	vpsel !p5, $0x10000, v2  }
0xea: {  	s14 =	sadd.s32 $0xE, s14;
	p5 =	slt.s32 s5, $0x40;
	[tilespmem:v14+s2+$0x0] =	vst.idx.add.s32.msk $0xffff, v4;
	v4 =	vpsel !p6, $0x10000, v2  }
0xeb: {  	p6 =	slt.s32 s14, $0x40;
	[tilespmem:v15+s2+$0x0] =	vst.idx.add.s32.msk $0xffff, v4;
	v4 =	vpsel !p5, $0x10000, v2  }
0xec: {  	[tilespmem:v16+s2+$0x0] =	vst.idx.add.s32.msk $0xffff, v4;
	v4 =	vpsel !p6, $0x10000, v2  }
0xed: {  	[tilespmem:v17+s2+$0x0] =	vst.idx.add.s32.msk $0xffff, v4  }
0xee: {  	v4 =	vld [tilespmem:s21+$0x70]  }
0xef: {  	v5 =	vld [tilespmem:s21+$0xFFFFFF90]  }
0xf0: {  	v6 =	vld [tilespmem:s21+$0xFFFFFFA0]  }
0xf1: {  	v7 =	vld [tilespmem:s21+$0xFFFFFFB0]  }
0xf2: {  	v8 =	vld [tilespmem:s21+$0xFFFFFFC0]  }
0xf3: {  	v9 =	vld [tilespmem:s21+$0xFFFFFFD0]  }
0xf4: {  	v10 =	vld [tilespmem:s21+$0xFFFFFFE0]  }
0xf5: {  	v11 =	vld [tilespmem:s21+$0xFFFFFFF0]  }
0xf6: {  	v13 =	vld [tilespmem:s15+$0x70]  }
0xf7: {  	v14 =	vld [tilespmem:s21+$0x10]  }
0xf8: {  	v15 =	vld [tilespmem:s21+$0x20]  }
0xf9: {  	v16 =	vld [tilespmem:s21+$0x30]  }
0xfa: {  	v17 =	vld [tilespmem:s21+$0x40]  }
0xfb: {  	v18 =	vld [tilespmem:s21+$0x50]  }
0xfc: {  	v19 =	vld [tilespmem:s21+$0x60]  }
0xfd: {  	v20 =	vld [tilespmem:s21+$0xFFFFFF80]  }
0xfe: {  	v58 =	vld [tilespmem:s15+$0xFFFFFF90]  }
0xff: {  	v59 =	vld [tilespmem:s15+$0xFFFFFFA0]  }
0x100: {  	v60 =	vld [tilespmem:s15+$0xFFFFFFB0]  }
0x101: {  	v61 =	vld [tilespmem:s15+$0xFFFFFFE0]  }
0x102: {  	v62 =	vld [tilespmem:s15+$0xFFFFFFF0]  }
0x103: {  	s14 =	simm.s32 $0x0;
	v63 =	vld [tilespmem:s15+$0x0]  }
0x104: {  	v12 =	vld.idx.msk [tilespmem:v4+s14+$0x0], $0xffff  }
0x105: {  	v4 =	vld [tilespmem:s21+$0x0]  }
0x106: {  	v21 =	vld.idx.msk [tilespmem:v5+s14+$0x0], $0xffff  }
0x107: {  	v22 =	vld.idx.msk [tilespmem:v6+s14+$0x0], $0xffff  }
0x108: {  	v23 =	vld.idx.msk [tilespmem:v7+s14+$0x0], $0xffff  }
0x109: {  	v24 =	vld.idx.msk [tilespmem:v8+s14+$0x0], $0xffff  }
0x10a: {  	v9 =	vld.idx.msk [tilespmem:v9+s14+$0x0], $0xffff  }
0x10b: {  	v10 =	vld.idx.msk [tilespmem:v10+s14+$0x0], $0xffff  }
0x10c: {  	v11 =	vld.idx.msk [tilespmem:v11+s14+$0x0], $0xffff  }
0x10d: {  	v20 =	vld.idx.msk [tilespmem:v20+s14+$0x0], $0xffff  }
0x10e: {  	v8 =	vld.idx.msk [tilespmem:v15+s14+$0x0], $0xffff  }
0x10f: {  	v15 =	vld [tilespmem:s15+$0xFFFFFF80]  }
0x110: {  	v14 =	vld.idx.msk [tilespmem:v14+s14+$0x0], $0xffff  }
0x111: {  	v7 =	vld.idx.msk [tilespmem:v16+s14+$0x0], $0xffff  }
0x112: {  	v6 =	vld.idx.msk [tilespmem:v17+s14+$0x0], $0xffff  }
0x113: {  	v12 =	vadd.s32 v13, v12;
	v13 =	vld [tilespmem:s15+$0xFFFFFFC0]  }
0x114: {  	[tilespmem:s15+$0x70] =	vst v12;
	v12 =	vadd.s32 v15, v20;
	v15 =	vld [tilespmem:s15+$0xFFFFFFD0]  }
0x115: {  	v5 =	vld.idx.msk [tilespmem:v18+s14+$0x0], $0xffff;
	[tilespmem:s15+$0xFFFFFF80] =	vst v12;
	v12 =	vadd.s32 v58, v21  }
0x116: {  	v25 =	vld.idx.msk [tilespmem:v4+s14+$0x0], $0xffff;
	[tilespmem:s15+$0xFFFFFF90] =	vst v12;
	v12 =	vadd.s32 v59, v22  }
0x117: {  	v4 =	vld.idx.msk [tilespmem:v19+s14+$0x0], $0xffff;
	[tilespmem:s15+$0xFFFFFFA0] =	vst v12;
	v12 =	vadd.s32 v60, v23  }
0x118: {  	[tilespmem:s15+$0xFFFFFFB0] =	vst v12;
	v12 =	vadd.s32 v13, v24;
	v13 =	vld [tilespmem:s15+$0x10]  }
0x119: {  	[tilespmem:s15+$0xFFFFFFC0] =	vst v12;
	v12 =	vadd.s32 v15, v9;
	v9 =	vld [tilespmem:s15+$0x20]  }
0x11a: {  	[tilespmem:s15+$0xFFFFFFD0] =	vst v12;
	v12 =	vadd.s32 v61, v10;
	v10 =	vld [tilespmem:s15+$0x30]  }
0x11b: {  	[tilespmem:s15+$0xFFFFFFE0] =	vst v12;
	v12 =	vadd.s32 v62, v11;
	v11 =	vld [tilespmem:s15+$0x40]  }
0x11c: {  	v15 =	vadd.s32 v63, v25;
	[tilespmem:s15+$0xFFFFFFF0] =	vst v12;
	v12 =	vld [tilespmem:s15+$0x50]  }
0x11d: {  	s1 =	simm.s32 $0x18980;
	s4 =	simm.s32 $0x0;
	[tilespmem:s15+$0x0] =	vst v15;
	v14 =	vadd.s32 v13, v14;
	v13 =	vld [tilespmem:s15+$0x60]  }
.LBB2_9:
0x11e: {  	v15 =	vld [tilespmem:s1+$0x70];
	s4 =	sadd.s32 $0x10, s4;
	[tilespmem:s15+$0x10] =	vst v14;
	v8 =	vadd.s32 v9, v8  }
0x11f: {  	v9 =	vld [tilespmem:s1+$0xFFFFFF90];
	p4 =	slt.u32 s4, $0x30;
	[tilespmem:s15+$0x20] =	vst v8;
	v7 =	vadd.s32 v10, v7  }
0x120: {  	v8 =	vld [tilespmem:s1+$0xFFFFFFA0];
	[tilespmem:s15+$0x30] =	vst v7;
	v6 =	vadd.s32 v11, v6  }
0x121: {  	v7 =	vld [tilespmem:s1+$0xFFFFFFB0];
	[tilespmem:s15+$0x40] =	vst v6;
	v5 =	vadd.s32 v12, v5  }
0x122: {  	v6 =	vld [tilespmem:s1+$0xFFFFFFC0];
	[tilespmem:s15+$0x50] =	vst v5;
	v4 =	vadd.s32 v13, v4  }
0x123: {  	v5 =	vld [tilespmem:s1+$0xFFFFFFD0];
	[tilespmem:s15+$0x60] =	vst v4  }
0x124: {  	v4 =	vld [tilespmem:s1+$0xFFFFFFE0]  }
0x125: {  	v10 =	vld [tilespmem:s1+$0xFFFFFFF0]  }
0x126: {  	s15 =	sadd.s32 $0x100, s15;
	v11 =	vld.idx.msk [tilespmem:v15+s14+$0x0], $0xffff  }
0x127: {  	v12 =	vld [tilespmem:s15+$0x70]  }
0x128: {  	v13 =	vld [tilespmem:s1+$0x0]  }
0x129: {  	v14 =	vld [tilespmem:s1+$0x10]  }
0x12a: {  	v15 =	vld [tilespmem:s1+$0x20]  }
0x12b: {  	v16 =	vld [tilespmem:s1+$0x30]  }
0x12c: {  	v17 =	vld [tilespmem:s1+$0x40];
	v11 =	vadd.s32 v12, v11  }
0x12d: {  	s21 =	simm.s32 $0x18880;
	v12 =	vld [tilespmem:s1+$0x50];
	[tilespmem:s15+$0x70] =	vst v11  }
0x12e: {  	v11 =	vld [tilespmem:s1+$0x60]  }
0x12f: {  	v18 =	vld [tilespmem:s1+$0xFFFFFF80]  }
0x130: {  	v9 =	vld.idx.msk [tilespmem:v9+s14+$0x0], $0xffff  }
0x131: {  	v19 =	vld.idx.msk [tilespmem:v8+s14+$0x0], $0xffff  }
0x132: {  	v20 =	vld.idx.msk [tilespmem:v7+s14+$0x0], $0xffff  }
0x133: {  	v21 =	vld.idx.msk [tilespmem:v6+s14+$0x0], $0xffff  }
0x134: {  	v22 =	vld.idx.msk [tilespmem:v5+s14+$0x0], $0xffff  }
0x135: {  	v23 =	vld.idx.msk [tilespmem:v4+s14+$0x0], $0xffff  }
0x136: {  	v24 =	vld.idx.msk [tilespmem:v10+s14+$0x0], $0xffff  }
0x137: {  	v10 =	vld.idx.msk [tilespmem:v18+s14+$0x0], $0xffff  }
0x138: {  	v13 =	vld.idx.msk [tilespmem:v13+s14+$0x0], $0xffff  }
0x139: {  	v14 =	vld.idx.msk [tilespmem:v14+s14+$0x0], $0xffff  }
0x13a: {  	v8 =	vld.idx.msk [tilespmem:v15+s14+$0x0], $0xffff  }
0x13b: {  	v7 =	vld.idx.msk [tilespmem:v16+s14+$0x0], $0xffff  }
0x13c: {  	v6 =	vld.idx.msk [tilespmem:v17+s14+$0x0], $0xffff  }
0x13d: {  	v5 =	vld.idx.msk [tilespmem:v12+s14+$0x0], $0xffff  }
0x13e: {  	v4 =	vld.idx.msk [tilespmem:v11+s14+$0x0], $0xffff  }
0x13f: {  	v11 =	vld [tilespmem:s15+$0xFFFFFF80]  }
0x140: {  	v12 =	vld [tilespmem:s15+$0xFFFFFF90]  }
0x141: {  	v15 =	vld [tilespmem:s15+$0xFFFFFFA0]  }
0x142: {  	v16 =	vld [tilespmem:s15+$0xFFFFFFB0]  }
0x143: {  	v17 =	vld [tilespmem:s15+$0xFFFFFFC0]  }
0x144: {  	v10 =	vadd.s32 v11, v10;
	v11 =	vld [tilespmem:s15+$0xFFFFFFD0]  }
0x145: {  	[tilespmem:s15+$0xFFFFFF80] =	vst v10;
	v9 =	vadd.s32 v12, v9;
	v10 =	vld [tilespmem:s15+$0xFFFFFFE0]  }
0x146: {  	[tilespmem:s15+$0xFFFFFF90] =	vst v9;
	v9 =	vadd.s32 v15, v19;
	v12 =	vld [tilespmem:s15+$0xFFFFFFF0]  }
0x147: {  	[tilespmem:s15+$0xFFFFFFA0] =	vst v9;
	v9 =	vadd.s32 v16, v20;
	v15 =	vld [tilespmem:s15+$0x0]  }
0x148: {  	[tilespmem:s15+$0xFFFFFFB0] =	vst v9;
	v9 =	vadd.s32 v17, v21;
	v16 =	vld [tilespmem:s15+$0x10]  }
.Ltmp6:
0x149: {  	[tilespmem:s15+$0xFFFFFFC0] =	vst v9;
	v11 =	vadd.s32 v11, v22;
	v9 =	vld [tilespmem:s15+$0x20];
	(pc) =	sbr.rel @p4 .LBB2_9-.Ltmp6, $4  }
0x14a: {  	[tilespmem:s15+$0xFFFFFFD0] =	vst v11;
	v11 =	vadd.s32 v10, v23;
	v10 =	vld [tilespmem:s15+$0x30]  }
0x14b: {  	[tilespmem:s15+$0xFFFFFFE0] =	vst v11;
	v12 =	vadd.s32 v12, v24;
	v11 =	vld [tilespmem:s15+$0x40]  }
0x14c: {  	[tilespmem:s15+$0xFFFFFFF0] =	vst v12;
	v13 =	vadd.s32 v15, v13;
	v12 =	vld [tilespmem:s15+$0x50]  }
0x14d: {  	s1 =	sadd.s32 $0x100, s1;
	[tilespmem:s15+$0x0] =	vst v13;
	v14 =	vadd.s32 v16, v14;
	v13 =	vld [tilespmem:s15+$0x60]  }
0x14e: {  	[tilespmem:s15+$0x10] =	vst v14;
	v8 =	vadd.s32 v9, v8  }
0x14f: {  	[tilespmem:s15+$0x20] =	vst v8;
	v7 =	vadd.s32 v10, v7  }
0x150: {  	[tilespmem:s15+$0x30] =	vst v7;
	v6 =	vadd.s32 v11, v6  }
0x151: {  	[tilespmem:s15+$0x40] =	vst v6;
	v5 =	vadd.s32 v12, v5  }
0x152: {  	[tilespmem:s15+$0x50] =	vst v5;
	v4 =	vadd.s32 v13, v4  }
0x153: {  	[tilespmem:s15+$0x60] =	vst v4  }
0x154: {  	s1 =	simm.s32 $0x10;
	v4 =	vld [tilespmem:s21+$0x70]  }
.LBB2_11:
0x155: {  	p4 =	slt.u32 s1, $0x70;
	v5 =	vld [tilespmem:s21+$0xFFFFFF90]  }
0x156: {  	v6 =	vld [tilespmem:s21+$0xFFFFFFA0]  }
0x157: {  	v7 =	vld [tilespmem:s21+$0xFFFFFFB0]  }
0x158: {  	v8 =	vld [tilespmem:s21+$0xFFFFFFC0]  }
0x159: {  	s4 =	sadd.s32 $0xF, s14;
	v9 =	vld [tilespmem:s21+$0xFFFFFFD0]  }
0x15a: {  	p5 =	slt.s32 s4, $0x40;
	v10 =	vld [tilespmem:s21+$0xFFFFFFE0]  }
0x15b: {  	v12 =	vpsel !p5, $0xFFFF0000, v3;
	v11 =	vld [tilespmem:s21+$0xFFFFFFF0]  }
0x15c: {  	[tilespmem:v4+s2+$0x0] =	vst.idx.add.s32.msk $0xffff, v12  }
0x15d: {  	v4 =	vld [tilespmem:s21+$0x0]  }
0x15e: {  	v12 =	vld [tilespmem:s21+$0x10]  }
0x15f: {  	v13 =	vld [tilespmem:s21+$0x20]  }
0x160: {  	v14 =	vld [tilespmem:s21+$0x30]  }
0x161: {  	v15 =	vld [tilespmem:s21+$0x40]  }
0x162: {  	s4 =	sadd.s32 $0x1, s14;
	v16 =	vld [tilespmem:s21+$0x50]  }
0x163: {  	p5 =	slt.s32 s4, $0x40;
	s4 =	sadd.s32 $0x2, s14;
	v17 =	vld [tilespmem:s21+$0x60]  }
0x164: {  	v19 =	vpsel !p5, $0xFFFF0000, v3;
	p5 =	slt.s32 s4, $0x40;
	s4 =	sadd.s32 $0x3, s14;
	v18 =	vld [tilespmem:s21+$0xFFFFFF80]  }
0x165: {  	[tilespmem:v5+s2+$0x0] =	vst.idx.add.s32.msk $0xffff, v19;
	v5 =	vpsel !p5, $0xFFFF0000, v3;
	p5 =	slt.s32 s4, $0x40;
	s4 =	sadd.s32 $0x4, s14  }
0x166: {  	[tilespmem:v6+s2+$0x0] =	vst.idx.add.s32.msk $0xffff, v5;
	v5 =	vpsel !p5, $0xFFFF0000, v3;
	p5 =	slt.s32 s4, $0x40;
	s4 =	sadd.s32 $0x5, s14  }
0x167: {  	[tilespmem:v7+s2+$0x0] =	vst.idx.add.s32.msk $0xffff, v5;
	v5 =	vpsel !p5, $0xFFFF0000, v3;
	p5 =	slt.s32 s4, $0x40;
	s4 =	sadd.s32 $0x6, s14  }
0x168: {  	[tilespmem:v8+s2+$0x0] =	vst.idx.add.s32.msk $0xffff, v5;
	v5 =	vpsel !p5, $0xFFFF0000, v3;
	p5 =	slt.s32 s4, $0x40;
	s4 =	sadd.s32 $0x7, s14  }
0x169: {  	[tilespmem:v9+s2+$0x0] =	vst.idx.add.s32.msk $0xffff, v5;
	v5 =	vpsel !p5, $0xFFFF0000, v3;
	p5 =	slt.s32 s4, $0x40  }
0x16a: {  	p6 =	slt.s32 s14, $0x40;
	s4 =	sadd.s32 $0x8, s14;
	[tilespmem:v10+s2+$0x0] =	vst.idx.add.s32.msk $0xffff, v5;
	v5 =	vpsel !p5, $0xFFFF0000, v3  }
0x16b: {  	v6 =	vpsel !p6, $0xFFFF0000, v3;
	p5 =	slt.s32 s4, $0x40;
	s4 =	sadd.s32 $0x9, s14;
	[tilespmem:v11+s2+$0x0] =	vst.idx.add.s32.msk $0xffff, v5  }
0x16c: {  	v5 =	vpsel !p5, $0xFFFF0000, v3;
	p5 =	slt.s32 s4, $0x40;
	s4 =	sadd.s32 $0xA, s14;
	[tilespmem:v18+s2+$0x0] =	vst.idx.add.s32.msk $0xffff, v6  }
0x16d: {  	[tilespmem:v4+s2+$0x0] =	vst.idx.add.s32.msk $0xffff, v5;
	v4 =	vpsel !p5, $0xFFFF0000, v3;
	p5 =	slt.s32 s4, $0x40;
	s4 =	sadd.s32 $0xB, s14  }
0x16e: {  	[tilespmem:v12+s2+$0x0] =	vst.idx.add.s32.msk $0xffff, v4;
	v4 =	vpsel !p5, $0xFFFF0000, v3;
	p5 =	slt.s32 s4, $0x40;
	s4 =	sadd.s32 $0xC, s14  }
0x16f: {  	[tilespmem:v13+s2+$0x0] =	vst.idx.add.s32.msk $0xffff, v4;
	v4 =	vpsel !p5, $0xFFFF0000, v3;
	p5 =	slt.s32 s4, $0x40;
	s4 =	sadd.s32 $0xD, s14  }
.Ltmp7:
0x170: {  	[tilespmem:v14+s2+$0x0] =	vst.idx.add.s32.msk $0xffff, v4;
	v4 =	vpsel !p5, $0xFFFF0000, v3;
	p5 =	slt.s32 s4, $0x40;
	s4 =	sadd.s32 $0xE, s14;
	(pc) =	sbr.rel @p4 .LBB2_11-.Ltmp7, $4  }
0x171: {  	s14 =	smov.u32 s1;
	[tilespmem:v15+s2+$0x0] =	vst.idx.add.s32.msk $0xffff, v4;
	v4 =	vpsel !p5, $0xFFFF0000, v3;
	p5 =	slt.s32 s4, $0x40  }
0x172: {  	[tilespmem:v16+s2+$0x0] =	vst.idx.add.s32.msk $0xffff, v4;
	v4 =	vpsel !p5, $0xFFFF0000, v3  }
0x173: {  	s21 =	sadd.s32 $0x100, s21;
	[tilespmem:v17+s2+$0x0] =	vst.idx.add.s32.msk $0xffff, v4  }
0x174: {  	s1 =	sadd.s32 $0x10, s1;
	v4 =	vld [tilespmem:s21+$0x70]  }
0x175: {  	v5 =	vld [tilespmem:s21+$0xFFFFFF90]  }
0x176: {  	v6 =	vld [tilespmem:s21+$0xFFFFFFA0]  }
0x177: {  	v7 =	vld [tilespmem:s21+$0xFFFFFFB0]  }
0x178: {  	v8 =	vld [tilespmem:s21+$0xFFFFFFC0]  }
0x179: {  	v9 =	vld [tilespmem:s21+$0xFFFFFFD0]  }
0x17a: {  	v10 =	vld [tilespmem:s21+$0xFFFFFFE0]  }
0x17b: {  	v11 =	vld [tilespmem:s21+$0xFFFFFFF0]  }
0x17c: {  	v63 =	vld [tilespmem:s21+$0x10]  }
0x17d: {  	v13 =	vld [tilespmem:s21+$0x20]  }
0x17e: {  	v14 =	vld [tilespmem:s21+$0x30]  }
0x17f: {  	v15 =	vld [tilespmem:s21+$0x40]  }
0x180: {  	s1 =	sadd.s32 $0xF, s14;
	v16 =	vld [tilespmem:s21+$0x50]  }
0x181: {  	v17 =	vld [tilespmem:s21+$0x60];
	p4 =	slt.s32 s1, $0x40  }
0x182: {  	s4 =	sadd.s32 $0x1, s14;
	v18 =	vld [tilespmem:s21+$0xFFFFFF80];
	v12 =	vpsel !p4, $0xFFFF0000, v3  }
0x183: {  	s5 =	sadd.s32 $0x2, s14;
	p6 =	slt.s32 s4, $0x40;
	[tilespmem:v4+s2+$0x0] =	vst.idx.add.s32.msk $0xffff, v12  }
0x184: {  	s15 =	sadd.s32 $0x3, s14;
	p5 =	slt.s32 s5, $0x40;
	v19 =	vpsel !p6, $0xFFFF0000, v3;
	v4 =	vld [tilespmem:s21+$0x0]  }
0x185: {  	p6 =	slt.s32 s15, $0x40;
	s21 =	sadd.s32 $0x4, s14;
	[tilespmem:v5+s2+$0x0] =	vst.idx.add.s32.msk $0xffff, v19;
	v5 =	vpsel !p5, $0xFFFF0000, v3  }
0x186: {  	s4 =	sadd.s32 $0x5, s14;
	p5 =	slt.s32 s21, $0x40;
	[tilespmem:v6+s2+$0x0] =	vst.idx.add.s32.msk $0xffff, v5;
	v5 =	vpsel !p6, $0xFFFF0000, v3  }
0x187: {  	s5 =	sadd.s32 $0x6, s14;
	p6 =	slt.s32 s4, $0x40;
	[tilespmem:v7+s2+$0x0] =	vst.idx.add.s32.msk $0xffff, v5;
	v5 =	vpsel !p5, $0xFFFF0000, v3  }
0x188: {  	s15 =	sadd.s32 $0x7, s14;
	p5 =	slt.s32 s5, $0x40;
	[tilespmem:v8+s2+$0x0] =	vst.idx.add.s32.msk $0xffff, v5;
	v5 =	vpsel !p6, $0xFFFF0000, v3  }
0x189: {  	p6 =	slt.s32 s15, $0x40;
	[tilespmem:v9+s2+$0x0] =	vst.idx.add.s32.msk $0xffff, v5;
	v5 =	vpsel !p5, $0xFFFF0000, v3  }
0x18a: {  	s21 =	sadd.s32 $0x8, s14;
	p5 =	slt.s32 s14, $0x40;
	[tilespmem:v10+s2+$0x0] =	vst.idx.add.s32.msk $0xffff, v5;
	v5 =	vpsel !p6, $0xFFFF0000, v3  }
0x18b: {  	s4 =	sadd.s32 $0x9, s14;
	v6 =	vpsel !p5, $0xFFFF0000, v3;
	p6 =	slt.s32 s21, $0x40;
	[tilespmem:v11+s2+$0x0] =	vst.idx.add.s32.msk $0xffff, v5  }
0x18c: {  	s5 =	sadd.s32 $0xA, s14;
	p5 =	slt.s32 s4, $0x40;
	[tilespmem:v18+s2+$0x0] =	vst.idx.add.s32.msk $0xffff, v6;
	v5 =	vpsel !p6, $0xFFFF0000, v3  }
0x18d: {  	s15 =	sadd.s32 $0xB, s14;
	p6 =	slt.s32 s5, $0x40;
	[tilespmem:v4+s2+$0x0] =	vst.idx.add.s32.msk $0xffff, v5;
	v4 =	vpsel !p5, $0xFFFF0000, v3  }
0x18e: {  	s21 =	sadd.s32 $0xC, s14;
	p5 =	slt.s32 s15, $0x40;
	[tilespmem:v63+s2+$0x0] =	vst.idx.add.s32.msk $0xffff, v4;
	v4 =	vpsel !p6, $0xFFFF0000, v3  }
0x18f: {  	s4 =	sadd.s32 $0xD, s14;
	p6 =	slt.s32 s21, $0x40;
	[tilespmem:v13+s2+$0x0] =	vst.idx.add.s32.msk $0xffff, v4;
	v4 =	vpsel !p5, $0xFFFF0000, v3  }
0x190: {  	s5 =	sadd.s32 $0xE, s14;
	p5 =	slt.s32 s4, $0x40;
	[tilespmem:v14+s2+$0x0] =	vst.idx.add.s32.msk $0xffff, v4;
	v4 =	vpsel !p6, $0xFFFF0000, v3  }
0x191: {  	p6 =	slt.s32 s5, $0x40;
	[tilespmem:v15+s2+$0x0] =	vst.idx.add.s32.msk $0xffff, v4;
	v4 =	vpsel !p5, $0xFFFF0000, v3  }
0x192: {  	[tilespmem:v16+s2+$0x0] =	vst.idx.add.s32.msk $0xffff, v4;
	v4 =	vpsel !p6, $0xFFFF0000, v3  }
0x193: {  	[tilespmem:v17+s2+$0x0] =	vst.idx.add.s32.msk $0xffff, v4  }
0x194: {  	_ =	swait.ge [sflag:s6], $0x80  }
0x195: {  	[sflag:s6] =	ssyncset.done $0x0  }
0x196: {  	[sflag:s6] =	ssyncadd.s32 $0xFFFFFF80  }
0x197: {  	_ =	swait.ge [sflag:s6], $0x80  }
0x198: {  	[sflag:s6] =	ssyncset.done $0x0  }
0x199: {  	[sflag:s6] =	ssyncadd.s32 $0xFFFFFF80  }
0x19a: {  	_ =	swait.ge [sflag:s6], $0x80  }
0x19b: {  	[sflag:s6] =	ssyncset.done $0x0  }
0x19c: {  	[sflag:s6] =	ssyncadd.s32 $0xFFFFFF80  }
0x19d: {  	_ =	swait.ge [sflag:s6], $0x80  }
0x19e: {  	[sflag:s6] =	ssyncset.done $0x0  }
0x19f: {  	[sflag:s6] =	ssyncadd.s32 $0xFFFFFF80  }
0x1a0: {  	_ =	swait.ge [sflag:s6], $0x80  }
0x1a1: {  	[sflag:s6] =	ssyncset.done $0x0  }
0x1a2: {  	[sflag:s6] =	ssyncadd.s32 $0xFFFFFF80  }
0x1a3: {  	_ =	swait.ge [sflag:s6], $0x80  }
0x1a4: {  	[sflag:s6] =	ssyncset.done $0x0  }
0x1a5: {  	[sflag:s6] =	ssyncadd.s32 $0xFFFFFF80  }
0x1a6: {  	_ =	swait.ge [sflag:s6], $0x80  }
0x1a7: {  	[sflag:s6] =	ssyncset.done $0x0  }
0x1a8: {  	[sflag:s6] =	ssyncadd.s32 $0xFFFFFF80  }
0x1a9: {  	_ =	swait.ge [sflag:s6], $0x80  }
0x1aa: {  	[sflag:s6] =	ssyncset.done $0x0  }
0x1ab: {  	[sflag:s6] =	ssyncadd.s32 $0xFFFFFF80  }
0x1ac: {  	[hbm4b:s17+s29] =	stream.strided.scatter [tilespmem:s3], [sflag:$0x3], $0x400, s30, s29, $0x38;
	[tilespmem:$0x1A400] =	vst v63  }
0x1ad: {  	_ =	swait.ge [sflag:s28], $0x400  }
0x1ae: {  	[sflag:s28] =	ssyncset.done $0x0  }
0x1af: {  	[sflag:s28] =	ssyncadd.s32 $0xFFFFFC00  }
0x1b0: {  	_ =	swait.ge [sflag:s28], $0x400  }
0x1b1: {  	[sflag:s28] =	ssyncset.done $0x0  }
0x1b2: {  	s14 =	rddreg [dreg:$0x6];
	[sflag:s28] =	ssyncadd.s32 $0xFFFFFC00  }
0x1b3: {  	[tilespmem:s0], [sflag:$0x1] =	stream.strided.gather [hbm4b:s14+s29], $0x400, s30, s29, $0x38;
	[tilespmem:$0x1A400] =	vst v63  }
0x1b4: {  	s4 =	simm.s32 $0x18C00;
	s15 =	rddreg [dreg:$0x7]  }
0x1b5: {  	[tilespmem:s4], [sflag:$0x1] =	stream.strided.gather [hbm4b:s15+s29], $0x400, s30, s29, $0x38;
	[tilespmem:$0x1A400] =	vst v63  }
0x1b6: {  	_ = 	snop  }
0x1b7: {  	[tilespmem:s7], [sflag:$0x2] =	stream.indirect.gather [hbm4b:s24+s29], $0x1, s31, s29, $0xb8;
	[tilespmem:$0x1A400] =	vst v63  }
0x1b8: {  	s21 =	simm.s32 $0x1A080;
	s15 =	simm.s32 $0x19080  }
0x1b9: {  	[tilespmem:s21], [sflag:$0x2] =	stream.indirect.gather [hbm4b:s24+s29], $0x1, s15, s29, $0xb8;
	[tilespmem:$0x1A400] =	vst v63  }
0x1ba: {  	s5 =	simm.s32 $0x1A100;
	s4 =	simm.s32 $0x19100  }
0x1bb: {  	[tilespmem:s5], [sflag:$0x2] =	stream.indirect.gather [hbm4b:s24+s29], $0x1, s4, s29, $0xb8;
	[tilespmem:$0x1A400] =	vst v63  }
0x1bc: {  	s14 =	simm.s32 $0x19180;
	s21 =	simm.s32 $0x1A180  }
0x1bd: {  	[tilespmem:s21], [sflag:$0x2] =	stream.indirect.gather [hbm4b:s24+s29], $0x1, s14, s29, $0xb8;
	[tilespmem:$0x1A400] =	vst v63  }
0x1be: {  	s4 =	simm.s32 $0x19200;
	s5 =	simm.s32 $0x1A200  }
0x1bf: {  	[tilespmem:s5], [sflag:$0x2] =	stream.indirect.gather [hbm4b:s24+s29], $0x1, s4, s29, $0xb8;
	[tilespmem:$0x1A400] =	vst v63  }
0x1c0: {  	s14 =	simm.s32 $0x19280;
	s21 =	simm.s32 $0x1A280  }
0x1c1: {  	[tilespmem:s21], [sflag:$0x2] =	stream.indirect.gather [hbm4b:s24+s29], $0x1, s14, s29, $0xb8;
	[tilespmem:$0x1A400] =	vst v63  }
0x1c2: {  	s4 =	simm.s32 $0x19300;
	s5 =	simm.s32 $0x1A300  }
0x1c3: {  	[tilespmem:s5], [sflag:$0x2] =	stream.indirect.gather [hbm4b:s24+s29], $0x1, s4, s29, $0xb8;
	[tilespmem:$0x1A400] =	vst v63  }
0x1c4: {  	s14 =	simm.s32 $0x19380;
	s21 =	simm.s32 $0x1A380  }
0x1c5: {  	[tilespmem:s21], [sflag:$0x2] =	stream.indirect.gather [hbm4b:s24+s29], $0x1, s14, s29, $0xb8;
	[tilespmem:$0x1A400] =	vst v63  }
0x1c6: {  	s1 =	simm.s32 $0x10;
	s4 =	simm.s32 $0x19080;
	s14 =	simm.s32 $0x0;
	v4 =	vld [tilespmem:s15+$0x70]  }
.LBB2_13:
0x1c7: {  	p4 =	slt.u32 s1, $0x70;
	v5 =	vld [tilespmem:s4+$0xFFFFFF90]  }
0x1c8: {  	v6 =	vld [tilespmem:s4+$0xFFFFFFA0]  }
0x1c9: {  	v7 =	vld [tilespmem:s4+$0xFFFFFFB0]  }
0x1ca: {  	v8 =	vld [tilespmem:s4+$0xFFFFFFC0]  }
0x1cb: {  	s5 =	sadd.s32 $0xF, s14;
	v9 =	vld [tilespmem:s4+$0xFFFFFFD0]  }
0x1cc: {  	p5 =	slt.s32 s5, $0x40;
	v10 =	vld [tilespmem:s4+$0xFFFFFFE0]  }
0x1cd: {  	v12 =	vpsel !p5, $0x10000, v2;
	v11 =	vld [tilespmem:s4+$0xFFFFFFF0]  }
0x1ce: {  	[tilespmem:v4+s2+$0x0] =	vst.idx.add.s32.msk $0xffff, v12  }
0x1cf: {  	v4 =	vld [tilespmem:s4+$0x0]  }
0x1d0: {  	v12 =	vld [tilespmem:s4+$0x10]  }
0x1d1: {  	v13 =	vld [tilespmem:s4+$0x20]  }
0x1d2: {  	v14 =	vld [tilespmem:s4+$0x30]  }
0x1d3: {  	v15 =	vld [tilespmem:s4+$0x40]  }
0x1d4: {  	s5 =	sadd.s32 $0x1, s14;
	v16 =	vld [tilespmem:s4+$0x50]  }
0x1d5: {  	p5 =	slt.s32 s5, $0x40;
	s5 =	sadd.s32 $0x2, s14;
	v17 =	vld [tilespmem:s4+$0x60]  }
0x1d6: {  	v19 =	vpsel !p5, $0x10000, v2;
	p5 =	slt.s32 s5, $0x40;
	s5 =	sadd.s32 $0x3, s14;
	v18 =	vld [tilespmem:s4+$0xFFFFFF80]  }
0x1d7: {  	[tilespmem:v5+s2+$0x0] =	vst.idx.add.s32.msk $0xffff, v19;
	v5 =	vpsel !p5, $0x10000, v2;
	p5 =	slt.s32 s5, $0x40;
	s5 =	sadd.s32 $0x4, s14  }
0x1d8: {  	[tilespmem:v6+s2+$0x0] =	vst.idx.add.s32.msk $0xffff, v5;
	v5 =	vpsel !p5, $0x10000, v2;
	p5 =	slt.s32 s5, $0x40;
	s5 =	sadd.s32 $0x5, s14  }
0x1d9: {  	[tilespmem:v7+s2+$0x0] =	vst.idx.add.s32.msk $0xffff, v5;
	v5 =	vpsel !p5, $0x10000, v2;
	p5 =	slt.s32 s5, $0x40;
	s5 =	sadd.s32 $0x6, s14  }
0x1da: {  	[tilespmem:v8+s2+$0x0] =	vst.idx.add.s32.msk $0xffff, v5;
	v5 =	vpsel !p5, $0x10000, v2;
	p5 =	slt.s32 s5, $0x40;
	s5 =	sadd.s32 $0x7, s14  }
0x1db: {  	[tilespmem:v9+s2+$0x0] =	vst.idx.add.s32.msk $0xffff, v5;
	v5 =	vpsel !p5, $0x10000, v2;
	p5 =	slt.s32 s5, $0x40  }
0x1dc: {  	p6 =	slt.s32 s14, $0x40;
	s5 =	sadd.s32 $0x8, s14;
	[tilespmem:v10+s2+$0x0] =	vst.idx.add.s32.msk $0xffff, v5;
	v5 =	vpsel !p5, $0x10000, v2  }
0x1dd: {  	v6 =	vpsel !p6, $0x10000, v2;
	p5 =	slt.s32 s5, $0x40;
	s5 =	sadd.s32 $0x9, s14;
	[tilespmem:v11+s2+$0x0] =	vst.idx.add.s32.msk $0xffff, v5  }
0x1de: {  	v5 =	vpsel !p5, $0x10000, v2;
	p5 =	slt.s32 s5, $0x40;
	s5 =	sadd.s32 $0xA, s14;
	[tilespmem:v18+s2+$0x0] =	vst.idx.add.s32.msk $0xffff, v6  }
0x1df: {  	[tilespmem:v4+s2+$0x0] =	vst.idx.add.s32.msk $0xffff, v5;
	v4 =	vpsel !p5, $0x10000, v2;
	p5 =	slt.s32 s5, $0x40;
	s5 =	sadd.s32 $0xB, s14  }
0x1e0: {  	[tilespmem:v12+s2+$0x0] =	vst.idx.add.s32.msk $0xffff, v4;
	v4 =	vpsel !p5, $0x10000, v2;
	p5 =	slt.s32 s5, $0x40;
	s5 =	sadd.s32 $0xC, s14  }
0x1e1: {  	[tilespmem:v13+s2+$0x0] =	vst.idx.add.s32.msk $0xffff, v4;
	v4 =	vpsel !p5, $0x10000, v2;
	p5 =	slt.s32 s5, $0x40;
	s5 =	sadd.s32 $0xD, s14  }
.Ltmp8:
0x1e2: {  	[tilespmem:v14+s2+$0x0] =	vst.idx.add.s32.msk $0xffff, v4;
	v4 =	vpsel !p5, $0x10000, v2;
	p5 =	slt.s32 s5, $0x40;
	s5 =	sadd.s32 $0xE, s14;
	(pc) =	sbr.rel @p4 .LBB2_13-.Ltmp8, $4  }
0x1e3: {  	s14 =	smov.u32 s1;
	[tilespmem:v15+s2+$0x0] =	vst.idx.add.s32.msk $0xffff, v4;
	v4 =	vpsel !p5, $0x10000, v2;
	p5 =	slt.s32 s5, $0x40  }
0x1e4: {  	[tilespmem:v16+s2+$0x0] =	vst.idx.add.s32.msk $0xffff, v4;
	v4 =	vpsel !p5, $0x10000, v2  }
0x1e5: {  	s4 =	sadd.s32 $0x100, s4;
	[tilespmem:v17+s2+$0x0] =	vst.idx.add.s32.msk $0xffff, v4  }
0x1e6: {  	s1 =	sadd.s32 $0x10, s1;
	v4 =	vld [tilespmem:s4+$0x70]  }
0x1e7: {  	v5 =	vld [tilespmem:s4+$0xFFFFFF90]  }
0x1e8: {  	v6 =	vld [tilespmem:s4+$0xFFFFFFA0]  }
0x1e9: {  	v7 =	vld [tilespmem:s4+$0xFFFFFFB0]  }
0x1ea: {  	v8 =	vld [tilespmem:s4+$0xFFFFFFC0]  }
0x1eb: {  	v9 =	vld [tilespmem:s4+$0xFFFFFFD0]  }
0x1ec: {  	v10 =	vld [tilespmem:s4+$0xFFFFFFE0]  }
0x1ed: {  	v11 =	vld [tilespmem:s4+$0xFFFFFFF0]  }
0x1ee: {  	v13 =	vld [tilespmem:s4+$0x20]  }
0x1ef: {  	v14 =	vld [tilespmem:s4+$0x30]  }
0x1f0: {  	v15 =	vld [tilespmem:s4+$0x40]  }
0x1f1: {  	s1 =	sadd.s32 $0xF, s14;
	v16 =	vld [tilespmem:s4+$0x50]  }
0x1f2: {  	v17 =	vld [tilespmem:s4+$0x60];
	p4 =	slt.s32 s1, $0x40  }
0x1f3: {  	v18 =	vld [tilespmem:s4+$0xFFFFFF80];
	v12 =	vpsel !p4, $0x10000, v2  }
0x1f4: {  	s5 =	sadd.s32 $0x1, s14;
	[tilespmem:v4+s2+$0x0] =	vst.idx.add.s32.msk $0xffff, v12  }
0x1f5: {  	s21 =	sadd.s32 $0x2, s14;
	p6 =	slt.s32 s5, $0x40;
	v4 =	vld [tilespmem:s4+$0x0]  }
0x1f6: {  	p5 =	slt.s32 s21, $0x40;
	v19 =	vpsel !p6, $0x10000, v2;
	v12 =	vld [tilespmem:s4+$0x10];
	s4 =	sadd.s32 $0x3, s14  }
0x1f7: {  	s5 =	sadd.s32 $0x4, s14;
	p6 =	slt.s32 s4, $0x40;
	[tilespmem:v5+s2+$0x0] =	vst.idx.add.s32.msk $0xffff, v19;
	v5 =	vpsel !p5, $0x10000, v2  }
0x1f8: {  	s21 =	sadd.s32 $0x5, s14;
	p5 =	slt.s32 s5, $0x40;
	[tilespmem:v6+s2+$0x0] =	vst.idx.add.s32.msk $0xffff, v5;
	v5 =	vpsel !p6, $0x10000, v2  }
0x1f9: {  	s4 =	sadd.s32 $0x6, s14;
	p6 =	slt.s32 s21, $0x40;
	[tilespmem:v7+s2+$0x0] =	vst.idx.add.s32.msk $0xffff, v5;
	v5 =	vpsel !p5, $0x10000, v2  }
0x1fa: {  	s5 =	sadd.s32 $0x7, s14;
	p5 =	slt.s32 s4, $0x40;
	[tilespmem:v8+s2+$0x0] =	vst.idx.add.s32.msk $0xffff, v5;
	v5 =	vpsel !p6, $0x10000, v2  }
0x1fb: {  	p6 =	slt.s32 s5, $0x40;
	[tilespmem:v9+s2+$0x0] =	vst.idx.add.s32.msk $0xffff, v5;
	v5 =	vpsel !p5, $0x10000, v2  }
0x1fc: {  	s21 =	sadd.s32 $0x8, s14;
	p5 =	slt.s32 s14, $0x40;
	[tilespmem:v10+s2+$0x0] =	vst.idx.add.s32.msk $0xffff, v5;
	v5 =	vpsel !p6, $0x10000, v2  }
0x1fd: {  	s4 =	sadd.s32 $0x9, s14;
	v6 =	vpsel !p5, $0x10000, v2;
	p6 =	slt.s32 s21, $0x40;
	[tilespmem:v11+s2+$0x0] =	vst.idx.add.s32.msk $0xffff, v5  }
0x1fe: {  	s5 =	sadd.s32 $0xA, s14;
	p5 =	slt.s32 s4, $0x40;
	[tilespmem:v18+s2+$0x0] =	vst.idx.add.s32.msk $0xffff, v6;
	v5 =	vpsel !p6, $0x10000, v2  }
0x1ff: {  	s21 =	sadd.s32 $0xB, s14;
	p6 =	slt.s32 s5, $0x40;
	[tilespmem:v4+s2+$0x0] =	vst.idx.add.s32.msk $0xffff, v5;
	v4 =	vpsel !p5, $0x10000, v2  }
0x200: {  	s4 =	sadd.s32 $0xC, s14;
	p5 =	slt.s32 s21, $0x40;
	[tilespmem:v12+s2+$0x0] =	vst.idx.add.s32.msk $0xffff, v4;
	v4 =	vpsel !p6, $0x10000, v2  }
0x201: {  	s5 =	sadd.s32 $0xD, s14;
	p6 =	slt.s32 s4, $0x40;
	[tilespmem:v13+s2+$0x0] =	vst.idx.add.s32.msk $0xffff, v4;
	v4 =	vpsel !p5, $0x10000, v2  }
0x202: {  	s21 =	sadd.s32 $0xE, s14;
	p5 =	slt.s32 s5, $0x40;
	[tilespmem:v14+s2+$0x0] =	vst.idx.add.s32.msk $0xffff, v4;
	v4 =	vpsel !p6, $0x10000, v2  }
0x203: {  	p6 =	slt.s32 s21, $0x40;
	[tilespmem:v15+s2+$0x0] =	vst.idx.add.s32.msk $0xffff, v4;
	v4 =	vpsel !p5, $0x10000, v2  }
0x204: {  	[tilespmem:v16+s2+$0x0] =	vst.idx.add.s32.msk $0xffff, v4;
	v4 =	vpsel !p6, $0x10000, v2  }
0x205: {  	[tilespmem:v17+s2+$0x0] =	vst.idx.add.s32.msk $0xffff, v4  }
0x206: {  	v4 =	vld [tilespmem:s15+$0x70]  }
0x207: {  	v5 =	vld [tilespmem:s15+$0xFFFFFF90]  }
0x208: {  	v6 =	vld [tilespmem:s15+$0xFFFFFFA0]  }
0x209: {  	v7 =	vld [tilespmem:s15+$0xFFFFFFB0]  }
0x20a: {  	v8 =	vld [tilespmem:s15+$0xFFFFFFC0]  }
0x20b: {  	v9 =	vld [tilespmem:s15+$0xFFFFFFD0]  }
0x20c: {  	v10 =	vld [tilespmem:s15+$0xFFFFFFE0]  }
0x20d: {  	s21 =	simm.s32 $0x19880;
	v11 =	vld [tilespmem:s15+$0xFFFFFFF0]  }
0x20e: {  	v13 =	vld [tilespmem:s21+$0x70]  }
0x20f: {  	v14 =	vld [tilespmem:s15+$0x10]  }
0x210: {  	v15 =	vld [tilespmem:s15+$0x20]  }
0x211: {  	v16 =	vld [tilespmem:s15+$0x30]  }
0x212: {  	v17 =	vld [tilespmem:s15+$0x40]  }
0x213: {  	v18 =	vld [tilespmem:s15+$0x50]  }
0x214: {  	v19 =	vld [tilespmem:s15+$0x60]  }
0x215: {  	v20 =	vld [tilespmem:s15+$0xFFFFFF80]  }
0x216: {  	v58 =	vld [tilespmem:s21+$0xFFFFFF90]  }
0x217: {  	v59 =	vld [tilespmem:s21+$0xFFFFFFA0]  }
0x218: {  	v60 =	vld [tilespmem:s21+$0xFFFFFFB0]  }
0x219: {  	v61 =	vld [tilespmem:s21+$0xFFFFFFE0]  }
0x21a: {  	v62 =	vld [tilespmem:s21+$0xFFFFFFF0]  }
0x21b: {  	s14 =	simm.s32 $0x0;
	v63 =	vld [tilespmem:s21+$0x0]  }
0x21c: {  	v12 =	vld.idx.msk [tilespmem:v4+s14+$0x0], $0xffff  }
0x21d: {  	v4 =	vld [tilespmem:s15+$0x0]  }
0x21e: {  	v21 =	vld.idx.msk [tilespmem:v5+s14+$0x0], $0xffff  }
0x21f: {  	v22 =	vld.idx.msk [tilespmem:v6+s14+$0x0], $0xffff  }
0x220: {  	v23 =	vld.idx.msk [tilespmem:v7+s14+$0x0], $0xffff  }
0x221: {  	v24 =	vld.idx.msk [tilespmem:v8+s14+$0x0], $0xffff  }
0x222: {  	v9 =	vld.idx.msk [tilespmem:v9+s14+$0x0], $0xffff  }
0x223: {  	v10 =	vld.idx.msk [tilespmem:v10+s14+$0x0], $0xffff  }
0x224: {  	v11 =	vld.idx.msk [tilespmem:v11+s14+$0x0], $0xffff  }
0x225: {  	v20 =	vld.idx.msk [tilespmem:v20+s14+$0x0], $0xffff  }
0x226: {  	v8 =	vld.idx.msk [tilespmem:v15+s14+$0x0], $0xffff  }
0x227: {  	v15 =	vld [tilespmem:s21+$0xFFFFFF80]  }
0x228: {  	v14 =	vld.idx.msk [tilespmem:v14+s14+$0x0], $0xffff  }
0x229: {  	v7 =	vld.idx.msk [tilespmem:v16+s14+$0x0], $0xffff  }
0x22a: {  	v6 =	vld.idx.msk [tilespmem:v17+s14+$0x0], $0xffff  }
0x22b: {  	v12 =	vadd.s32 v13, v12;
	v13 =	vld [tilespmem:s21+$0xFFFFFFC0]  }
0x22c: {  	[tilespmem:s21+$0x70] =	vst v12;
	v12 =	vadd.s32 v15, v20;
	v15 =	vld [tilespmem:s21+$0xFFFFFFD0]  }
0x22d: {  	v5 =	vld.idx.msk [tilespmem:v18+s14+$0x0], $0xffff;
	[tilespmem:s21+$0xFFFFFF80] =	vst v12;
	v12 =	vadd.s32 v58, v21  }
0x22e: {  	v25 =	vld.idx.msk [tilespmem:v4+s14+$0x0], $0xffff;
	[tilespmem:s21+$0xFFFFFF90] =	vst v12;
	v12 =	vadd.s32 v59, v22  }
0x22f: {  	v4 =	vld.idx.msk [tilespmem:v19+s14+$0x0], $0xffff;
	[tilespmem:s21+$0xFFFFFFA0] =	vst v12;
	v12 =	vadd.s32 v60, v23  }
0x230: {  	[tilespmem:s21+$0xFFFFFFB0] =	vst v12;
	v12 =	vadd.s32 v13, v24;
	v13 =	vld [tilespmem:s21+$0x10]  }
0x231: {  	[tilespmem:s21+$0xFFFFFFC0] =	vst v12;
	v12 =	vadd.s32 v15, v9;
	v9 =	vld [tilespmem:s21+$0x20]  }
0x232: {  	[tilespmem:s21+$0xFFFFFFD0] =	vst v12;
	v12 =	vadd.s32 v61, v10;
	v10 =	vld [tilespmem:s21+$0x30]  }
0x233: {  	[tilespmem:s21+$0xFFFFFFE0] =	vst v12;
	v12 =	vadd.s32 v62, v11;
	v11 =	vld [tilespmem:s21+$0x40]  }
0x234: {  	v15 =	vadd.s32 v63, v25;
	[tilespmem:s21+$0xFFFFFFF0] =	vst v12;
	v12 =	vld [tilespmem:s21+$0x50]  }
0x235: {  	s1 =	simm.s32 $0x19180;
	s4 =	simm.s32 $0x0;
	[tilespmem:s21+$0x0] =	vst v15;
	v14 =	vadd.s32 v13, v14;
	v13 =	vld [tilespmem:s21+$0x60]  }
.LBB2_15:
0x236: {  	v15 =	vld [tilespmem:s1+$0x70];
	s4 =	sadd.s32 $0x10, s4;
	[tilespmem:s21+$0x10] =	vst v14;
	v8 =	vadd.s32 v9, v8  }
0x237: {  	v9 =	vld [tilespmem:s1+$0xFFFFFF90];
	p4 =	slt.u32 s4, $0x30;
	[tilespmem:s21+$0x20] =	vst v8;
	v7 =	vadd.s32 v10, v7  }
0x238: {  	v8 =	vld [tilespmem:s1+$0xFFFFFFA0];
	[tilespmem:s21+$0x30] =	vst v7;
	v6 =	vadd.s32 v11, v6  }
0x239: {  	v7 =	vld [tilespmem:s1+$0xFFFFFFB0];
	[tilespmem:s21+$0x40] =	vst v6;
	v5 =	vadd.s32 v12, v5  }
0x23a: {  	v6 =	vld [tilespmem:s1+$0xFFFFFFC0];
	[tilespmem:s21+$0x50] =	vst v5;
	v4 =	vadd.s32 v13, v4  }
0x23b: {  	v5 =	vld [tilespmem:s1+$0xFFFFFFD0];
	[tilespmem:s21+$0x60] =	vst v4  }
0x23c: {  	v4 =	vld [tilespmem:s1+$0xFFFFFFE0]  }
0x23d: {  	v10 =	vld [tilespmem:s1+$0xFFFFFFF0]  }
0x23e: {  	s21 =	sadd.s32 $0x100, s21;
	v11 =	vld.idx.msk [tilespmem:v15+s14+$0x0], $0xffff  }
0x23f: {  	v12 =	vld [tilespmem:s21+$0x70]  }
0x240: {  	v13 =	vld [tilespmem:s1+$0x0]  }
0x241: {  	v14 =	vld [tilespmem:s1+$0x10]  }
0x242: {  	v15 =	vld [tilespmem:s1+$0x20]  }
0x243: {  	v16 =	vld [tilespmem:s1+$0x30]  }
0x244: {  	v17 =	vld [tilespmem:s1+$0x40];
	v11 =	vadd.s32 v12, v11  }
0x245: {  	s15 =	simm.s32 $0x19080;
	v12 =	vld [tilespmem:s1+$0x50];
	[tilespmem:s21+$0x70] =	vst v11  }
0x246: {  	v11 =	vld [tilespmem:s1+$0x60]  }
0x247: {  	v18 =	vld [tilespmem:s1+$0xFFFFFF80]  }
0x248: {  	v9 =	vld.idx.msk [tilespmem:v9+s14+$0x0], $0xffff  }
0x249: {  	v19 =	vld.idx.msk [tilespmem:v8+s14+$0x0], $0xffff  }
0x24a: {  	v20 =	vld.idx.msk [tilespmem:v7+s14+$0x0], $0xffff  }
0x24b: {  	v21 =	vld.idx.msk [tilespmem:v6+s14+$0x0], $0xffff  }
0x24c: {  	v22 =	vld.idx.msk [tilespmem:v5+s14+$0x0], $0xffff  }
0x24d: {  	v23 =	vld.idx.msk [tilespmem:v4+s14+$0x0], $0xffff  }
0x24e: {  	v24 =	vld.idx.msk [tilespmem:v10+s14+$0x0], $0xffff  }
0x24f: {  	v10 =	vld.idx.msk [tilespmem:v18+s14+$0x0], $0xffff  }
0x250: {  	v13 =	vld.idx.msk [tilespmem:v13+s14+$0x0], $0xffff  }
0x251: {  	v14 =	vld.idx.msk [tilespmem:v14+s14+$0x0], $0xffff  }
0x252: {  	v8 =	vld.idx.msk [tilespmem:v15+s14+$0x0], $0xffff  }
0x253: {  	v7 =	vld.idx.msk [tilespmem:v16+s14+$0x0], $0xffff  }
0x254: {  	v6 =	vld.idx.msk [tilespmem:v17+s14+$0x0], $0xffff  }
0x255: {  	v5 =	vld.idx.msk [tilespmem:v12+s14+$0x0], $0xffff  }
0x256: {  	v4 =	vld.idx.msk [tilespmem:v11+s14+$0x0], $0xffff  }
0x257: {  	v11 =	vld [tilespmem:s21+$0xFFFFFF80]  }
0x258: {  	v12 =	vld [tilespmem:s21+$0xFFFFFF90]  }
0x259: {  	v15 =	vld [tilespmem:s21+$0xFFFFFFA0]  }
0x25a: {  	v16 =	vld [tilespmem:s21+$0xFFFFFFB0]  }
0x25b: {  	v17 =	vld [tilespmem:s21+$0xFFFFFFC0]  }
0x25c: {  	v10 =	vadd.s32 v11, v10;
	v11 =	vld [tilespmem:s21+$0xFFFFFFD0]  }
0x25d: {  	[tilespmem:s21+$0xFFFFFF80] =	vst v10;
	v9 =	vadd.s32 v12, v9;
	v10 =	vld [tilespmem:s21+$0xFFFFFFE0]  }
0x25e: {  	[tilespmem:s21+$0xFFFFFF90] =	vst v9;
	v9 =	vadd.s32 v15, v19;
	v12 =	vld [tilespmem:s21+$0xFFFFFFF0]  }
0x25f: {  	[tilespmem:s21+$0xFFFFFFA0] =	vst v9;
	v9 =	vadd.s32 v16, v20;
	v15 =	vld [tilespmem:s21+$0x0]  }
0x260: {  	[tilespmem:s21+$0xFFFFFFB0] =	vst v9;
	v9 =	vadd.s32 v17, v21;
	v16 =	vld [tilespmem:s21+$0x10]  }
.Ltmp9:
0x261: {  	[tilespmem:s21+$0xFFFFFFC0] =	vst v9;
	v11 =	vadd.s32 v11, v22;
	v9 =	vld [tilespmem:s21+$0x20];
	(pc) =	sbr.rel @p4 .LBB2_15-.Ltmp9, $4  }
0x262: {  	[tilespmem:s21+$0xFFFFFFD0] =	vst v11;
	v11 =	vadd.s32 v10, v23;
	v10 =	vld [tilespmem:s21+$0x30]  }
0x263: {  	[tilespmem:s21+$0xFFFFFFE0] =	vst v11;
	v12 =	vadd.s32 v12, v24;
	v11 =	vld [tilespmem:s21+$0x40]  }
0x264: {  	[tilespmem:s21+$0xFFFFFFF0] =	vst v12;
	v13 =	vadd.s32 v15, v13;
	v12 =	vld [tilespmem:s21+$0x50]  }
0x265: {  	s1 =	sadd.s32 $0x100, s1;
	[tilespmem:s21+$0x0] =	vst v13;
	v14 =	vadd.s32 v16, v14;
	v13 =	vld [tilespmem:s21+$0x60]  }
0x266: {  	[tilespmem:s21+$0x10] =	vst v14;
	v8 =	vadd.s32 v9, v8  }
0x267: {  	[tilespmem:s21+$0x20] =	vst v8;
	v7 =	vadd.s32 v10, v7  }
0x268: {  	[tilespmem:s21+$0x30] =	vst v7;
	v6 =	vadd.s32 v11, v6  }
0x269: {  	[tilespmem:s21+$0x40] =	vst v6;
	v5 =	vadd.s32 v12, v5  }
0x26a: {  	[tilespmem:s21+$0x50] =	vst v5;
	v4 =	vadd.s32 v13, v4  }
0x26b: {  	[tilespmem:s21+$0x60] =	vst v4  }
0x26c: {  	s1 =	simm.s32 $0x10;
	v4 =	vld [tilespmem:s15+$0x70]  }
.LBB2_17:
0x26d: {  	p4 =	slt.u32 s1, $0x70;
	v5 =	vld [tilespmem:s15+$0xFFFFFF90]  }
0x26e: {  	v6 =	vld [tilespmem:s15+$0xFFFFFFA0]  }
0x26f: {  	v7 =	vld [tilespmem:s15+$0xFFFFFFB0]  }
0x270: {  	v8 =	vld [tilespmem:s15+$0xFFFFFFC0]  }
0x271: {  	s4 =	sadd.s32 $0xF, s14;
	v9 =	vld [tilespmem:s15+$0xFFFFFFD0]  }
0x272: {  	p5 =	slt.s32 s4, $0x40;
	v10 =	vld [tilespmem:s15+$0xFFFFFFE0]  }
0x273: {  	v12 =	vpsel !p5, $0xFFFF0000, v3;
	v11 =	vld [tilespmem:s15+$0xFFFFFFF0]  }
0x274: {  	[tilespmem:v4+s2+$0x0] =	vst.idx.add.s32.msk $0xffff, v12  }
0x275: {  	v4 =	vld [tilespmem:s15+$0x0]  }
0x276: {  	v12 =	vld [tilespmem:s15+$0x10]  }
0x277: {  	v13 =	vld [tilespmem:s15+$0x20]  }
0x278: {  	v14 =	vld [tilespmem:s15+$0x30]  }
0x279: {  	v15 =	vld [tilespmem:s15+$0x40]  }
0x27a: {  	s4 =	sadd.s32 $0x1, s14;
	v16 =	vld [tilespmem:s15+$0x50]  }
0x27b: {  	p5 =	slt.s32 s4, $0x40;
	s4 =	sadd.s32 $0x2, s14;
	v17 =	vld [tilespmem:s15+$0x60]  }
0x27c: {  	v19 =	vpsel !p5, $0xFFFF0000, v3;
	p5 =	slt.s32 s4, $0x40;
	s4 =	sadd.s32 $0x3, s14;
	v18 =	vld [tilespmem:s15+$0xFFFFFF80]  }
0x27d: {  	[tilespmem:v5+s2+$0x0] =	vst.idx.add.s32.msk $0xffff, v19;
	v5 =	vpsel !p5, $0xFFFF0000, v3;
	p5 =	slt.s32 s4, $0x40;
	s4 =	sadd.s32 $0x4, s14  }
0x27e: {  	[tilespmem:v6+s2+$0x0] =	vst.idx.add.s32.msk $0xffff, v5;
	v5 =	vpsel !p5, $0xFFFF0000, v3;
	p5 =	slt.s32 s4, $0x40;
	s4 =	sadd.s32 $0x5, s14  }
0x27f: {  	[tilespmem:v7+s2+$0x0] =	vst.idx.add.s32.msk $0xffff, v5;
	v5 =	vpsel !p5, $0xFFFF0000, v3;
	p5 =	slt.s32 s4, $0x40;
	s4 =	sadd.s32 $0x6, s14  }
0x280: {  	[tilespmem:v8+s2+$0x0] =	vst.idx.add.s32.msk $0xffff, v5;
	v5 =	vpsel !p5, $0xFFFF0000, v3;
	p5 =	slt.s32 s4, $0x40;
	s4 =	sadd.s32 $0x7, s14  }
0x281: {  	[tilespmem:v9+s2+$0x0] =	vst.idx.add.s32.msk $0xffff, v5;
	v5 =	vpsel !p5, $0xFFFF0000, v3;
	p5 =	slt.s32 s4, $0x40  }
0x282: {  	p6 =	slt.s32 s14, $0x40;
	s4 =	sadd.s32 $0x8, s14;
	[tilespmem:v10+s2+$0x0] =	vst.idx.add.s32.msk $0xffff, v5;
	v5 =	vpsel !p5, $0xFFFF0000, v3  }
0x283: {  	v6 =	vpsel !p6, $0xFFFF0000, v3;
	p5 =	slt.s32 s4, $0x40;
	s4 =	sadd.s32 $0x9, s14;
	[tilespmem:v11+s2+$0x0] =	vst.idx.add.s32.msk $0xffff, v5  }
0x284: {  	v5 =	vpsel !p5, $0xFFFF0000, v3;
	p5 =	slt.s32 s4, $0x40;
	s4 =	sadd.s32 $0xA, s14;
	[tilespmem:v18+s2+$0x0] =	vst.idx.add.s32.msk $0xffff, v6  }
0x285: {  	[tilespmem:v4+s2+$0x0] =	vst.idx.add.s32.msk $0xffff, v5;
	v4 =	vpsel !p5, $0xFFFF0000, v3;
	p5 =	slt.s32 s4, $0x40;
	s4 =	sadd.s32 $0xB, s14  }
0x286: {  	[tilespmem:v12+s2+$0x0] =	vst.idx.add.s32.msk $0xffff, v4;
	v4 =	vpsel !p5, $0xFFFF0000, v3;
	p5 =	slt.s32 s4, $0x40;
	s4 =	sadd.s32 $0xC, s14  }
0x287: {  	[tilespmem:v13+s2+$0x0] =	vst.idx.add.s32.msk $0xffff, v4;
	v4 =	vpsel !p5, $0xFFFF0000, v3;
	p5 =	slt.s32 s4, $0x40;
	s4 =	sadd.s32 $0xD, s14  }
.Ltmp10:
0x288: {  	[tilespmem:v14+s2+$0x0] =	vst.idx.add.s32.msk $0xffff, v4;
	v4 =	vpsel !p5, $0xFFFF0000, v3;
	p5 =	slt.s32 s4, $0x40;
	s4 =	sadd.s32 $0xE, s14;
	(pc) =	sbr.rel @p4 .LBB2_17-.Ltmp10, $4  }
0x289: {  	s14 =	smov.u32 s1;
	[tilespmem:v15+s2+$0x0] =	vst.idx.add.s32.msk $0xffff, v4;
	v4 =	vpsel !p5, $0xFFFF0000, v3;
	p5 =	slt.s32 s4, $0x40  }
0x28a: {  	[tilespmem:v16+s2+$0x0] =	vst.idx.add.s32.msk $0xffff, v4;
	v4 =	vpsel !p5, $0xFFFF0000, v3  }
0x28b: {  	s15 =	sadd.s32 $0x100, s15;
	[tilespmem:v17+s2+$0x0] =	vst.idx.add.s32.msk $0xffff, v4  }
0x28c: {  	s1 =	sadd.s32 $0x10, s1;
	v4 =	vld [tilespmem:s15+$0x70]  }
0x28d: {  	v5 =	vld [tilespmem:s15+$0xFFFFFF90]  }
0x28e: {  	v6 =	vld [tilespmem:s15+$0xFFFFFFA0]  }
0x28f: {  	v7 =	vld [tilespmem:s15+$0xFFFFFFB0]  }
0x290: {  	v8 =	vld [tilespmem:s15+$0xFFFFFFC0]  }
0x291: {  	v9 =	vld [tilespmem:s15+$0xFFFFFFD0]  }
0x292: {  	v10 =	vld [tilespmem:s15+$0xFFFFFFE0]  }
0x293: {  	v11 =	vld [tilespmem:s15+$0xFFFFFFF0]  }
0x294: {  	v62 =	vld [tilespmem:s15+$0x10]  }
0x295: {  	v13 =	vld [tilespmem:s15+$0x20]  }
0x296: {  	v14 =	vld [tilespmem:s15+$0x30]  }
0x297: {  	v15 =	vld [tilespmem:s15+$0x40]  }
0x298: {  	s1 =	sadd.s32 $0xF, s14;
	v16 =	vld [tilespmem:s15+$0x50]  }
0x299: {  	v17 =	vld [tilespmem:s15+$0x60];
	p4 =	slt.s32 s1, $0x40  }
0x29a: {  	s5 =	sadd.s32 $0x1, s14;
	v18 =	vld [tilespmem:s15+$0xFFFFFF80];
	v12 =	vpsel !p4, $0xFFFF0000, v3  }
0x29b: {  	s21 =	sadd.s32 $0x2, s14;
	p6 =	slt.s32 s5, $0x40;
	[tilespmem:v4+s2+$0x0] =	vst.idx.add.s32.msk $0xffff, v12  }
0x29c: {  	s4 =	sadd.s32 $0x3, s14;
	p5 =	slt.s32 s21, $0x40;
	v19 =	vpsel !p6, $0xFFFF0000, v3;
	v4 =	vld [tilespmem:s15+$0x0]  }
0x29d: {  	s5 =	sadd.s32 $0x4, s14;
	p6 =	slt.s32 s4, $0x40;
	[tilespmem:v5+s2+$0x0] =	vst.idx.add.s32.msk $0xffff, v19;
	v5 =	vpsel !p5, $0xFFFF0000, v3  }
0x29e: {  	s15 =	sadd.s32 $0x5, s14;
	p5 =	slt.s32 s5, $0x40;
	[tilespmem:v6+s2+$0x0] =	vst.idx.add.s32.msk $0xffff, v5;
	v5 =	vpsel !p6, $0xFFFF0000, v3  }
0x29f: {  	s21 =	sadd.s32 $0x6, s14;
	p6 =	slt.s32 s15, $0x40;
	[tilespmem:v7+s2+$0x0] =	vst.idx.add.s32.msk $0xffff, v5;
	v5 =	vpsel !p5, $0xFFFF0000, v3  }
0x2a0: {  	s4 =	sadd.s32 $0x7, s14;
	p5 =	slt.s32 s21, $0x40;
	[tilespmem:v8+s2+$0x0] =	vst.idx.add.s32.msk $0xffff, v5;
	v5 =	vpsel !p6, $0xFFFF0000, v3  }
0x2a1: {  	p6 =	slt.s32 s4, $0x40;
	[tilespmem:v9+s2+$0x0] =	vst.idx.add.s32.msk $0xffff, v5;
	v5 =	vpsel !p5, $0xFFFF0000, v3  }
0x2a2: {  	s5 =	sadd.s32 $0x8, s14;
	p5 =	slt.s32 s14, $0x40;
	[tilespmem:v10+s2+$0x0] =	vst.idx.add.s32.msk $0xffff, v5;
	v5 =	vpsel !p6, $0xFFFF0000, v3  }
0x2a3: {  	s15 =	sadd.s32 $0x9, s14;
	v63 =	vpsel !p5, $0xFFFF0000, v3;
	p6 =	slt.s32 s5, $0x40;
	[tilespmem:v11+s2+$0x0] =	vst.idx.add.s32.msk $0xffff, v5  }
0x2a4: {  	s21 =	sadd.s32 $0xA, s14;
	p5 =	slt.s32 s15, $0x40;
	[tilespmem:v18+s2+$0x0] =	vst.idx.add.s32.msk $0xffff, v63;
	v5 =	vpsel !p6, $0xFFFF0000, v3  }
0x2a5: {  	s4 =	sadd.s32 $0xB, s14;
	p6 =	slt.s32 s21, $0x40;
	[tilespmem:v4+s2+$0x0] =	vst.idx.add.s32.msk $0xffff, v5;
	v4 =	vpsel !p5, $0xFFFF0000, v3  }
0x2a6: {  	s5 =	sadd.s32 $0xC, s14;
	p5 =	slt.s32 s4, $0x40;
	[tilespmem:v62+s2+$0x0] =	vst.idx.add.s32.msk $0xffff, v4;
	v4 =	vpsel !p6, $0xFFFF0000, v3  }
0x2a7: {  	s15 =	sadd.s32 $0xD, s14;
	p6 =	slt.s32 s5, $0x40;
	[tilespmem:v13+s2+$0x0] =	vst.idx.add.s32.msk $0xffff, v4;
	v4 =	vpsel !p5, $0xFFFF0000, v3  }
0x2a8: {  	s21 =	sadd.s32 $0xE, s14;
	p5 =	slt.s32 s15, $0x40;
	[tilespmem:v14+s2+$0x0] =	vst.idx.add.s32.msk $0xffff, v4;
	v4 =	vpsel !p6, $0xFFFF0000, v3  }
0x2a9: {  	p6 =	slt.s32 s21, $0x40;
	[tilespmem:v15+s2+$0x0] =	vst.idx.add.s32.msk $0xffff, v4;
	v4 =	vpsel !p5, $0xFFFF0000, v3  }
0x2aa: {  	[tilespmem:v16+s2+$0x0] =	vst.idx.add.s32.msk $0xffff, v4;
	v4 =	vpsel !p6, $0xFFFF0000, v3  }
0x2ab: {  	[tilespmem:v17+s2+$0x0] =	vst.idx.add.s32.msk $0xffff, v4  }
0x2ac: {  	_ =	swait.ge [sflag:s6], $0x80  }
0x2ad: {  	[sflag:s6] =	ssyncset.done $0x0  }
0x2ae: {  	[sflag:s6] =	ssyncadd.s32 $0xFFFFFF80  }
0x2af: {  	_ =	swait.ge [sflag:s6], $0x80  }
0x2b0: {  	[sflag:s6] =	ssyncset.done $0x0  }
0x2b1: {  	[sflag:s6] =	ssyncadd.s32 $0xFFFFFF80  }
0x2b2: {  	_ =	swait.ge [sflag:s6], $0x80  }
0x2b3: {  	[sflag:s6] =	ssyncset.done $0x0  }
0x2b4: {  	[sflag:s6] =	ssyncadd.s32 $0xFFFFFF80  }
0x2b5: {  	_ =	swait.ge [sflag:s6], $0x80  }
0x2b6: {  	[sflag:s6] =	ssyncset.done $0x0  }
0x2b7: {  	[sflag:s6] =	ssyncadd.s32 $0xFFFFFF80  }
0x2b8: {  	_ =	swait.ge [sflag:s6], $0x80  }
0x2b9: {  	[sflag:s6] =	ssyncset.done $0x0  }
0x2ba: {  	[sflag:s6] =	ssyncadd.s32 $0xFFFFFF80  }
0x2bb: {  	_ =	swait.ge [sflag:s6], $0x80  }
0x2bc: {  	[sflag:s6] =	ssyncset.done $0x0  }
0x2bd: {  	[sflag:s6] =	ssyncadd.s32 $0xFFFFFF80  }
0x2be: {  	_ =	swait.ge [sflag:s6], $0x80  }
.Ltmp11:
0x2bf: {  	[sflag:s6] =	ssyncset.done $0x0;
	(pc) =	sbr.rel .LBB2_20-.Ltmp11, $4  }
0x2c0: {  	[sflag:s6] =	ssyncadd.s32 $0xFFFFFF80  }
0x2c1: {  	_ =	swait.ge [sflag:s6], $0x80  }
0x2c2: {  	[sflag:s6] =	ssyncset.done $0x0  }
0x2c3: {  	[sflag:s6] =	ssyncadd.s32 $0xFFFFFF80  }
.LBB2_19:
0x2c4: {  	[hbm4b:s17+s29] =	stream.strided.scatter [tilespmem:s3], [sflag:$0x3], $0x400, s30, s29, $0x38;
	[tilespmem:$0x1A400] =	vst v63  }
.LBB2_20:
.Ltmp12:
0x2c5: {  	(pc) =	sbr.rel @!p1 .LBB2_21-.Ltmp12, $2  }
0x2c6: {  	_ =	sdelay $0x2  }
0x2c7: {  	[hbm4b:s18+s29] =	stream.strided.scatter [tilespmem:s7], [sflag:$0x3], $0x400, s30, s29, $0x38;
	[tilespmem:$0x1A400] =	vst v63  }
0x2c8: {  	_ =	swait.ge [sflag:s28], $0x400  }
0x2c9: {  	[sflag:s28] =	ssyncset.done $0x0  }
0x2ca: {  	[sflag:s28] =	ssyncadd.s32 $0xFFFFFC00  }
0x2cb: {  	_ =	swait.ge [sflag:s28], $0x400  }
0x2cc: {  	[sflag:s28] =	ssyncset.done $0x0  }
0x2cd: {  	s1 =	rddreg [dreg:$0x8];
	[sflag:s28] =	ssyncadd.s32 $0xFFFFFC00  }
0x2ce: {  	[tilespmem:s31], [sflag:$0x1] =	stream.strided.gather [hbm4b:s1+s29], $0x400, s30, s29, $0x38;
	[tilespmem:$0x1A400] =	vst v63  }
0x2cf: {  	s4 =	simm.s32 $0x19400;
	s14 =	rddreg [dreg:$0x9]  }
0x2d0: {  	[tilespmem:s4], [sflag:$0x1] =	stream.strided.gather [hbm4b:s14+s29], $0x400, s30, s29, $0x38;
	[tilespmem:$0x1A400] =	vst v63  }
0x2d1: {  	_ =	swait.ge [sflag:s8], $0x400  }
0x2d2: {  	[sflag:s8] =	ssyncset.done $0x0  }
0x2d3: {  	[sflag:s8] =	ssyncadd.s32 $0xFFFFFC00  }
0x2d4: {  	[tilespmem:s3], [sflag:$0x2] =	stream.indirect.gather [hbm4b:s24+s29], $0x1, s0, s29, $0xb8;
	[tilespmem:$0x1A400] =	vst v63  }
0x2d5: {  	s21 =	simm.s32 $0x18880;
	s15 =	simm.s32 $0x19C80  }
0x2d6: {  	[tilespmem:s15], [sflag:$0x2] =	stream.indirect.gather [hbm4b:s24+s29], $0x1, s21, s29, $0xb8;
	[tilespmem:$0x1A400] =	vst v63  }
0x2d7: {  	s5 =	simm.s32 $0x19D00;
	s4 =	simm.s32 $0x18900  }
0x2d8: {  	[tilespmem:s5], [sflag:$0x2] =	stream.indirect.gather [hbm4b:s24+s29], $0x1, s4, s29, $0xb8;
	[tilespmem:$0x1A400] =	vst v63  }
0x2d9: {  	s14 =	simm.s32 $0x18980;
	s15 =	simm.s32 $0x19D80  }
0x2da: {  	[tilespmem:s15], [sflag:$0x2] =	stream.indirect.gather [hbm4b:s24+s29], $0x1, s14, s29, $0xb8;
	[tilespmem:$0x1A400] =	vst v63  }
0x2db: {  	s4 =	simm.s32 $0x18A00;
	s5 =	simm.s32 $0x19E00  }
0x2dc: {  	[tilespmem:s5], [sflag:$0x2] =	stream.indirect.gather [hbm4b:s24+s29], $0x1, s4, s29, $0xb8;
	[tilespmem:$0x1A400] =	vst v63  }
0x2dd: {  	s14 =	simm.s32 $0x18A80;
	s15 =	simm.s32 $0x19E80  }
0x2de: {  	[tilespmem:s15], [sflag:$0x2] =	stream.indirect.gather [hbm4b:s24+s29], $0x1, s14, s29, $0xb8;
	[tilespmem:$0x1A400] =	vst v63  }
0x2df: {  	s4 =	simm.s32 $0x18B00;
	s5 =	simm.s32 $0x19F00  }
0x2e0: {  	[tilespmem:s5], [sflag:$0x2] =	stream.indirect.gather [hbm4b:s24+s29], $0x1, s4, s29, $0xb8;
	[tilespmem:$0x1A400] =	vst v63  }
0x2e1: {  	s14 =	simm.s32 $0x18B80;
	s15 =	simm.s32 $0x19F80  }
0x2e2: {  	[tilespmem:s15], [sflag:$0x2] =	stream.indirect.gather [hbm4b:s24+s29], $0x1, s14, s29, $0xb8;
	[tilespmem:$0x1A400] =	vst v63  }
0x2e3: {  	s1 =	simm.s32 $0x10;
	s4 =	simm.s32 $0x18880;
	s14 =	simm.s32 $0x0;
	v4 =	vld [tilespmem:s21+$0x70]  }
.LBB2_23:
0x2e4: {  	p4 =	slt.u32 s1, $0x70;
	v5 =	vld [tilespmem:s4+$0xFFFFFF90]  }
0x2e5: {  	v6 =	vld [tilespmem:s4+$0xFFFFFFA0]  }
0x2e6: {  	v7 =	vld [tilespmem:s4+$0xFFFFFFB0]  }
0x2e7: {  	v8 =	vld [tilespmem:s4+$0xFFFFFFC0]  }
0x2e8: {  	s5 =	sadd.s32 $0xF, s14;
	v9 =	vld [tilespmem:s4+$0xFFFFFFD0]  }
0x2e9: {  	p5 =	slt.s32 s5, $0x40;
	v10 =	vld [tilespmem:s4+$0xFFFFFFE0]  }
0x2ea: {  	v12 =	vpsel !p5, $0x10000, v2;
	v11 =	vld [tilespmem:s4+$0xFFFFFFF0]  }
0x2eb: {  	s15 =	simm.s32 $0x19880;
	[tilespmem:v4+s2+$0x0] =	vst.idx.add.s32.msk $0xffff, v12  }
0x2ec: {  	v4 =	vld [tilespmem:s4+$0x0]  }
0x2ed: {  	v12 =	vld [tilespmem:s4+$0x10]  }
0x2ee: {  	v13 =	vld [tilespmem:s4+$0x20]  }
0x2ef: {  	v14 =	vld [tilespmem:s4+$0x30]  }
0x2f0: {  	v15 =	vld [tilespmem:s4+$0x40]  }
0x2f1: {  	s5 =	sadd.s32 $0x1, s14;
	v16 =	vld [tilespmem:s4+$0x50]  }
0x2f2: {  	p5 =	slt.s32 s5, $0x40;
	s5 =	sadd.s32 $0x2, s14;
	v17 =	vld [tilespmem:s4+$0x60]  }
0x2f3: {  	v19 =	vpsel !p5, $0x10000, v2;
	p5 =	slt.s32 s5, $0x40;
	s5 =	sadd.s32 $0x3, s14;
	v18 =	vld [tilespmem:s4+$0xFFFFFF80]  }
0x2f4: {  	[tilespmem:v5+s2+$0x0] =	vst.idx.add.s32.msk $0xffff, v19;
	v5 =	vpsel !p5, $0x10000, v2;
	p5 =	slt.s32 s5, $0x40;
	s5 =	sadd.s32 $0x4, s14  }
0x2f5: {  	[tilespmem:v6+s2+$0x0] =	vst.idx.add.s32.msk $0xffff, v5;
	v5 =	vpsel !p5, $0x10000, v2;
	p5 =	slt.s32 s5, $0x40;
	s5 =	sadd.s32 $0x5, s14  }
0x2f6: {  	[tilespmem:v7+s2+$0x0] =	vst.idx.add.s32.msk $0xffff, v5;
	v5 =	vpsel !p5, $0x10000, v2;
	p5 =	slt.s32 s5, $0x40;
	s5 =	sadd.s32 $0x6, s14  }
0x2f7: {  	[tilespmem:v8+s2+$0x0] =	vst.idx.add.s32.msk $0xffff, v5;
	v5 =	vpsel !p5, $0x10000, v2;
	p5 =	slt.s32 s5, $0x40;
	s5 =	sadd.s32 $0x7, s14  }
0x2f8: {  	[tilespmem:v9+s2+$0x0] =	vst.idx.add.s32.msk $0xffff, v5;
	v5 =	vpsel !p5, $0x10000, v2;
	p5 =	slt.s32 s5, $0x40  }
0x2f9: {  	p6 =	slt.s32 s14, $0x40;
	s5 =	sadd.s32 $0x8, s14;
	[tilespmem:v10+s2+$0x0] =	vst.idx.add.s32.msk $0xffff, v5;
	v5 =	vpsel !p5, $0x10000, v2  }
0x2fa: {  	v6 =	vpsel !p6, $0x10000, v2;
	p5 =	slt.s32 s5, $0x40;
	s5 =	sadd.s32 $0x9, s14;
	[tilespmem:v11+s2+$0x0] =	vst.idx.add.s32.msk $0xffff, v5  }
0x2fb: {  	v5 =	vpsel !p5, $0x10000, v2;
	p5 =	slt.s32 s5, $0x40;
	s5 =	sadd.s32 $0xA, s14;
	[tilespmem:v18+s2+$0x0] =	vst.idx.add.s32.msk $0xffff, v6  }
0x2fc: {  	[tilespmem:v4+s2+$0x0] =	vst.idx.add.s32.msk $0xffff, v5;
	v4 =	vpsel !p5, $0x10000, v2;
	p5 =	slt.s32 s5, $0x40;
	s5 =	sadd.s32 $0xB, s14  }
0x2fd: {  	[tilespmem:v12+s2+$0x0] =	vst.idx.add.s32.msk $0xffff, v4;
	v4 =	vpsel !p5, $0x10000, v2;
	p5 =	slt.s32 s5, $0x40;
	s5 =	sadd.s32 $0xC, s14  }
0x2fe: {  	[tilespmem:v13+s2+$0x0] =	vst.idx.add.s32.msk $0xffff, v4;
	v4 =	vpsel !p5, $0x10000, v2;
	p5 =	slt.s32 s5, $0x40;
	s5 =	sadd.s32 $0xD, s14  }
.Ltmp13:
0x2ff: {  	[tilespmem:v14+s2+$0x0] =	vst.idx.add.s32.msk $0xffff, v4;
	v4 =	vpsel !p5, $0x10000, v2;
	p5 =	slt.s32 s5, $0x40;
	s5 =	sadd.s32 $0xE, s14;
	(pc) =	sbr.rel @p4 .LBB2_23-.Ltmp13, $4  }
0x300: {  	s14 =	smov.u32 s1;
	[tilespmem:v15+s2+$0x0] =	vst.idx.add.s32.msk $0xffff, v4;
	v4 =	vpsel !p5, $0x10000, v2;
	p5 =	slt.s32 s5, $0x40  }
0x301: {  	[tilespmem:v16+s2+$0x0] =	vst.idx.add.s32.msk $0xffff, v4;
	v4 =	vpsel !p5, $0x10000, v2  }
0x302: {  	s4 =	sadd.s32 $0x100, s4;
	[tilespmem:v17+s2+$0x0] =	vst.idx.add.s32.msk $0xffff, v4  }
0x303: {  	s1 =	sadd.s32 $0x10, s1;
	v4 =	vld [tilespmem:s4+$0x70]  }
0x304: {  	v5 =	vld [tilespmem:s4+$0xFFFFFF90]  }
0x305: {  	v6 =	vld [tilespmem:s4+$0xFFFFFFA0]  }
0x306: {  	v7 =	vld [tilespmem:s4+$0xFFFFFFB0]  }
0x307: {  	v8 =	vld [tilespmem:s4+$0xFFFFFFC0]  }
0x308: {  	v9 =	vld [tilespmem:s4+$0xFFFFFFD0]  }
0x309: {  	v10 =	vld [tilespmem:s4+$0xFFFFFFE0]  }
0x30a: {  	v11 =	vld [tilespmem:s4+$0xFFFFFFF0]  }
0x30b: {  	v13 =	vld [tilespmem:s4+$0x20]  }
0x30c: {  	v14 =	vld [tilespmem:s4+$0x30]  }
0x30d: {  	v15 =	vld [tilespmem:s4+$0x40]  }
0x30e: {  	s1 =	sadd.s32 $0xF, s14;
	v16 =	vld [tilespmem:s4+$0x50]  }
0x30f: {  	v17 =	vld [tilespmem:s4+$0x60];
	p4 =	slt.s32 s1, $0x40  }
0x310: {  	v18 =	vld [tilespmem:s4+$0xFFFFFF80];
	v12 =	vpsel !p4, $0x10000, v2  }
0x311: {  	s5 =	sadd.s32 $0x1, s14;
	[tilespmem:v4+s2+$0x0] =	vst.idx.add.s32.msk $0xffff, v12  }
0x312: {  	p6 =	slt.s32 s5, $0x40;
	s5 =	sadd.s32 $0x2, s14;
	v4 =	vld [tilespmem:s4+$0x0]  }
0x313: {  	v19 =	vpsel !p6, $0x10000, v2;
	p5 =	slt.s32 s5, $0x40;
	s5 =	sadd.s32 $0x3, s14;
	v12 =	vld [tilespmem:s4+$0x10]  }
0x314: {  	p6 =	slt.s32 s5, $0x40;
	s4 =	sadd.s32 $0x4, s14;
	[tilespmem:v5+s2+$0x0] =	vst.idx.add.s32.msk $0xffff, v19;
	v5 =	vpsel !p5, $0x10000, v2  }
0x315: {  	s5 =	sadd.s32 $0x5, s14;
	p5 =	slt.s32 s4, $0x40;
	[tilespmem:v6+s2+$0x0] =	vst.idx.add.s32.msk $0xffff, v5;
	v5 =	vpsel !p6, $0x10000, v2  }
0x316: {  	s4 =	sadd.s32 $0x6, s14;
	p6 =	slt.s32 s5, $0x40;
	[tilespmem:v7+s2+$0x0] =	vst.idx.add.s32.msk $0xffff, v5;
	v5 =	vpsel !p5, $0x10000, v2  }
0x317: {  	s5 =	sadd.s32 $0x7, s14;
	p5 =	slt.s32 s4, $0x40;
	[tilespmem:v8+s2+$0x0] =	vst.idx.add.s32.msk $0xffff, v5;
	v5 =	vpsel !p6, $0x10000, v2  }
0x318: {  	p6 =	slt.s32 s5, $0x40;
	[tilespmem:v9+s2+$0x0] =	vst.idx.add.s32.msk $0xffff, v5;
	v5 =	vpsel !p5, $0x10000, v2  }
0x319: {  	s4 =	sadd.s32 $0x8, s14;
	p5 =	slt.s32 s14, $0x40;
	[tilespmem:v10+s2+$0x0] =	vst.idx.add.s32.msk $0xffff, v5;
	v5 =	vpsel !p6, $0x10000, v2  }
0x31a: {  	s5 =	sadd.s32 $0x9, s14;
	v6 =	vpsel !p5, $0x10000, v2;
	p6 =	slt.s32 s4, $0x40;
	[tilespmem:v11+s2+$0x0] =	vst.idx.add.s32.msk $0xffff, v5  }
0x31b: {  	p5 =	slt.s32 s5, $0x40;
	s4 =	sadd.s32 $0xA, s14;
	[tilespmem:v18+s2+$0x0] =	vst.idx.add.s32.msk $0xffff, v6;
	v5 =	vpsel !p6, $0x10000, v2  }
0x31c: {  	s5 =	sadd.s32 $0xB, s14;
	p6 =	slt.s32 s4, $0x40;
	[tilespmem:v4+s2+$0x0] =	vst.idx.add.s32.msk $0xffff, v5;
	v4 =	vpsel !p5, $0x10000, v2  }
0x31d: {  	s4 =	sadd.s32 $0xC, s14;
	p5 =	slt.s32 s5, $0x40;
	[tilespmem:v12+s2+$0x0] =	vst.idx.add.s32.msk $0xffff, v4;
	v4 =	vpsel !p6, $0x10000, v2  }
0x31e: {  	s5 =	sadd.s32 $0xD, s14;
	p6 =	slt.s32 s4, $0x40;
	[tilespmem:v13+s2+$0x0] =	vst.idx.add.s32.msk $0xffff, v4;
	v4 =	vpsel !p5, $0x10000, v2  }
0x31f: {  	s14 =	sadd.s32 $0xE, s14;
	p5 =	slt.s32 s5, $0x40;
	[tilespmem:v14+s2+$0x0] =	vst.idx.add.s32.msk $0xffff, v4;
	v4 =	vpsel !p6, $0x10000, v2  }
0x320: {  	p6 =	slt.s32 s14, $0x40;
	[tilespmem:v15+s2+$0x0] =	vst.idx.add.s32.msk $0xffff, v4;
	v4 =	vpsel !p5, $0x10000, v2  }
0x321: {  	[tilespmem:v16+s2+$0x0] =	vst.idx.add.s32.msk $0xffff, v4;
	v4 =	vpsel !p6, $0x10000, v2  }
0x322: {  	[tilespmem:v17+s2+$0x0] =	vst.idx.add.s32.msk $0xffff, v4  }
0x323: {  	v4 =	vld [tilespmem:s21+$0x70]  }
0x324: {  	v5 =	vld [tilespmem:s21+$0xFFFFFF90]  }
0x325: {  	v6 =	vld [tilespmem:s21+$0xFFFFFFA0]  }
0x326: {  	v7 =	vld [tilespmem:s21+$0xFFFFFFB0]  }
0x327: {  	v8 =	vld [tilespmem:s21+$0xFFFFFFC0]  }
0x328: {  	v9 =	vld [tilespmem:s21+$0xFFFFFFD0]  }
0x329: {  	v10 =	vld [tilespmem:s21+$0xFFFFFFE0]  }
0x32a: {  	v11 =	vld [tilespmem:s21+$0xFFFFFFF0]  }
0x32b: {  	v13 =	vld [tilespmem:s15+$0x70]  }
0x32c: {  	v14 =	vld [tilespmem:s21+$0x10]  }
0x32d: {  	v15 =	vld [tilespmem:s21+$0x20]  }
0x32e: {  	v16 =	vld [tilespmem:s21+$0x30]  }
0x32f: {  	v17 =	vld [tilespmem:s21+$0x40]  }
0x330: {  	v18 =	vld [tilespmem:s21+$0x50]  }
0x331: {  	v19 =	vld [tilespmem:s21+$0x60]  }
0x332: {  	v20 =	vld [tilespmem:s21+$0xFFFFFF80]  }
0x333: {  	v58 =	vld [tilespmem:s15+$0xFFFFFF90]  }
0x334: {  	v59 =	vld [tilespmem:s15+$0xFFFFFFA0]  }
0x335: {  	v60 =	vld [tilespmem:s15+$0xFFFFFFB0]  }
0x336: {  	v61 =	vld [tilespmem:s15+$0xFFFFFFE0]  }
0x337: {  	v62 =	vld [tilespmem:s15+$0xFFFFFFF0]  }
0x338: {  	s14 =	simm.s32 $0x0;
	v63 =	vld [tilespmem:s15+$0x0]  }
0x339: {  	v12 =	vld.idx.msk [tilespmem:v4+s14+$0x0], $0xffff  }
0x33a: {  	v4 =	vld [tilespmem:s21+$0x0]  }
0x33b: {  	v21 =	vld.idx.msk [tilespmem:v5+s14+$0x0], $0xffff  }
0x33c: {  	v22 =	vld.idx.msk [tilespmem:v6+s14+$0x0], $0xffff  }
0x33d: {  	v23 =	vld.idx.msk [tilespmem:v7+s14+$0x0], $0xffff  }
0x33e: {  	v24 =	vld.idx.msk [tilespmem:v8+s14+$0x0], $0xffff  }
0x33f: {  	v9 =	vld.idx.msk [tilespmem:v9+s14+$0x0], $0xffff  }
0x340: {  	v10 =	vld.idx.msk [tilespmem:v10+s14+$0x0], $0xffff  }
0x341: {  	v11 =	vld.idx.msk [tilespmem:v11+s14+$0x0], $0xffff  }
0x342: {  	v20 =	vld.idx.msk [tilespmem:v20+s14+$0x0], $0xffff  }
0x343: {  	v8 =	vld.idx.msk [tilespmem:v15+s14+$0x0], $0xffff  }
0x344: {  	v15 =	vld [tilespmem:s15+$0xFFFFFF80]  }
0x345: {  	v14 =	vld.idx.msk [tilespmem:v14+s14+$0x0], $0xffff  }
0x346: {  	v7 =	vld.idx.msk [tilespmem:v16+s14+$0x0], $0xffff  }
0x347: {  	v6 =	vld.idx.msk [tilespmem:v17+s14+$0x0], $0xffff  }
0x348: {  	v12 =	vadd.s32 v13, v12;
	v13 =	vld [tilespmem:s15+$0xFFFFFFC0]  }
0x349: {  	[tilespmem:s15+$0x70] =	vst v12;
	v12 =	vadd.s32 v15, v20;
	v15 =	vld [tilespmem:s15+$0xFFFFFFD0]  }
0x34a: {  	v5 =	vld.idx.msk [tilespmem:v18+s14+$0x0], $0xffff;
	[tilespmem:s15+$0xFFFFFF80] =	vst v12;
	v12 =	vadd.s32 v58, v21  }
0x34b: {  	v25 =	vld.idx.msk [tilespmem:v4+s14+$0x0], $0xffff;
	[tilespmem:s15+$0xFFFFFF90] =	vst v12;
	v12 =	vadd.s32 v59, v22  }
0x34c: {  	v4 =	vld.idx.msk [tilespmem:v19+s14+$0x0], $0xffff;
	[tilespmem:s15+$0xFFFFFFA0] =	vst v12;
	v12 =	vadd.s32 v60, v23  }
0x34d: {  	[tilespmem:s15+$0xFFFFFFB0] =	vst v12;
	v12 =	vadd.s32 v13, v24;
	v13 =	vld [tilespmem:s15+$0x10]  }
0x34e: {  	[tilespmem:s15+$0xFFFFFFC0] =	vst v12;
	v12 =	vadd.s32 v15, v9;
	v9 =	vld [tilespmem:s15+$0x20]  }
0x34f: {  	[tilespmem:s15+$0xFFFFFFD0] =	vst v12;
	v12 =	vadd.s32 v61, v10;
	v10 =	vld [tilespmem:s15+$0x30]  }
0x350: {  	[tilespmem:s15+$0xFFFFFFE0] =	vst v12;
	v12 =	vadd.s32 v62, v11;
	v11 =	vld [tilespmem:s15+$0x40]  }
0x351: {  	v15 =	vadd.s32 v63, v25;
	[tilespmem:s15+$0xFFFFFFF0] =	vst v12;
	v12 =	vld [tilespmem:s15+$0x50]  }
0x352: {  	s1 =	simm.s32 $0x18980;
	s4 =	simm.s32 $0x0;
	[tilespmem:s15+$0x0] =	vst v15;
	v14 =	vadd.s32 v13, v14;
	v13 =	vld [tilespmem:s15+$0x60]  }
.LBB2_25:
0x353: {  	v15 =	vld [tilespmem:s1+$0x70];
	s4 =	sadd.s32 $0x10, s4;
	[tilespmem:s15+$0x10] =	vst v14;
	v8 =	vadd.s32 v9, v8  }
0x354: {  	v9 =	vld [tilespmem:s1+$0xFFFFFF90];
	p4 =	slt.u32 s4, $0x30;
	[tilespmem:s15+$0x20] =	vst v8;
	v7 =	vadd.s32 v10, v7  }
0x355: {  	v8 =	vld [tilespmem:s1+$0xFFFFFFA0];
	[tilespmem:s15+$0x30] =	vst v7;
	v6 =	vadd.s32 v11, v6  }
0x356: {  	v7 =	vld [tilespmem:s1+$0xFFFFFFB0];
	[tilespmem:s15+$0x40] =	vst v6;
	v5 =	vadd.s32 v12, v5  }
0x357: {  	v6 =	vld [tilespmem:s1+$0xFFFFFFC0];
	[tilespmem:s15+$0x50] =	vst v5;
	v4 =	vadd.s32 v13, v4  }
0x358: {  	v5 =	vld [tilespmem:s1+$0xFFFFFFD0];
	[tilespmem:s15+$0x60] =	vst v4  }
0x359: {  	v4 =	vld [tilespmem:s1+$0xFFFFFFE0]  }
0x35a: {  	v10 =	vld [tilespmem:s1+$0xFFFFFFF0]  }
0x35b: {  	s15 =	sadd.s32 $0x100, s15;
	v11 =	vld.idx.msk [tilespmem:v15+s14+$0x0], $0xffff  }
0x35c: {  	v12 =	vld [tilespmem:s15+$0x70]  }
0x35d: {  	v13 =	vld [tilespmem:s1+$0x0]  }
0x35e: {  	v14 =	vld [tilespmem:s1+$0x10]  }
0x35f: {  	v15 =	vld [tilespmem:s1+$0x20]  }
0x360: {  	v16 =	vld [tilespmem:s1+$0x30]  }
0x361: {  	v17 =	vld [tilespmem:s1+$0x40];
	v11 =	vadd.s32 v12, v11  }
0x362: {  	s21 =	simm.s32 $0x18880;
	v12 =	vld [tilespmem:s1+$0x50];
	[tilespmem:s15+$0x70] =	vst v11  }
0x363: {  	v11 =	vld [tilespmem:s1+$0x60]  }
0x364: {  	v18 =	vld [tilespmem:s1+$0xFFFFFF80]  }
0x365: {  	v9 =	vld.idx.msk [tilespmem:v9+s14+$0x0], $0xffff  }
0x366: {  	v19 =	vld.idx.msk [tilespmem:v8+s14+$0x0], $0xffff  }
0x367: {  	v20 =	vld.idx.msk [tilespmem:v7+s14+$0x0], $0xffff  }
0x368: {  	v21 =	vld.idx.msk [tilespmem:v6+s14+$0x0], $0xffff  }
0x369: {  	v22 =	vld.idx.msk [tilespmem:v5+s14+$0x0], $0xffff  }
0x36a: {  	v23 =	vld.idx.msk [tilespmem:v4+s14+$0x0], $0xffff  }
0x36b: {  	v24 =	vld.idx.msk [tilespmem:v10+s14+$0x0], $0xffff  }
0x36c: {  	v10 =	vld.idx.msk [tilespmem:v18+s14+$0x0], $0xffff  }
0x36d: {  	v13 =	vld.idx.msk [tilespmem:v13+s14+$0x0], $0xffff  }
0x36e: {  	v14 =	vld.idx.msk [tilespmem:v14+s14+$0x0], $0xffff  }
0x36f: {  	v8 =	vld.idx.msk [tilespmem:v15+s14+$0x0], $0xffff  }
0x370: {  	v7 =	vld.idx.msk [tilespmem:v16+s14+$0x0], $0xffff  }
0x371: {  	v6 =	vld.idx.msk [tilespmem:v17+s14+$0x0], $0xffff  }
0x372: {  	v5 =	vld.idx.msk [tilespmem:v12+s14+$0x0], $0xffff  }
0x373: {  	v4 =	vld.idx.msk [tilespmem:v11+s14+$0x0], $0xffff  }
0x374: {  	v11 =	vld [tilespmem:s15+$0xFFFFFF80]  }
0x375: {  	v12 =	vld [tilespmem:s15+$0xFFFFFF90]  }
0x376: {  	v15 =	vld [tilespmem:s15+$0xFFFFFFA0]  }
0x377: {  	v16 =	vld [tilespmem:s15+$0xFFFFFFB0]  }
0x378: {  	v17 =	vld [tilespmem:s15+$0xFFFFFFC0]  }
0x379: {  	v10 =	vadd.s32 v11, v10;
	v11 =	vld [tilespmem:s15+$0xFFFFFFD0]  }
0x37a: {  	[tilespmem:s15+$0xFFFFFF80] =	vst v10;
	v9 =	vadd.s32 v12, v9;
	v10 =	vld [tilespmem:s15+$0xFFFFFFE0]  }
0x37b: {  	[tilespmem:s15+$0xFFFFFF90] =	vst v9;
	v9 =	vadd.s32 v15, v19;
	v12 =	vld [tilespmem:s15+$0xFFFFFFF0]  }
0x37c: {  	[tilespmem:s15+$0xFFFFFFA0] =	vst v9;
	v9 =	vadd.s32 v16, v20;
	v15 =	vld [tilespmem:s15+$0x0]  }
0x37d: {  	[tilespmem:s15+$0xFFFFFFB0] =	vst v9;
	v9 =	vadd.s32 v17, v21;
	v16 =	vld [tilespmem:s15+$0x10]  }
.Ltmp14:
0x37e: {  	[tilespmem:s15+$0xFFFFFFC0] =	vst v9;
	v11 =	vadd.s32 v11, v22;
	v9 =	vld [tilespmem:s15+$0x20];
	(pc) =	sbr.rel @p4 .LBB2_25-.Ltmp14, $4  }
0x37f: {  	[tilespmem:s15+$0xFFFFFFD0] =	vst v11;
	v11 =	vadd.s32 v10, v23;
	v10 =	vld [tilespmem:s15+$0x30]  }
0x380: {  	[tilespmem:s15+$0xFFFFFFE0] =	vst v11;
	v12 =	vadd.s32 v12, v24;
	v11 =	vld [tilespmem:s15+$0x40]  }
0x381: {  	[tilespmem:s15+$0xFFFFFFF0] =	vst v12;
	v13 =	vadd.s32 v15, v13;
	v12 =	vld [tilespmem:s15+$0x50]  }
0x382: {  	s1 =	sadd.s32 $0x100, s1;
	[tilespmem:s15+$0x0] =	vst v13;
	v14 =	vadd.s32 v16, v14;
	v13 =	vld [tilespmem:s15+$0x60]  }
0x383: {  	[tilespmem:s15+$0x10] =	vst v14;
	v8 =	vadd.s32 v9, v8  }
0x384: {  	[tilespmem:s15+$0x20] =	vst v8;
	v7 =	vadd.s32 v10, v7  }
0x385: {  	[tilespmem:s15+$0x30] =	vst v7;
	v6 =	vadd.s32 v11, v6  }
0x386: {  	[tilespmem:s15+$0x40] =	vst v6;
	v5 =	vadd.s32 v12, v5  }
0x387: {  	[tilespmem:s15+$0x50] =	vst v5;
	v4 =	vadd.s32 v13, v4  }
0x388: {  	[tilespmem:s15+$0x60] =	vst v4  }
0x389: {  	s1 =	simm.s32 $0x10;
	v4 =	vld [tilespmem:s21+$0x70]  }
.LBB2_27:
0x38a: {  	p4 =	slt.u32 s1, $0x70;
	v5 =	vld [tilespmem:s21+$0xFFFFFF90]  }
0x38b: {  	v6 =	vld [tilespmem:s21+$0xFFFFFFA0]  }
0x38c: {  	v7 =	vld [tilespmem:s21+$0xFFFFFFB0]  }
0x38d: {  	v8 =	vld [tilespmem:s21+$0xFFFFFFC0]  }
0x38e: {  	s4 =	sadd.s32 $0xF, s14;
	v9 =	vld [tilespmem:s21+$0xFFFFFFD0]  }
0x38f: {  	p5 =	slt.s32 s4, $0x40;
	v10 =	vld [tilespmem:s21+$0xFFFFFFE0]  }
0x390: {  	v12 =	vpsel !p5, $0xFFFF0000, v3;
	v11 =	vld [tilespmem:s21+$0xFFFFFFF0]  }
0x391: {  	[tilespmem:v4+s2+$0x0] =	vst.idx.add.s32.msk $0xffff, v12  }
0x392: {  	v4 =	vld [tilespmem:s21+$0x0]  }
0x393: {  	v12 =	vld [tilespmem:s21+$0x10]  }
0x394: {  	v13 =	vld [tilespmem:s21+$0x20]  }
0x395: {  	v14 =	vld [tilespmem:s21+$0x30]  }
0x396: {  	v15 =	vld [tilespmem:s21+$0x40]  }
0x397: {  	s4 =	sadd.s32 $0x1, s14;
	v16 =	vld [tilespmem:s21+$0x50]  }
0x398: {  	p5 =	slt.s32 s4, $0x40;
	s4 =	sadd.s32 $0x2, s14;
	v17 =	vld [tilespmem:s21+$0x60]  }
0x399: {  	v19 =	vpsel !p5, $0xFFFF0000, v3;
	p5 =	slt.s32 s4, $0x40;
	s4 =	sadd.s32 $0x3, s14;
	v18 =	vld [tilespmem:s21+$0xFFFFFF80]  }
0x39a: {  	[tilespmem:v5+s2+$0x0] =	vst.idx.add.s32.msk $0xffff, v19;
	v5 =	vpsel !p5, $0xFFFF0000, v3;
	p5 =	slt.s32 s4, $0x40;
	s4 =	sadd.s32 $0x4, s14  }
0x39b: {  	[tilespmem:v6+s2+$0x0] =	vst.idx.add.s32.msk $0xffff, v5;
	v5 =	vpsel !p5, $0xFFFF0000, v3;
	p5 =	slt.s32 s4, $0x40;
	s4 =	sadd.s32 $0x5, s14  }
0x39c: {  	[tilespmem:v7+s2+$0x0] =	vst.idx.add.s32.msk $0xffff, v5;
	v5 =	vpsel !p5, $0xFFFF0000, v3;
	p5 =	slt.s32 s4, $0x40;
	s4 =	sadd.s32 $0x6, s14  }
0x39d: {  	[tilespmem:v8+s2+$0x0] =	vst.idx.add.s32.msk $0xffff, v5;
	v5 =	vpsel !p5, $0xFFFF0000, v3;
	p5 =	slt.s32 s4, $0x40;
	s4 =	sadd.s32 $0x7, s14  }
0x39e: {  	[tilespmem:v9+s2+$0x0] =	vst.idx.add.s32.msk $0xffff, v5;
	v5 =	vpsel !p5, $0xFFFF0000, v3;
	p5 =	slt.s32 s4, $0x40  }
0x39f: {  	p6 =	slt.s32 s14, $0x40;
	s4 =	sadd.s32 $0x8, s14;
	[tilespmem:v10+s2+$0x0] =	vst.idx.add.s32.msk $0xffff, v5;
	v5 =	vpsel !p5, $0xFFFF0000, v3  }
0x3a0: {  	v6 =	vpsel !p6, $0xFFFF0000, v3;
	p5 =	slt.s32 s4, $0x40;
	s4 =	sadd.s32 $0x9, s14;
	[tilespmem:v11+s2+$0x0] =	vst.idx.add.s32.msk $0xffff, v5  }
0x3a1: {  	v5 =	vpsel !p5, $0xFFFF0000, v3;
	p5 =	slt.s32 s4, $0x40;
	s4 =	sadd.s32 $0xA, s14;
	[tilespmem:v18+s2+$0x0] =	vst.idx.add.s32.msk $0xffff, v6  }
0x3a2: {  	[tilespmem:v4+s2+$0x0] =	vst.idx.add.s32.msk $0xffff, v5;
	v4 =	vpsel !p5, $0xFFFF0000, v3;
	p5 =	slt.s32 s4, $0x40;
	s4 =	sadd.s32 $0xB, s14  }
0x3a3: {  	[tilespmem:v12+s2+$0x0] =	vst.idx.add.s32.msk $0xffff, v4;
	v4 =	vpsel !p5, $0xFFFF0000, v3;
	p5 =	slt.s32 s4, $0x40;
	s4 =	sadd.s32 $0xC, s14  }
0x3a4: {  	[tilespmem:v13+s2+$0x0] =	vst.idx.add.s32.msk $0xffff, v4;
	v4 =	vpsel !p5, $0xFFFF0000, v3;
	p5 =	slt.s32 s4, $0x40;
	s4 =	sadd.s32 $0xD, s14  }
.Ltmp15:
0x3a5: {  	[tilespmem:v14+s2+$0x0] =	vst.idx.add.s32.msk $0xffff, v4;
	v4 =	vpsel !p5, $0xFFFF0000, v3;
	p5 =	slt.s32 s4, $0x40;
	s4 =	sadd.s32 $0xE, s14;
	(pc) =	sbr.rel @p4 .LBB2_27-.Ltmp15, $4  }
0x3a6: {  	s14 =	smov.u32 s1;
	[tilespmem:v15+s2+$0x0] =	vst.idx.add.s32.msk $0xffff, v4;
	v4 =	vpsel !p5, $0xFFFF0000, v3;
	p5 =	slt.s32 s4, $0x40  }
0x3a7: {  	[tilespmem:v16+s2+$0x0] =	vst.idx.add.s32.msk $0xffff, v4;
	v4 =	vpsel !p5, $0xFFFF0000, v3  }
0x3a8: {  	s21 =	sadd.s32 $0x100, s21;
	[tilespmem:v17+s2+$0x0] =	vst.idx.add.s32.msk $0xffff, v4  }
0x3a9: {  	s1 =	sadd.s32 $0x10, s1;
	v4 =	vld [tilespmem:s21+$0x70]  }
0x3aa: {  	v5 =	vld [tilespmem:s21+$0xFFFFFF90]  }
0x3ab: {  	v6 =	vld [tilespmem:s21+$0xFFFFFFA0]  }
0x3ac: {  	v7 =	vld [tilespmem:s21+$0xFFFFFFB0]  }
0x3ad: {  	v8 =	vld [tilespmem:s21+$0xFFFFFFC0]  }
0x3ae: {  	v9 =	vld [tilespmem:s21+$0xFFFFFFD0]  }
0x3af: {  	v10 =	vld [tilespmem:s21+$0xFFFFFFE0]  }
0x3b0: {  	v11 =	vld [tilespmem:s21+$0xFFFFFFF0]  }
0x3b1: {  	v62 =	vld [tilespmem:s21+$0x10]  }
0x3b2: {  	v13 =	vld [tilespmem:s21+$0x20]  }
0x3b3: {  	v14 =	vld [tilespmem:s21+$0x30]  }
0x3b4: {  	v15 =	vld [tilespmem:s21+$0x40]  }
0x3b5: {  	s1 =	sadd.s32 $0xF, s14;
	v16 =	vld [tilespmem:s21+$0x50]  }
0x3b6: {  	v17 =	vld [tilespmem:s21+$0x60];
	p4 =	slt.s32 s1, $0x40  }
0x3b7: {  	s5 =	sadd.s32 $0x1, s14;
	v18 =	vld [tilespmem:s21+$0xFFFFFF80];
	v12 =	vpsel !p4, $0xFFFF0000, v3  }
0x3b8: {  	s15 =	sadd.s32 $0x2, s14;
	p6 =	slt.s32 s5, $0x40;
	[tilespmem:v4+s2+$0x0] =	vst.idx.add.s32.msk $0xffff, v12  }
0x3b9: {  	s4 =	sadd.s32 $0x3, s14;
	p5 =	slt.s32 s15, $0x40;
	v19 =	vpsel !p6, $0xFFFF0000, v3;
	v4 =	vld [tilespmem:s21+$0x0]  }
0x3ba: {  	s5 =	sadd.s32 $0x4, s14;
	p6 =	slt.s32 s4, $0x40;
	[tilespmem:v5+s2+$0x0] =	vst.idx.add.s32.msk $0xffff, v19;
	v5 =	vpsel !p5, $0xFFFF0000, v3  }
0x3bb: {  	s15 =	sadd.s32 $0x5, s14;
	p5 =	slt.s32 s5, $0x40;
	[tilespmem:v6+s2+$0x0] =	vst.idx.add.s32.msk $0xffff, v5;
	v5 =	vpsel !p6, $0xFFFF0000, v3  }
0x3bc: {  	s21 =	sadd.s32 $0x6, s14;
	p6 =	slt.s32 s15, $0x40;
	[tilespmem:v7+s2+$0x0] =	vst.idx.add.s32.msk $0xffff, v5;
	v5 =	vpsel !p5, $0xFFFF0000, v3  }
0x3bd: {  	s4 =	sadd.s32 $0x7, s14;
	p5 =	slt.s32 s21, $0x40;
	[tilespmem:v8+s2+$0x0] =	vst.idx.add.s32.msk $0xffff, v5;
	v5 =	vpsel !p6, $0xFFFF0000, v3  }
0x3be: {  	p6 =	slt.s32 s4, $0x40;
	[tilespmem:v9+s2+$0x0] =	vst.idx.add.s32.msk $0xffff, v5;
	v5 =	vpsel !p5, $0xFFFF0000, v3  }
0x3bf: {  	s5 =	sadd.s32 $0x8, s14;
	p5 =	slt.s32 s14, $0x40;
	[tilespmem:v10+s2+$0x0] =	vst.idx.add.s32.msk $0xffff, v5;
	v5 =	vpsel !p6, $0xFFFF0000, v3  }
0x3c0: {  	s15 =	sadd.s32 $0x9, s14;
	v63 =	vpsel !p5, $0xFFFF0000, v3;
	p6 =	slt.s32 s5, $0x40;
	[tilespmem:v11+s2+$0x0] =	vst.idx.add.s32.msk $0xffff, v5  }
0x3c1: {  	s21 =	sadd.s32 $0xA, s14;
	p5 =	slt.s32 s15, $0x40;
	[tilespmem:v18+s2+$0x0] =	vst.idx.add.s32.msk $0xffff, v63;
	v5 =	vpsel !p6, $0xFFFF0000, v3  }
0x3c2: {  	s4 =	sadd.s32 $0xB, s14;
	p6 =	slt.s32 s21, $0x40;
	[tilespmem:v4+s2+$0x0] =	vst.idx.add.s32.msk $0xffff, v5;
	v4 =	vpsel !p5, $0xFFFF0000, v3  }
0x3c3: {  	s5 =	sadd.s32 $0xC, s14;
	p5 =	slt.s32 s4, $0x40;
	[tilespmem:v62+s2+$0x0] =	vst.idx.add.s32.msk $0xffff, v4;
	v4 =	vpsel !p6, $0xFFFF0000, v3  }
0x3c4: {  	s15 =	sadd.s32 $0xD, s14;
	p6 =	slt.s32 s5, $0x40;
	[tilespmem:v13+s2+$0x0] =	vst.idx.add.s32.msk $0xffff, v4;
	v4 =	vpsel !p5, $0xFFFF0000, v3  }
0x3c5: {  	s21 =	sadd.s32 $0xE, s14;
	p5 =	slt.s32 s15, $0x40;
	[tilespmem:v14+s2+$0x0] =	vst.idx.add.s32.msk $0xffff, v4;
	v4 =	vpsel !p6, $0xFFFF0000, v3  }
0x3c6: {  	p6 =	slt.s32 s21, $0x40;
	[tilespmem:v15+s2+$0x0] =	vst.idx.add.s32.msk $0xffff, v4;
	v4 =	vpsel !p5, $0xFFFF0000, v3  }
0x3c7: {  	[tilespmem:v16+s2+$0x0] =	vst.idx.add.s32.msk $0xffff, v4;
	v4 =	vpsel !p6, $0xFFFF0000, v3  }
0x3c8: {  	[tilespmem:v17+s2+$0x0] =	vst.idx.add.s32.msk $0xffff, v4  }
0x3c9: {  	_ =	swait.ge [sflag:s6], $0x80  }
0x3ca: {  	[sflag:s6] =	ssyncset.done $0x0  }
0x3cb: {  	[sflag:s6] =	ssyncadd.s32 $0xFFFFFF80  }
0x3cc: {  	_ =	swait.ge [sflag:s6], $0x80  }
0x3cd: {  	[sflag:s6] =	ssyncset.done $0x0  }
0x3ce: {  	[sflag:s6] =	ssyncadd.s32 $0xFFFFFF80  }
0x3cf: {  	_ =	swait.ge [sflag:s6], $0x80  }
0x3d0: {  	[sflag:s6] =	ssyncset.done $0x0  }
0x3d1: {  	[sflag:s6] =	ssyncadd.s32 $0xFFFFFF80  }
0x3d2: {  	_ =	swait.ge [sflag:s6], $0x80  }
0x3d3: {  	[sflag:s6] =	ssyncset.done $0x0  }
0x3d4: {  	[sflag:s6] =	ssyncadd.s32 $0xFFFFFF80  }
0x3d5: {  	_ =	swait.ge [sflag:s6], $0x80  }
0x3d6: {  	[sflag:s6] =	ssyncset.done $0x0  }
0x3d7: {  	[sflag:s6] =	ssyncadd.s32 $0xFFFFFF80  }
0x3d8: {  	_ =	swait.ge [sflag:s6], $0x80  }
0x3d9: {  	[sflag:s6] =	ssyncset.done $0x0  }
0x3da: {  	[sflag:s6] =	ssyncadd.s32 $0xFFFFFF80  }
0x3db: {  	_ =	swait.ge [sflag:s6], $0x80  }
.Ltmp16:
0x3dc: {  	[sflag:s6] =	ssyncset.done $0x0;
	(pc) =	sbr.rel .LBB2_29-.Ltmp16, $4  }
0x3dd: {  	[sflag:s6] =	ssyncadd.s32 $0xFFFFFF80  }
0x3de: {  	_ =	swait.ge [sflag:s6], $0x80  }
0x3df: {  	[sflag:s6] =	ssyncset.done $0x0  }
0x3e0: {  	[sflag:s6] =	ssyncadd.s32 $0xFFFFFF80  }
.LBB2_21:
0x3e1: {  	_ =	swait.ge [sflag:s8], $0x400  }
0x3e2: {  	[sflag:s8] =	ssyncset.done $0x0  }
0x3e3: {  	[sflag:s8] =	ssyncadd.s32 $0xFFFFFC00  }
.LBB2_29:
0x3e4: {  	[hbm4b:s19+s29] =	stream.strided.scatter [tilespmem:s3], [sflag:$0x3], $0x400, s30, s29, $0x38;
	[tilespmem:$0x1A400] =	vst v63  }
0x3e5: {  	s1 =	simm.s32 @!p0 $0x1  }
0x3e6: {  	_ =	swait.ge @!p0 [sflag:s1], $0x400  }
0x3e7: {  	[sflag:s1] =	ssyncset.done @!p0 $0x0  }
0x3e8: {  	[sflag:s1] =	ssyncadd.s32 @!p0 $0xFFFFFC00  }
0x3e9: {  	_ =	swait.ge @!p0 [sflag:s1], $0x400  }
0x3ea: {  	s4 =	simm.s32 @!p2 $0x400;
	[sflag:s1] =	ssyncset.done @!p0 $0x0  }
0x3eb: {  	s5 =	simm.s32 @!p2 $0x18800;
	[sflag:s1] =	ssyncadd.s32 @!p0 $0xFFFFFC00;
	s1 =	simm.s32 @!p2 $0x80  }
0x3ec: {  	[tilespmem:s5], [sflag:$0x1] =	stream.strided.gather @!p2 [hbm4b:s9+s1], $0x400, s4, s1, $0x38;
	[tilespmem:$0x1A400] =	vst v63  }
.Ltmp17:
0x3ed: {  	s5 =	simm.s32 @!p2 $0x18C00;
	(pc) =	sbr.rel @p0 .LBB2_37-.Ltmp17, $4  }
0x3ee: {  	[tilespmem:s5], [sflag:$0x1] =	stream.strided.gather @!p2 [hbm4b:s10+s1], $0x400, s4, s1, $0x38;
	[tilespmem:$0x1A400] =	vst v63  }
0x3ef: {  	_ =	swait.ge [sflag:s8], $0x400  }
0x3f0: {  	[sflag:s8] =	ssyncset.done $0x0  }
0x3f1: {  	[sflag:s8] =	ssyncadd.s32 $0xFFFFFC00  }
0x3f2: {  	[tilespmem:s7], [sflag:$0x2] =	stream.indirect.gather [hbm4b:s24+s29], $0x1, s31, s29, $0xb8;
	[tilespmem:$0x1A400] =	vst v63  }
0x3f3: {  	s21 =	simm.s32 $0x19080;
	s1 =	simm.s32 $0x1A080  }
0x3f4: {  	[tilespmem:s1], [sflag:$0x2] =	stream.indirect.gather [hbm4b:s24+s29], $0x1, s21, s29, $0xb8;
	[tilespmem:$0x1A400] =	vst v63  }
0x3f5: {  	s5 =	simm.s32 $0x19100;
	s4 =	simm.s32 $0x1A100  }
0x3f6: {  	[tilespmem:s4], [sflag:$0x2] =	stream.indirect.gather [hbm4b:s24+s29], $0x1, s5, s29, $0xb8;
	[tilespmem:$0x1A400] =	vst v63  }
0x3f7: {  	s14 =	simm.s32 $0x19180;
	s15 =	simm.s32 $0x1A180  }
0x3f8: {  	[tilespmem:s15], [sflag:$0x2] =	stream.indirect.gather [hbm4b:s24+s29], $0x1, s14, s29, $0xb8;
	[tilespmem:$0x1A400] =	vst v63  }
0x3f9: {  	s4 =	simm.s32 $0x19200;
	s5 =	simm.s32 $0x1A200  }
0x3fa: {  	[tilespmem:s5], [sflag:$0x2] =	stream.indirect.gather [hbm4b:s24+s29], $0x1, s4, s29, $0xb8;
	[tilespmem:$0x1A400] =	vst v63  }
0x3fb: {  	s14 =	simm.s32 $0x19280;
	s15 =	simm.s32 $0x1A280  }
0x3fc: {  	[tilespmem:s15], [sflag:$0x2] =	stream.indirect.gather [hbm4b:s24+s29], $0x1, s14, s29, $0xb8;
	[tilespmem:$0x1A400] =	vst v63  }
0x3fd: {  	s4 =	simm.s32 $0x19300;
	s5 =	simm.s32 $0x1A300  }
0x3fe: {  	[tilespmem:s5], [sflag:$0x2] =	stream.indirect.gather [hbm4b:s24+s29], $0x1, s4, s29, $0xb8;
	[tilespmem:$0x1A400] =	vst v63  }
0x3ff: {  	s14 =	simm.s32 $0x19380;
	s15 =	simm.s32 $0x1A380  }
0x400: {  	[tilespmem:s15], [sflag:$0x2] =	stream.indirect.gather [hbm4b:s24+s29], $0x1, s14, s29, $0xb8;
	[tilespmem:$0x1A400] =	vst v63  }
0x401: {  	s1 =	simm.s32 $0x10;
	s4 =	simm.s32 $0x19080;
	s14 =	simm.s32 $0x0;
	v4 =	vld [tilespmem:s21+$0x70]  }
.LBB2_31:
0x402: {  	p4 =	slt.u32 s1, $0x70;
	v5 =	vld [tilespmem:s4+$0xFFFFFF90]  }
0x403: {  	v6 =	vld [tilespmem:s4+$0xFFFFFFA0]  }
0x404: {  	v7 =	vld [tilespmem:s4+$0xFFFFFFB0]  }
0x405: {  	v8 =	vld [tilespmem:s4+$0xFFFFFFC0]  }
0x406: {  	s5 =	sadd.s32 $0xF, s14;
	v9 =	vld [tilespmem:s4+$0xFFFFFFD0]  }
0x407: {  	p5 =	slt.s32 s5, $0x40;
	v10 =	vld [tilespmem:s4+$0xFFFFFFE0]  }
0x408: {  	v12 =	vpsel !p5, $0x10000, v2;
	v11 =	vld [tilespmem:s4+$0xFFFFFFF0]  }
0x409: {  	s15 =	simm.s32 $0x19880;
	[tilespmem:v4+s2+$0x0] =	vst.idx.add.s32.msk $0xffff, v12  }
0x40a: {  	v4 =	vld [tilespmem:s4+$0x0]  }
0x40b: {  	v12 =	vld [tilespmem:s4+$0x10]  }
0x40c: {  	v13 =	vld [tilespmem:s4+$0x20]  }
0x40d: {  	v14 =	vld [tilespmem:s4+$0x30]  }
0x40e: {  	v15 =	vld [tilespmem:s4+$0x40]  }
0x40f: {  	s5 =	sadd.s32 $0x1, s14;
	v16 =	vld [tilespmem:s4+$0x50]  }
0x410: {  	p5 =	slt.s32 s5, $0x40;
	s5 =	sadd.s32 $0x2, s14;
	v17 =	vld [tilespmem:s4+$0x60]  }
0x411: {  	v19 =	vpsel !p5, $0x10000, v2;
	p5 =	slt.s32 s5, $0x40;
	s5 =	sadd.s32 $0x3, s14;
	v18 =	vld [tilespmem:s4+$0xFFFFFF80]  }
0x412: {  	[tilespmem:v5+s2+$0x0] =	vst.idx.add.s32.msk $0xffff, v19;
	v5 =	vpsel !p5, $0x10000, v2;
	p5 =	slt.s32 s5, $0x40;
	s5 =	sadd.s32 $0x4, s14  }
0x413: {  	[tilespmem:v6+s2+$0x0] =	vst.idx.add.s32.msk $0xffff, v5;
	v5 =	vpsel !p5, $0x10000, v2;
	p5 =	slt.s32 s5, $0x40;
	s5 =	sadd.s32 $0x5, s14  }
0x414: {  	[tilespmem:v7+s2+$0x0] =	vst.idx.add.s32.msk $0xffff, v5;
	v5 =	vpsel !p5, $0x10000, v2;
	p5 =	slt.s32 s5, $0x40;
	s5 =	sadd.s32 $0x6, s14  }
0x415: {  	[tilespmem:v8+s2+$0x0] =	vst.idx.add.s32.msk $0xffff, v5;
	v5 =	vpsel !p5, $0x10000, v2;
	p5 =	slt.s32 s5, $0x40;
	s5 =	sadd.s32 $0x7, s14  }
0x416: {  	[tilespmem:v9+s2+$0x0] =	vst.idx.add.s32.msk $0xffff, v5;
	v5 =	vpsel !p5, $0x10000, v2;
	p5 =	slt.s32 s5, $0x40  }
0x417: {  	p6 =	slt.s32 s14, $0x40;
	s5 =	sadd.s32 $0x8, s14;
	[tilespmem:v10+s2+$0x0] =	vst.idx.add.s32.msk $0xffff, v5;
	v5 =	vpsel !p5, $0x10000, v2  }
0x418: {  	v6 =	vpsel !p6, $0x10000, v2;
	p5 =	slt.s32 s5, $0x40;
	s5 =	sadd.s32 $0x9, s14;
	[tilespmem:v11+s2+$0x0] =	vst.idx.add.s32.msk $0xffff, v5  }
0x419: {  	v5 =	vpsel !p5, $0x10000, v2;
	p5 =	slt.s32 s5, $0x40;
	s5 =	sadd.s32 $0xA, s14;
	[tilespmem:v18+s2+$0x0] =	vst.idx.add.s32.msk $0xffff, v6  }
0x41a: {  	[tilespmem:v4+s2+$0x0] =	vst.idx.add.s32.msk $0xffff, v5;
	v4 =	vpsel !p5, $0x10000, v2;
	p5 =	slt.s32 s5, $0x40;
	s5 =	sadd.s32 $0xB, s14  }
0x41b: {  	[tilespmem:v12+s2+$0x0] =	vst.idx.add.s32.msk $0xffff, v4;
	v4 =	vpsel !p5, $0x10000, v2;
	p5 =	slt.s32 s5, $0x40;
	s5 =	sadd.s32 $0xC, s14  }
0x41c: {  	[tilespmem:v13+s2+$0x0] =	vst.idx.add.s32.msk $0xffff, v4;
	v4 =	vpsel !p5, $0x10000, v2;
	p5 =	slt.s32 s5, $0x40;
	s5 =	sadd.s32 $0xD, s14  }
.Ltmp18:
0x41d: {  	[tilespmem:v14+s2+$0x0] =	vst.idx.add.s32.msk $0xffff, v4;
	v4 =	vpsel !p5, $0x10000, v2;
	p5 =	slt.s32 s5, $0x40;
	s5 =	sadd.s32 $0xE, s14;
	(pc) =	sbr.rel @p4 .LBB2_31-.Ltmp18, $4  }
0x41e: {  	s14 =	smov.u32 s1;
	[tilespmem:v15+s2+$0x0] =	vst.idx.add.s32.msk $0xffff, v4;
	v4 =	vpsel !p5, $0x10000, v2;
	p5 =	slt.s32 s5, $0x40  }
0x41f: {  	[tilespmem:v16+s2+$0x0] =	vst.idx.add.s32.msk $0xffff, v4;
	v4 =	vpsel !p5, $0x10000, v2  }
0x420: {  	s4 =	sadd.s32 $0x100, s4;
	[tilespmem:v17+s2+$0x0] =	vst.idx.add.s32.msk $0xffff, v4  }
0x421: {  	s1 =	sadd.s32 $0x10, s1;
	v4 =	vld [tilespmem:s4+$0x70]  }
0x422: {  	v5 =	vld [tilespmem:s4+$0xFFFFFF90]  }
0x423: {  	v6 =	vld [tilespmem:s4+$0xFFFFFFA0]  }
0x424: {  	v7 =	vld [tilespmem:s4+$0xFFFFFFB0]  }
0x425: {  	v8 =	vld [tilespmem:s4+$0xFFFFFFC0]  }
0x426: {  	v9 =	vld [tilespmem:s4+$0xFFFFFFD0]  }
0x427: {  	v10 =	vld [tilespmem:s4+$0xFFFFFFE0]  }
0x428: {  	v11 =	vld [tilespmem:s4+$0xFFFFFFF0]  }
0x429: {  	v13 =	vld [tilespmem:s4+$0x20]  }
0x42a: {  	v14 =	vld [tilespmem:s4+$0x30]  }
0x42b: {  	v15 =	vld [tilespmem:s4+$0x40]  }
0x42c: {  	s1 =	sadd.s32 $0xF, s14;
	v16 =	vld [tilespmem:s4+$0x50]  }
0x42d: {  	v17 =	vld [tilespmem:s4+$0x60];
	p4 =	slt.s32 s1, $0x40  }
0x42e: {  	v18 =	vld [tilespmem:s4+$0xFFFFFF80];
	v12 =	vpsel !p4, $0x10000, v2  }
0x42f: {  	s5 =	sadd.s32 $0x1, s14;
	[tilespmem:v4+s2+$0x0] =	vst.idx.add.s32.msk $0xffff, v12  }
0x430: {  	p6 =	slt.s32 s5, $0x40;
	s5 =	sadd.s32 $0x2, s14;
	v4 =	vld [tilespmem:s4+$0x0]  }
0x431: {  	v19 =	vpsel !p6, $0x10000, v2;
	p5 =	slt.s32 s5, $0x40;
	s5 =	sadd.s32 $0x3, s14;
	v12 =	vld [tilespmem:s4+$0x10]  }
0x432: {  	p6 =	slt.s32 s5, $0x40;
	s4 =	sadd.s32 $0x4, s14;
	[tilespmem:v5+s2+$0x0] =	vst.idx.add.s32.msk $0xffff, v19;
	v5 =	vpsel !p5, $0x10000, v2  }
0x433: {  	s5 =	sadd.s32 $0x5, s14;
	p5 =	slt.s32 s4, $0x40;
	[tilespmem:v6+s2+$0x0] =	vst.idx.add.s32.msk $0xffff, v5;
	v5 =	vpsel !p6, $0x10000, v2  }
0x434: {  	s4 =	sadd.s32 $0x6, s14;
	p6 =	slt.s32 s5, $0x40;
	[tilespmem:v7+s2+$0x0] =	vst.idx.add.s32.msk $0xffff, v5;
	v5 =	vpsel !p5, $0x10000, v2  }
0x435: {  	s5 =	sadd.s32 $0x7, s14;
	p5 =	slt.s32 s4, $0x40;
	[tilespmem:v8+s2+$0x0] =	vst.idx.add.s32.msk $0xffff, v5;
	v5 =	vpsel !p6, $0x10000, v2  }
0x436: {  	p6 =	slt.s32 s5, $0x40;
	[tilespmem:v9+s2+$0x0] =	vst.idx.add.s32.msk $0xffff, v5;
	v5 =	vpsel !p5, $0x10000, v2  }
0x437: {  	s4 =	sadd.s32 $0x8, s14;
	p5 =	slt.s32 s14, $0x40;
	[tilespmem:v10+s2+$0x0] =	vst.idx.add.s32.msk $0xffff, v5;
	v5 =	vpsel !p6, $0x10000, v2  }
0x438: {  	s5 =	sadd.s32 $0x9, s14;
	v6 =	vpsel !p5, $0x10000, v2;
	p6 =	slt.s32 s4, $0x40;
	[tilespmem:v11+s2+$0x0] =	vst.idx.add.s32.msk $0xffff, v5  }
0x439: {  	p5 =	slt.s32 s5, $0x40;
	s4 =	sadd.s32 $0xA, s14;
	[tilespmem:v18+s2+$0x0] =	vst.idx.add.s32.msk $0xffff, v6;
	v5 =	vpsel !p6, $0x10000, v2  }
0x43a: {  	s5 =	sadd.s32 $0xB, s14;
	p6 =	slt.s32 s4, $0x40;
	[tilespmem:v4+s2+$0x0] =	vst.idx.add.s32.msk $0xffff, v5;
	v4 =	vpsel !p5, $0x10000, v2  }
0x43b: {  	s4 =	sadd.s32 $0xC, s14;
	p5 =	slt.s32 s5, $0x40;
	[tilespmem:v12+s2+$0x0] =	vst.idx.add.s32.msk $0xffff, v4;
	v4 =	vpsel !p6, $0x10000, v2  }
0x43c: {  	s5 =	sadd.s32 $0xD, s14;
	p6 =	slt.s32 s4, $0x40;
	[tilespmem:v13+s2+$0x0] =	vst.idx.add.s32.msk $0xffff, v4;
	v4 =	vpsel !p5, $0x10000, v2  }
0x43d: {  	s14 =	sadd.s32 $0xE, s14;
	p5 =	slt.s32 s5, $0x40;
	[tilespmem:v14+s2+$0x0] =	vst.idx.add.s32.msk $0xffff, v4;
	v4 =	vpsel !p6, $0x10000, v2  }
0x43e: {  	p6 =	slt.s32 s14, $0x40;
	[tilespmem:v15+s2+$0x0] =	vst.idx.add.s32.msk $0xffff, v4;
	v4 =	vpsel !p5, $0x10000, v2  }
0x43f: {  	[tilespmem:v16+s2+$0x0] =	vst.idx.add.s32.msk $0xffff, v4;
	v4 =	vpsel !p6, $0x10000, v2  }
0x440: {  	[tilespmem:v17+s2+$0x0] =	vst.idx.add.s32.msk $0xffff, v4  }
0x441: {  	v4 =	vld [tilespmem:s21+$0x70]  }
0x442: {  	v5 =	vld [tilespmem:s21+$0xFFFFFF90]  }
0x443: {  	v6 =	vld [tilespmem:s21+$0xFFFFFFA0]  }
0x444: {  	v7 =	vld [tilespmem:s21+$0xFFFFFFB0]  }
0x445: {  	v8 =	vld [tilespmem:s21+$0xFFFFFFC0]  }
0x446: {  	v9 =	vld [tilespmem:s21+$0xFFFFFFD0]  }
0x447: {  	v10 =	vld [tilespmem:s21+$0xFFFFFFE0]  }
0x448: {  	v11 =	vld [tilespmem:s21+$0xFFFFFFF0]  }
0x449: {  	v13 =	vld [tilespmem:s15+$0x70]  }
0x44a: {  	v14 =	vld [tilespmem:s21+$0x10]  }
0x44b: {  	v15 =	vld [tilespmem:s21+$0x20]  }
0x44c: {  	v16 =	vld [tilespmem:s21+$0x30]  }
0x44d: {  	v17 =	vld [tilespmem:s21+$0x40]  }
0x44e: {  	v18 =	vld [tilespmem:s21+$0x50]  }
0x44f: {  	v19 =	vld [tilespmem:s21+$0x60]  }
0x450: {  	v20 =	vld [tilespmem:s21+$0xFFFFFF80]  }
0x451: {  	v58 =	vld [tilespmem:s15+$0xFFFFFF90]  }
0x452: {  	v59 =	vld [tilespmem:s15+$0xFFFFFFA0]  }
0x453: {  	v60 =	vld [tilespmem:s15+$0xFFFFFFB0]  }
0x454: {  	v61 =	vld [tilespmem:s15+$0xFFFFFFE0]  }
0x455: {  	v62 =	vld [tilespmem:s15+$0xFFFFFFF0]  }
0x456: {  	s14 =	simm.s32 $0x0;
	v63 =	vld [tilespmem:s15+$0x0]  }
0x457: {  	v12 =	vld.idx.msk [tilespmem:v4+s14+$0x0], $0xffff  }
0x458: {  	v4 =	vld [tilespmem:s21+$0x0]  }
0x459: {  	v21 =	vld.idx.msk [tilespmem:v5+s14+$0x0], $0xffff  }
0x45a: {  	v22 =	vld.idx.msk [tilespmem:v6+s14+$0x0], $0xffff  }
0x45b: {  	v23 =	vld.idx.msk [tilespmem:v7+s14+$0x0], $0xffff  }
0x45c: {  	v24 =	vld.idx.msk [tilespmem:v8+s14+$0x0], $0xffff  }
0x45d: {  	v9 =	vld.idx.msk [tilespmem:v9+s14+$0x0], $0xffff  }
0x45e: {  	v10 =	vld.idx.msk [tilespmem:v10+s14+$0x0], $0xffff  }
0x45f: {  	v11 =	vld.idx.msk [tilespmem:v11+s14+$0x0], $0xffff  }
0x460: {  	v20 =	vld.idx.msk [tilespmem:v20+s14+$0x0], $0xffff  }
0x461: {  	v8 =	vld.idx.msk [tilespmem:v15+s14+$0x0], $0xffff  }
0x462: {  	v15 =	vld [tilespmem:s15+$0xFFFFFF80]  }
0x463: {  	v14 =	vld.idx.msk [tilespmem:v14+s14+$0x0], $0xffff  }
0x464: {  	v7 =	vld.idx.msk [tilespmem:v16+s14+$0x0], $0xffff  }
0x465: {  	v6 =	vld.idx.msk [tilespmem:v17+s14+$0x0], $0xffff  }
0x466: {  	v12 =	vadd.s32 v13, v12;
	v13 =	vld [tilespmem:s15+$0xFFFFFFC0]  }
0x467: {  	[tilespmem:s15+$0x70] =	vst v12;
	v12 =	vadd.s32 v15, v20;
	v15 =	vld [tilespmem:s15+$0xFFFFFFD0]  }
0x468: {  	v5 =	vld.idx.msk [tilespmem:v18+s14+$0x0], $0xffff;
	[tilespmem:s15+$0xFFFFFF80] =	vst v12;
	v12 =	vadd.s32 v58, v21  }
0x469: {  	v25 =	vld.idx.msk [tilespmem:v4+s14+$0x0], $0xffff;
	[tilespmem:s15+$0xFFFFFF90] =	vst v12;
	v12 =	vadd.s32 v59, v22  }
0x46a: {  	v4 =	vld.idx.msk [tilespmem:v19+s14+$0x0], $0xffff;
	[tilespmem:s15+$0xFFFFFFA0] =	vst v12;
	v12 =	vadd.s32 v60, v23  }
0x46b: {  	[tilespmem:s15+$0xFFFFFFB0] =	vst v12;
	v12 =	vadd.s32 v13, v24;
	v13 =	vld [tilespmem:s15+$0x10]  }
0x46c: {  	[tilespmem:s15+$0xFFFFFFC0] =	vst v12;
	v12 =	vadd.s32 v15, v9;
	v9 =	vld [tilespmem:s15+$0x20]  }
0x46d: {  	[tilespmem:s15+$0xFFFFFFD0] =	vst v12;
	v12 =	vadd.s32 v61, v10;
	v10 =	vld [tilespmem:s15+$0x30]  }
0x46e: {  	[tilespmem:s15+$0xFFFFFFE0] =	vst v12;
	v12 =	vadd.s32 v62, v11;
	v11 =	vld [tilespmem:s15+$0x40]  }
0x46f: {  	v15 =	vadd.s32 v63, v25;
	[tilespmem:s15+$0xFFFFFFF0] =	vst v12;
	v12 =	vld [tilespmem:s15+$0x50]  }
0x470: {  	s1 =	simm.s32 $0x19180;
	s4 =	simm.s32 $0x0;
	[tilespmem:s15+$0x0] =	vst v15;
	v14 =	vadd.s32 v13, v14;
	v13 =	vld [tilespmem:s15+$0x60]  }
.LBB2_33:
0x471: {  	v15 =	vld [tilespmem:s1+$0x70];
	s4 =	sadd.s32 $0x10, s4;
	[tilespmem:s15+$0x10] =	vst v14;
	v8 =	vadd.s32 v9, v8  }
0x472: {  	v9 =	vld [tilespmem:s1+$0xFFFFFF90];
	p4 =	slt.u32 s4, $0x30;
	[tilespmem:s15+$0x20] =	vst v8;
	v7 =	vadd.s32 v10, v7  }
0x473: {  	v8 =	vld [tilespmem:s1+$0xFFFFFFA0];
	[tilespmem:s15+$0x30] =	vst v7;
	v6 =	vadd.s32 v11, v6  }
0x474: {  	v7 =	vld [tilespmem:s1+$0xFFFFFFB0];
	[tilespmem:s15+$0x40] =	vst v6;
	v5 =	vadd.s32 v12, v5  }
0x475: {  	v6 =	vld [tilespmem:s1+$0xFFFFFFC0];
	[tilespmem:s15+$0x50] =	vst v5;
	v4 =	vadd.s32 v13, v4  }
0x476: {  	v5 =	vld [tilespmem:s1+$0xFFFFFFD0];
	[tilespmem:s15+$0x60] =	vst v4  }
0x477: {  	v4 =	vld [tilespmem:s1+$0xFFFFFFE0]  }
0x478: {  	v10 =	vld [tilespmem:s1+$0xFFFFFFF0]  }
0x479: {  	s15 =	sadd.s32 $0x100, s15;
	v11 =	vld.idx.msk [tilespmem:v15+s14+$0x0], $0xffff  }
0x47a: {  	v12 =	vld [tilespmem:s15+$0x70]  }
0x47b: {  	v13 =	vld [tilespmem:s1+$0x0]  }
0x47c: {  	v14 =	vld [tilespmem:s1+$0x10]  }
0x47d: {  	v15 =	vld [tilespmem:s1+$0x20]  }
0x47e: {  	v16 =	vld [tilespmem:s1+$0x30]  }
0x47f: {  	v17 =	vld [tilespmem:s1+$0x40];
	v11 =	vadd.s32 v12, v11  }
0x480: {  	s21 =	simm.s32 $0x19080;
	v12 =	vld [tilespmem:s1+$0x50];
	[tilespmem:s15+$0x70] =	vst v11  }
0x481: {  	v11 =	vld [tilespmem:s1+$0x60]  }
0x482: {  	v18 =	vld [tilespmem:s1+$0xFFFFFF80]  }
0x483: {  	v9 =	vld.idx.msk [tilespmem:v9+s14+$0x0], $0xffff  }
0x484: {  	v19 =	vld.idx.msk [tilespmem:v8+s14+$0x0], $0xffff  }
0x485: {  	v20 =	vld.idx.msk [tilespmem:v7+s14+$0x0], $0xffff  }
0x486: {  	v21 =	vld.idx.msk [tilespmem:v6+s14+$0x0], $0xffff  }
0x487: {  	v22 =	vld.idx.msk [tilespmem:v5+s14+$0x0], $0xffff  }
0x488: {  	v23 =	vld.idx.msk [tilespmem:v4+s14+$0x0], $0xffff  }
0x489: {  	v24 =	vld.idx.msk [tilespmem:v10+s14+$0x0], $0xffff  }
0x48a: {  	v10 =	vld.idx.msk [tilespmem:v18+s14+$0x0], $0xffff  }
0x48b: {  	v13 =	vld.idx.msk [tilespmem:v13+s14+$0x0], $0xffff  }
0x48c: {  	v14 =	vld.idx.msk [tilespmem:v14+s14+$0x0], $0xffff  }
0x48d: {  	v8 =	vld.idx.msk [tilespmem:v15+s14+$0x0], $0xffff  }
0x48e: {  	v7 =	vld.idx.msk [tilespmem:v16+s14+$0x0], $0xffff  }
0x48f: {  	v6 =	vld.idx.msk [tilespmem:v17+s14+$0x0], $0xffff  }
0x490: {  	v5 =	vld.idx.msk [tilespmem:v12+s14+$0x0], $0xffff  }
0x491: {  	v4 =	vld.idx.msk [tilespmem:v11+s14+$0x0], $0xffff  }
0x492: {  	v11 =	vld [tilespmem:s15+$0xFFFFFF80]  }
0x493: {  	v12 =	vld [tilespmem:s15+$0xFFFFFF90]  }
0x494: {  	v15 =	vld [tilespmem:s15+$0xFFFFFFA0]  }
0x495: {  	v16 =	vld [tilespmem:s15+$0xFFFFFFB0]  }
0x496: {  	v17 =	vld [tilespmem:s15+$0xFFFFFFC0]  }
0x497: {  	v10 =	vadd.s32 v11, v10;
	v11 =	vld [tilespmem:s15+$0xFFFFFFD0]  }
0x498: {  	[tilespmem:s15+$0xFFFFFF80] =	vst v10;
	v9 =	vadd.s32 v12, v9;
	v10 =	vld [tilespmem:s15+$0xFFFFFFE0]  }
0x499: {  	[tilespmem:s15+$0xFFFFFF90] =	vst v9;
	v9 =	vadd.s32 v15, v19;
	v12 =	vld [tilespmem:s15+$0xFFFFFFF0]  }
0x49a: {  	[tilespmem:s15+$0xFFFFFFA0] =	vst v9;
	v9 =	vadd.s32 v16, v20;
	v15 =	vld [tilespmem:s15+$0x0]  }
0x49b: {  	[tilespmem:s15+$0xFFFFFFB0] =	vst v9;
	v9 =	vadd.s32 v17, v21;
	v16 =	vld [tilespmem:s15+$0x10]  }
.Ltmp19:
0x49c: {  	[tilespmem:s15+$0xFFFFFFC0] =	vst v9;
	v11 =	vadd.s32 v11, v22;
	v9 =	vld [tilespmem:s15+$0x20];
	(pc) =	sbr.rel @p4 .LBB2_33-.Ltmp19, $4  }
0x49d: {  	[tilespmem:s15+$0xFFFFFFD0] =	vst v11;
	v11 =	vadd.s32 v10, v23;
	v10 =	vld [tilespmem:s15+$0x30]  }
0x49e: {  	[tilespmem:s15+$0xFFFFFFE0] =	vst v11;
	v12 =	vadd.s32 v12, v24;
	v11 =	vld [tilespmem:s15+$0x40]  }
0x49f: {  	[tilespmem:s15+$0xFFFFFFF0] =	vst v12;
	v13 =	vadd.s32 v15, v13;
	v12 =	vld [tilespmem:s15+$0x50]  }
0x4a0: {  	s1 =	sadd.s32 $0x100, s1;
	[tilespmem:s15+$0x0] =	vst v13;
	v14 =	vadd.s32 v16, v14;
	v13 =	vld [tilespmem:s15+$0x60]  }
0x4a1: {  	[tilespmem:s15+$0x10] =	vst v14;
	v8 =	vadd.s32 v9, v8  }
0x4a2: {  	[tilespmem:s15+$0x20] =	vst v8;
	v7 =	vadd.s32 v10, v7  }
0x4a3: {  	[tilespmem:s15+$0x30] =	vst v7;
	v6 =	vadd.s32 v11, v6  }
0x4a4: {  	[tilespmem:s15+$0x40] =	vst v6;
	v5 =	vadd.s32 v12, v5  }
0x4a5: {  	[tilespmem:s15+$0x50] =	vst v5;
	v4 =	vadd.s32 v13, v4  }
0x4a6: {  	[tilespmem:s15+$0x60] =	vst v4  }
0x4a7: {  	s1 =	simm.s32 $0x10;
	v4 =	vld [tilespmem:s21+$0x70]  }
.LBB2_35:
0x4a8: {  	p4 =	slt.u32 s1, $0x70;
	v5 =	vld [tilespmem:s21+$0xFFFFFF90]  }
0x4a9: {  	v6 =	vld [tilespmem:s21+$0xFFFFFFA0]  }
0x4aa: {  	v7 =	vld [tilespmem:s21+$0xFFFFFFB0]  }
0x4ab: {  	v8 =	vld [tilespmem:s21+$0xFFFFFFC0]  }
0x4ac: {  	s4 =	sadd.s32 $0xF, s14;
	v9 =	vld [tilespmem:s21+$0xFFFFFFD0]  }
0x4ad: {  	p5 =	slt.s32 s4, $0x40;
	v10 =	vld [tilespmem:s21+$0xFFFFFFE0]  }
0x4ae: {  	v12 =	vpsel !p5, $0xFFFF0000, v3;
	v11 =	vld [tilespmem:s21+$0xFFFFFFF0]  }
0x4af: {  	[tilespmem:v4+s2+$0x0] =	vst.idx.add.s32.msk $0xffff, v12  }
0x4b0: {  	v4 =	vld [tilespmem:s21+$0x0]  }
0x4b1: {  	v12 =	vld [tilespmem:s21+$0x10]  }
0x4b2: {  	v13 =	vld [tilespmem:s21+$0x20]  }
0x4b3: {  	v14 =	vld [tilespmem:s21+$0x30]  }
0x4b4: {  	v15 =	vld [tilespmem:s21+$0x40]  }
0x4b5: {  	s4 =	sadd.s32 $0x1, s14;
	v16 =	vld [tilespmem:s21+$0x50]  }
0x4b6: {  	p5 =	slt.s32 s4, $0x40;
	s4 =	sadd.s32 $0x2, s14;
	v17 =	vld [tilespmem:s21+$0x60]  }
0x4b7: {  	v19 =	vpsel !p5, $0xFFFF0000, v3;
	p5 =	slt.s32 s4, $0x40;
	s4 =	sadd.s32 $0x3, s14;
	v18 =	vld [tilespmem:s21+$0xFFFFFF80]  }
0x4b8: {  	[tilespmem:v5+s2+$0x0] =	vst.idx.add.s32.msk $0xffff, v19;
	v5 =	vpsel !p5, $0xFFFF0000, v3;
	p5 =	slt.s32 s4, $0x40;
	s4 =	sadd.s32 $0x4, s14  }
0x4b9: {  	[tilespmem:v6+s2+$0x0] =	vst.idx.add.s32.msk $0xffff, v5;
	v5 =	vpsel !p5, $0xFFFF0000, v3;
	p5 =	slt.s32 s4, $0x40;
	s4 =	sadd.s32 $0x5, s14  }
0x4ba: {  	[tilespmem:v7+s2+$0x0] =	vst.idx.add.s32.msk $0xffff, v5;
	v5 =	vpsel !p5, $0xFFFF0000, v3;
	p5 =	slt.s32 s4, $0x40;
	s4 =	sadd.s32 $0x6, s14  }
0x4bb: {  	[tilespmem:v8+s2+$0x0] =	vst.idx.add.s32.msk $0xffff, v5;
	v5 =	vpsel !p5, $0xFFFF0000, v3;
	p5 =	slt.s32 s4, $0x40;
	s4 =	sadd.s32 $0x7, s14  }
0x4bc: {  	[tilespmem:v9+s2+$0x0] =	vst.idx.add.s32.msk $0xffff, v5;
	v5 =	vpsel !p5, $0xFFFF0000, v3;
	p5 =	slt.s32 s4, $0x40  }
0x4bd: {  	p6 =	slt.s32 s14, $0x40;
	s4 =	sadd.s32 $0x8, s14;
	[tilespmem:v10+s2+$0x0] =	vst.idx.add.s32.msk $0xffff, v5;
	v5 =	vpsel !p5, $0xFFFF0000, v3  }
0x4be: {  	v6 =	vpsel !p6, $0xFFFF0000, v3;
	p5 =	slt.s32 s4, $0x40;
	s4 =	sadd.s32 $0x9, s14;
	[tilespmem:v11+s2+$0x0] =	vst.idx.add.s32.msk $0xffff, v5  }
0x4bf: {  	v5 =	vpsel !p5, $0xFFFF0000, v3;
	p5 =	slt.s32 s4, $0x40;
	s4 =	sadd.s32 $0xA, s14;
	[tilespmem:v18+s2+$0x0] =	vst.idx.add.s32.msk $0xffff, v6  }
0x4c0: {  	[tilespmem:v4+s2+$0x0] =	vst.idx.add.s32.msk $0xffff, v5;
	v4 =	vpsel !p5, $0xFFFF0000, v3;
	p5 =	slt.s32 s4, $0x40;
	s4 =	sadd.s32 $0xB, s14  }
0x4c1: {  	[tilespmem:v12+s2+$0x0] =	vst.idx.add.s32.msk $0xffff, v4;
	v4 =	vpsel !p5, $0xFFFF0000, v3;
	p5 =	slt.s32 s4, $0x40;
	s4 =	sadd.s32 $0xC, s14  }
0x4c2: {  	[tilespmem:v13+s2+$0x0] =	vst.idx.add.s32.msk $0xffff, v4;
	v4 =	vpsel !p5, $0xFFFF0000, v3;
	p5 =	slt.s32 s4, $0x40;
	s4 =	sadd.s32 $0xD, s14  }
.Ltmp20:
0x4c3: {  	[tilespmem:v14+s2+$0x0] =	vst.idx.add.s32.msk $0xffff, v4;
	v4 =	vpsel !p5, $0xFFFF0000, v3;
	p5 =	slt.s32 s4, $0x40;
	s4 =	sadd.s32 $0xE, s14;
	(pc) =	sbr.rel @p4 .LBB2_35-.Ltmp20, $4  }
0x4c4: {  	s14 =	smov.u32 s1;
	[tilespmem:v15+s2+$0x0] =	vst.idx.add.s32.msk $0xffff, v4;
	v4 =	vpsel !p5, $0xFFFF0000, v3;
	p5 =	slt.s32 s4, $0x40  }
0x4c5: {  	[tilespmem:v16+s2+$0x0] =	vst.idx.add.s32.msk $0xffff, v4;
	v4 =	vpsel !p5, $0xFFFF0000, v3  }
0x4c6: {  	s21 =	sadd.s32 $0x100, s21;
	[tilespmem:v17+s2+$0x0] =	vst.idx.add.s32.msk $0xffff, v4  }
0x4c7: {  	s1 =	sadd.s32 $0x10, s1;
	v4 =	vld [tilespmem:s21+$0x70]  }
0x4c8: {  	v5 =	vld [tilespmem:s21+$0xFFFFFF90]  }
0x4c9: {  	v6 =	vld [tilespmem:s21+$0xFFFFFFA0]  }
0x4ca: {  	v7 =	vld [tilespmem:s21+$0xFFFFFFB0]  }
0x4cb: {  	v8 =	vld [tilespmem:s21+$0xFFFFFFC0]  }
0x4cc: {  	v9 =	vld [tilespmem:s21+$0xFFFFFFD0]  }
0x4cd: {  	v10 =	vld [tilespmem:s21+$0xFFFFFFE0]  }
0x4ce: {  	v11 =	vld [tilespmem:s21+$0xFFFFFFF0]  }
0x4cf: {  	v62 =	vld [tilespmem:s21+$0x10]  }
0x4d0: {  	v13 =	vld [tilespmem:s21+$0x20]  }
0x4d1: {  	v14 =	vld [tilespmem:s21+$0x30]  }
0x4d2: {  	v15 =	vld [tilespmem:s21+$0x40]  }
0x4d3: {  	s1 =	sadd.s32 $0xF, s14;
	v16 =	vld [tilespmem:s21+$0x50]  }
0x4d4: {  	v17 =	vld [tilespmem:s21+$0x60];
	p4 =	slt.s32 s1, $0x40  }
0x4d5: {  	s5 =	sadd.s32 $0x1, s14;
	v18 =	vld [tilespmem:s21+$0xFFFFFF80];
	v12 =	vpsel !p4, $0xFFFF0000, v3  }
0x4d6: {  	s15 =	sadd.s32 $0x2, s14;
	p6 =	slt.s32 s5, $0x40;
	[tilespmem:v4+s2+$0x0] =	vst.idx.add.s32.msk $0xffff, v12  }
0x4d7: {  	s4 =	sadd.s32 $0x3, s14;
	p5 =	slt.s32 s15, $0x40;
	v19 =	vpsel !p6, $0xFFFF0000, v3;
	v4 =	vld [tilespmem:s21+$0x0]  }
0x4d8: {  	s5 =	sadd.s32 $0x4, s14;
	p6 =	slt.s32 s4, $0x40;
	[tilespmem:v5+s2+$0x0] =	vst.idx.add.s32.msk $0xffff, v19;
	v5 =	vpsel !p5, $0xFFFF0000, v3  }
0x4d9: {  	s15 =	sadd.s32 $0x5, s14;
	p5 =	slt.s32 s5, $0x40;
	[tilespmem:v6+s2+$0x0] =	vst.idx.add.s32.msk $0xffff, v5;
	v5 =	vpsel !p6, $0xFFFF0000, v3  }
0x4da: {  	s21 =	sadd.s32 $0x6, s14;
	p6 =	slt.s32 s15, $0x40;
	[tilespmem:v7+s2+$0x0] =	vst.idx.add.s32.msk $0xffff, v5;
	v5 =	vpsel !p5, $0xFFFF0000, v3  }
0x4db: {  	s4 =	sadd.s32 $0x7, s14;
	p5 =	slt.s32 s21, $0x40;
	[tilespmem:v8+s2+$0x0] =	vst.idx.add.s32.msk $0xffff, v5;
	v5 =	vpsel !p6, $0xFFFF0000, v3  }
0x4dc: {  	p6 =	slt.s32 s4, $0x40;
	[tilespmem:v9+s2+$0x0] =	vst.idx.add.s32.msk $0xffff, v5;
	v5 =	vpsel !p5, $0xFFFF0000, v3  }
0x4dd: {  	s5 =	sadd.s32 $0x8, s14;
	p5 =	slt.s32 s14, $0x40;
	[tilespmem:v10+s2+$0x0] =	vst.idx.add.s32.msk $0xffff, v5;
	v5 =	vpsel !p6, $0xFFFF0000, v3  }
0x4de: {  	s15 =	sadd.s32 $0x9, s14;
	v63 =	vpsel !p5, $0xFFFF0000, v3;
	p6 =	slt.s32 s5, $0x40;
	[tilespmem:v11+s2+$0x0] =	vst.idx.add.s32.msk $0xffff, v5  }
0x4df: {  	s21 =	sadd.s32 $0xA, s14;
	p5 =	slt.s32 s15, $0x40;
	[tilespmem:v18+s2+$0x0] =	vst.idx.add.s32.msk $0xffff, v63;
	v5 =	vpsel !p6, $0xFFFF0000, v3  }
0x4e0: {  	s4 =	sadd.s32 $0xB, s14;
	p6 =	slt.s32 s21, $0x40;
	[tilespmem:v4+s2+$0x0] =	vst.idx.add.s32.msk $0xffff, v5;
	v4 =	vpsel !p5, $0xFFFF0000, v3  }
0x4e1: {  	s5 =	sadd.s32 $0xC, s14;
	p5 =	slt.s32 s4, $0x40;
	[tilespmem:v62+s2+$0x0] =	vst.idx.add.s32.msk $0xffff, v4;
	v4 =	vpsel !p6, $0xFFFF0000, v3  }
0x4e2: {  	s15 =	sadd.s32 $0xD, s14;
	p6 =	slt.s32 s5, $0x40;
	[tilespmem:v13+s2+$0x0] =	vst.idx.add.s32.msk $0xffff, v4;
	v4 =	vpsel !p5, $0xFFFF0000, v3  }
0x4e3: {  	s21 =	sadd.s32 $0xE, s14;
	p5 =	slt.s32 s15, $0x40;
	[tilespmem:v14+s2+$0x0] =	vst.idx.add.s32.msk $0xffff, v4;
	v4 =	vpsel !p6, $0xFFFF0000, v3  }
0x4e4: {  	p6 =	slt.s32 s21, $0x40;
	[tilespmem:v15+s2+$0x0] =	vst.idx.add.s32.msk $0xffff, v4;
	v4 =	vpsel !p5, $0xFFFF0000, v3  }
0x4e5: {  	[tilespmem:v16+s2+$0x0] =	vst.idx.add.s32.msk $0xffff, v4;
	v4 =	vpsel !p6, $0xFFFF0000, v3  }
0x4e6: {  	[tilespmem:v17+s2+$0x0] =	vst.idx.add.s32.msk $0xffff, v4  }
0x4e7: {  	_ =	swait.ge [sflag:s6], $0x80  }
0x4e8: {  	[sflag:s6] =	ssyncset.done $0x0  }
0x4e9: {  	[sflag:s6] =	ssyncadd.s32 $0xFFFFFF80  }
0x4ea: {  	_ =	swait.ge [sflag:s6], $0x80  }
0x4eb: {  	[sflag:s6] =	ssyncset.done $0x0  }
0x4ec: {  	[sflag:s6] =	ssyncadd.s32 $0xFFFFFF80  }
0x4ed: {  	_ =	swait.ge [sflag:s6], $0x80  }
0x4ee: {  	[sflag:s6] =	ssyncset.done $0x0  }
0x4ef: {  	[sflag:s6] =	ssyncadd.s32 $0xFFFFFF80  }
0x4f0: {  	_ =	swait.ge [sflag:s6], $0x80  }
0x4f1: {  	[sflag:s6] =	ssyncset.done $0x0  }
0x4f2: {  	[sflag:s6] =	ssyncadd.s32 $0xFFFFFF80  }
0x4f3: {  	_ =	swait.ge [sflag:s6], $0x80  }
0x4f4: {  	[sflag:s6] =	ssyncset.done $0x0  }
0x4f5: {  	[sflag:s6] =	ssyncadd.s32 $0xFFFFFF80  }
0x4f6: {  	_ =	swait.ge [sflag:s6], $0x80  }
0x4f7: {  	[sflag:s6] =	ssyncset.done $0x0  }
0x4f8: {  	[sflag:s6] =	ssyncadd.s32 $0xFFFFFF80  }
0x4f9: {  	_ =	swait.ge [sflag:s6], $0x80  }
0x4fa: {  	[sflag:s6] =	ssyncset.done $0x0  }
0x4fb: {  	[sflag:s6] =	ssyncadd.s32 $0xFFFFFF80  }
0x4fc: {  	_ =	swait.ge [sflag:s6], $0x80  }
0x4fd: {  	[sflag:s6] =	ssyncset.done $0x0  }
0x4fe: {  	[sflag:s6] =	ssyncadd.s32 $0xFFFFFF80  }
.LBB2_37:
.Ltmp21:
0x4ff: {  	(pc) =	sbr.rel @!p3 .LBB2_38-.Ltmp21, $2  }
0x500: {  	_ =	sdelay $0x2  }
0x501: {  	[hbm4b:s20+s29] =	stream.strided.scatter [tilespmem:s7], [sflag:$0x3], $0x400, s30, s29, $0x38;
	[tilespmem:$0x1A400] =	vst v63  }
0x502: {  	_ =	swait.ge [sflag:s28], $0x400  }
0x503: {  	[sflag:s28] =	ssyncset.done $0x0  }
0x504: {  	[sflag:s28] =	ssyncadd.s32 $0xFFFFFC00  }
0x505: {  	_ =	swait.ge [sflag:s28], $0x400  }
0x506: {  	[sflag:s28] =	ssyncset.done $0x0  }
0x507: {  	s1 =	rddreg [dreg:$0xa];
	[sflag:s28] =	ssyncadd.s32 $0xFFFFFC00  }
0x508: {  	[tilespmem:s31], [sflag:$0x1] =	stream.strided.gather [hbm4b:s1+s29], $0x400, s30, s29, $0x38;
	[tilespmem:$0x1A400] =	vst v63  }
0x509: {  	s4 =	simm.s32 $0x19400;
	s14 =	rddreg [dreg:$0xb]  }
0x50a: {  	[tilespmem:s4], [sflag:$0x1] =	stream.strided.gather [hbm4b:s14+s29], $0x400, s30, s29, $0x38;
	[tilespmem:$0x1A400] =	vst v63  }
0x50b: {  	_ =	swait.ge [sflag:s8], $0x400  }
0x50c: {  	[sflag:s8] =	ssyncset.done $0x0  }
0x50d: {  	[sflag:s8] =	ssyncadd.s32 $0xFFFFFC00  }
0x50e: {  	[tilespmem:s3], [sflag:$0x2] =	stream.indirect.gather [hbm4b:s24+s29], $0x1, s0, s29, $0xb8;
	[tilespmem:$0x1A400] =	vst v63  }
0x50f: {  	s21 =	simm.s32 $0x18880;
	s15 =	simm.s32 $0x19C80  }
0x510: {  	[tilespmem:s15], [sflag:$0x2] =	stream.indirect.gather [hbm4b:s24+s29], $0x1, s21, s29, $0xb8;
	[tilespmem:$0x1A400] =	vst v63  }
0x511: {  	s5 =	simm.s32 $0x19D00;
	s4 =	simm.s32 $0x18900  }
0x512: {  	[tilespmem:s5], [sflag:$0x2] =	stream.indirect.gather [hbm4b:s24+s29], $0x1, s4, s29, $0xb8;
	[tilespmem:$0x1A400] =	vst v63  }
0x513: {  	s14 =	simm.s32 $0x18980;
	s15 =	simm.s32 $0x19D80  }
0x514: {  	[tilespmem:s15], [sflag:$0x2] =	stream.indirect.gather [hbm4b:s24+s29], $0x1, s14, s29, $0xb8;
	[tilespmem:$0x1A400] =	vst v63  }
0x515: {  	s4 =	simm.s32 $0x18A00;
	s5 =	simm.s32 $0x19E00  }
0x516: {  	[tilespmem:s5], [sflag:$0x2] =	stream.indirect.gather [hbm4b:s24+s29], $0x1, s4, s29, $0xb8;
	[tilespmem:$0x1A400] =	vst v63  }
0x517: {  	s14 =	simm.s32 $0x18A80;
	s15 =	simm.s32 $0x19E80  }
0x518: {  	[tilespmem:s15], [sflag:$0x2] =	stream.indirect.gather [hbm4b:s24+s29], $0x1, s14, s29, $0xb8;
	[tilespmem:$0x1A400] =	vst v63  }
0x519: {  	s4 =	simm.s32 $0x18B00;
	s5 =	simm.s32 $0x19F00  }
0x51a: {  	[tilespmem:s5], [sflag:$0x2] =	stream.indirect.gather [hbm4b:s24+s29], $0x1, s4, s29, $0xb8;
	[tilespmem:$0x1A400] =	vst v63  }
0x51b: {  	s14 =	simm.s32 $0x18B80;
	s15 =	simm.s32 $0x19F80  }
0x51c: {  	[tilespmem:s15], [sflag:$0x2] =	stream.indirect.gather [hbm4b:s24+s29], $0x1, s14, s29, $0xb8;
	[tilespmem:$0x1A400] =	vst v63  }
0x51d: {  	s1 =	simm.s32 $0x10;
	s4 =	simm.s32 $0x18880;
	s14 =	simm.s32 $0x0;
	v4 =	vld [tilespmem:s21+$0x70]  }
.LBB2_40:
0x51e: {  	p4 =	slt.u32 s1, $0x70;
	v5 =	vld [tilespmem:s4+$0xFFFFFF90]  }
0x51f: {  	v6 =	vld [tilespmem:s4+$0xFFFFFFA0]  }
0x520: {  	v7 =	vld [tilespmem:s4+$0xFFFFFFB0]  }
0x521: {  	v8 =	vld [tilespmem:s4+$0xFFFFFFC0]  }
0x522: {  	s5 =	sadd.s32 $0xF, s14;
	v9 =	vld [tilespmem:s4+$0xFFFFFFD0]  }
0x523: {  	p5 =	slt.s32 s5, $0x40;
	v10 =	vld [tilespmem:s4+$0xFFFFFFE0]  }
0x524: {  	v12 =	vpsel !p5, $0x10000, v2;
	v11 =	vld [tilespmem:s4+$0xFFFFFFF0]  }
0x525: {  	s15 =	simm.s32 $0x19880;
	[tilespmem:v4+s2+$0x0] =	vst.idx.add.s32.msk $0xffff, v12  }
0x526: {  	v4 =	vld [tilespmem:s4+$0x0]  }
0x527: {  	v12 =	vld [tilespmem:s4+$0x10]  }
0x528: {  	v13 =	vld [tilespmem:s4+$0x20]  }
0x529: {  	v14 =	vld [tilespmem:s4+$0x30]  }
0x52a: {  	v15 =	vld [tilespmem:s4+$0x40]  }
0x52b: {  	s5 =	sadd.s32 $0x1, s14;
	v16 =	vld [tilespmem:s4+$0x50]  }
0x52c: {  	p5 =	slt.s32 s5, $0x40;
	s5 =	sadd.s32 $0x2, s14;
	v17 =	vld [tilespmem:s4+$0x60]  }
0x52d: {  	v19 =	vpsel !p5, $0x10000, v2;
	p5 =	slt.s32 s5, $0x40;
	s5 =	sadd.s32 $0x3, s14;
	v18 =	vld [tilespmem:s4+$0xFFFFFF80]  }
0x52e: {  	[tilespmem:v5+s2+$0x0] =	vst.idx.add.s32.msk $0xffff, v19;
	v5 =	vpsel !p5, $0x10000, v2;
	p5 =	slt.s32 s5, $0x40;
	s5 =	sadd.s32 $0x4, s14  }
0x52f: {  	[tilespmem:v6+s2+$0x0] =	vst.idx.add.s32.msk $0xffff, v5;
	v5 =	vpsel !p5, $0x10000, v2;
	p5 =	slt.s32 s5, $0x40;
	s5 =	sadd.s32 $0x5, s14  }
0x530: {  	[tilespmem:v7+s2+$0x0] =	vst.idx.add.s32.msk $0xffff, v5;
	v5 =	vpsel !p5, $0x10000, v2;
	p5 =	slt.s32 s5, $0x40;
	s5 =	sadd.s32 $0x6, s14  }
0x531: {  	[tilespmem:v8+s2+$0x0] =	vst.idx.add.s32.msk $0xffff, v5;
	v5 =	vpsel !p5, $0x10000, v2;
	p5 =	slt.s32 s5, $0x40;
	s5 =	sadd.s32 $0x7, s14  }
0x532: {  	[tilespmem:v9+s2+$0x0] =	vst.idx.add.s32.msk $0xffff, v5;
	v5 =	vpsel !p5, $0x10000, v2;
	p5 =	slt.s32 s5, $0x40  }
0x533: {  	p6 =	slt.s32 s14, $0x40;
	s5 =	sadd.s32 $0x8, s14;
	[tilespmem:v10+s2+$0x0] =	vst.idx.add.s32.msk $0xffff, v5;
	v5 =	vpsel !p5, $0x10000, v2  }
0x534: {  	v6 =	vpsel !p6, $0x10000, v2;
	p5 =	slt.s32 s5, $0x40;
	s5 =	sadd.s32 $0x9, s14;
	[tilespmem:v11+s2+$0x0] =	vst.idx.add.s32.msk $0xffff, v5  }
0x535: {  	v5 =	vpsel !p5, $0x10000, v2;
	p5 =	slt.s32 s5, $0x40;
	s5 =	sadd.s32 $0xA, s14;
	[tilespmem:v18+s2+$0x0] =	vst.idx.add.s32.msk $0xffff, v6  }
0x536: {  	[tilespmem:v4+s2+$0x0] =	vst.idx.add.s32.msk $0xffff, v5;
	v4 =	vpsel !p5, $0x10000, v2;
	p5 =	slt.s32 s5, $0x40;
	s5 =	sadd.s32 $0xB, s14  }
0x537: {  	[tilespmem:v12+s2+$0x0] =	vst.idx.add.s32.msk $0xffff, v4;
	v4 =	vpsel !p5, $0x10000, v2;
	p5 =	slt.s32 s5, $0x40;
	s5 =	sadd.s32 $0xC, s14  }
0x538: {  	[tilespmem:v13+s2+$0x0] =	vst.idx.add.s32.msk $0xffff, v4;
	v4 =	vpsel !p5, $0x10000, v2;
	p5 =	slt.s32 s5, $0x40;
	s5 =	sadd.s32 $0xD, s14  }
.Ltmp22:
0x539: {  	[tilespmem:v14+s2+$0x0] =	vst.idx.add.s32.msk $0xffff, v4;
	v4 =	vpsel !p5, $0x10000, v2;
	p5 =	slt.s32 s5, $0x40;
	s5 =	sadd.s32 $0xE, s14;
	(pc) =	sbr.rel @p4 .LBB2_40-.Ltmp22, $4  }
0x53a: {  	s14 =	smov.u32 s1;
	[tilespmem:v15+s2+$0x0] =	vst.idx.add.s32.msk $0xffff, v4;
	v4 =	vpsel !p5, $0x10000, v2;
	p5 =	slt.s32 s5, $0x40  }
0x53b: {  	[tilespmem:v16+s2+$0x0] =	vst.idx.add.s32.msk $0xffff, v4;
	v4 =	vpsel !p5, $0x10000, v2  }
0x53c: {  	s4 =	sadd.s32 $0x100, s4;
	[tilespmem:v17+s2+$0x0] =	vst.idx.add.s32.msk $0xffff, v4  }
0x53d: {  	s1 =	sadd.s32 $0x10, s1;
	v4 =	vld [tilespmem:s4+$0x70]  }
0x53e: {  	v5 =	vld [tilespmem:s4+$0xFFFFFF90]  }
0x53f: {  	v6 =	vld [tilespmem:s4+$0xFFFFFFA0]  }
0x540: {  	v7 =	vld [tilespmem:s4+$0xFFFFFFB0]  }
0x541: {  	v8 =	vld [tilespmem:s4+$0xFFFFFFC0]  }
0x542: {  	v9 =	vld [tilespmem:s4+$0xFFFFFFD0]  }
0x543: {  	v10 =	vld [tilespmem:s4+$0xFFFFFFE0]  }
0x544: {  	v11 =	vld [tilespmem:s4+$0xFFFFFFF0]  }
0x545: {  	v13 =	vld [tilespmem:s4+$0x20]  }
0x546: {  	v14 =	vld [tilespmem:s4+$0x30]  }
0x547: {  	v15 =	vld [tilespmem:s4+$0x40]  }
0x548: {  	s1 =	sadd.s32 $0xF, s14;
	v16 =	vld [tilespmem:s4+$0x50]  }
0x549: {  	v17 =	vld [tilespmem:s4+$0x60];
	p4 =	slt.s32 s1, $0x40  }
0x54a: {  	v18 =	vld [tilespmem:s4+$0xFFFFFF80];
	v12 =	vpsel !p4, $0x10000, v2  }
0x54b: {  	s5 =	sadd.s32 $0x1, s14;
	[tilespmem:v4+s2+$0x0] =	vst.idx.add.s32.msk $0xffff, v12  }
0x54c: {  	p6 =	slt.s32 s5, $0x40;
	s5 =	sadd.s32 $0x2, s14;
	v4 =	vld [tilespmem:s4+$0x0]  }
0x54d: {  	v19 =	vpsel !p6, $0x10000, v2;
	p5 =	slt.s32 s5, $0x40;
	s5 =	sadd.s32 $0x3, s14;
	v12 =	vld [tilespmem:s4+$0x10]  }
0x54e: {  	p6 =	slt.s32 s5, $0x40;
	s4 =	sadd.s32 $0x4, s14;
	[tilespmem:v5+s2+$0x0] =	vst.idx.add.s32.msk $0xffff, v19;
	v5 =	vpsel !p5, $0x10000, v2  }
0x54f: {  	s5 =	sadd.s32 $0x5, s14;
	p5 =	slt.s32 s4, $0x40;
	[tilespmem:v6+s2+$0x0] =	vst.idx.add.s32.msk $0xffff, v5;
	v5 =	vpsel !p6, $0x10000, v2  }
0x550: {  	s4 =	sadd.s32 $0x6, s14;
	p6 =	slt.s32 s5, $0x40;
	[tilespmem:v7+s2+$0x0] =	vst.idx.add.s32.msk $0xffff, v5;
	v5 =	vpsel !p5, $0x10000, v2  }
0x551: {  	s5 =	sadd.s32 $0x7, s14;
	p5 =	slt.s32 s4, $0x40;
	[tilespmem:v8+s2+$0x0] =	vst.idx.add.s32.msk $0xffff, v5;
	v5 =	vpsel !p6, $0x10000, v2  }
0x552: {  	p6 =	slt.s32 s5, $0x40;
	[tilespmem:v9+s2+$0x0] =	vst.idx.add.s32.msk $0xffff, v5;
	v5 =	vpsel !p5, $0x10000, v2  }
0x553: {  	s4 =	sadd.s32 $0x8, s14;
	p5 =	slt.s32 s14, $0x40;
	[tilespmem:v10+s2+$0x0] =	vst.idx.add.s32.msk $0xffff, v5;
	v5 =	vpsel !p6, $0x10000, v2  }
0x554: {  	s5 =	sadd.s32 $0x9, s14;
	v6 =	vpsel !p5, $0x10000, v2;
	p6 =	slt.s32 s4, $0x40;
	[tilespmem:v11+s2+$0x0] =	vst.idx.add.s32.msk $0xffff, v5  }
0x555: {  	p5 =	slt.s32 s5, $0x40;
	s4 =	sadd.s32 $0xA, s14;
	[tilespmem:v18+s2+$0x0] =	vst.idx.add.s32.msk $0xffff, v6;
	v5 =	vpsel !p6, $0x10000, v2  }
0x556: {  	s5 =	sadd.s32 $0xB, s14;
	p6 =	slt.s32 s4, $0x40;
	[tilespmem:v4+s2+$0x0] =	vst.idx.add.s32.msk $0xffff, v5;
	v4 =	vpsel !p5, $0x10000, v2  }
0x557: {  	s4 =	sadd.s32 $0xC, s14;
	p5 =	slt.s32 s5, $0x40;
	[tilespmem:v12+s2+$0x0] =	vst.idx.add.s32.msk $0xffff, v4;
	v4 =	vpsel !p6, $0x10000, v2  }
0x558: {  	s5 =	sadd.s32 $0xD, s14;
	p6 =	slt.s32 s4, $0x40;
	[tilespmem:v13+s2+$0x0] =	vst.idx.add.s32.msk $0xffff, v4;
	v4 =	vpsel !p5, $0x10000, v2  }
0x559: {  	s14 =	sadd.s32 $0xE, s14;
	p5 =	slt.s32 s5, $0x40;
	[tilespmem:v14+s2+$0x0] =	vst.idx.add.s32.msk $0xffff, v4;
	v4 =	vpsel !p6, $0x10000, v2  }
0x55a: {  	p6 =	slt.s32 s14, $0x40;
	[tilespmem:v15+s2+$0x0] =	vst.idx.add.s32.msk $0xffff, v4;
	v4 =	vpsel !p5, $0x10000, v2  }
0x55b: {  	[tilespmem:v16+s2+$0x0] =	vst.idx.add.s32.msk $0xffff, v4;
	v4 =	vpsel !p6, $0x10000, v2  }
0x55c: {  	[tilespmem:v17+s2+$0x0] =	vst.idx.add.s32.msk $0xffff, v4  }
0x55d: {  	v4 =	vld [tilespmem:s21+$0x70]  }
0x55e: {  	v5 =	vld [tilespmem:s21+$0xFFFFFF90]  }
0x55f: {  	v6 =	vld [tilespmem:s21+$0xFFFFFFA0]  }
0x560: {  	v7 =	vld [tilespmem:s21+$0xFFFFFFB0]  }
0x561: {  	v8 =	vld [tilespmem:s21+$0xFFFFFFC0]  }
0x562: {  	v9 =	vld [tilespmem:s21+$0xFFFFFFD0]  }
0x563: {  	v10 =	vld [tilespmem:s21+$0xFFFFFFE0]  }
0x564: {  	v11 =	vld [tilespmem:s21+$0xFFFFFFF0]  }
0x565: {  	v13 =	vld [tilespmem:s15+$0x70]  }
0x566: {  	v14 =	vld [tilespmem:s21+$0x10]  }
0x567: {  	v15 =	vld [tilespmem:s21+$0x20]  }
0x568: {  	v16 =	vld [tilespmem:s21+$0x30]  }
0x569: {  	v17 =	vld [tilespmem:s21+$0x40]  }
0x56a: {  	v18 =	vld [tilespmem:s21+$0x50]  }
0x56b: {  	v19 =	vld [tilespmem:s21+$0x60]  }
0x56c: {  	v20 =	vld [tilespmem:s21+$0xFFFFFF80]  }
0x56d: {  	v58 =	vld [tilespmem:s15+$0xFFFFFF90]  }
0x56e: {  	v59 =	vld [tilespmem:s15+$0xFFFFFFA0]  }
0x56f: {  	v60 =	vld [tilespmem:s15+$0xFFFFFFB0]  }
0x570: {  	v61 =	vld [tilespmem:s15+$0xFFFFFFE0]  }
0x571: {  	v62 =	vld [tilespmem:s15+$0xFFFFFFF0]  }
0x572: {  	s14 =	simm.s32 $0x0;
	v63 =	vld [tilespmem:s15+$0x0]  }
0x573: {  	v12 =	vld.idx.msk [tilespmem:v4+s14+$0x0], $0xffff  }
0x574: {  	v4 =	vld [tilespmem:s21+$0x0]  }
0x575: {  	v21 =	vld.idx.msk [tilespmem:v5+s14+$0x0], $0xffff  }
0x576: {  	v22 =	vld.idx.msk [tilespmem:v6+s14+$0x0], $0xffff  }
0x577: {  	v23 =	vld.idx.msk [tilespmem:v7+s14+$0x0], $0xffff  }
0x578: {  	v24 =	vld.idx.msk [tilespmem:v8+s14+$0x0], $0xffff  }
0x579: {  	v9 =	vld.idx.msk [tilespmem:v9+s14+$0x0], $0xffff  }
0x57a: {  	v10 =	vld.idx.msk [tilespmem:v10+s14+$0x0], $0xffff  }
0x57b: {  	v11 =	vld.idx.msk [tilespmem:v11+s14+$0x0], $0xffff  }
0x57c: {  	v20 =	vld.idx.msk [tilespmem:v20+s14+$0x0], $0xffff  }
0x57d: {  	v8 =	vld.idx.msk [tilespmem:v15+s14+$0x0], $0xffff  }
0x57e: {  	v15 =	vld [tilespmem:s15+$0xFFFFFF80]  }
0x57f: {  	v14 =	vld.idx.msk [tilespmem:v14+s14+$0x0], $0xffff  }
0x580: {  	v7 =	vld.idx.msk [tilespmem:v16+s14+$0x0], $0xffff  }
0x581: {  	v6 =	vld.idx.msk [tilespmem:v17+s14+$0x0], $0xffff  }
0x582: {  	v12 =	vadd.s32 v13, v12;
	v13 =	vld [tilespmem:s15+$0xFFFFFFC0]  }
0x583: {  	[tilespmem:s15+$0x70] =	vst v12;
	v12 =	vadd.s32 v15, v20;
	v15 =	vld [tilespmem:s15+$0xFFFFFFD0]  }
0x584: {  	v5 =	vld.idx.msk [tilespmem:v18+s14+$0x0], $0xffff;
	[tilespmem:s15+$0xFFFFFF80] =	vst v12;
	v12 =	vadd.s32 v58, v21  }
0x585: {  	v25 =	vld.idx.msk [tilespmem:v4+s14+$0x0], $0xffff;
	[tilespmem:s15+$0xFFFFFF90] =	vst v12;
	v12 =	vadd.s32 v59, v22  }
0x586: {  	v4 =	vld.idx.msk [tilespmem:v19+s14+$0x0], $0xffff;
	[tilespmem:s15+$0xFFFFFFA0] =	vst v12;
	v12 =	vadd.s32 v60, v23  }
0x587: {  	[tilespmem:s15+$0xFFFFFFB0] =	vst v12;
	v12 =	vadd.s32 v13, v24;
	v13 =	vld [tilespmem:s15+$0x10]  }
0x588: {  	[tilespmem:s15+$0xFFFFFFC0] =	vst v12;
	v12 =	vadd.s32 v15, v9;
	v9 =	vld [tilespmem:s15+$0x20]  }
0x589: {  	[tilespmem:s15+$0xFFFFFFD0] =	vst v12;
	v12 =	vadd.s32 v61, v10;
	v10 =	vld [tilespmem:s15+$0x30]  }
0x58a: {  	[tilespmem:s15+$0xFFFFFFE0] =	vst v12;
	v12 =	vadd.s32 v62, v11;
	v11 =	vld [tilespmem:s15+$0x40]  }
0x58b: {  	v15 =	vadd.s32 v63, v25;
	[tilespmem:s15+$0xFFFFFFF0] =	vst v12;
	v12 =	vld [tilespmem:s15+$0x50]  }
0x58c: {  	s1 =	simm.s32 $0x18980;
	s4 =	simm.s32 $0x0;
	[tilespmem:s15+$0x0] =	vst v15;
	v14 =	vadd.s32 v13, v14;
	v13 =	vld [tilespmem:s15+$0x60]  }
.LBB2_42:
0x58d: {  	v15 =	vld [tilespmem:s1+$0x70];
	s4 =	sadd.s32 $0x10, s4;
	[tilespmem:s15+$0x10] =	vst v14;
	v8 =	vadd.s32 v9, v8  }
0x58e: {  	v9 =	vld [tilespmem:s1+$0xFFFFFF90];
	p4 =	slt.u32 s4, $0x30;
	[tilespmem:s15+$0x20] =	vst v8;
	v7 =	vadd.s32 v10, v7  }
0x58f: {  	v8 =	vld [tilespmem:s1+$0xFFFFFFA0];
	[tilespmem:s15+$0x30] =	vst v7;
	v6 =	vadd.s32 v11, v6  }
0x590: {  	v7 =	vld [tilespmem:s1+$0xFFFFFFB0];
	[tilespmem:s15+$0x40] =	vst v6;
	v5 =	vadd.s32 v12, v5  }
0x591: {  	v6 =	vld [tilespmem:s1+$0xFFFFFFC0];
	[tilespmem:s15+$0x50] =	vst v5;
	v4 =	vadd.s32 v13, v4  }
0x592: {  	v5 =	vld [tilespmem:s1+$0xFFFFFFD0];
	[tilespmem:s15+$0x60] =	vst v4  }
0x593: {  	v4 =	vld [tilespmem:s1+$0xFFFFFFE0]  }
0x594: {  	v10 =	vld [tilespmem:s1+$0xFFFFFFF0]  }
0x595: {  	s15 =	sadd.s32 $0x100, s15;
	v11 =	vld.idx.msk [tilespmem:v15+s14+$0x0], $0xffff  }
0x596: {  	v12 =	vld [tilespmem:s15+$0x70]  }
0x597: {  	v13 =	vld [tilespmem:s1+$0x0]  }
0x598: {  	v14 =	vld [tilespmem:s1+$0x10]  }
0x599: {  	v15 =	vld [tilespmem:s1+$0x20]  }
0x59a: {  	v16 =	vld [tilespmem:s1+$0x30]  }
0x59b: {  	v17 =	vld [tilespmem:s1+$0x40];
	v11 =	vadd.s32 v12, v11  }
0x59c: {  	s21 =	simm.s32 $0x18880;
	v12 =	vld [tilespmem:s1+$0x50];
	[tilespmem:s15+$0x70] =	vst v11  }
0x59d: {  	v11 =	vld [tilespmem:s1+$0x60]  }
0x59e: {  	v18 =	vld [tilespmem:s1+$0xFFFFFF80]  }
0x59f: {  	v9 =	vld.idx.msk [tilespmem:v9+s14+$0x0], $0xffff  }
0x5a0: {  	v19 =	vld.idx.msk [tilespmem:v8+s14+$0x0], $0xffff  }
0x5a1: {  	v20 =	vld.idx.msk [tilespmem:v7+s14+$0x0], $0xffff  }
0x5a2: {  	v21 =	vld.idx.msk [tilespmem:v6+s14+$0x0], $0xffff  }
0x5a3: {  	v22 =	vld.idx.msk [tilespmem:v5+s14+$0x0], $0xffff  }
0x5a4: {  	v23 =	vld.idx.msk [tilespmem:v4+s14+$0x0], $0xffff  }
0x5a5: {  	v24 =	vld.idx.msk [tilespmem:v10+s14+$0x0], $0xffff  }
0x5a6: {  	v10 =	vld.idx.msk [tilespmem:v18+s14+$0x0], $0xffff  }
0x5a7: {  	v13 =	vld.idx.msk [tilespmem:v13+s14+$0x0], $0xffff  }
0x5a8: {  	v14 =	vld.idx.msk [tilespmem:v14+s14+$0x0], $0xffff  }
0x5a9: {  	v8 =	vld.idx.msk [tilespmem:v15+s14+$0x0], $0xffff  }
0x5aa: {  	v7 =	vld.idx.msk [tilespmem:v16+s14+$0x0], $0xffff  }
0x5ab: {  	v6 =	vld.idx.msk [tilespmem:v17+s14+$0x0], $0xffff  }
0x5ac: {  	v5 =	vld.idx.msk [tilespmem:v12+s14+$0x0], $0xffff  }
0x5ad: {  	v4 =	vld.idx.msk [tilespmem:v11+s14+$0x0], $0xffff  }
0x5ae: {  	v11 =	vld [tilespmem:s15+$0xFFFFFF80]  }
0x5af: {  	v12 =	vld [tilespmem:s15+$0xFFFFFF90]  }
0x5b0: {  	v15 =	vld [tilespmem:s15+$0xFFFFFFA0]  }
0x5b1: {  	v16 =	vld [tilespmem:s15+$0xFFFFFFB0]  }
0x5b2: {  	v17 =	vld [tilespmem:s15+$0xFFFFFFC0]  }
0x5b3: {  	v10 =	vadd.s32 v11, v10;
	v11 =	vld [tilespmem:s15+$0xFFFFFFD0]  }
0x5b4: {  	[tilespmem:s15+$0xFFFFFF80] =	vst v10;
	v9 =	vadd.s32 v12, v9;
	v10 =	vld [tilespmem:s15+$0xFFFFFFE0]  }
0x5b5: {  	[tilespmem:s15+$0xFFFFFF90] =	vst v9;
	v9 =	vadd.s32 v15, v19;
	v12 =	vld [tilespmem:s15+$0xFFFFFFF0]  }
0x5b6: {  	[tilespmem:s15+$0xFFFFFFA0] =	vst v9;
	v9 =	vadd.s32 v16, v20;
	v15 =	vld [tilespmem:s15+$0x0]  }
0x5b7: {  	[tilespmem:s15+$0xFFFFFFB0] =	vst v9;
	v9 =	vadd.s32 v17, v21;
	v16 =	vld [tilespmem:s15+$0x10]  }
.Ltmp23:
0x5b8: {  	[tilespmem:s15+$0xFFFFFFC0] =	vst v9;
	v11 =	vadd.s32 v11, v22;
	v9 =	vld [tilespmem:s15+$0x20];
	(pc) =	sbr.rel @p4 .LBB2_42-.Ltmp23, $4  }
0x5b9: {  	[tilespmem:s15+$0xFFFFFFD0] =	vst v11;
	v11 =	vadd.s32 v10, v23;
	v10 =	vld [tilespmem:s15+$0x30]  }
0x5ba: {  	[tilespmem:s15+$0xFFFFFFE0] =	vst v11;
	v12 =	vadd.s32 v12, v24;
	v11 =	vld [tilespmem:s15+$0x40]  }
0x5bb: {  	[tilespmem:s15+$0xFFFFFFF0] =	vst v12;
	v13 =	vadd.s32 v15, v13;
	v12 =	vld [tilespmem:s15+$0x50]  }
0x5bc: {  	s1 =	sadd.s32 $0x100, s1;
	[tilespmem:s15+$0x0] =	vst v13;
	v14 =	vadd.s32 v16, v14;
	v13 =	vld [tilespmem:s15+$0x60]  }
0x5bd: {  	[tilespmem:s15+$0x10] =	vst v14;
	v8 =	vadd.s32 v9, v8  }
0x5be: {  	[tilespmem:s15+$0x20] =	vst v8;
	v7 =	vadd.s32 v10, v7  }
0x5bf: {  	[tilespmem:s15+$0x30] =	vst v7;
	v6 =	vadd.s32 v11, v6  }
0x5c0: {  	[tilespmem:s15+$0x40] =	vst v6;
	v5 =	vadd.s32 v12, v5  }
0x5c1: {  	[tilespmem:s15+$0x50] =	vst v5;
	v4 =	vadd.s32 v13, v4  }
0x5c2: {  	[tilespmem:s15+$0x60] =	vst v4  }
0x5c3: {  	s1 =	simm.s32 $0x10;
	v4 =	vld [tilespmem:s21+$0x70]  }
.LBB2_44:
0x5c4: {  	p4 =	slt.u32 s1, $0x70;
	v5 =	vld [tilespmem:s21+$0xFFFFFF90]  }
0x5c5: {  	v6 =	vld [tilespmem:s21+$0xFFFFFFA0]  }
0x5c6: {  	v7 =	vld [tilespmem:s21+$0xFFFFFFB0]  }
0x5c7: {  	v8 =	vld [tilespmem:s21+$0xFFFFFFC0]  }
0x5c8: {  	s4 =	sadd.s32 $0xF, s14;
	v9 =	vld [tilespmem:s21+$0xFFFFFFD0]  }
0x5c9: {  	p5 =	slt.s32 s4, $0x40;
	v10 =	vld [tilespmem:s21+$0xFFFFFFE0]  }
0x5ca: {  	v12 =	vpsel !p5, $0xFFFF0000, v3;
	v11 =	vld [tilespmem:s21+$0xFFFFFFF0]  }
0x5cb: {  	[tilespmem:v4+s2+$0x0] =	vst.idx.add.s32.msk $0xffff, v12  }
0x5cc: {  	v4 =	vld [tilespmem:s21+$0x0]  }
0x5cd: {  	v12 =	vld [tilespmem:s21+$0x10]  }
0x5ce: {  	v13 =	vld [tilespmem:s21+$0x20]  }
0x5cf: {  	v14 =	vld [tilespmem:s21+$0x30]  }
0x5d0: {  	v15 =	vld [tilespmem:s21+$0x40]  }
0x5d1: {  	s4 =	sadd.s32 $0x1, s14;
	v16 =	vld [tilespmem:s21+$0x50]  }
0x5d2: {  	p5 =	slt.s32 s4, $0x40;
	s4 =	sadd.s32 $0x2, s14;
	v17 =	vld [tilespmem:s21+$0x60]  }
0x5d3: {  	v19 =	vpsel !p5, $0xFFFF0000, v3;
	p5 =	slt.s32 s4, $0x40;
	s4 =	sadd.s32 $0x3, s14;
	v18 =	vld [tilespmem:s21+$0xFFFFFF80]  }
0x5d4: {  	[tilespmem:v5+s2+$0x0] =	vst.idx.add.s32.msk $0xffff, v19;
	v5 =	vpsel !p5, $0xFFFF0000, v3;
	p5 =	slt.s32 s4, $0x40;
	s4 =	sadd.s32 $0x4, s14  }
0x5d5: {  	[tilespmem:v6+s2+$0x0] =	vst.idx.add.s32.msk $0xffff, v5;
	v5 =	vpsel !p5, $0xFFFF0000, v3;
	p5 =	slt.s32 s4, $0x40;
	s4 =	sadd.s32 $0x5, s14  }
0x5d6: {  	[tilespmem:v7+s2+$0x0] =	vst.idx.add.s32.msk $0xffff, v5;
	v5 =	vpsel !p5, $0xFFFF0000, v3;
	p5 =	slt.s32 s4, $0x40;
	s4 =	sadd.s32 $0x6, s14  }
0x5d7: {  	[tilespmem:v8+s2+$0x0] =	vst.idx.add.s32.msk $0xffff, v5;
	v5 =	vpsel !p5, $0xFFFF0000, v3;
	p5 =	slt.s32 s4, $0x40;
	s4 =	sadd.s32 $0x7, s14  }
0x5d8: {  	[tilespmem:v9+s2+$0x0] =	vst.idx.add.s32.msk $0xffff, v5;
	v5 =	vpsel !p5, $0xFFFF0000, v3;
	p5 =	slt.s32 s4, $0x40  }
0x5d9: {  	p6 =	slt.s32 s14, $0x40;
	s4 =	sadd.s32 $0x8, s14;
	[tilespmem:v10+s2+$0x0] =	vst.idx.add.s32.msk $0xffff, v5;
	v5 =	vpsel !p5, $0xFFFF0000, v3  }
0x5da: {  	v6 =	vpsel !p6, $0xFFFF0000, v3;
	p5 =	slt.s32 s4, $0x40;
	s4 =	sadd.s32 $0x9, s14;
	[tilespmem:v11+s2+$0x0] =	vst.idx.add.s32.msk $0xffff, v5  }
0x5db: {  	v5 =	vpsel !p5, $0xFFFF0000, v3;
	p5 =	slt.s32 s4, $0x40;
	s4 =	sadd.s32 $0xA, s14;
	[tilespmem:v18+s2+$0x0] =	vst.idx.add.s32.msk $0xffff, v6  }
0x5dc: {  	[tilespmem:v4+s2+$0x0] =	vst.idx.add.s32.msk $0xffff, v5;
	v4 =	vpsel !p5, $0xFFFF0000, v3;
	p5 =	slt.s32 s4, $0x40;
	s4 =	sadd.s32 $0xB, s14  }
0x5dd: {  	[tilespmem:v12+s2+$0x0] =	vst.idx.add.s32.msk $0xffff, v4;
	v4 =	vpsel !p5, $0xFFFF0000, v3;
	p5 =	slt.s32 s4, $0x40;
	s4 =	sadd.s32 $0xC, s14  }
0x5de: {  	[tilespmem:v13+s2+$0x0] =	vst.idx.add.s32.msk $0xffff, v4;
	v4 =	vpsel !p5, $0xFFFF0000, v3;
	p5 =	slt.s32 s4, $0x40;
	s4 =	sadd.s32 $0xD, s14  }
.Ltmp24:
0x5df: {  	[tilespmem:v14+s2+$0x0] =	vst.idx.add.s32.msk $0xffff, v4;
	v4 =	vpsel !p5, $0xFFFF0000, v3;
	p5 =	slt.s32 s4, $0x40;
	s4 =	sadd.s32 $0xE, s14;
	(pc) =	sbr.rel @p4 .LBB2_44-.Ltmp24, $4  }
0x5e0: {  	s14 =	smov.u32 s1;
	[tilespmem:v15+s2+$0x0] =	vst.idx.add.s32.msk $0xffff, v4;
	v4 =	vpsel !p5, $0xFFFF0000, v3;
	p5 =	slt.s32 s4, $0x40  }
0x5e1: {  	[tilespmem:v16+s2+$0x0] =	vst.idx.add.s32.msk $0xffff, v4;
	v4 =	vpsel !p5, $0xFFFF0000, v3  }
0x5e2: {  	s21 =	sadd.s32 $0x100, s21;
	[tilespmem:v17+s2+$0x0] =	vst.idx.add.s32.msk $0xffff, v4  }
0x5e3: {  	s1 =	sadd.s32 $0x10, s1;
	v4 =	vld [tilespmem:s21+$0x70]  }
0x5e4: {  	v5 =	vld [tilespmem:s21+$0xFFFFFF90]  }
0x5e5: {  	v6 =	vld [tilespmem:s21+$0xFFFFFFA0]  }
0x5e6: {  	v7 =	vld [tilespmem:s21+$0xFFFFFFB0]  }
0x5e7: {  	v8 =	vld [tilespmem:s21+$0xFFFFFFC0]  }
0x5e8: {  	v9 =	vld [tilespmem:s21+$0xFFFFFFD0]  }
0x5e9: {  	v10 =	vld [tilespmem:s21+$0xFFFFFFE0]  }
0x5ea: {  	v11 =	vld [tilespmem:s21+$0xFFFFFFF0]  }
0x5eb: {  	v62 =	vld [tilespmem:s21+$0x10]  }
0x5ec: {  	v13 =	vld [tilespmem:s21+$0x20]  }
0x5ed: {  	v14 =	vld [tilespmem:s21+$0x30]  }
0x5ee: {  	v15 =	vld [tilespmem:s21+$0x40]  }
0x5ef: {  	s1 =	sadd.s32 $0xF, s14;
	v16 =	vld [tilespmem:s21+$0x50]  }
0x5f0: {  	v17 =	vld [tilespmem:s21+$0x60];
	p4 =	slt.s32 s1, $0x40  }
0x5f1: {  	s5 =	sadd.s32 $0x1, s14;
	v18 =	vld [tilespmem:s21+$0xFFFFFF80];
	v12 =	vpsel !p4, $0xFFFF0000, v3  }
0x5f2: {  	s15 =	sadd.s32 $0x2, s14;
	p6 =	slt.s32 s5, $0x40;
	[tilespmem:v4+s2+$0x0] =	vst.idx.add.s32.msk $0xffff, v12  }
0x5f3: {  	s4 =	sadd.s32 $0x3, s14;
	p5 =	slt.s32 s15, $0x40;
	v19 =	vpsel !p6, $0xFFFF0000, v3;
	v4 =	vld [tilespmem:s21+$0x0]  }
0x5f4: {  	s5 =	sadd.s32 $0x4, s14;
	p6 =	slt.s32 s4, $0x40;
	[tilespmem:v5+s2+$0x0] =	vst.idx.add.s32.msk $0xffff, v19;
	v5 =	vpsel !p5, $0xFFFF0000, v3  }
0x5f5: {  	s15 =	sadd.s32 $0x5, s14;
	p5 =	slt.s32 s5, $0x40;
	[tilespmem:v6+s2+$0x0] =	vst.idx.add.s32.msk $0xffff, v5;
	v5 =	vpsel !p6, $0xFFFF0000, v3  }
0x5f6: {  	s21 =	sadd.s32 $0x6, s14;
	p6 =	slt.s32 s15, $0x40;
	[tilespmem:v7+s2+$0x0] =	vst.idx.add.s32.msk $0xffff, v5;
	v5 =	vpsel !p5, $0xFFFF0000, v3  }
0x5f7: {  	s4 =	sadd.s32 $0x7, s14;
	p5 =	slt.s32 s21, $0x40;
	[tilespmem:v8+s2+$0x0] =	vst.idx.add.s32.msk $0xffff, v5;
	v5 =	vpsel !p6, $0xFFFF0000, v3  }
0x5f8: {  	p6 =	slt.s32 s4, $0x40;
	[tilespmem:v9+s2+$0x0] =	vst.idx.add.s32.msk $0xffff, v5;
	v5 =	vpsel !p5, $0xFFFF0000, v3  }
0x5f9: {  	s5 =	sadd.s32 $0x8, s14;
	p5 =	slt.s32 s14, $0x40;
	[tilespmem:v10+s2+$0x0] =	vst.idx.add.s32.msk $0xffff, v5;
	v5 =	vpsel !p6, $0xFFFF0000, v3  }
0x5fa: {  	s15 =	sadd.s32 $0x9, s14;
	v63 =	vpsel !p5, $0xFFFF0000, v3;
	p6 =	slt.s32 s5, $0x40;
	[tilespmem:v11+s2+$0x0] =	vst.idx.add.s32.msk $0xffff, v5  }
0x5fb: {  	s21 =	sadd.s32 $0xA, s14;
	p5 =	slt.s32 s15, $0x40;
	[tilespmem:v18+s2+$0x0] =	vst.idx.add.s32.msk $0xffff, v63;
	v5 =	vpsel !p6, $0xFFFF0000, v3  }
0x5fc: {  	s4 =	sadd.s32 $0xB, s14;
	p6 =	slt.s32 s21, $0x40;
	[tilespmem:v4+s2+$0x0] =	vst.idx.add.s32.msk $0xffff, v5;
	v4 =	vpsel !p5, $0xFFFF0000, v3  }
0x5fd: {  	s5 =	sadd.s32 $0xC, s14;
	p5 =	slt.s32 s4, $0x40;
	[tilespmem:v62+s2+$0x0] =	vst.idx.add.s32.msk $0xffff, v4;
	v4 =	vpsel !p6, $0xFFFF0000, v3  }
0x5fe: {  	s15 =	sadd.s32 $0xD, s14;
	p6 =	slt.s32 s5, $0x40;
	[tilespmem:v13+s2+$0x0] =	vst.idx.add.s32.msk $0xffff, v4;
	v4 =	vpsel !p5, $0xFFFF0000, v3  }
0x5ff: {  	s21 =	sadd.s32 $0xE, s14;
	p5 =	slt.s32 s15, $0x40;
	[tilespmem:v14+s2+$0x0] =	vst.idx.add.s32.msk $0xffff, v4;
	v4 =	vpsel !p6, $0xFFFF0000, v3  }
0x600: {  	p6 =	slt.s32 s21, $0x40;
	[tilespmem:v15+s2+$0x0] =	vst.idx.add.s32.msk $0xffff, v4;
	v4 =	vpsel !p5, $0xFFFF0000, v3  }
0x601: {  	[tilespmem:v16+s2+$0x0] =	vst.idx.add.s32.msk $0xffff, v4;
	v4 =	vpsel !p6, $0xFFFF0000, v3  }
0x602: {  	[tilespmem:v17+s2+$0x0] =	vst.idx.add.s32.msk $0xffff, v4  }
0x603: {  	_ =	swait.ge [sflag:s6], $0x80  }
0x604: {  	[sflag:s6] =	ssyncset.done $0x0  }
0x605: {  	[sflag:s6] =	ssyncadd.s32 $0xFFFFFF80  }
0x606: {  	_ =	swait.ge [sflag:s6], $0x80  }
0x607: {  	[sflag:s6] =	ssyncset.done $0x0  }
0x608: {  	[sflag:s6] =	ssyncadd.s32 $0xFFFFFF80  }
0x609: {  	_ =	swait.ge [sflag:s6], $0x80  }
0x60a: {  	[sflag:s6] =	ssyncset.done $0x0  }
0x60b: {  	[sflag:s6] =	ssyncadd.s32 $0xFFFFFF80  }
0x60c: {  	_ =	swait.ge [sflag:s6], $0x80  }
0x60d: {  	[sflag:s6] =	ssyncset.done $0x0  }
0x60e: {  	[sflag:s6] =	ssyncadd.s32 $0xFFFFFF80  }
0x60f: {  	_ =	swait.ge [sflag:s6], $0x80  }
0x610: {  	[sflag:s6] =	ssyncset.done $0x0  }
0x611: {  	[sflag:s6] =	ssyncadd.s32 $0xFFFFFF80  }
0x612: {  	_ =	swait.ge [sflag:s6], $0x80  }
0x613: {  	[sflag:s6] =	ssyncset.done $0x0  }
0x614: {  	[sflag:s6] =	ssyncadd.s32 $0xFFFFFF80  }
0x615: {  	_ =	swait.ge [sflag:s6], $0x80  }
.Ltmp25:
0x616: {  	[sflag:s6] =	ssyncset.done $0x0;
	(pc) =	sbr.rel .LBB2_46-.Ltmp25, $4  }
0x617: {  	[sflag:s6] =	ssyncadd.s32 $0xFFFFFF80  }
0x618: {  	_ =	swait.ge [sflag:s6], $0x80  }
0x619: {  	[sflag:s6] =	ssyncset.done $0x0  }
0x61a: {  	[sflag:s6] =	ssyncadd.s32 $0xFFFFFF80  }
.LBB2_38:
0x61b: {  	_ =	swait.ge [sflag:s8], $0x400  }
0x61c: {  	[sflag:s8] =	ssyncset.done $0x0  }
0x61d: {  	[sflag:s8] =	ssyncadd.s32 $0xFFFFFC00  }
.LBB2_46:
.Ltmp26:
0x61e: {  	(pc) =	sbr.rel @!p3 .LBB2_47-.Ltmp26, $3  }
0x61f: {  	_ =	sdelay $0x1  }
0x620: {  	s1 =	rddreg [dreg:$0x3]  }
0x621: {  	[hbm4b:s1+s29] =	stream.strided.scatter [tilespmem:s3], [sflag:$0x3], $0x400, s30, s29, $0x38;
	[tilespmem:$0x1A400] =	vst v63  }
0x622: {  	_ =	swait.ge [sflag:s28], $0x400  }
0x623: {  	[sflag:s28] =	ssyncset.done $0x0  }
0x624: {  	[sflag:s28] =	ssyncadd.s32 $0xFFFFFC00  }
0x625: {  	_ =	swait.ge [sflag:s28], $0x400  }
0x626: {  	[sflag:s28] =	ssyncset.done $0x0  }
0x627: {  	s1 =	rddreg [dreg:$0xc];
	[sflag:s28] =	ssyncadd.s32 $0xFFFFFC00  }
0x628: {  	[tilespmem:s0], [sflag:$0x1] =	stream.strided.gather [hbm4b:s1+s29], $0x400, s30, s29, $0x38;
	[tilespmem:$0x1A400] =	vst v63  }
0x629: {  	s4 =	simm.s32 $0x18C00;
	s14 =	rddreg [dreg:$0xd]  }
0x62a: {  	[tilespmem:s4], [sflag:$0x1] =	stream.strided.gather [hbm4b:s14+s29], $0x400, s30, s29, $0x38;
	[tilespmem:$0x1A400] =	vst v63  }
0x62b: {  	_ =	swait.ge [sflag:s8], $0x400  }
0x62c: {  	[sflag:s8] =	ssyncset.done $0x0  }
0x62d: {  	[sflag:s8] =	ssyncadd.s32 $0xFFFFFC00  }
0x62e: {  	[tilespmem:s7], [sflag:$0x2] =	stream.indirect.gather [hbm4b:s24+s29], $0x1, s31, s29, $0xb8;
	[tilespmem:$0x1A400] =	vst v63  }
0x62f: {  	s21 =	simm.s32 $0x19080;
	s15 =	simm.s32 $0x1A080  }
0x630: {  	[tilespmem:s15], [sflag:$0x2] =	stream.indirect.gather [hbm4b:s24+s29], $0x1, s21, s29, $0xb8;
	[tilespmem:$0x1A400] =	vst v63  }
0x631: {  	s5 =	simm.s32 $0x1A100;
	s4 =	simm.s32 $0x19100  }
0x632: {  	[tilespmem:s5], [sflag:$0x2] =	stream.indirect.gather [hbm4b:s24+s29], $0x1, s4, s29, $0xb8;
	[tilespmem:$0x1A400] =	vst v63  }
0x633: {  	s14 =	simm.s32 $0x19180;
	s15 =	simm.s32 $0x1A180  }
0x634: {  	[tilespmem:s15], [sflag:$0x2] =	stream.indirect.gather [hbm4b:s24+s29], $0x1, s14, s29, $0xb8;
	[tilespmem:$0x1A400] =	vst v63  }
0x635: {  	s4 =	simm.s32 $0x19200;
	s5 =	simm.s32 $0x1A200  }
0x636: {  	[tilespmem:s5], [sflag:$0x2] =	stream.indirect.gather [hbm4b:s24+s29], $0x1, s4, s29, $0xb8;
	[tilespmem:$0x1A400] =	vst v63  }
0x637: {  	s14 =	simm.s32 $0x19280;
	s15 =	simm.s32 $0x1A280  }
0x638: {  	[tilespmem:s15], [sflag:$0x2] =	stream.indirect.gather [hbm4b:s24+s29], $0x1, s14, s29, $0xb8;
	[tilespmem:$0x1A400] =	vst v63  }
0x639: {  	s4 =	simm.s32 $0x19300;
	s5 =	simm.s32 $0x1A300  }
0x63a: {  	[tilespmem:s5], [sflag:$0x2] =	stream.indirect.gather [hbm4b:s24+s29], $0x1, s4, s29, $0xb8;
	[tilespmem:$0x1A400] =	vst v63  }
0x63b: {  	s14 =	simm.s32 $0x19380;
	s15 =	simm.s32 $0x1A380  }
0x63c: {  	[tilespmem:s15], [sflag:$0x2] =	stream.indirect.gather [hbm4b:s24+s29], $0x1, s14, s29, $0xb8;
	[tilespmem:$0x1A400] =	vst v63  }
0x63d: {  	s1 =	simm.s32 $0x10;
	s4 =	simm.s32 $0x19080;
	s14 =	simm.s32 $0x0;
	v4 =	vld [tilespmem:s21+$0x70]  }
.LBB2_49:
0x63e: {  	p4 =	slt.u32 s1, $0x70;
	v5 =	vld [tilespmem:s4+$0xFFFFFF90]  }
0x63f: {  	v6 =	vld [tilespmem:s4+$0xFFFFFFA0]  }
0x640: {  	v7 =	vld [tilespmem:s4+$0xFFFFFFB0]  }
0x641: {  	v8 =	vld [tilespmem:s4+$0xFFFFFFC0]  }
0x642: {  	s5 =	sadd.s32 $0xF, s14;
	v9 =	vld [tilespmem:s4+$0xFFFFFFD0]  }
0x643: {  	p5 =	slt.s32 s5, $0x40;
	v10 =	vld [tilespmem:s4+$0xFFFFFFE0]  }
0x644: {  	v12 =	vpsel !p5, $0x10000, v2;
	v11 =	vld [tilespmem:s4+$0xFFFFFFF0]  }
0x645: {  	s15 =	simm.s32 $0x19880;
	[tilespmem:v4+s2+$0x0] =	vst.idx.add.s32.msk $0xffff, v12  }
0x646: {  	v4 =	vld [tilespmem:s4+$0x0]  }
0x647: {  	v12 =	vld [tilespmem:s4+$0x10]  }
0x648: {  	v13 =	vld [tilespmem:s4+$0x20]  }
0x649: {  	v14 =	vld [tilespmem:s4+$0x30]  }
0x64a: {  	v15 =	vld [tilespmem:s4+$0x40]  }
0x64b: {  	s5 =	sadd.s32 $0x1, s14;
	v16 =	vld [tilespmem:s4+$0x50]  }
0x64c: {  	p5 =	slt.s32 s5, $0x40;
	s5 =	sadd.s32 $0x2, s14;
	v17 =	vld [tilespmem:s4+$0x60]  }
0x64d: {  	v19 =	vpsel !p5, $0x10000, v2;
	p5 =	slt.s32 s5, $0x40;
	s5 =	sadd.s32 $0x3, s14;
	v18 =	vld [tilespmem:s4+$0xFFFFFF80]  }
0x64e: {  	[tilespmem:v5+s2+$0x0] =	vst.idx.add.s32.msk $0xffff, v19;
	v5 =	vpsel !p5, $0x10000, v2;
	p5 =	slt.s32 s5, $0x40;
	s5 =	sadd.s32 $0x4, s14  }
0x64f: {  	[tilespmem:v6+s2+$0x0] =	vst.idx.add.s32.msk $0xffff, v5;
	v5 =	vpsel !p5, $0x10000, v2;
	p5 =	slt.s32 s5, $0x40;
	s5 =	sadd.s32 $0x5, s14  }
0x650: {  	[tilespmem:v7+s2+$0x0] =	vst.idx.add.s32.msk $0xffff, v5;
	v5 =	vpsel !p5, $0x10000, v2;
	p5 =	slt.s32 s5, $0x40;
	s5 =	sadd.s32 $0x6, s14  }
0x651: {  	[tilespmem:v8+s2+$0x0] =	vst.idx.add.s32.msk $0xffff, v5;
	v5 =	vpsel !p5, $0x10000, v2;
	p5 =	slt.s32 s5, $0x40;
	s5 =	sadd.s32 $0x7, s14  }
0x652: {  	[tilespmem:v9+s2+$0x0] =	vst.idx.add.s32.msk $0xffff, v5;
	v5 =	vpsel !p5, $0x10000, v2;
	p5 =	slt.s32 s5, $0x40  }
0x653: {  	p6 =	slt.s32 s14, $0x40;
	s5 =	sadd.s32 $0x8, s14;
	[tilespmem:v10+s2+$0x0] =	vst.idx.add.s32.msk $0xffff, v5;
	v5 =	vpsel !p5, $0x10000, v2  }
0x654: {  	v6 =	vpsel !p6, $0x10000, v2;
	p5 =	slt.s32 s5, $0x40;
	s5 =	sadd.s32 $0x9, s14;
	[tilespmem:v11+s2+$0x0] =	vst.idx.add.s32.msk $0xffff, v5  }
0x655: {  	v5 =	vpsel !p5, $0x10000, v2;
	p5 =	slt.s32 s5, $0x40;
	s5 =	sadd.s32 $0xA, s14;
	[tilespmem:v18+s2+$0x0] =	vst.idx.add.s32.msk $0xffff, v6  }
0x656: {  	[tilespmem:v4+s2+$0x0] =	vst.idx.add.s32.msk $0xffff, v5;
	v4 =	vpsel !p5, $0x10000, v2;
	p5 =	slt.s32 s5, $0x40;
	s5 =	sadd.s32 $0xB, s14  }
0x657: {  	[tilespmem:v12+s2+$0x0] =	vst.idx.add.s32.msk $0xffff, v4;
	v4 =	vpsel !p5, $0x10000, v2;
	p5 =	slt.s32 s5, $0x40;
	s5 =	sadd.s32 $0xC, s14  }
0x658: {  	[tilespmem:v13+s2+$0x0] =	vst.idx.add.s32.msk $0xffff, v4;
	v4 =	vpsel !p5, $0x10000, v2;
	p5 =	slt.s32 s5, $0x40;
	s5 =	sadd.s32 $0xD, s14  }
.Ltmp27:
0x659: {  	[tilespmem:v14+s2+$0x0] =	vst.idx.add.s32.msk $0xffff, v4;
	v4 =	vpsel !p5, $0x10000, v2;
	p5 =	slt.s32 s5, $0x40;
	s5 =	sadd.s32 $0xE, s14;
	(pc) =	sbr.rel @p4 .LBB2_49-.Ltmp27, $4  }
0x65a: {  	s14 =	smov.u32 s1;
	[tilespmem:v15+s2+$0x0] =	vst.idx.add.s32.msk $0xffff, v4;
	v4 =	vpsel !p5, $0x10000, v2;
	p5 =	slt.s32 s5, $0x40  }
0x65b: {  	[tilespmem:v16+s2+$0x0] =	vst.idx.add.s32.msk $0xffff, v4;
	v4 =	vpsel !p5, $0x10000, v2  }
0x65c: {  	s4 =	sadd.s32 $0x100, s4;
	[tilespmem:v17+s2+$0x0] =	vst.idx.add.s32.msk $0xffff, v4  }
0x65d: {  	s1 =	sadd.s32 $0x10, s1;
	v4 =	vld [tilespmem:s4+$0x70]  }
0x65e: {  	v5 =	vld [tilespmem:s4+$0xFFFFFF90]  }
0x65f: {  	v6 =	vld [tilespmem:s4+$0xFFFFFFA0]  }
0x660: {  	v7 =	vld [tilespmem:s4+$0xFFFFFFB0]  }
0x661: {  	v8 =	vld [tilespmem:s4+$0xFFFFFFC0]  }
0x662: {  	v9 =	vld [tilespmem:s4+$0xFFFFFFD0]  }
0x663: {  	v10 =	vld [tilespmem:s4+$0xFFFFFFE0]  }
0x664: {  	v11 =	vld [tilespmem:s4+$0xFFFFFFF0]  }
0x665: {  	v13 =	vld [tilespmem:s4+$0x20]  }
0x666: {  	v14 =	vld [tilespmem:s4+$0x30]  }
0x667: {  	v15 =	vld [tilespmem:s4+$0x40]  }
0x668: {  	s1 =	sadd.s32 $0xF, s14;
	v16 =	vld [tilespmem:s4+$0x50]  }
0x669: {  	v17 =	vld [tilespmem:s4+$0x60];
	p4 =	slt.s32 s1, $0x40  }
0x66a: {  	v18 =	vld [tilespmem:s4+$0xFFFFFF80];
	v12 =	vpsel !p4, $0x10000, v2  }
0x66b: {  	s5 =	sadd.s32 $0x1, s14;
	[tilespmem:v4+s2+$0x0] =	vst.idx.add.s32.msk $0xffff, v12  }
0x66c: {  	p6 =	slt.s32 s5, $0x40;
	s5 =	sadd.s32 $0x2, s14;
	v4 =	vld [tilespmem:s4+$0x0]  }
0x66d: {  	v19 =	vpsel !p6, $0x10000, v2;
	p5 =	slt.s32 s5, $0x40;
	s5 =	sadd.s32 $0x3, s14;
	v12 =	vld [tilespmem:s4+$0x10]  }
0x66e: {  	p6 =	slt.s32 s5, $0x40;
	s4 =	sadd.s32 $0x4, s14;
	[tilespmem:v5+s2+$0x0] =	vst.idx.add.s32.msk $0xffff, v19;
	v5 =	vpsel !p5, $0x10000, v2  }
0x66f: {  	s5 =	sadd.s32 $0x5, s14;
	p5 =	slt.s32 s4, $0x40;
	[tilespmem:v6+s2+$0x0] =	vst.idx.add.s32.msk $0xffff, v5;
	v5 =	vpsel !p6, $0x10000, v2  }
0x670: {  	s4 =	sadd.s32 $0x6, s14;
	p6 =	slt.s32 s5, $0x40;
	[tilespmem:v7+s2+$0x0] =	vst.idx.add.s32.msk $0xffff, v5;
	v5 =	vpsel !p5, $0x10000, v2  }
0x671: {  	s5 =	sadd.s32 $0x7, s14;
	p5 =	slt.s32 s4, $0x40;
	[tilespmem:v8+s2+$0x0] =	vst.idx.add.s32.msk $0xffff, v5;
	v5 =	vpsel !p6, $0x10000, v2  }
0x672: {  	p6 =	slt.s32 s5, $0x40;
	[tilespmem:v9+s2+$0x0] =	vst.idx.add.s32.msk $0xffff, v5;
	v5 =	vpsel !p5, $0x10000, v2  }
0x673: {  	s4 =	sadd.s32 $0x8, s14;
	p5 =	slt.s32 s14, $0x40;
	[tilespmem:v10+s2+$0x0] =	vst.idx.add.s32.msk $0xffff, v5;
	v5 =	vpsel !p6, $0x10000, v2  }
0x674: {  	s5 =	sadd.s32 $0x9, s14;
	v6 =	vpsel !p5, $0x10000, v2;
	p6 =	slt.s32 s4, $0x40;
	[tilespmem:v11+s2+$0x0] =	vst.idx.add.s32.msk $0xffff, v5  }
0x675: {  	p5 =	slt.s32 s5, $0x40;
	s4 =	sadd.s32 $0xA, s14;
	[tilespmem:v18+s2+$0x0] =	vst.idx.add.s32.msk $0xffff, v6;
	v5 =	vpsel !p6, $0x10000, v2  }
0x676: {  	s5 =	sadd.s32 $0xB, s14;
	p6 =	slt.s32 s4, $0x40;
	[tilespmem:v4+s2+$0x0] =	vst.idx.add.s32.msk $0xffff, v5;
	v4 =	vpsel !p5, $0x10000, v2  }
0x677: {  	s4 =	sadd.s32 $0xC, s14;
	p5 =	slt.s32 s5, $0x40;
	[tilespmem:v12+s2+$0x0] =	vst.idx.add.s32.msk $0xffff, v4;
	v4 =	vpsel !p6, $0x10000, v2  }
0x678: {  	s5 =	sadd.s32 $0xD, s14;
	p6 =	slt.s32 s4, $0x40;
	[tilespmem:v13+s2+$0x0] =	vst.idx.add.s32.msk $0xffff, v4;
	v4 =	vpsel !p5, $0x10000, v2  }
0x679: {  	s14 =	sadd.s32 $0xE, s14;
	p5 =	slt.s32 s5, $0x40;
	[tilespmem:v14+s2+$0x0] =	vst.idx.add.s32.msk $0xffff, v4;
	v4 =	vpsel !p6, $0x10000, v2  }
0x67a: {  	p6 =	slt.s32 s14, $0x40;
	[tilespmem:v15+s2+$0x0] =	vst.idx.add.s32.msk $0xffff, v4;
	v4 =	vpsel !p5, $0x10000, v2  }
0x67b: {  	[tilespmem:v16+s2+$0x0] =	vst.idx.add.s32.msk $0xffff, v4;
	v4 =	vpsel !p6, $0x10000, v2  }
0x67c: {  	[tilespmem:v17+s2+$0x0] =	vst.idx.add.s32.msk $0xffff, v4  }
0x67d: {  	v4 =	vld [tilespmem:s21+$0x70]  }
0x67e: {  	v5 =	vld [tilespmem:s21+$0xFFFFFF90]  }
0x67f: {  	v6 =	vld [tilespmem:s21+$0xFFFFFFA0]  }
0x680: {  	v7 =	vld [tilespmem:s21+$0xFFFFFFB0]  }
0x681: {  	v8 =	vld [tilespmem:s21+$0xFFFFFFC0]  }
0x682: {  	v9 =	vld [tilespmem:s21+$0xFFFFFFD0]  }
0x683: {  	v10 =	vld [tilespmem:s21+$0xFFFFFFE0]  }
0x684: {  	v11 =	vld [tilespmem:s21+$0xFFFFFFF0]  }
0x685: {  	v13 =	vld [tilespmem:s15+$0x70]  }
0x686: {  	v14 =	vld [tilespmem:s21+$0x10]  }
0x687: {  	v15 =	vld [tilespmem:s21+$0x20]  }
0x688: {  	v16 =	vld [tilespmem:s21+$0x30]  }
0x689: {  	v17 =	vld [tilespmem:s21+$0x40]  }
0x68a: {  	v18 =	vld [tilespmem:s21+$0x50]  }
0x68b: {  	v19 =	vld [tilespmem:s21+$0x60]  }
0x68c: {  	v20 =	vld [tilespmem:s21+$0xFFFFFF80]  }
0x68d: {  	v58 =	vld [tilespmem:s15+$0xFFFFFF90]  }
0x68e: {  	v59 =	vld [tilespmem:s15+$0xFFFFFFA0]  }
0x68f: {  	v60 =	vld [tilespmem:s15+$0xFFFFFFB0]  }
0x690: {  	v61 =	vld [tilespmem:s15+$0xFFFFFFE0]  }
0x691: {  	v62 =	vld [tilespmem:s15+$0xFFFFFFF0]  }
0x692: {  	s14 =	simm.s32 $0x0;
	v63 =	vld [tilespmem:s15+$0x0]  }
0x693: {  	v12 =	vld.idx.msk [tilespmem:v4+s14+$0x0], $0xffff  }
0x694: {  	v4 =	vld [tilespmem:s21+$0x0]  }
0x695: {  	v21 =	vld.idx.msk [tilespmem:v5+s14+$0x0], $0xffff  }
0x696: {  	v22 =	vld.idx.msk [tilespmem:v6+s14+$0x0], $0xffff  }
0x697: {  	v23 =	vld.idx.msk [tilespmem:v7+s14+$0x0], $0xffff  }
0x698: {  	v24 =	vld.idx.msk [tilespmem:v8+s14+$0x0], $0xffff  }
0x699: {  	v9 =	vld.idx.msk [tilespmem:v9+s14+$0x0], $0xffff  }
0x69a: {  	v10 =	vld.idx.msk [tilespmem:v10+s14+$0x0], $0xffff  }
0x69b: {  	v11 =	vld.idx.msk [tilespmem:v11+s14+$0x0], $0xffff  }
0x69c: {  	v20 =	vld.idx.msk [tilespmem:v20+s14+$0x0], $0xffff  }
0x69d: {  	v8 =	vld.idx.msk [tilespmem:v15+s14+$0x0], $0xffff  }
0x69e: {  	v15 =	vld [tilespmem:s15+$0xFFFFFF80]  }
0x69f: {  	v14 =	vld.idx.msk [tilespmem:v14+s14+$0x0], $0xffff  }
0x6a0: {  	v7 =	vld.idx.msk [tilespmem:v16+s14+$0x0], $0xffff  }
0x6a1: {  	v6 =	vld.idx.msk [tilespmem:v17+s14+$0x0], $0xffff  }
0x6a2: {  	v12 =	vadd.s32 v13, v12;
	v13 =	vld [tilespmem:s15+$0xFFFFFFC0]  }
0x6a3: {  	[tilespmem:s15+$0x70] =	vst v12;
	v12 =	vadd.s32 v15, v20;
	v15 =	vld [tilespmem:s15+$0xFFFFFFD0]  }
0x6a4: {  	v5 =	vld.idx.msk [tilespmem:v18+s14+$0x0], $0xffff;
	[tilespmem:s15+$0xFFFFFF80] =	vst v12;
	v12 =	vadd.s32 v58, v21  }
0x6a5: {  	v25 =	vld.idx.msk [tilespmem:v4+s14+$0x0], $0xffff;
	[tilespmem:s15+$0xFFFFFF90] =	vst v12;
	v12 =	vadd.s32 v59, v22  }
0x6a6: {  	v4 =	vld.idx.msk [tilespmem:v19+s14+$0x0], $0xffff;
	[tilespmem:s15+$0xFFFFFFA0] =	vst v12;
	v12 =	vadd.s32 v60, v23  }
0x6a7: {  	[tilespmem:s15+$0xFFFFFFB0] =	vst v12;
	v12 =	vadd.s32 v13, v24;
	v13 =	vld [tilespmem:s15+$0x10]  }
0x6a8: {  	[tilespmem:s15+$0xFFFFFFC0] =	vst v12;
	v12 =	vadd.s32 v15, v9;
	v9 =	vld [tilespmem:s15+$0x20]  }
0x6a9: {  	[tilespmem:s15+$0xFFFFFFD0] =	vst v12;
	v12 =	vadd.s32 v61, v10;
	v10 =	vld [tilespmem:s15+$0x30]  }
0x6aa: {  	[tilespmem:s15+$0xFFFFFFE0] =	vst v12;
	v12 =	vadd.s32 v62, v11;
	v11 =	vld [tilespmem:s15+$0x40]  }
0x6ab: {  	v15 =	vadd.s32 v63, v25;
	[tilespmem:s15+$0xFFFFFFF0] =	vst v12;
	v12 =	vld [tilespmem:s15+$0x50]  }
0x6ac: {  	s1 =	simm.s32 $0x19180;
	s4 =	simm.s32 $0x0;
	[tilespmem:s15+$0x0] =	vst v15;
	v14 =	vadd.s32 v13, v14;
	v13 =	vld [tilespmem:s15+$0x60]  }
.LBB2_51:
0x6ad: {  	v15 =	vld [tilespmem:s1+$0x70];
	s4 =	sadd.s32 $0x10, s4;
	[tilespmem:s15+$0x10] =	vst v14;
	v8 =	vadd.s32 v9, v8  }
0x6ae: {  	v9 =	vld [tilespmem:s1+$0xFFFFFF90];
	p4 =	slt.u32 s4, $0x30;
	[tilespmem:s15+$0x20] =	vst v8;
	v7 =	vadd.s32 v10, v7  }
0x6af: {  	v8 =	vld [tilespmem:s1+$0xFFFFFFA0];
	[tilespmem:s15+$0x30] =	vst v7;
	v6 =	vadd.s32 v11, v6  }
0x6b0: {  	v7 =	vld [tilespmem:s1+$0xFFFFFFB0];
	[tilespmem:s15+$0x40] =	vst v6;
	v5 =	vadd.s32 v12, v5  }
0x6b1: {  	v6 =	vld [tilespmem:s1+$0xFFFFFFC0];
	[tilespmem:s15+$0x50] =	vst v5;
	v4 =	vadd.s32 v13, v4  }
0x6b2: {  	v5 =	vld [tilespmem:s1+$0xFFFFFFD0];
	[tilespmem:s15+$0x60] =	vst v4  }
0x6b3: {  	v4 =	vld [tilespmem:s1+$0xFFFFFFE0]  }
0x6b4: {  	v10 =	vld [tilespmem:s1+$0xFFFFFFF0]  }
0x6b5: {  	s15 =	sadd.s32 $0x100, s15;
	v11 =	vld.idx.msk [tilespmem:v15+s14+$0x0], $0xffff  }
0x6b6: {  	v12 =	vld [tilespmem:s15+$0x70]  }
0x6b7: {  	v13 =	vld [tilespmem:s1+$0x0]  }
0x6b8: {  	v14 =	vld [tilespmem:s1+$0x10]  }
0x6b9: {  	v15 =	vld [tilespmem:s1+$0x20]  }
0x6ba: {  	v16 =	vld [tilespmem:s1+$0x30]  }
0x6bb: {  	v17 =	vld [tilespmem:s1+$0x40];
	v11 =	vadd.s32 v12, v11  }
0x6bc: {  	s21 =	simm.s32 $0x19080;
	v12 =	vld [tilespmem:s1+$0x50];
	[tilespmem:s15+$0x70] =	vst v11  }
0x6bd: {  	v11 =	vld [tilespmem:s1+$0x60]  }
0x6be: {  	v18 =	vld [tilespmem:s1+$0xFFFFFF80]  }
0x6bf: {  	v9 =	vld.idx.msk [tilespmem:v9+s14+$0x0], $0xffff  }
0x6c0: {  	v19 =	vld.idx.msk [tilespmem:v8+s14+$0x0], $0xffff  }
0x6c1: {  	v20 =	vld.idx.msk [tilespmem:v7+s14+$0x0], $0xffff  }
0x6c2: {  	v21 =	vld.idx.msk [tilespmem:v6+s14+$0x0], $0xffff  }
0x6c3: {  	v22 =	vld.idx.msk [tilespmem:v5+s14+$0x0], $0xffff  }
0x6c4: {  	v23 =	vld.idx.msk [tilespmem:v4+s14+$0x0], $0xffff  }
0x6c5: {  	v24 =	vld.idx.msk [tilespmem:v10+s14+$0x0], $0xffff  }
0x6c6: {  	v10 =	vld.idx.msk [tilespmem:v18+s14+$0x0], $0xffff  }
0x6c7: {  	v13 =	vld.idx.msk [tilespmem:v13+s14+$0x0], $0xffff  }
0x6c8: {  	v14 =	vld.idx.msk [tilespmem:v14+s14+$0x0], $0xffff  }
0x6c9: {  	v8 =	vld.idx.msk [tilespmem:v15+s14+$0x0], $0xffff  }
0x6ca: {  	v7 =	vld.idx.msk [tilespmem:v16+s14+$0x0], $0xffff  }
0x6cb: {  	v6 =	vld.idx.msk [tilespmem:v17+s14+$0x0], $0xffff  }
0x6cc: {  	v5 =	vld.idx.msk [tilespmem:v12+s14+$0x0], $0xffff  }
0x6cd: {  	v4 =	vld.idx.msk [tilespmem:v11+s14+$0x0], $0xffff  }
0x6ce: {  	v11 =	vld [tilespmem:s15+$0xFFFFFF80]  }
0x6cf: {  	v12 =	vld [tilespmem:s15+$0xFFFFFF90]  }
0x6d0: {  	v15 =	vld [tilespmem:s15+$0xFFFFFFA0]  }
0x6d1: {  	v16 =	vld [tilespmem:s15+$0xFFFFFFB0]  }
0x6d2: {  	v17 =	vld [tilespmem:s15+$0xFFFFFFC0]  }
0x6d3: {  	v10 =	vadd.s32 v11, v10;
	v11 =	vld [tilespmem:s15+$0xFFFFFFD0]  }
0x6d4: {  	[tilespmem:s15+$0xFFFFFF80] =	vst v10;
	v9 =	vadd.s32 v12, v9;
	v10 =	vld [tilespmem:s15+$0xFFFFFFE0]  }
0x6d5: {  	[tilespmem:s15+$0xFFFFFF90] =	vst v9;
	v9 =	vadd.s32 v15, v19;
	v12 =	vld [tilespmem:s15+$0xFFFFFFF0]  }
0x6d6: {  	[tilespmem:s15+$0xFFFFFFA0] =	vst v9;
	v9 =	vadd.s32 v16, v20;
	v15 =	vld [tilespmem:s15+$0x0]  }
0x6d7: {  	[tilespmem:s15+$0xFFFFFFB0] =	vst v9;
	v9 =	vadd.s32 v17, v21;
	v16 =	vld [tilespmem:s15+$0x10]  }
.Ltmp28:
0x6d8: {  	[tilespmem:s15+$0xFFFFFFC0] =	vst v9;
	v11 =	vadd.s32 v11, v22;
	v9 =	vld [tilespmem:s15+$0x20];
	(pc) =	sbr.rel @p4 .LBB2_51-.Ltmp28, $4  }
0x6d9: {  	[tilespmem:s15+$0xFFFFFFD0] =	vst v11;
	v11 =	vadd.s32 v10, v23;
	v10 =	vld [tilespmem:s15+$0x30]  }
0x6da: {  	[tilespmem:s15+$0xFFFFFFE0] =	vst v11;
	v12 =	vadd.s32 v12, v24;
	v11 =	vld [tilespmem:s15+$0x40]  }
0x6db: {  	[tilespmem:s15+$0xFFFFFFF0] =	vst v12;
	v13 =	vadd.s32 v15, v13;
	v12 =	vld [tilespmem:s15+$0x50]  }
0x6dc: {  	s1 =	sadd.s32 $0x100, s1;
	[tilespmem:s15+$0x0] =	vst v13;
	v14 =	vadd.s32 v16, v14;
	v13 =	vld [tilespmem:s15+$0x60]  }
0x6dd: {  	[tilespmem:s15+$0x10] =	vst v14;
	v8 =	vadd.s32 v9, v8  }
0x6de: {  	[tilespmem:s15+$0x20] =	vst v8;
	v7 =	vadd.s32 v10, v7  }
0x6df: {  	[tilespmem:s15+$0x30] =	vst v7;
	v6 =	vadd.s32 v11, v6  }
0x6e0: {  	[tilespmem:s15+$0x40] =	vst v6;
	v5 =	vadd.s32 v12, v5  }
0x6e1: {  	[tilespmem:s15+$0x50] =	vst v5;
	v4 =	vadd.s32 v13, v4  }
0x6e2: {  	[tilespmem:s15+$0x60] =	vst v4  }
0x6e3: {  	s1 =	simm.s32 $0x10;
	v4 =	vld [tilespmem:s21+$0x70]  }
.LBB2_53:
0x6e4: {  	p4 =	slt.u32 s1, $0x70;
	v5 =	vld [tilespmem:s21+$0xFFFFFF90]  }
0x6e5: {  	v6 =	vld [tilespmem:s21+$0xFFFFFFA0]  }
0x6e6: {  	v7 =	vld [tilespmem:s21+$0xFFFFFFB0]  }
0x6e7: {  	v8 =	vld [tilespmem:s21+$0xFFFFFFC0]  }
0x6e8: {  	s4 =	sadd.s32 $0xF, s14;
	v9 =	vld [tilespmem:s21+$0xFFFFFFD0]  }
0x6e9: {  	p5 =	slt.s32 s4, $0x40;
	v10 =	vld [tilespmem:s21+$0xFFFFFFE0]  }
0x6ea: {  	v12 =	vpsel !p5, $0xFFFF0000, v3;
	v11 =	vld [tilespmem:s21+$0xFFFFFFF0]  }
0x6eb: {  	[tilespmem:v4+s2+$0x0] =	vst.idx.add.s32.msk $0xffff, v12  }
0x6ec: {  	v4 =	vld [tilespmem:s21+$0x0]  }
0x6ed: {  	v12 =	vld [tilespmem:s21+$0x10]  }
0x6ee: {  	v13 =	vld [tilespmem:s21+$0x20]  }
0x6ef: {  	v14 =	vld [tilespmem:s21+$0x30]  }
0x6f0: {  	v15 =	vld [tilespmem:s21+$0x40]  }
0x6f1: {  	s4 =	sadd.s32 $0x1, s14;
	v16 =	vld [tilespmem:s21+$0x50]  }
0x6f2: {  	p5 =	slt.s32 s4, $0x40;
	s4 =	sadd.s32 $0x2, s14;
	v17 =	vld [tilespmem:s21+$0x60]  }
0x6f3: {  	v19 =	vpsel !p5, $0xFFFF0000, v3;
	p5 =	slt.s32 s4, $0x40;
	s4 =	sadd.s32 $0x3, s14;
	v18 =	vld [tilespmem:s21+$0xFFFFFF80]  }
0x6f4: {  	[tilespmem:v5+s2+$0x0] =	vst.idx.add.s32.msk $0xffff, v19;
	v5 =	vpsel !p5, $0xFFFF0000, v3;
	p5 =	slt.s32 s4, $0x40;
	s4 =	sadd.s32 $0x4, s14  }
0x6f5: {  	[tilespmem:v6+s2+$0x0] =	vst.idx.add.s32.msk $0xffff, v5;
	v5 =	vpsel !p5, $0xFFFF0000, v3;
	p5 =	slt.s32 s4, $0x40;
	s4 =	sadd.s32 $0x5, s14  }
0x6f6: {  	[tilespmem:v7+s2+$0x0] =	vst.idx.add.s32.msk $0xffff, v5;
	v5 =	vpsel !p5, $0xFFFF0000, v3;
	p5 =	slt.s32 s4, $0x40;
	s4 =	sadd.s32 $0x6, s14  }
0x6f7: {  	[tilespmem:v8+s2+$0x0] =	vst.idx.add.s32.msk $0xffff, v5;
	v5 =	vpsel !p5, $0xFFFF0000, v3;
	p5 =	slt.s32 s4, $0x40;
	s4 =	sadd.s32 $0x7, s14  }
0x6f8: {  	[tilespmem:v9+s2+$0x0] =	vst.idx.add.s32.msk $0xffff, v5;
	v5 =	vpsel !p5, $0xFFFF0000, v3;
	p5 =	slt.s32 s4, $0x40  }
0x6f9: {  	p6 =	slt.s32 s14, $0x40;
	s4 =	sadd.s32 $0x8, s14;
	[tilespmem:v10+s2+$0x0] =	vst.idx.add.s32.msk $0xffff, v5;
	v5 =	vpsel !p5, $0xFFFF0000, v3  }
0x6fa: {  	v6 =	vpsel !p6, $0xFFFF0000, v3;
	p5 =	slt.s32 s4, $0x40;
	s4 =	sadd.s32 $0x9, s14;
	[tilespmem:v11+s2+$0x0] =	vst.idx.add.s32.msk $0xffff, v5  }
0x6fb: {  	v5 =	vpsel !p5, $0xFFFF0000, v3;
	p5 =	slt.s32 s4, $0x40;
	s4 =	sadd.s32 $0xA, s14;
	[tilespmem:v18+s2+$0x0] =	vst.idx.add.s32.msk $0xffff, v6  }
0x6fc: {  	[tilespmem:v4+s2+$0x0] =	vst.idx.add.s32.msk $0xffff, v5;
	v4 =	vpsel !p5, $0xFFFF0000, v3;
	p5 =	slt.s32 s4, $0x40;
	s4 =	sadd.s32 $0xB, s14  }
0x6fd: {  	[tilespmem:v12+s2+$0x0] =	vst.idx.add.s32.msk $0xffff, v4;
	v4 =	vpsel !p5, $0xFFFF0000, v3;
	p5 =	slt.s32 s4, $0x40;
	s4 =	sadd.s32 $0xC, s14  }
0x6fe: {  	[tilespmem:v13+s2+$0x0] =	vst.idx.add.s32.msk $0xffff, v4;
	v4 =	vpsel !p5, $0xFFFF0000, v3;
	p5 =	slt.s32 s4, $0x40;
	s4 =	sadd.s32 $0xD, s14  }
.Ltmp29:
0x6ff: {  	[tilespmem:v14+s2+$0x0] =	vst.idx.add.s32.msk $0xffff, v4;
	v4 =	vpsel !p5, $0xFFFF0000, v3;
	p5 =	slt.s32 s4, $0x40;
	s4 =	sadd.s32 $0xE, s14;
	(pc) =	sbr.rel @p4 .LBB2_53-.Ltmp29, $4  }
0x700: {  	s14 =	smov.u32 s1;
	[tilespmem:v15+s2+$0x0] =	vst.idx.add.s32.msk $0xffff, v4;
	v4 =	vpsel !p5, $0xFFFF0000, v3;
	p5 =	slt.s32 s4, $0x40  }
0x701: {  	[tilespmem:v16+s2+$0x0] =	vst.idx.add.s32.msk $0xffff, v4;
	v4 =	vpsel !p5, $0xFFFF0000, v3  }
0x702: {  	s21 =	sadd.s32 $0x100, s21;
	[tilespmem:v17+s2+$0x0] =	vst.idx.add.s32.msk $0xffff, v4  }
0x703: {  	s1 =	sadd.s32 $0x10, s1;
	v4 =	vld [tilespmem:s21+$0x70]  }
0x704: {  	v5 =	vld [tilespmem:s21+$0xFFFFFF90]  }
0x705: {  	v6 =	vld [tilespmem:s21+$0xFFFFFFA0]  }
0x706: {  	v7 =	vld [tilespmem:s21+$0xFFFFFFB0]  }
0x707: {  	v8 =	vld [tilespmem:s21+$0xFFFFFFC0]  }
0x708: {  	v9 =	vld [tilespmem:s21+$0xFFFFFFD0]  }
0x709: {  	v10 =	vld [tilespmem:s21+$0xFFFFFFE0]  }
0x70a: {  	v11 =	vld [tilespmem:s21+$0xFFFFFFF0]  }
0x70b: {  	v62 =	vld [tilespmem:s21+$0x10]  }
0x70c: {  	v13 =	vld [tilespmem:s21+$0x20]  }
0x70d: {  	v14 =	vld [tilespmem:s21+$0x30]  }
0x70e: {  	v15 =	vld [tilespmem:s21+$0x40]  }
0x70f: {  	s1 =	sadd.s32 $0xF, s14;
	v16 =	vld [tilespmem:s21+$0x50]  }
0x710: {  	v17 =	vld [tilespmem:s21+$0x60];
	p4 =	slt.s32 s1, $0x40  }
0x711: {  	s5 =	sadd.s32 $0x1, s14;
	v18 =	vld [tilespmem:s21+$0xFFFFFF80];
	v12 =	vpsel !p4, $0xFFFF0000, v3  }
0x712: {  	s15 =	sadd.s32 $0x2, s14;
	p6 =	slt.s32 s5, $0x40;
	[tilespmem:v4+s2+$0x0] =	vst.idx.add.s32.msk $0xffff, v12  }
0x713: {  	s4 =	sadd.s32 $0x3, s14;
	p5 =	slt.s32 s15, $0x40;
	v19 =	vpsel !p6, $0xFFFF0000, v3;
	v4 =	vld [tilespmem:s21+$0x0]  }
0x714: {  	s5 =	sadd.s32 $0x4, s14;
	p6 =	slt.s32 s4, $0x40;
	[tilespmem:v5+s2+$0x0] =	vst.idx.add.s32.msk $0xffff, v19;
	v5 =	vpsel !p5, $0xFFFF0000, v3  }
0x715: {  	s15 =	sadd.s32 $0x5, s14;
	p5 =	slt.s32 s5, $0x40;
	[tilespmem:v6+s2+$0x0] =	vst.idx.add.s32.msk $0xffff, v5;
	v5 =	vpsel !p6, $0xFFFF0000, v3  }
0x716: {  	s21 =	sadd.s32 $0x6, s14;
	p6 =	slt.s32 s15, $0x40;
	[tilespmem:v7+s2+$0x0] =	vst.idx.add.s32.msk $0xffff, v5;
	v5 =	vpsel !p5, $0xFFFF0000, v3  }
0x717: {  	s4 =	sadd.s32 $0x7, s14;
	p5 =	slt.s32 s21, $0x40;
	[tilespmem:v8+s2+$0x0] =	vst.idx.add.s32.msk $0xffff, v5;
	v5 =	vpsel !p6, $0xFFFF0000, v3  }
0x718: {  	p6 =	slt.s32 s4, $0x40;
	[tilespmem:v9+s2+$0x0] =	vst.idx.add.s32.msk $0xffff, v5;
	v5 =	vpsel !p5, $0xFFFF0000, v3  }
0x719: {  	s5 =	sadd.s32 $0x8, s14;
	p5 =	slt.s32 s14, $0x40;
	[tilespmem:v10+s2+$0x0] =	vst.idx.add.s32.msk $0xffff, v5;
	v5 =	vpsel !p6, $0xFFFF0000, v3  }
0x71a: {  	s15 =	sadd.s32 $0x9, s14;
	v63 =	vpsel !p5, $0xFFFF0000, v3;
	p6 =	slt.s32 s5, $0x40;
	[tilespmem:v11+s2+$0x0] =	vst.idx.add.s32.msk $0xffff, v5  }
0x71b: {  	s21 =	sadd.s32 $0xA, s14;
	p5 =	slt.s32 s15, $0x40;
	[tilespmem:v18+s2+$0x0] =	vst.idx.add.s32.msk $0xffff, v63;
	v5 =	vpsel !p6, $0xFFFF0000, v3  }
0x71c: {  	s4 =	sadd.s32 $0xB, s14;
	p6 =	slt.s32 s21, $0x40;
	[tilespmem:v4+s2+$0x0] =	vst.idx.add.s32.msk $0xffff, v5;
	v4 =	vpsel !p5, $0xFFFF0000, v3  }
0x71d: {  	s5 =	sadd.s32 $0xC, s14;
	p5 =	slt.s32 s4, $0x40;
	[tilespmem:v62+s2+$0x0] =	vst.idx.add.s32.msk $0xffff, v4;
	v4 =	vpsel !p6, $0xFFFF0000, v3  }
0x71e: {  	s15 =	sadd.s32 $0xD, s14;
	p6 =	slt.s32 s5, $0x40;
	[tilespmem:v13+s2+$0x0] =	vst.idx.add.s32.msk $0xffff, v4;
	v4 =	vpsel !p5, $0xFFFF0000, v3  }
0x71f: {  	s21 =	sadd.s32 $0xE, s14;
	p5 =	slt.s32 s15, $0x40;
	[tilespmem:v14+s2+$0x0] =	vst.idx.add.s32.msk $0xffff, v4;
	v4 =	vpsel !p6, $0xFFFF0000, v3  }
0x720: {  	p6 =	slt.s32 s21, $0x40;
	[tilespmem:v15+s2+$0x0] =	vst.idx.add.s32.msk $0xffff, v4;
	v4 =	vpsel !p5, $0xFFFF0000, v3  }
0x721: {  	[tilespmem:v16+s2+$0x0] =	vst.idx.add.s32.msk $0xffff, v4;
	v4 =	vpsel !p6, $0xFFFF0000, v3  }
0x722: {  	[tilespmem:v17+s2+$0x0] =	vst.idx.add.s32.msk $0xffff, v4  }
0x723: {  	_ =	swait.ge [sflag:s6], $0x80  }
0x724: {  	[sflag:s6] =	ssyncset.done $0x0  }
0x725: {  	[sflag:s6] =	ssyncadd.s32 $0xFFFFFF80  }
0x726: {  	_ =	swait.ge [sflag:s6], $0x80  }
0x727: {  	[sflag:s6] =	ssyncset.done $0x0  }
0x728: {  	[sflag:s6] =	ssyncadd.s32 $0xFFFFFF80  }
0x729: {  	_ =	swait.ge [sflag:s6], $0x80  }
0x72a: {  	[sflag:s6] =	ssyncset.done $0x0  }
0x72b: {  	[sflag:s6] =	ssyncadd.s32 $0xFFFFFF80  }
0x72c: {  	_ =	swait.ge [sflag:s6], $0x80  }
0x72d: {  	[sflag:s6] =	ssyncset.done $0x0  }
0x72e: {  	[sflag:s6] =	ssyncadd.s32 $0xFFFFFF80  }
0x72f: {  	_ =	swait.ge [sflag:s6], $0x80  }
0x730: {  	[sflag:s6] =	ssyncset.done $0x0  }
0x731: {  	[sflag:s6] =	ssyncadd.s32 $0xFFFFFF80  }
0x732: {  	_ =	swait.ge [sflag:s6], $0x80  }
0x733: {  	[sflag:s6] =	ssyncset.done $0x0  }
0x734: {  	[sflag:s6] =	ssyncadd.s32 $0xFFFFFF80  }
0x735: {  	_ =	swait.ge [sflag:s6], $0x80  }
.Ltmp30:
0x736: {  	[sflag:s6] =	ssyncset.done $0x0;
	(pc) =	sbr.rel .LBB2_55-.Ltmp30, $4  }
0x737: {  	[sflag:s6] =	ssyncadd.s32 $0xFFFFFF80  }
0x738: {  	_ =	swait.ge [sflag:s6], $0x80  }
0x739: {  	[sflag:s6] =	ssyncset.done $0x0  }
0x73a: {  	[sflag:s6] =	ssyncadd.s32 $0xFFFFFF80  }
.LBB2_47:
0x73b: {  	_ =	swait.ge [sflag:s8], $0x400  }
0x73c: {  	[sflag:s8] =	ssyncset.done $0x0  }
0x73d: {  	[sflag:s8] =	ssyncadd.s32 $0xFFFFFC00  }
.LBB2_55:
.Ltmp31:
0x73e: {  	(pc) =	sbr.rel @p2 .LBB2_61-.Ltmp31, $2  }
0x73f: {  	_ =	sdelay $0x2  }
0x740: {  	[hbm4b:s22+s29] =	stream.strided.scatter [tilespmem:s7], [sflag:$0x3], $0x400, s30, s29, $0x38;
	[tilespmem:$0x1A400] =	vst v63  }
0x741: {  	_ =	swait.ge [sflag:s28], $0x400  }
0x742: {  	[sflag:s28] =	ssyncset.done $0x0  }
0x743: {  	[sflag:s28] =	ssyncadd.s32 $0xFFFFFC00  }
0x744: {  	_ =	swait.ge [sflag:s28], $0x400  }
0x745: {  	[sflag:s28] =	ssyncset.done $0x0  }
0x746: {  	[sflag:s28] =	ssyncadd.s32 $0xFFFFFC00  }
0x747: {  	_ =	swait.ge [sflag:s8], $0x400  }
0x748: {  	[sflag:s8] =	ssyncset.done $0x0  }
0x749: {  	[sflag:s8] =	ssyncadd.s32 $0xFFFFFC00  }
0x74a: {  	[tilespmem:s3], [sflag:$0x2] =	stream.indirect.gather [hbm4b:s24+s29], $0x1, s0, s29, $0xb8;
	[tilespmem:$0x1A400] =	vst v63  }
0x74b: {  	s15 =	simm.s32 $0x18880;
	s1 =	simm.s32 $0x19C80  }
0x74c: {  	[tilespmem:s1], [sflag:$0x2] =	stream.indirect.gather [hbm4b:s24+s29], $0x1, s15, s29, $0xb8;
	[tilespmem:$0x1A400] =	vst v63  }
0x74d: {  	s5 =	simm.s32 $0x18900;
	s4 =	simm.s32 $0x19D00  }
0x74e: {  	[tilespmem:s4], [sflag:$0x2] =	stream.indirect.gather [hbm4b:s24+s29], $0x1, s5, s29, $0xb8;
	[tilespmem:$0x1A400] =	vst v63  }
0x74f: {  	s14 =	simm.s32 $0x18980;
	s21 =	simm.s32 $0x19D80  }
0x750: {  	[tilespmem:s21], [sflag:$0x2] =	stream.indirect.gather [hbm4b:s24+s29], $0x1, s14, s29, $0xb8;
	[tilespmem:$0x1A400] =	vst v63  }
0x751: {  	s4 =	simm.s32 $0x18A00;
	s5 =	simm.s32 $0x19E00  }
0x752: {  	[tilespmem:s5], [sflag:$0x2] =	stream.indirect.gather [hbm4b:s24+s29], $0x1, s4, s29, $0xb8;
	[tilespmem:$0x1A400] =	vst v63  }
0x753: {  	s14 =	simm.s32 $0x18A80;
	s21 =	simm.s32 $0x19E80  }
0x754: {  	[tilespmem:s21], [sflag:$0x2] =	stream.indirect.gather [hbm4b:s24+s29], $0x1, s14, s29, $0xb8;
	[tilespmem:$0x1A400] =	vst v63  }
0x755: {  	s4 =	simm.s32 $0x18B00;
	s5 =	simm.s32 $0x19F00  }
0x756: {  	[tilespmem:s5], [sflag:$0x2] =	stream.indirect.gather [hbm4b:s24+s29], $0x1, s4, s29, $0xb8;
	[tilespmem:$0x1A400] =	vst v63  }
0x757: {  	s14 =	simm.s32 $0x18B80;
	s21 =	simm.s32 $0x19F80  }
0x758: {  	[tilespmem:s21], [sflag:$0x2] =	stream.indirect.gather [hbm4b:s24+s29], $0x1, s14, s29, $0xb8;
	[tilespmem:$0x1A400] =	vst v63  }
0x759: {  	s1 =	simm.s32 $0x10;
	s4 =	simm.s32 $0x18880;
	s21 =	simm.s32 $0x0;
	v4 =	vld [tilespmem:s15+$0x70]  }
.LBB2_57:
0x75a: {  	p4 =	slt.u32 s1, $0x70;
	v5 =	vld [tilespmem:s4+$0xFFFFFF90]  }
0x75b: {  	v6 =	vld [tilespmem:s4+$0xFFFFFFA0]  }
0x75c: {  	v7 =	vld [tilespmem:s4+$0xFFFFFFB0]  }
0x75d: {  	v8 =	vld [tilespmem:s4+$0xFFFFFFC0]  }
0x75e: {  	s5 =	sadd.s32 $0xF, s21;
	v9 =	vld [tilespmem:s4+$0xFFFFFFD0]  }
0x75f: {  	p5 =	slt.s32 s5, $0x40;
	v10 =	vld [tilespmem:s4+$0xFFFFFFE0]  }
0x760: {  	v12 =	vpsel !p5, $0x10000, v2;
	v11 =	vld [tilespmem:s4+$0xFFFFFFF0]  }
0x761: {  	s14 =	simm.s32 $0x19880;
	[tilespmem:v4+s2+$0x0] =	vst.idx.add.s32.msk $0xffff, v12  }
0x762: {  	v4 =	vld [tilespmem:s4+$0x0]  }
0x763: {  	v12 =	vld [tilespmem:s4+$0x10]  }
0x764: {  	v13 =	vld [tilespmem:s4+$0x20]  }
0x765: {  	v14 =	vld [tilespmem:s4+$0x30]  }
0x766: {  	v15 =	vld [tilespmem:s4+$0x40]  }
0x767: {  	s5 =	sadd.s32 $0x1, s21;
	v16 =	vld [tilespmem:s4+$0x50]  }
0x768: {  	p5 =	slt.s32 s5, $0x40;
	s5 =	sadd.s32 $0x2, s21;
	v17 =	vld [tilespmem:s4+$0x60]  }
0x769: {  	v19 =	vpsel !p5, $0x10000, v2;
	p5 =	slt.s32 s5, $0x40;
	s5 =	sadd.s32 $0x3, s21;
	v18 =	vld [tilespmem:s4+$0xFFFFFF80]  }
0x76a: {  	[tilespmem:v5+s2+$0x0] =	vst.idx.add.s32.msk $0xffff, v19;
	v5 =	vpsel !p5, $0x10000, v2;
	p5 =	slt.s32 s5, $0x40;
	s5 =	sadd.s32 $0x4, s21  }
0x76b: {  	[tilespmem:v6+s2+$0x0] =	vst.idx.add.s32.msk $0xffff, v5;
	v5 =	vpsel !p5, $0x10000, v2;
	p5 =	slt.s32 s5, $0x40;
	s5 =	sadd.s32 $0x5, s21  }
0x76c: {  	[tilespmem:v7+s2+$0x0] =	vst.idx.add.s32.msk $0xffff, v5;
	v5 =	vpsel !p5, $0x10000, v2;
	p5 =	slt.s32 s5, $0x40;
	s5 =	sadd.s32 $0x6, s21  }
0x76d: {  	[tilespmem:v8+s2+$0x0] =	vst.idx.add.s32.msk $0xffff, v5;
	v5 =	vpsel !p5, $0x10000, v2;
	p5 =	slt.s32 s5, $0x40;
	s5 =	sadd.s32 $0x7, s21  }
0x76e: {  	[tilespmem:v9+s2+$0x0] =	vst.idx.add.s32.msk $0xffff, v5;
	v5 =	vpsel !p5, $0x10000, v2;
	p5 =	slt.s32 s5, $0x40  }
0x76f: {  	p6 =	slt.s32 s21, $0x40;
	s5 =	sadd.s32 $0x8, s21;
	[tilespmem:v10+s2+$0x0] =	vst.idx.add.s32.msk $0xffff, v5;
	v5 =	vpsel !p5, $0x10000, v2  }
0x770: {  	v6 =	vpsel !p6, $0x10000, v2;
	p5 =	slt.s32 s5, $0x40;
	s5 =	sadd.s32 $0x9, s21;
	[tilespmem:v11+s2+$0x0] =	vst.idx.add.s32.msk $0xffff, v5  }
0x771: {  	v5 =	vpsel !p5, $0x10000, v2;
	p5 =	slt.s32 s5, $0x40;
	s5 =	sadd.s32 $0xA, s21;
	[tilespmem:v18+s2+$0x0] =	vst.idx.add.s32.msk $0xffff, v6  }
0x772: {  	[tilespmem:v4+s2+$0x0] =	vst.idx.add.s32.msk $0xffff, v5;
	v4 =	vpsel !p5, $0x10000, v2;
	p5 =	slt.s32 s5, $0x40;
	s5 =	sadd.s32 $0xB, s21  }
0x773: {  	[tilespmem:v12+s2+$0x0] =	vst.idx.add.s32.msk $0xffff, v4;
	v4 =	vpsel !p5, $0x10000, v2;
	p5 =	slt.s32 s5, $0x40;
	s5 =	sadd.s32 $0xC, s21  }
0x774: {  	[tilespmem:v13+s2+$0x0] =	vst.idx.add.s32.msk $0xffff, v4;
	v4 =	vpsel !p5, $0x10000, v2;
	p5 =	slt.s32 s5, $0x40;
	s5 =	sadd.s32 $0xD, s21  }
.Ltmp32:
0x775: {  	[tilespmem:v14+s2+$0x0] =	vst.idx.add.s32.msk $0xffff, v4;
	v4 =	vpsel !p5, $0x10000, v2;
	p5 =	slt.s32 s5, $0x40;
	s5 =	sadd.s32 $0xE, s21;
	(pc) =	sbr.rel @p4 .LBB2_57-.Ltmp32, $4  }
0x776: {  	s21 =	smov.u32 s1;
	[tilespmem:v15+s2+$0x0] =	vst.idx.add.s32.msk $0xffff, v4;
	v4 =	vpsel !p5, $0x10000, v2;
	p5 =	slt.s32 s5, $0x40  }
0x777: {  	[tilespmem:v16+s2+$0x0] =	vst.idx.add.s32.msk $0xffff, v4;
	v4 =	vpsel !p5, $0x10000, v2  }
0x778: {  	s4 =	sadd.s32 $0x100, s4;
	[tilespmem:v17+s2+$0x0] =	vst.idx.add.s32.msk $0xffff, v4  }
0x779: {  	s1 =	sadd.s32 $0x10, s1;
	v4 =	vld [tilespmem:s4+$0x70]  }
0x77a: {  	v5 =	vld [tilespmem:s4+$0xFFFFFF90]  }
0x77b: {  	v6 =	vld [tilespmem:s4+$0xFFFFFFA0]  }
0x77c: {  	v7 =	vld [tilespmem:s4+$0xFFFFFFB0]  }
0x77d: {  	v8 =	vld [tilespmem:s4+$0xFFFFFFC0]  }
0x77e: {  	v9 =	vld [tilespmem:s4+$0xFFFFFFD0]  }
0x77f: {  	v10 =	vld [tilespmem:s4+$0xFFFFFFE0]  }
0x780: {  	v11 =	vld [tilespmem:s4+$0xFFFFFFF0]  }
0x781: {  	v13 =	vld [tilespmem:s4+$0x20]  }
0x782: {  	v14 =	vld [tilespmem:s4+$0x30]  }
0x783: {  	v15 =	vld [tilespmem:s4+$0x40]  }
0x784: {  	s1 =	sadd.s32 $0xF, s21;
	v16 =	vld [tilespmem:s4+$0x50]  }
0x785: {  	v17 =	vld [tilespmem:s4+$0x60];
	p4 =	slt.s32 s1, $0x40  }
0x786: {  	v18 =	vld [tilespmem:s4+$0xFFFFFF80];
	v12 =	vpsel !p4, $0x10000, v2  }
0x787: {  	s5 =	sadd.s32 $0x1, s21;
	[tilespmem:v4+s2+$0x0] =	vst.idx.add.s32.msk $0xffff, v12  }
0x788: {  	p6 =	slt.s32 s5, $0x40;
	s5 =	sadd.s32 $0x2, s21;
	v4 =	vld [tilespmem:s4+$0x0]  }
0x789: {  	v19 =	vpsel !p6, $0x10000, v2;
	p5 =	slt.s32 s5, $0x40;
	s5 =	sadd.s32 $0x3, s21;
	v12 =	vld [tilespmem:s4+$0x10]  }
0x78a: {  	p6 =	slt.s32 s5, $0x40;
	s4 =	sadd.s32 $0x4, s21;
	[tilespmem:v5+s2+$0x0] =	vst.idx.add.s32.msk $0xffff, v19;
	v5 =	vpsel !p5, $0x10000, v2  }
0x78b: {  	s5 =	sadd.s32 $0x5, s21;
	p5 =	slt.s32 s4, $0x40;
	[tilespmem:v6+s2+$0x0] =	vst.idx.add.s32.msk $0xffff, v5;
	v5 =	vpsel !p6, $0x10000, v2  }
0x78c: {  	s4 =	sadd.s32 $0x6, s21;
	p6 =	slt.s32 s5, $0x40;
	[tilespmem:v7+s2+$0x0] =	vst.idx.add.s32.msk $0xffff, v5;
	v5 =	vpsel !p5, $0x10000, v2  }
0x78d: {  	s5 =	sadd.s32 $0x7, s21;
	p5 =	slt.s32 s4, $0x40;
	[tilespmem:v8+s2+$0x0] =	vst.idx.add.s32.msk $0xffff, v5;
	v5 =	vpsel !p6, $0x10000, v2  }
0x78e: {  	p6 =	slt.s32 s5, $0x40;
	[tilespmem:v9+s2+$0x0] =	vst.idx.add.s32.msk $0xffff, v5;
	v5 =	vpsel !p5, $0x10000, v2  }
0x78f: {  	s4 =	sadd.s32 $0x8, s21;
	p5 =	slt.s32 s21, $0x40;
	[tilespmem:v10+s2+$0x0] =	vst.idx.add.s32.msk $0xffff, v5;
	v5 =	vpsel !p6, $0x10000, v2  }
0x790: {  	s5 =	sadd.s32 $0x9, s21;
	v6 =	vpsel !p5, $0x10000, v2;
	p6 =	slt.s32 s4, $0x40;
	[tilespmem:v11+s2+$0x0] =	vst.idx.add.s32.msk $0xffff, v5  }
0x791: {  	p5 =	slt.s32 s5, $0x40;
	s4 =	sadd.s32 $0xA, s21;
	[tilespmem:v18+s2+$0x0] =	vst.idx.add.s32.msk $0xffff, v6;
	v5 =	vpsel !p6, $0x10000, v2  }
0x792: {  	s5 =	sadd.s32 $0xB, s21;
	p6 =	slt.s32 s4, $0x40;
	[tilespmem:v4+s2+$0x0] =	vst.idx.add.s32.msk $0xffff, v5;
	v4 =	vpsel !p5, $0x10000, v2  }
0x793: {  	s4 =	sadd.s32 $0xC, s21;
	p5 =	slt.s32 s5, $0x40;
	[tilespmem:v12+s2+$0x0] =	vst.idx.add.s32.msk $0xffff, v4;
	v4 =	vpsel !p6, $0x10000, v2  }
0x794: {  	s5 =	sadd.s32 $0xD, s21;
	p6 =	slt.s32 s4, $0x40;
	[tilespmem:v13+s2+$0x0] =	vst.idx.add.s32.msk $0xffff, v4;
	v4 =	vpsel !p5, $0x10000, v2  }
0x795: {  	s21 =	sadd.s32 $0xE, s21;
	p5 =	slt.s32 s5, $0x40;
	[tilespmem:v14+s2+$0x0] =	vst.idx.add.s32.msk $0xffff, v4;
	v4 =	vpsel !p6, $0x10000, v2  }
0x796: {  	p6 =	slt.s32 s21, $0x40;
	[tilespmem:v15+s2+$0x0] =	vst.idx.add.s32.msk $0xffff, v4;
	v4 =	vpsel !p5, $0x10000, v2  }
0x797: {  	[tilespmem:v16+s2+$0x0] =	vst.idx.add.s32.msk $0xffff, v4;
	v4 =	vpsel !p6, $0x10000, v2  }
0x798: {  	[tilespmem:v17+s2+$0x0] =	vst.idx.add.s32.msk $0xffff, v4  }
0x799: {  	v4 =	vld [tilespmem:s15+$0x70]  }
0x79a: {  	v5 =	vld [tilespmem:s15+$0xFFFFFF90]  }
0x79b: {  	v6 =	vld [tilespmem:s15+$0xFFFFFFA0]  }
0x79c: {  	v7 =	vld [tilespmem:s15+$0xFFFFFFB0]  }
0x79d: {  	v8 =	vld [tilespmem:s15+$0xFFFFFFC0]  }
0x79e: {  	v9 =	vld [tilespmem:s15+$0xFFFFFFD0]  }
0x79f: {  	v10 =	vld [tilespmem:s15+$0xFFFFFFE0]  }
0x7a0: {  	v11 =	vld [tilespmem:s15+$0xFFFFFFF0]  }
0x7a1: {  	v13 =	vld [tilespmem:s14+$0x70]  }
0x7a2: {  	v14 =	vld [tilespmem:s15+$0x10]  }
0x7a3: {  	v15 =	vld [tilespmem:s15+$0x20]  }
0x7a4: {  	v16 =	vld [tilespmem:s15+$0x30]  }
0x7a5: {  	v17 =	vld [tilespmem:s15+$0x40]  }
0x7a6: {  	v18 =	vld [tilespmem:s15+$0x50]  }
0x7a7: {  	v19 =	vld [tilespmem:s15+$0x60]  }
0x7a8: {  	v20 =	vld [tilespmem:s15+$0xFFFFFF80]  }
0x7a9: {  	v58 =	vld [tilespmem:s14+$0xFFFFFF90]  }
0x7aa: {  	v59 =	vld [tilespmem:s14+$0xFFFFFFA0]  }
0x7ab: {  	v60 =	vld [tilespmem:s14+$0xFFFFFFB0]  }
0x7ac: {  	v61 =	vld [tilespmem:s14+$0xFFFFFFE0]  }
0x7ad: {  	v62 =	vld [tilespmem:s14+$0xFFFFFFF0]  }
0x7ae: {  	v63 =	vld [tilespmem:s14+$0x0]  }
0x7af: {  	v12 =	vld.idx.msk [tilespmem:v4+s2+$0x0], $0xffff  }
0x7b0: {  	v4 =	vld [tilespmem:s15+$0x0]  }
0x7b1: {  	v21 =	vld.idx.msk [tilespmem:v5+s2+$0x0], $0xffff  }
0x7b2: {  	v22 =	vld.idx.msk [tilespmem:v6+s2+$0x0], $0xffff  }
0x7b3: {  	v23 =	vld.idx.msk [tilespmem:v7+s2+$0x0], $0xffff  }
0x7b4: {  	v24 =	vld.idx.msk [tilespmem:v8+s2+$0x0], $0xffff  }
0x7b5: {  	v9 =	vld.idx.msk [tilespmem:v9+s2+$0x0], $0xffff  }
0x7b6: {  	v10 =	vld.idx.msk [tilespmem:v10+s2+$0x0], $0xffff  }
0x7b7: {  	v11 =	vld.idx.msk [tilespmem:v11+s2+$0x0], $0xffff  }
0x7b8: {  	v20 =	vld.idx.msk [tilespmem:v20+s2+$0x0], $0xffff  }
0x7b9: {  	v8 =	vld.idx.msk [tilespmem:v15+s2+$0x0], $0xffff  }
0x7ba: {  	v15 =	vld [tilespmem:s14+$0xFFFFFF80]  }
0x7bb: {  	v14 =	vld.idx.msk [tilespmem:v14+s2+$0x0], $0xffff  }
0x7bc: {  	v7 =	vld.idx.msk [tilespmem:v16+s2+$0x0], $0xffff  }
0x7bd: {  	v6 =	vld.idx.msk [tilespmem:v17+s2+$0x0], $0xffff  }
0x7be: {  	v12 =	vadd.s32 v13, v12;
	v13 =	vld [tilespmem:s14+$0xFFFFFFC0]  }
0x7bf: {  	[tilespmem:s14+$0x70] =	vst v12;
	v12 =	vadd.s32 v15, v20;
	v15 =	vld [tilespmem:s14+$0xFFFFFFD0]  }
0x7c0: {  	v5 =	vld.idx.msk [tilespmem:v18+s2+$0x0], $0xffff;
	[tilespmem:s14+$0xFFFFFF80] =	vst v12;
	v12 =	vadd.s32 v58, v21  }
0x7c1: {  	v25 =	vld.idx.msk [tilespmem:v4+s2+$0x0], $0xffff;
	[tilespmem:s14+$0xFFFFFF90] =	vst v12;
	v12 =	vadd.s32 v59, v22  }
0x7c2: {  	v4 =	vld.idx.msk [tilespmem:v19+s2+$0x0], $0xffff;
	[tilespmem:s14+$0xFFFFFFA0] =	vst v12;
	v12 =	vadd.s32 v60, v23  }
0x7c3: {  	[tilespmem:s14+$0xFFFFFFB0] =	vst v12;
	v12 =	vadd.s32 v13, v24;
	v13 =	vld [tilespmem:s14+$0x10]  }
0x7c4: {  	[tilespmem:s14+$0xFFFFFFC0] =	vst v12;
	v12 =	vadd.s32 v15, v9;
	v9 =	vld [tilespmem:s14+$0x20]  }
0x7c5: {  	[tilespmem:s14+$0xFFFFFFD0] =	vst v12;
	v12 =	vadd.s32 v61, v10;
	v10 =	vld [tilespmem:s14+$0x30]  }
0x7c6: {  	[tilespmem:s14+$0xFFFFFFE0] =	vst v12;
	v12 =	vadd.s32 v62, v11;
	v11 =	vld [tilespmem:s14+$0x40]  }
0x7c7: {  	v15 =	vadd.s32 v63, v25;
	[tilespmem:s14+$0xFFFFFFF0] =	vst v12;
	v12 =	vld [tilespmem:s14+$0x50]  }
0x7c8: {  	s1 =	simm.s32 $0x18980;
	s4 =	simm.s32 $0x0;
	[tilespmem:s14+$0x0] =	vst v15;
	v14 =	vadd.s32 v13, v14;
	v13 =	vld [tilespmem:s14+$0x60]  }
.LBB2_59:
0x7c9: {  	v15 =	vld [tilespmem:s1+$0x70];
	s4 =	sadd.s32 $0x10, s4;
	[tilespmem:s14+$0x10] =	vst v14;
	v8 =	vadd.s32 v9, v8  }
0x7ca: {  	v9 =	vld [tilespmem:s1+$0xFFFFFF90];
	p4 =	slt.u32 s4, $0x30;
	[tilespmem:s14+$0x20] =	vst v8;
	v7 =	vadd.s32 v10, v7  }
0x7cb: {  	v8 =	vld [tilespmem:s1+$0xFFFFFFA0];
	[tilespmem:s14+$0x30] =	vst v7;
	v6 =	vadd.s32 v11, v6  }
0x7cc: {  	v7 =	vld [tilespmem:s1+$0xFFFFFFB0];
	[tilespmem:s14+$0x40] =	vst v6;
	v5 =	vadd.s32 v12, v5  }
0x7cd: {  	v6 =	vld [tilespmem:s1+$0xFFFFFFC0];
	[tilespmem:s14+$0x50] =	vst v5;
	v4 =	vadd.s32 v13, v4  }
0x7ce: {  	v5 =	vld [tilespmem:s1+$0xFFFFFFD0];
	[tilespmem:s14+$0x60] =	vst v4  }
0x7cf: {  	v4 =	vld [tilespmem:s1+$0xFFFFFFE0]  }
0x7d0: {  	v10 =	vld [tilespmem:s1+$0xFFFFFFF0]  }
0x7d1: {  	s14 =	sadd.s32 $0x100, s14;
	v11 =	vld.idx.msk [tilespmem:v15+s2+$0x0], $0xffff  }
0x7d2: {  	v12 =	vld [tilespmem:s14+$0x70]  }
0x7d3: {  	v13 =	vld [tilespmem:s1+$0x0]  }
0x7d4: {  	v14 =	vld [tilespmem:s1+$0x10]  }
0x7d5: {  	v15 =	vld [tilespmem:s1+$0x20]  }
0x7d6: {  	v16 =	vld [tilespmem:s1+$0x30]  }
0x7d7: {  	v17 =	vld [tilespmem:s1+$0x40];
	v11 =	vadd.s32 v12, v11  }
0x7d8: {  	v12 =	vld [tilespmem:s1+$0x50];
	[tilespmem:s14+$0x70] =	vst v11  }
0x7d9: {  	v11 =	vld [tilespmem:s1+$0x60]  }
0x7da: {  	v18 =	vld [tilespmem:s1+$0xFFFFFF80]  }
0x7db: {  	v9 =	vld.idx.msk [tilespmem:v9+s2+$0x0], $0xffff  }
0x7dc: {  	v19 =	vld.idx.msk [tilespmem:v8+s2+$0x0], $0xffff  }
0x7dd: {  	v20 =	vld.idx.msk [tilespmem:v7+s2+$0x0], $0xffff  }
0x7de: {  	v21 =	vld.idx.msk [tilespmem:v6+s2+$0x0], $0xffff  }
0x7df: {  	v22 =	vld.idx.msk [tilespmem:v5+s2+$0x0], $0xffff  }
0x7e0: {  	v23 =	vld.idx.msk [tilespmem:v4+s2+$0x0], $0xffff  }
0x7e1: {  	v24 =	vld.idx.msk [tilespmem:v10+s2+$0x0], $0xffff  }
0x7e2: {  	v10 =	vld.idx.msk [tilespmem:v18+s2+$0x0], $0xffff  }
0x7e3: {  	v13 =	vld.idx.msk [tilespmem:v13+s2+$0x0], $0xffff  }
0x7e4: {  	v14 =	vld.idx.msk [tilespmem:v14+s2+$0x0], $0xffff  }
0x7e5: {  	v8 =	vld.idx.msk [tilespmem:v15+s2+$0x0], $0xffff  }
0x7e6: {  	v7 =	vld.idx.msk [tilespmem:v16+s2+$0x0], $0xffff  }
0x7e7: {  	v6 =	vld.idx.msk [tilespmem:v17+s2+$0x0], $0xffff  }
0x7e8: {  	v5 =	vld.idx.msk [tilespmem:v12+s2+$0x0], $0xffff  }
0x7e9: {  	v4 =	vld.idx.msk [tilespmem:v11+s2+$0x0], $0xffff  }
0x7ea: {  	v11 =	vld [tilespmem:s14+$0xFFFFFF80]  }
0x7eb: {  	v12 =	vld [tilespmem:s14+$0xFFFFFF90]  }
0x7ec: {  	v15 =	vld [tilespmem:s14+$0xFFFFFFA0]  }
0x7ed: {  	v16 =	vld [tilespmem:s14+$0xFFFFFFB0]  }
0x7ee: {  	v17 =	vld [tilespmem:s14+$0xFFFFFFC0]  }
0x7ef: {  	v10 =	vadd.s32 v11, v10;
	v11 =	vld [tilespmem:s14+$0xFFFFFFD0]  }
0x7f0: {  	[tilespmem:s14+$0xFFFFFF80] =	vst v10;
	v9 =	vadd.s32 v12, v9;
	v10 =	vld [tilespmem:s14+$0xFFFFFFE0]  }
0x7f1: {  	[tilespmem:s14+$0xFFFFFF90] =	vst v9;
	v9 =	vadd.s32 v15, v19;
	v12 =	vld [tilespmem:s14+$0xFFFFFFF0]  }
0x7f2: {  	[tilespmem:s14+$0xFFFFFFA0] =	vst v9;
	v9 =	vadd.s32 v16, v20;
	v15 =	vld [tilespmem:s14+$0x0]  }
0x7f3: {  	[tilespmem:s14+$0xFFFFFFB0] =	vst v9;
	v9 =	vadd.s32 v17, v21;
	v16 =	vld [tilespmem:s14+$0x10]  }
.Ltmp33:
0x7f4: {  	[tilespmem:s14+$0xFFFFFFC0] =	vst v9;
	v11 =	vadd.s32 v11, v22;
	v9 =	vld [tilespmem:s14+$0x20];
	(pc) =	sbr.rel @p4 .LBB2_59-.Ltmp33, $4  }
0x7f5: {  	[tilespmem:s14+$0xFFFFFFD0] =	vst v11;
	v11 =	vadd.s32 v10, v23;
	v10 =	vld [tilespmem:s14+$0x30]  }
0x7f6: {  	[tilespmem:s14+$0xFFFFFFE0] =	vst v11;
	v12 =	vadd.s32 v12, v24;
	v11 =	vld [tilespmem:s14+$0x40]  }
0x7f7: {  	[tilespmem:s14+$0xFFFFFFF0] =	vst v12;
	v13 =	vadd.s32 v15, v13;
	v12 =	vld [tilespmem:s14+$0x50]  }
0x7f8: {  	s1 =	sadd.s32 $0x100, s1;
	[tilespmem:s14+$0x0] =	vst v13;
	v14 =	vadd.s32 v16, v14;
	v13 =	vld [tilespmem:s14+$0x60]  }
0x7f9: {  	[tilespmem:s14+$0x10] =	vst v14;
	v8 =	vadd.s32 v9, v8  }
0x7fa: {  	[tilespmem:s14+$0x20] =	vst v8;
	v7 =	vadd.s32 v10, v7  }
0x7fb: {  	[tilespmem:s14+$0x30] =	vst v7;
	v6 =	vadd.s32 v11, v6  }
0x7fc: {  	[tilespmem:s14+$0x40] =	vst v6;
	v5 =	vadd.s32 v12, v5  }
0x7fd: {  	[tilespmem:s14+$0x50] =	vst v5;
	v4 =	vadd.s32 v13, v4  }
0x7fe: {  	[tilespmem:s14+$0x60] =	vst v4  }
0x7ff: {  	_ =	swait.ge [sflag:s6], $0x80  }
0x800: {  	[sflag:s6] =	ssyncset.done $0x0  }
0x801: {  	[sflag:s6] =	ssyncadd.s32 $0xFFFFFF80  }
0x802: {  	_ =	swait.ge [sflag:s6], $0x80  }
0x803: {  	[sflag:s6] =	ssyncset.done $0x0  }
0x804: {  	[sflag:s6] =	ssyncadd.s32 $0xFFFFFF80  }
0x805: {  	_ =	swait.ge [sflag:s6], $0x80  }
0x806: {  	[sflag:s6] =	ssyncset.done $0x0  }
0x807: {  	[sflag:s6] =	ssyncadd.s32 $0xFFFFFF80  }
0x808: {  	_ =	swait.ge [sflag:s6], $0x80  }
0x809: {  	[sflag:s6] =	ssyncset.done $0x0  }
0x80a: {  	[sflag:s6] =	ssyncadd.s32 $0xFFFFFF80  }
0x80b: {  	_ =	swait.ge [sflag:s6], $0x80  }
0x80c: {  	[sflag:s6] =	ssyncset.done $0x0  }
0x80d: {  	[sflag:s6] =	ssyncadd.s32 $0xFFFFFF80  }
0x80e: {  	_ =	swait.ge [sflag:s6], $0x80  }
0x80f: {  	[sflag:s6] =	ssyncset.done $0x0  }
0x810: {  	[sflag:s6] =	ssyncadd.s32 $0xFFFFFF80  }
0x811: {  	_ =	swait.ge [sflag:s6], $0x80  }
.Ltmp34:
0x812: {  	[sflag:s6] =	ssyncset.done $0x0;
	(pc) =	sbr.rel .LBB2_62-.Ltmp34, $4  }
0x813: {  	[sflag:s6] =	ssyncadd.s32 $0xFFFFFF80  }
0x814: {  	_ =	swait.ge [sflag:s6], $0x80  }
0x815: {  	[sflag:s6] =	ssyncset.done $0x0  }
0x816: {  	[sflag:s6] =	ssyncadd.s32 $0xFFFFFF80  }
.LBB2_63:
0x817: {  	_ =	sfence.sel $0x180000  }
0x818: {  	[bflag:$0x0] =	sbarrier.arrive $0xFFFF  }
0x819: {  	_ =	strace $0x90000047  }
0x81a: {  	s0 =	stileid.u32;
	[bflag:$0x2] =	sbarrier.arrive $0xFFFF  }
0x81b: {  	p0 =	sne.s32 s0, $0x0;
	s0 =	rddreg [dreg:$0x2]  }
0x81c: {  	s0 =	sadd.s32 @!p0 $0x100000, s0  }
0x81d: {  	[sflag:s0] =	ssyncadd.tile.s32 @!p0 $0x1;
	_ =	shalt  }
.Lfunc_end2:
_tile_overlayer_lowered:
.L_overlay_start_2:
0x81e: {  	(tag) =	ssettag $0x2  }
0x81f: {  	s0 =	rddreg [dreg:$0x0];
	s2 =	stileid.u32  }
0x820: {  	s1 =	rddreg [dreg:$0x1];
	p0 =	sne.s32 s2, $0x0  }
0x821: {  	s3 =	rddreg [dreg:$0x2];
	[bflag:$0x3] =	sbarrier.arrive $0xFFFF;
	s2 =	simm.s32 @!p0 $0x1C04  }
0x822: {  	[timem:s3], [sflag:s2] =	dma.local @!p0 [hbm:s0], s1  }
0x823: {  	s0 =	simm.s32 @!p0 $0x4  }
0x824: {  	_ =	swait.ge @!p0 [sflag:s0], s1  }
0x825: {  	s1 =	ssub.s32 @!p0 $0x0, s1;
	[sflag:s0] =	ssyncset.done @!p0 $0x0  }
0x826: {  	[sflag:s0] =	ssyncadd.s32 @!p0 s1  }
0x827: {  	[bflag:$0x3] =	sbarrier.arrive $0xFFFF  }
0x828: {  	_ =	shalt  }

</sc_bundles>
